<compile_context>
chip_gen: v7x
topology: tpu7x:2x2x1
jax: 0.10.2.dev20260603
libtpu: 0.0.44.dev20260713+nightly
codegen_flags: <defaults>
</compile_context>

<pallas_src>
import functools

import jax
import jax.numpy as jnp
from jax import lax
from jax.experimental import pallas as pl
from jax.experimental.pallas import tpu as pltpu
from jax.experimental.pallas import tpu_sc as plsc

N_ROWS = 100000
DIM = 128
K = 4
EPS = 1e-6

NC = 2
NS = 16
L = 16
NW = NC * NS

N_SC = 68608
ROWS_PER_W = N_SC // NW
CHUNK = 256
GROUPS = CHUNK // L
FULL_CHUNKS = ROWS_PER_W // CHUNK
TAIL = ROWS_PER_W - FULL_CHUNKS * CHUNK
TAIL_GROUPS = -(-TAIL // L)
PER_W = 80
F32_INF = float("inf")

BLK = 1024
TC_BLK_OFF = N_SC // BLK
TCN = N_ROWS - N_SC
TGRID = -(-TCN // BLK)


def _sqrt16(x):
    x = jnp.maximum(x, jnp.float32(1e-30))
    i = lax.bitcast_convert_type(x, jnp.int32)
    i = jnp.int32(0x5F3759DF) - lax.shift_right_logical(i, 1)
    y = lax.bitcast_convert_type(i, jnp.float32)
    half = jnp.float32(0.5)
    three_half = jnp.float32(1.5)
    for _ in range(3):
        y = y * (three_half - half * x * y * y)
    return x * y


def _insert4(t0, t1, t2, t3, c):
    u0 = jnp.minimum(t0, c)
    c = jnp.maximum(t0, c)
    u1 = jnp.minimum(t1, c)
    c = jnp.maximum(t1, c)
    u2 = jnp.minimum(t2, c)
    c = jnp.maximum(t2, c)
    u3 = jnp.minimum(t3, c)
    return u0, u1, u2, u3


def _chunk_d2(buf, wbuf, ngroups, row_base_vec=None):
    lane = lax.iota(jnp.int32, L)
    if row_base_vec is None:
        row_base_vec = [lane * jnp.int32(DIM)] * ngroups
    shared = all(rb is row_base_vec[0] for rb in row_base_vec)
    grefs = [buf.at[pl.ds(g * L * DIM, L * DIM)] for g in range(ngroups)]

    def body(j, carry):
        cvec = carry[0]
        accs = list(carry[1:])
        wv = plsc.load_gather(wbuf, [cvec])
        idx0 = row_base_vec[0] + cvec
        for g in range(ngroups):
            idx = idx0 if shared else row_base_vec[g] + cvec
            col = plsc.load_gather(grefs[g], [idx])
            t = col - wv
            accs[g] = accs[g] + t * t
        cvec = jnp.bitwise_and(cvec + 1, jnp.int32(DIM - 1))
        return (cvec,) + tuple(accs)

    init = (lane,) + tuple(jnp.zeros((L,), jnp.float32) for _ in range(ngroups))
    res = lax.fori_loop(0, DIM, body, init, unroll=2)
    return list(res[1:])


def _sc_body(vectors_hbm, g_hbm, out_hbm, wbuf, buf0, buf1, tailbuf,
             staging, sem0, sem1, sem2):
    wid = lax.axis_index("s") * NC + lax.axis_index("c")
    base = wid * (ROWS_PER_W * DIM)
    lane = lax.iota(jnp.int32, L)
    chunk_w = CHUNK * DIM
    tail_w = TAIL * DIM

    pltpu.sync_copy(g_hbm, wbuf)
    for k in range(DIM // L):
        sl = pl.ds(k * L, L)
        wbuf[sl] = wbuf[sl] - jnp.float32(EPS)
    pltpu.async_copy(vectors_hbm.at[pl.ds(base, chunk_w)], buf0, sem0)
    pltpu.async_copy(vectors_hbm.at[pl.ds(base + chunk_w, chunk_w)], buf1, sem1)
    pltpu.async_copy(
        vectors_hbm.at[pl.ds(base + FULL_CHUNKS * chunk_w, tail_w)],
        tailbuf.at[pl.ds(0, tail_w)], sem2)

    def process_full(buf, state):
        s_sum, t0, t1, t2, t3 = state
        accs = _chunk_d2(buf, wbuf, GROUPS)
        for g in range(GROUPS):
            d2 = accs[g]
            t0, t1, t2, t3 = _insert4(t0, t1, t2, t3, d2)
            s_sum = s_sum + _sqrt16(d2)
        return (s_sum, t0, t1, t2, t3)

    def loop_body(i, state):
        c0 = 2 * i
        pltpu.make_async_copy(
            vectors_hbm.at[pl.ds(base + c0 * chunk_w, chunk_w)],
            buf0, sem0).wait()
        state = process_full(buf0, state)

        @pl.when(c0 + 2 < FULL_CHUNKS)
        def _():
            pltpu.async_copy(
                vectors_hbm.at[pl.ds(base + (c0 + 2) * chunk_w, chunk_w)],
                buf0, sem0)

        pltpu.make_async_copy(
            vectors_hbm.at[pl.ds(base + (c0 + 1) * chunk_w, chunk_w)],
            buf1, sem1).wait()
        state = process_full(buf1, state)

        @pl.when(c0 + 3 < FULL_CHUNKS)
        def _():
            pltpu.async_copy(
                vectors_hbm.at[pl.ds(base + (c0 + 3) * chunk_w, chunk_w)],
                buf1, sem1)

        return state

    zero = jnp.zeros((L,), jnp.float32)
    inf = jnp.full((L,), F32_INF, jnp.float32)
    state = (zero, inf, inf, inf, inf)
    state = lax.fori_loop(0, FULL_CHUNKS // 2, loop_body, state)

    pltpu.make_async_copy(
        vectors_hbm.at[pl.ds(base + FULL_CHUNKS * chunk_w, tail_w)],
        tailbuf.at[pl.ds(0, tail_w)], sem2).wait()
    base0 = lane * jnp.int32(DIM)
    tail_rows = [base0] * (TAIL_GROUPS - 1) + [
        jnp.minimum(lane, jnp.int32(TAIL - 1 - (TAIL_GROUPS - 1) * L))
        * jnp.int32(DIM)
    ]
    accs = _chunk_d2(tailbuf, wbuf, TAIL_GROUPS, tail_rows)
    s_sum, t0, t1, t2, t3 = state
    for g in range(TAIL_GROUPS):
        d2 = accs[g]
        valid = (lane + jnp.int32(g * L)) < jnp.int32(TAIL)
        d2m = jnp.where(valid, d2, F32_INF)
        t0, t1, t2, t3 = _insert4(t0, t1, t2, t3, d2m)
        s = _sqrt16(d2)
        s_sum = s_sum + jnp.where(valid, s, jnp.float32(0.0))

    staging[pl.ds(0, L)] = s_sum
    staging[pl.ds(L, L)] = t0
    staging[pl.ds(2 * L, L)] = t1
    staging[pl.ds(3 * L, L)] = t2
    staging[pl.ds(4 * L, L)] = t3
    pltpu.sync_copy(staging, out_hbm.at[pl.ds(wid * PER_W, PER_W)])


@functools.cache
def _sc_partials_fn():
    return pl.kernel(
        _sc_body,
        out_type=jax.ShapeDtypeStruct((NW * PER_W,), jnp.float32),
        mesh=plsc.VectorSubcoreMesh(
            core_axis_name="c", subcore_axis_name="s",
            num_cores=NC, num_subcores=NS),
        compiler_params=pltpu.CompilerParams(needs_layout_passes=False),
        scratch_types=[
            pltpu.VMEM((DIM,), jnp.float32),
            pltpu.VMEM((CHUNK * DIM,), jnp.float32),
            pltpu.VMEM((CHUNK * DIM,), jnp.float32),
            pltpu.VMEM((TAIL_GROUPS * L * DIM,), jnp.float32),
            pltpu.VMEM((PER_W,), jnp.float32),
            pltpu.SemaphoreType.DMA,
            pltpu.SemaphoreType.DMA,
            pltpu.SemaphoreType.DMA,
        ],
    )

PROWS = NW * PER_W // DIM


BR = BLK // DIM


def _tc_dist(gold_ref, v_ref, sum_o, t0_o, t1_o, t2_o, t3_o,
             sum_a, t0_a, t1_a, t2_a, t3_a):
    i = pl.program_id(0)

    @pl.when(i == 0)
    def _():
        sum_a[...] = jnp.zeros((BLK,), jnp.float32)
        for t in (t0_a, t1_a, t2_a, t3_a):
            t[...] = jnp.full((BLK,), F32_INF, jnp.float32)

    w = gold_ref[...] - jnp.float32(EPS)
    d = v_ref[...] - w
    d2 = jnp.sum(d * d, axis=1)
    rid = N_SC + i * BLK + lax.broadcasted_iota(jnp.int32, (BLK,), 0)
    valid = rid < N_ROWS
    d2m = jnp.where(valid, d2, F32_INF)

    t0, t1, t2, t3 = t0_a[...], t1_a[...], t2_a[...], t3_a[...]
    u0, u1, u2, u3 = _insert4(t0, t1, t2, t3, d2m)
    t0_a[...], t1_a[...], t2_a[...], t3_a[...] = u0, u1, u2, u3
    sum_a[...] += jnp.where(valid, jnp.sqrt(d2), jnp.float32(0.0))

    @pl.when(i == TGRID - 1)
    def _():
        sum_o[...] = sum_a[...]
        t0_o[...] = t0_a[...]
        t1_o[...] = t1_a[...]
        t2_o[...] = t2_a[...]
        t3_o[...] = t3_a[...]


def _tc_finish(p_ref, tsum_ref, tt0_ref, tt1_ref, tt2_ref, tt3_ref,
               mean_ref, topk_ref, min_ref):
    x = p_ref[...]
    r = lax.broadcasted_iota(jnp.int32, (PROWS, DIM), 0)
    c = lax.broadcasted_iota(jnp.int32, (PROWS, DIM), 1)
    f = r * DIM + c
    s = (f % PER_W) // L
    total = (jnp.sum(jnp.where(s == 0, x, jnp.float32(0.0)))
             + jnp.sum(tsum_ref[...]))
    big = jnp.int32(2**31 - 1)
    rblk = lax.broadcasted_iota(jnp.int32, (BLK,), 0)
    arrays = [[jnp.where(s >= 1, x, F32_INF), f],
              [tt0_ref[...], rblk], [tt1_ref[...], rblk],
              [tt2_ref[...], rblk], [tt3_ref[...], rblk]]
    mins = []
    for _ in range(K):
        m = arrays[0][0].min()
        for a, _i in arrays[1:]:
            m = jnp.minimum(m, a.min())
        prev = m != m
        for pair in arrays:
            a, idx = pair
            fa = jnp.min(jnp.where(a == m, idx, big))
            has = fa < big
            do = jnp.logical_and(has, jnp.logical_not(prev))
            pair[0] = jnp.where(jnp.logical_and(idx == fa, do), F32_INF, a)
            prev = jnp.logical_or(prev, has)
        mins.append(m)
    mean_ref[0, 0] = total / jnp.float32(N_ROWS)
    topk_ref[0, 0] = (jnp.sqrt(mins[0]) + jnp.sqrt(mins[1]) +
                      jnp.sqrt(mins[2]) + jnp.sqrt(mins[3])) * jnp.float32(0.25)
    min_ref[0, 0] = jnp.sqrt(mins[0])


def kernel(gold_vector, vectors):
    assert vectors.shape == (N_ROWS, DIM)
    vecs = vectors.astype(jnp.float32)
    gold = gold_vector.astype(jnp.float32)
    partials = _sc_partials_fn()(vecs.reshape(-1), gold)
    tc_outs = pl.pallas_call(
        _tc_dist,
        grid=(TGRID,),
        in_specs=[
            pl.BlockSpec((1, DIM), lambda i: (0, 0)),
            pl.BlockSpec((BLK, DIM), lambda i: (TC_BLK_OFF + i, 0)),
        ],
        out_shape=[jax.ShapeDtypeStruct((BLK,), jnp.float32)] * 5,
        out_specs=[pl.BlockSpec((BLK,), lambda i: (0,))] * 5,
        scratch_shapes=[pltpu.VMEM((BLK,), jnp.float32)] * 5,
    )(gold.reshape(1, DIM), vecs)
    mean, topk_avg, minimum = pl.pallas_call(
        _tc_finish,
        out_shape=[jax.ShapeDtypeStruct((1, 1), jnp.float32)] * 3,
        out_specs=[pl.BlockSpec(memory_space=pltpu.SMEM)] * 3,
    )(partials.reshape(PROWS, DIM), *tc_outs)
    return (mean[0, 0], topk_avg[0, 0], minimum[0, 0])

# --- scband reference (transcript-rebuilt; emitter-appended) ---
"""Pipeline reference for scband-speaker-46651934769718 (READ-ONLY COPY).

The authoritative reference and input builder live on the scoring server;
editing this copy changes nothing except your own understanding.
"""

import jax, jax.numpy as jnp
import numpy as np

TOPK = 4
EPS = 1e-6  # torch.nn.PairwiseDistance default eps


def setup_inputs(seed: int = 0) -> dict:
    key = jax.random.key(seed)
    k1, k2 = jax.random.split(key)
    vectors = jax.random.normal(k1, (100000, 128), dtype=jnp.float32)
    gold_vector = jax.random.normal(k2, (128,), dtype=jnp.float32)
    return {"gold_vector": gold_vector, "vectors": vectors}


def reference(gold_vector, vectors):
    # PairwiseDistance(p=2): ||x1 - x2 + eps||_2 row-wise.
    # gold_vector.repeat(size, 1) broadcasts the query against all stored vectors.
    diff = vectors - gold_vector[None, :] + EPS
    distances = jnp.sqrt(jnp.sum(diff * diff, axis=1))
    # th.topk(distances, topk, largest=False) -> smallest-k via top_k on negated values
    neg_topk_vals, _ = jax.lax.top_k(-distances, TOPK)
    topk_vals = -neg_topk_vals
    mean = distances.mean()
    topk_avg = topk_vals.sum() / TOPK
    minimum = distances.min()
    # gold_label is None in inference path, so the label-dependent branches are skipped
    return (mean, topk_avg, minimum)

if __name__ == "__main__":
    import jax
    _d = setup_inputs()
    print(jax.jit(kernel)(*tuple(_d.values())))

</pallas_src>

<mosaic_0001>
#map = affine_map<(d0, d1) -> (0)>
module attributes {stable_mosaic.version = 14 : i64} {
  func.func @_sc_body(%arg0: i32, %arg1: i32, %arg2: memref<12800000xf32, #tpu.memory_space<hbm>>, %arg3: memref<128xf32, #tpu.memory_space<hbm>>, %arg4: memref<2560xf32, #tpu.memory_space<hbm>>, %arg5: memref<128xf32, #tpu.memory_space<vmem>>, %arg6: memref<32768xf32, #tpu.memory_space<vmem>>, %arg7: memref<32768xf32, #tpu.memory_space<vmem>>, %arg8: memref<12288xf32, #tpu.memory_space<vmem>>, %arg9: memref<80xf32, #tpu.memory_space<vmem>>, %arg10: memref<!tpu.dma_semaphore, #tpu.memory_space<semaphore_mem>>, %arg11: memref<!tpu.dma_semaphore, #tpu.memory_space<semaphore_mem>>, %arg12: memref<!tpu.dma_semaphore, #tpu.memory_space<semaphore_mem>>) attributes {dimension_semantics = [#tpu.dimension_semantics<core_parallel>, #tpu.dimension_semantics<subcore_parallel>], iteration_bounds = array<i64: 2, 16>, scalar_prefetch = 0 : i64, scratch_operands = 8 : i64, tpu.core_type = #tpu.core_type<sc_vector_subcore>, window_params = [{transform_indices = #map}, {transform_indices = #map}, {transform_indices = #map}]} {
    %mul3A = arith.constant 2 : i32
    %mul3A_0 = arith.muli %arg1, %mul3A : i32
    %add3A = arith.addi %mul3A_0, %arg0 : i32
    %mul3A_1 = arith.constant 274432 : i32
    %mul3A_2 = arith.muli %add3A, %mul3A_1 : i32
    %iota3A = tpu.iota {dimensions = array<i32: 0>} : vector<16xi32>
    "tpu.region"() ({
      %run_scoped3A = tpu.sem_alloc : memref<!tpu.dma_semaphore, #tpu.memory_space<semaphore_mem>>
      tpu.enqueue_dma source(%arg3 : memref<128xf32, #tpu.memory_space<hbm>>) target(%arg5 : memref<128xf32, #tpu.memory_space<vmem>>) target_semaphore(%run_scoped3A : memref<!tpu.dma_semaphore, #tpu.memory_space<semaphore_mem>>)
      tpu.wait_dma2 semaphore(%run_scoped3A : memref<!tpu.dma_semaphore, #tpu.memory_space<semaphore_mem>>) src(%arg3 : memref<128xf32, #tpu.memory_space<hbm>>) dst(%arg5 : memref<128xf32, #tpu.memory_space<vmem>>)
      tpu.yield
    }) : () -> ()
    %get3A = arith.constant 0 : index
    %get3A_3 = tpu.vector_load %arg5[%get3A] {strides = array<i32>} : memref<128xf32, #tpu.memory_space<vmem>>, vector<16xf32>,
    %sub3A = arith.constant 9.99999997E-7 : f32
    %sub3A_4 = vector.broadcast %sub3A : f32 to vector<16xf32>
    %sub3A_5 = arith.subf %get3A_3, %sub3A_4 : vector<16xf32>
    %swap3A = arith.constant 0 : index
    %swap3A_6 = tpu.vector_load %arg5[%swap3A] {strides = array<i32>} : memref<128xf32, #tpu.memory_space<vmem>>, vector<16xf32>,
    tpu.vector_store %arg5[%swap3A], %sub3A_5 {strides = array<i32>} : memref<128xf32, #tpu.memory_space<vmem>>, vector<16xf32>,
    %get3A_7 = arith.constant 16 : index
    %get3A_8 = tpu.vector_load %arg5[%get3A_7] {strides = array<i32>} : memref<128xf32, #tpu.memory_space<vmem>>, vector<16xf32>,
    %sub3A_9 = arith.constant 9.99999997E-7 : f32
    %sub3A_10 = vector.broadcast %sub3A_9 : f32 to vector<16xf32>
    %sub3A_11 = arith.subf %get3A_8, %sub3A_10 : vector<16xf32>
    %swap3A_12 = arith.constant 16 : index
    %swap3A_13 = tpu.vector_load %arg5[%swap3A_12] {strides = array<i32>} : memref<128xf32, #tpu.memory_space<vmem>>, vector<16xf32>,
    tpu.vector_store %arg5[%swap3A_12], %sub3A_11 {strides = array<i32>} : memref<128xf32, #tpu.memory_space<vmem>>, vector<16xf32>,
    %get3A_14 = arith.constant 32 : index
    %get3A_15 = tpu.vector_load %arg5[%get3A_14] {strides = array<i32>} : memref<128xf32, #tpu.memory_space<vmem>>, vector<16xf32>,
    %sub3A_16 = arith.constant 9.99999997E-7 : f32
    %sub3A_17 = vector.broadcast %sub3A_16 : f32 to vector<16xf32>
    %sub3A_18 = arith.subf %get3A_15, %sub3A_17 : vector<16xf32>
    %swap3A_19 = arith.constant 32 : index
    %swap3A_20 = tpu.vector_load %arg5[%swap3A_19] {strides = array<i32>} : memref<128xf32, #tpu.memory_space<vmem>>, vector<16xf32>,
    tpu.vector_store %arg5[%swap3A_19], %sub3A_18 {strides = array<i32>} : memref<128xf32, #tpu.memory_space<vmem>>, vector<16xf32>,
    %get3A_21 = arith.constant 48 : index
    %get3A_22 = tpu.vector_load %arg5[%get3A_21] {strides = array<i32>} : memref<128xf32, #tpu.memory_space<vmem>>, vector<16xf32>,
    %sub3A_23 = arith.constant 9.99999997E-7 : f32
    %sub3A_24 = vector.broadcast %sub3A_23 : f32 to vector<16xf32>
    %sub3A_25 = arith.subf %get3A_22, %sub3A_24 : vector<16xf32>
    %swap3A_26 = arith.constant 48 : index
    %swap3A_27 = tpu.vector_load %arg5[%swap3A_26] {strides = array<i32>} : memref<128xf32, #tpu.memory_space<vmem>>, vector<16xf32>,
    tpu.vector_store %arg5[%swap3A_26], %sub3A_25 {strides = array<i32>} : memref<128xf32, #tpu.memory_space<vmem>>, vector<16xf32>,
    %get3A_28 = arith.constant 64 : index
    %get3A_29 = tpu.vector_load %arg5[%get3A_28] {strides = array<i32>} : memref<128xf32, #tpu.memory_space<vmem>>, vector<16xf32>,
    %sub3A_30 = arith.constant 9.99999997E-7 : f32
    %sub3A_31 = vector.broadcast %sub3A_30 : f32 to vector<16xf32>
    %sub3A_32 = arith.subf %get3A_29, %sub3A_31 : vector<16xf32>
    %swap3A_33 = arith.constant 64 : index
    %swap3A_34 = tpu.vector_load %arg5[%swap3A_33] {strides = array<i32>} : memref<128xf32, #tpu.memory_space<vmem>>, vector<16xf32>,
    tpu.vector_store %arg5[%swap3A_33], %sub3A_32 {strides = array<i32>} : memref<128xf32, #tpu.memory_space<vmem>>, vector<16xf32>,
    %get3A_35 = arith.constant 80 : index
    %get3A_36 = tpu.vector_load %arg5[%get3A_35] {strides = array<i32>} : memref<128xf32, #tpu.memory_space<vmem>>, vector<16xf32>,
    %sub3A_37 = arith.constant 9.99999997E-7 : f32
    %sub3A_38 = vector.broadcast %sub3A_37 : f32 to vector<16xf32>
    %sub3A_39 = arith.subf %get3A_36, %sub3A_38 : vector<16xf32>
    %swap3A_40 = arith.constant 80 : index
    %swap3A_41 = tpu.vector_load %arg5[%swap3A_40] {strides = array<i32>} : memref<128xf32, #tpu.memory_space<vmem>>, vector<16xf32>,
    tpu.vector_store %arg5[%swap3A_40], %sub3A_39 {strides = array<i32>} : memref<128xf32, #tpu.memory_space<vmem>>, vector<16xf32>,
    %get3A_42 = arith.constant 96 : index
    %get3A_43 = tpu.vector_load %arg5[%get3A_42] {strides = array<i32>} : memref<128xf32, #tpu.memory_space<vmem>>, vector<16xf32>,
    %sub3A_44 = arith.constant 9.99999997E-7 : f32
    %sub3A_45 = vector.broadcast %sub3A_44 : f32 to vector<16xf32>
    %sub3A_46 = arith.subf %get3A_43, %sub3A_45 : vector<16xf32>
    %swap3A_47 = arith.constant 96 : index
    %swap3A_48 = tpu.vector_load %arg5[%swap3A_47] {strides = array<i32>} : memref<128xf32, #tpu.memory_space<vmem>>, vector<16xf32>,
    tpu.vector_store %arg5[%swap3A_47], %sub3A_46 {strides = array<i32>} : memref<128xf32, #tpu.memory_space<vmem>>, vector<16xf32>,
    %get3A_49 = arith.constant 112 : index
    %get3A_50 = tpu.vector_load %arg5[%get3A_49] {strides = array<i32>} : memref<128xf32, #tpu.memory_space<vmem>>, vector<16xf32>,
    %sub3A_51 = arith.constant 9.99999997E-7 : f32
    %sub3A_52 = vector.broadcast %sub3A_51 : f32 to vector<16xf32>
    %sub3A_53 = arith.subf %get3A_50, %sub3A_52 : vector<16xf32>
    %swap3A_54 = arith.constant 112 : index
    %swap3A_55 = tpu.vector_load %arg5[%swap3A_54] {strides = array<i32>} : memref<128xf32, #tpu.memory_space<vmem>>, vector<16xf32>,
    tpu.vector_store %arg5[%swap3A_54], %sub3A_53 {strides = array<i32>} : memref<128xf32, #tpu.memory_space<vmem>>, vector<16xf32>,
    %dma_start3A = tpu.memref_slice %arg2[%mul3A_2] : memref<12800000xf32, #tpu.memory_space<hbm>> -> memref<32768xf32, #tpu.memory_space<hbm>>
    %dma_start3A_56 = tpu.memref_slice %arg2[%mul3A_2] : memref<12800000xf32, #tpu.memory_space<hbm>> -> memref<32768xf32, #tpu.memory_space<hbm>>
    tpu.enqueue_dma source(%dma_start3A_56 : memref<32768xf32, #tpu.memory_space<hbm>>) target(%arg6 : memref<32768xf32, #tpu.memory_space<vmem>>) target_semaphore(%arg10 : memref<!tpu.dma_semaphore, #tpu.memory_space<semaphore_mem>>)
    %add3A_57 = arith.constant 32768 : i32
    %add3A_58 = arith.addi %mul3A_2, %add3A_57 : i32
    %dma_start3A_59 = tpu.memref_slice %arg2[%add3A_58] : memref<12800000xf32, #tpu.memory_space<hbm>> -> memref<32768xf32, #tpu.memory_space<hbm>>
    %dma_start3A_60 = tpu.memref_slice %arg2[%add3A_58] : memref<12800000xf32, #tpu.memory_space<hbm>> -> memref<32768xf32, #tpu.memory_space<hbm>>
    tpu.enqueue_dma source(%dma_start3A_60 : memref<32768xf32, #tpu.memory_space<hbm>>) target(%arg7 : memref<32768xf32, #tpu.memory_space<vmem>>) target_semaphore(%arg11 : memref<!tpu.dma_semaphore, #tpu.memory_space<semaphore_mem>>)
    %add3A_61 = arith.constant 262144 : i32
    %add3A_62 = arith.addi %mul3A_2, %add3A_61 : i32
    %dma_start3A_63 = arith.constant 0 : i32
    %dma_start3A_64 = tpu.memref_slice %arg8[%dma_start3A_63] : memref<12288xf32, #tpu.memory_space<vmem>> -> memref<12288xf32, #tpu.memory_space<vmem>>
    %dma_start3A_65 = tpu.memref_slice %arg2[%add3A_62] : memref<12800000xf32, #tpu.memory_space<hbm>> -> memref<12288xf32, #tpu.memory_space<hbm>>
    %dma_start3A_66 = arith.constant 0 : i32
    %dma_start3A_67 = tpu.memref_slice %arg8[%dma_start3A_66] : memref<12288xf32, #tpu.memory_space<vmem>> -> memref<12288xf32, #tpu.memory_space<vmem>>
    %dma_start3A_68 = tpu.memref_slice %arg2[%add3A_62] : memref<12800000xf32, #tpu.memory_space<hbm>> -> memref<12288xf32, #tpu.memory_space<hbm>>
    tpu.enqueue_dma source(%dma_start3A_68 : memref<12288xf32, #tpu.memory_space<hbm>>) target(%dma_start3A_67 : memref<12288xf32, #tpu.memory_space<vmem>>) target_semaphore(%arg12 : memref<!tpu.dma_semaphore, #tpu.memory_space<semaphore_mem>>)
    %broadcast_in_dim3A = arith.constant 0.000000e+00 : f32
    %broadcast_in_dim3A_69 = vector.broadcast %broadcast_in_dim3A : f32 to vector<16xf32>
    %broadcast_in_dim3A_70 = arith.constant 0x7F800000 : f32
    %broadcast_in_dim3A_71 = vector.broadcast %broadcast_in_dim3A_70 : f32 to vector<16xf32>
    %scan3A = arith.constant 0 : i32
    %scan3A_72 = arith.constant 4 : i32
    %scan3A_73 = arith.addi %scan3A, %scan3A_72 : i32
    %scan3A_74 = arith.constant 1 : i32
    %scan3A_75:5 = scf.for %scan3A_471 = %scan3A to %scan3A_73 step %scan3A_74 iter_args(%scan3A_472 = %broadcast_in_dim3A_69, %scan3A_473 = %broadcast_in_dim3A_71, %scan3A_474 = %broadcast_in_dim3A_71, %scan3A_475 = %broadcast_in_dim3A_71, %scan3A_476 = %broadcast_in_dim3A_71) -> (vector<16xf32>, vector<16xf32>, vector<16xf32>, vector<16xf32>, vector<16xf32>)  : i32 {
      %mul3A_477 = arith.constant 2 : i32
      %mul3A_478 = arith.muli %mul3A_477, %scan3A_471 : i32
      %mul3A_479 = arith.constant 32768 : i32
      %mul3A_480 = arith.muli %mul3A_478, %mul3A_479 : i32
      %add3A_481 = arith.addi %mul3A_2, %mul3A_480 : i32
      %dma_wait3A_482 = tpu.memref_slice %arg2[%add3A_481] : memref<12800000xf32, #tpu.memory_space<hbm>> -> memref<32768xf32, #tpu.memory_space<hbm>>
      %dma_wait3A_483 = tpu.memref_slice %arg2[%add3A_481] : memref<12800000xf32, #tpu.memory_space<hbm>> -> memref<32768xf32, #tpu.memory_space<hbm>>
      tpu.wait_dma2 semaphore(%arg10 : memref<!tpu.dma_semaphore, #tpu.memory_space<semaphore_mem>>) src(%dma_wait3A_483 : memref<32768xf32, #tpu.memory_space<hbm>>) dst(%arg6 : memref<32768xf32, #tpu.memory_space<vmem>>)
      %iota3A_484 = tpu.iota {dimensions = array<i32: 0>} : vector<16xi32>
      %mul3A_485 = arith.constant 128 : i32
      %mul3A_486 = vector.broadcast %mul3A_485 : i32 to vector<16xi32>
      %mul3A_487 = arith.muli %iota3A_484, %mul3A_486 : vector<16xi32>
      %broadcast_in_dim3A_488 = arith.constant 0.000000e+00 : f32
      %broadcast_in_dim3A_489 = vector.broadcast %broadcast_in_dim3A_488 : f32 to vector<16xf32>
      %broadcast_in_dim3A_490 = arith.constant 0.000000e+00 : f32
      %broadcast_in_dim3A_491 = vector.broadcast %broadcast_in_dim3A_490 : f32 to vector<16xf32>
      %broadcast_in_dim3A_492 = arith.constant 0.000000e+00 : f32
      %broadcast_in_dim3A_493 = vector.broadcast %broadcast_in_dim3A_492 : f32 to vector<16xf32>
      %broadcast_in_dim3A_494 = arith.constant 0.000000e+00 : f32
      %broadcast_in_dim3A_495 = vector.broadcast %broadcast_in_dim3A_494 : f32 to vector<16xf32>
      %broadcast_in_dim3A_496 = arith.constant 0.000000e+00 : f32
      %broadcast_in_dim3A_497 = vector.broadcast %broadcast_in_dim3A_496 : f32 to vector<16xf32>
      %broadcast_in_dim3A_498 = arith.constant 0.000000e+00 : f32
      %broadcast_in_dim3A_499 = vector.broadcast %broadcast_in_dim3A_498 : f32 to vector<16xf32>
      %broadcast_in_dim3A_500 = arith.constant 0.000000e+00 : f32
      %broadcast_in_dim3A_501 = vector.broadcast %broadcast_in_dim3A_500 : f32 to vector<16xf32>
      %broadcast_in_dim3A_502 = arith.constant 0.000000e+00 : f32
      %broadcast_in_dim3A_503 = vector.broadcast %broadcast_in_dim3A_502 : f32 to vector<16xf32>
      %broadcast_in_dim3A_504 = arith.constant 0.000000e+00 : f32
      %broadcast_in_dim3A_505 = vector.broadcast %broadcast_in_dim3A_504 : f32 to vector<16xf32>
      %broadcast_in_dim3A_506 = arith.constant 0.000000e+00 : f32
      %broadcast_in_dim3A_507 = vector.broadcast %broadcast_in_dim3A_506 : f32 to vector<16xf32>
      %broadcast_in_dim3A_508 = arith.constant 0.000000e+00 : f32
      %broadcast_in_dim3A_509 = vector.broadcast %broadcast_in_dim3A_508 : f32 to vector<16xf32>
      %broadcast_in_dim3A_510 = arith.constant 0.000000e+00 : f32
      %broadcast_in_dim3A_511 = vector.broadcast %broadcast_in_dim3A_510 : f32 to vector<16xf32>
      %broadcast_in_dim3A_512 = arith.constant 0.000000e+00 : f32
      %broadcast_in_dim3A_513 = vector.broadcast %broadcast_in_dim3A_512 : f32 to vector<16xf32>
      %broadcast_in_dim3A_514 = arith.constant 0.000000e+00 : f32
      %broadcast_in_dim3A_515 = vector.broadcast %broadcast_in_dim3A_514 : f32 to vector<16xf32>
      %broadcast_in_dim3A_516 = arith.constant 0.000000e+00 : f32
      %broadcast_in_dim3A_517 = vector.broadcast %broadcast_in_dim3A_516 : f32 to vector<16xf32>
      %broadcast_in_dim3A_518 = arith.constant 0.000000e+00 : f32
      %broadcast_in_dim3A_519 = vector.broadcast %broadcast_in_dim3A_518 : f32 to vector<16xf32>
      %scan3A_520 = arith.constant 0 : i32
      %scan3A_521 = arith.constant 128 : i32
      %scan3A_522 = arith.addi %scan3A_520, %scan3A_521 : i32
      %scan3A_523 = arith.constant 2 : i32
      %scan3A_524:17 = scf.for %scan3A_2091 = %scan3A_520 to %scan3A_522 step %scan3A_523 iter_args(%scan3A_2092 = %iota3A_484, %scan3A_2093 = %broadcast_in_dim3A_489, %scan3A_2094 = %broadcast_in_dim3A_491, %scan3A_2095 = %broadcast_in_dim3A_493, %scan3A_2096 = %broadcast_in_dim3A_495, %scan3A_2097 = %broadcast_in_dim3A_497, %scan3A_2098 = %broadcast_in_dim3A_499, %scan3A_2099 = %broadcast_in_dim3A_501, %scan3A_2100 = %broadcast_in_dim3A_503, %scan3A_2101 = %broadcast_in_dim3A_505, %scan3A_2102 = %broadcast_in_dim3A_507, %scan3A_2103 = %broadcast_in_dim3A_509, %scan3A_2104 = %broadcast_in_dim3A_511, %scan3A_2105 = %broadcast_in_dim3A_513, %scan3A_2106 = %broadcast_in_dim3A_515, %scan3A_2107 = %broadcast_in_dim3A_517, %scan3A_2108 = %broadcast_in_dim3A_519) -> (vector<16xi32>, vector<16xf32>, vector<16xf32>, vector<16xf32>, vector<16xf32>, vector<16xf32>, vector<16xf32>, vector<16xf32>, vector<16xf32>, vector<16xf32>, vector<16xf32>, vector<16xf32>, vector<16xf32>, vector<16xf32>, vector<16xf32>, vector<16xf32>, vector<16xf32>)  : i32 {
        %gather3A = tpu.vector_load_idx %arg5[%scan3A_2092] : memref<128xf32, #tpu.memory_space<vmem>>[vector<16xi32>], vector<16xf32>,
        %add3A_2109 = arith.addi %mul3A_487, %scan3A_2092 : vector<16xi32>
        %gather3A_2110 = arith.constant 0 : i32
        %gather3A_2111 = tpu.memref_slice %arg6[%gather3A_2110] : memref<32768xf32, #tpu.memory_space<vmem>> -> memref<2048xf32, #tpu.memory_space<vmem>>
        %gather3A_2112 = tpu.vector_load_idx %gather3A_2111[%add3A_2109] : memref<2048xf32, #tpu.memory_space<vmem>>[vector<16xi32>], vector<16xf32>,
        %sub3A_2113 = arith.subf %gather3A_2112, %gather3A : vector<16xf32>
        %mul3A_2114 = arith.mulf %sub3A_2113, %sub3A_2113 : vector<16xf32>
        %add3A_2115 = arith.addf %scan3A_2093, %mul3A_2114 : vector<16xf32>
        %gather3A_2116 = arith.constant 2048 : i32
        %gather3A_2117 = tpu.memref_slice %arg6[%gather3A_2116] : memref<32768xf32, #tpu.memory_space<vmem>> -> memref<2048xf32, #tpu.memory_space<vmem>>
        %gather3A_2118 = tpu.vector_load_idx %gather3A_2117[%add3A_2109] : memref<2048xf32, #tpu.memory_space<vmem>>[vector<16xi32>], vector<16xf32>,
        %sub3A_2119 = arith.subf %gather3A_2118, %gather3A : vector<16xf32>
        %mul3A_2120 = arith.mulf %sub3A_2119, %sub3A_2119 : vector<16xf32>
        %add3A_2121 = arith.addf %scan3A_2094, %mul3A_2120 : vector<16xf32>
        %gather3A_2122 = arith.constant 4096 : i32
        %gather3A_2123 = tpu.memref_slice %arg6[%gather3A_2122] : memref<32768xf32, #tpu.memory_space<vmem>> -> memref<2048xf32, #tpu.memory_space<vmem>>
        %gather3A_2124 = tpu.vector_load_idx %gather3A_2123[%add3A_2109] : memref<2048xf32, #tpu.memory_space<vmem>>[vector<16xi32>], vector<16xf32>,
        %sub3A_2125 = arith.subf %gather3A_2124, %gather3A : vector<16xf32>
        %mul3A_2126 = arith.mulf %sub3A_2125, %sub3A_2125 : vector<16xf32>
        %add3A_2127 = arith.addf %scan3A_2095, %mul3A_2126 : vector<16xf32>
        %gather3A_2128 = arith.constant 6144 : i32
        %gather3A_2129 = tpu.memref_slice %arg6[%gather3A_2128] : memref<32768xf32, #tpu.memory_space<vmem>> -> memref<2048xf32, #tpu.memory_space<vmem>>
        %gather3A_2130 = tpu.vector_load_idx %gather3A_2129[%add3A_2109] : memref<2048xf32, #tpu.memory_space<vmem>>[vector<16xi32>], vector<16xf32>,
        %sub3A_2131 = arith.subf %gather3A_2130, %gather3A : vector<16xf32>
        %mul3A_2132 = arith.mulf %sub3A_2131, %sub3A_2131 : vector<16xf32>
        %add3A_2133 = arith.addf %scan3A_2096, %mul3A_2132 : vector<16xf32>
        %gather3A_2134 = arith.constant 8192 : i32
        %gather3A_2135 = tpu.memref_slice %arg6[%gather3A_2134] : memref<32768xf32, #tpu.memory_space<vmem>> -> memref<2048xf32, #tpu.memory_space<vmem>>
        %gather3A_2136 = tpu.vector_load_idx %gather3A_2135[%add3A_2109] : memref<2048xf32, #tpu.memory_space<vmem>>[vector<16xi32>], vector<16xf32>,
        %sub3A_2137 = arith.subf %gather3A_2136, %gather3A : vector<16xf32>
        %mul3A_2138 = arith.mulf %sub3A_2137, %sub3A_2137 : vector<16xf32>
        %add3A_2139 = arith.addf %scan3A_2097, %mul3A_2138 : vector<16xf32>
        %gather3A_2140 = arith.constant 10240 : i32
        %gather3A_2141 = tpu.memref_slice %arg6[%gather3A_2140] : memref<32768xf32, #tpu.memory_space<vmem>> -> memref<2048xf32, #tpu.memory_space<vmem>>
        %gather3A_2142 = tpu.vector_load_idx %gather3A_2141[%add3A_2109] : memref<2048xf32, #tpu.memory_space<vmem>>[vector<16xi32>], vector<16xf32>,
        %sub3A_2143 = arith.subf %gather3A_2142, %gather3A : vector<16xf32>
        %mul3A_2144 = arith.mulf %sub3A_2143, %sub3A_2143 : vector<16xf32>
        %add3A_2145 = arith.addf %scan3A_2098, %mul3A_2144 : vector<16xf32>
        %gather3A_2146 = arith.constant 12288 : i32
        %gather3A_2147 = tpu.memref_slice %arg6[%gather3A_2146] : memref<32768xf32, #tpu.memory_space<vmem>> -> memref<2048xf32, #tpu.memory_space<vmem>>
        %gather3A_2148 = tpu.vector_load_idx %gather3A_2147[%add3A_2109] : memref<2048xf32, #tpu.memory_space<vmem>>[vector<16xi32>], vector<16xf32>,
        %sub3A_2149 = arith.subf %gather3A_2148, %gather3A : vector<16xf32>
        %mul3A_2150 = arith.mulf %sub3A_2149, %sub3A_2149 : vector<16xf32>
        %add3A_2151 = arith.addf %scan3A_2099, %mul3A_2150 : vector<16xf32>
        %gather3A_2152 = arith.constant 14336 : i32
        %gather3A_2153 = tpu.memref_slice %arg6[%gather3A_2152] : memref<32768xf32, #tpu.memory_space<vmem>> -> memref<2048xf32, #tpu.memory_space<vmem>>
        %gather3A_2154 = tpu.vector_load_idx %gather3A_2153[%add3A_2109] : memref<2048xf32, #tpu.memory_space<vmem>>[vector<16xi32>], vector<16xf32>,
        %sub3A_2155 = arith.subf %gather3A_2154, %gather3A : vector<16xf32>
        %mul3A_2156 = arith.mulf %sub3A_2155, %sub3A_2155 : vector<16xf32>
        %add3A_2157 = arith.addf %scan3A_2100, %mul3A_2156 : vector<16xf32>
        %gather3A_2158 = arith.constant 16384 : i32
        %gather3A_2159 = tpu.memref_slice %arg6[%gather3A_2158] : memref<32768xf32, #tpu.memory_space<vmem>> -> memref<2048xf32, #tpu.memory_space<vmem>>
        %gather3A_2160 = tpu.vector_load_idx %gather3A_2159[%add3A_2109] : memref<2048xf32, #tpu.memory_space<vmem>>[vector<16xi32>], vector<16xf32>,
        %sub3A_2161 = arith.subf %gather3A_2160, %gather3A : vector<16xf32>
        %mul3A_2162 = arith.mulf %sub3A_2161, %sub3A_2161 : vector<16xf32>
        %add3A_2163 = arith.addf %scan3A_2101, %mul3A_2162 : vector<16xf32>
        %gather3A_2164 = arith.constant 18432 : i32
        %gather3A_2165 = tpu.memref_slice %arg6[%gather3A_2164] : memref<32768xf32, #tpu.memory_space<vmem>> -> memref<2048xf32, #tpu.memory_space<vmem>>
        %gather3A_2166 = tpu.vector_load_idx %gather3A_2165[%add3A_2109] : memref<2048xf32, #tpu.memory_space<vmem>>[vector<16xi32>], vector<16xf32>,
        %sub3A_2167 = arith.subf %gather3A_2166, %gather3A : vector<16xf32>
        %mul3A_2168 = arith.mulf %sub3A_2167, %sub3A_2167 : vector<16xf32>
        %add3A_2169 = arith.addf %scan3A_2102, %mul3A_2168 : vector<16xf32>
        %gather3A_2170 = arith.constant 20480 : i32
        %gather3A_2171 = tpu.memref_slice %arg6[%gather3A_2170] : memref<32768xf32, #tpu.memory_space<vmem>> -> memref<2048xf32, #tpu.memory_space<vmem>>
        %gather3A_2172 = tpu.vector_load_idx %gather3A_2171[%add3A_2109] : memref<2048xf32, #tpu.memory_space<vmem>>[vector<16xi32>], vector<16xf32>,
        %sub3A_2173 = arith.subf %gather3A_2172, %gather3A : vector<16xf32>
        %mul3A_2174 = arith.mulf %sub3A_2173, %sub3A_2173 : vector<16xf32>
        %add3A_2175 = arith.addf %scan3A_2103, %mul3A_2174 : vector<16xf32>
        %gather3A_2176 = arith.constant 22528 : i32
        %gather3A_2177 = tpu.memref_slice %arg6[%gather3A_2176] : memref<32768xf32, #tpu.memory_space<vmem>> -> memref<2048xf32, #tpu.memory_space<vmem>>
        %gather3A_2178 = tpu.vector_load_idx %gather3A_2177[%add3A_2109] : memref<2048xf32, #tpu.memory_space<vmem>>[vector<16xi32>], vector<16xf32>,
        %sub3A_2179 = arith.subf %gather3A_2178, %gather3A : vector<16xf32>
        %mul3A_2180 = arith.mulf %sub3A_2179, %sub3A_2179 : vector<16xf32>
        %add3A_2181 = arith.addf %scan3A_2104, %mul3A_2180 : vector<16xf32>
        %gather3A_2182 = arith.constant 24576 : i32
        %gather3A_2183 = tpu.memref_slice %arg6[%gather3A_2182] : memref<32768xf32, #tpu.memory_space<vmem>> -> memref<2048xf32, #tpu.memory_space<vmem>>
        %gather3A_2184 = tpu.vector_load_idx %gather3A_2183[%add3A_2109] : memref<2048xf32, #tpu.memory_space<vmem>>[vector<16xi32>], vector<16xf32>,
        %sub3A_2185 = arith.subf %gather3A_2184, %gather3A : vector<16xf32>
        %mul3A_2186 = arith.mulf %sub3A_2185, %sub3A_2185 : vector<16xf32>
        %add3A_2187 = arith.addf %scan3A_2105, %mul3A_2186 : vector<16xf32>
        %gather3A_2188 = arith.constant 26624 : i32
        %gather3A_2189 = tpu.memref_slice %arg6[%gather3A_2188] : memref<32768xf32, #tpu.memory_space<vmem>> -> memref<2048xf32, #tpu.memory_space<vmem>>
        %gather3A_2190 = tpu.vector_load_idx %gather3A_2189[%add3A_2109] : memref<2048xf32, #tpu.memory_space<vmem>>[vector<16xi32>], vector<16xf32>,
        %sub3A_2191 = arith.subf %gather3A_2190, %gather3A : vector<16xf32>
        %mul3A_2192 = arith.mulf %sub3A_2191, %sub3A_2191 : vector<16xf32>
        %add3A_2193 = arith.addf %scan3A_2106, %mul3A_2192 : vector<16xf32>
        %gather3A_2194 = arith.constant 28672 : i32
        %gather3A_2195 = tpu.memref_slice %arg6[%gather3A_2194] : memref<32768xf32, #tpu.memory_space<vmem>> -> memref<2048xf32, #tpu.memory_space<vmem>>
        %gather3A_2196 = tpu.vector_load_idx %gather3A_2195[%add3A_2109] : memref<2048xf32, #tpu.memory_space<vmem>>[vector<16xi32>], vector<16xf32>,
        %sub3A_2197 = arith.subf %gather3A_2196, %gather3A : vector<16xf32>
        %mul3A_2198 = arith.mulf %sub3A_2197, %sub3A_2197 : vector<16xf32>
        %add3A_2199 = arith.addf %scan3A_2107, %mul3A_2198 : vector<16xf32>
        %gather3A_2200 = arith.constant 30720 : i32
        %gather3A_2201 = tpu.memref_slice %arg6[%gather3A_2200] : memref<32768xf32, #tpu.memory_space<vmem>> -> memref<2048xf32, #tpu.memory_space<vmem>>
        %gather3A_2202 = tpu.vector_load_idx %gather3A_2201[%add3A_2109] : memref<2048xf32, #tpu.memory_space<vmem>>[vector<16xi32>], vector<16xf32>,
        %sub3A_2203 = arith.subf %gather3A_2202, %gather3A : vector<16xf32>
        %mul3A_2204 = arith.mulf %sub3A_2203, %sub3A_2203 : vector<16xf32>
        %add3A_2205 = arith.addf %scan3A_2108, %mul3A_2204 : vector<16xf32>
        %add3A_2206 = arith.constant 1 : i32
        %add3A_2207 = vector.broadcast %add3A_2206 : i32 to vector<16xi32>
        %add3A_2208 = arith.addi %scan3A_2092, %add3A_2207 : vector<16xi32>
        %and3A = arith.constant 127 : i32
        %and3A_2209 = vector.broadcast %and3A : i32 to vector<16xi32>
        %and3A_2210 = arith.andi %add3A_2208, %and3A_2209 : vector<16xi32>
        %scan3A_2211 = arith.constant 1 : i32
        %scan3A_2212 = arith.addi %scan3A_2091, %scan3A_2211 : i32
        %gather3A_2213 = tpu.vector_load_idx %arg5[%and3A_2210] : memref<128xf32, #tpu.memory_space<vmem>>[vector<16xi32>], vector<16xf32>,
        %add3A_2214 = arith.addi %mul3A_487, %and3A_2210 : vector<16xi32>
        %gather3A_2215 = arith.constant 0 : i32
        %gather3A_2216 = tpu.memref_slice %arg6[%gather3A_2215] : memref<32768xf32, #tpu.memory_space<vmem>> -> memref<2048xf32, #tpu.memory_space<vmem>>
        %gather3A_2217 = tpu.vector_load_idx %gather3A_2216[%add3A_2214] : memref<2048xf32, #tpu.memory_space<vmem>>[vector<16xi32>], vector<16xf32>,
        %sub3A_2218 = arith.subf %gather3A_2217, %gather3A_2213 : vector<16xf32>
        %mul3A_2219 = arith.mulf %sub3A_2218, %sub3A_2218 : vector<16xf32>
        %add3A_2220 = arith.addf %add3A_2115, %mul3A_2219 : vector<16xf32>
        %gather3A_2221 = arith.constant 2048 : i32
        %gather3A_2222 = tpu.memref_slice %arg6[%gather3A_2221] : memref<32768xf32, #tpu.memory_space<vmem>> -> memref<2048xf32, #tpu.memory_space<vmem>>
        %gather3A_2223 = tpu.vector_load_idx %gather3A_2222[%add3A_2214] : memref<2048xf32, #tpu.memory_space<vmem>>[vector<16xi32>], vector<16xf32>,
        %sub3A_2224 = arith.subf %gather3A_2223, %gather3A_2213 : vector<16xf32>
        %mul3A_2225 = arith.mulf %sub3A_2224, %sub3A_2224 : vector<16xf32>
        %add3A_2226 = arith.addf %add3A_2121, %mul3A_2225 : vector<16xf32>
        %gather3A_2227 = arith.constant 4096 : i32
        %gather3A_2228 = tpu.memref_slice %arg6[%gather3A_2227] : memref<32768xf32, #tpu.memory_space<vmem>> -> memref<2048xf32, #tpu.memory_space<vmem>>
        %gather3A_2229 = tpu.vector_load_idx %gather3A_2228[%add3A_2214] : memref<2048xf32, #tpu.memory_space<vmem>>[vector<16xi32>], vector<16xf32>,
        %sub3A_2230 = arith.subf %gather3A_2229, %gather3A_2213 : vector<16xf32>
        %mul3A_2231 = arith.mulf %sub3A_2230, %sub3A_2230 : vector<16xf32>
        %add3A_2232 = arith.addf %add3A_2127, %mul3A_2231 : vector<16xf32>
        %gather3A_2233 = arith.constant 6144 : i32
        %gather3A_2234 = tpu.memref_slice %arg6[%gather3A_2233] : memref<32768xf32, #tpu.memory_space<vmem>> -> memref<2048xf32, #tpu.memory_space<vmem>>
        %gather3A_2235 = tpu.vector_load_idx %gather3A_2234[%add3A_2214] : memref<2048xf32, #tpu.memory_space<vmem>>[vector<16xi32>], vector<16xf32>,
        %sub3A_2236 = arith.subf %gather3A_2235, %gather3A_2213 : vector<16xf32>
        %mul3A_2237 = arith.mulf %sub3A_2236, %sub3A_2236 : vector<16xf32>
        %add3A_2238 = arith.addf %add3A_2133, %mul3A_2237 : vector<16xf32>
        %gather3A_2239 = arith.constant 8192 : i32
        %gather3A_2240 = tpu.memref_slice %arg6[%gather3A_2239] : memref<32768xf32, #tpu.memory_space<vmem>> -> memref<2048xf32, #tpu.memory_space<vmem>>
        %gather3A_2241 = tpu.vector_load_idx %gather3A_2240[%add3A_2214] : memref<2048xf32, #tpu.memory_space<vmem>>[vector<16xi32>], vector<16xf32>,
        %sub3A_2242 = arith.subf %gather3A_2241, %gather3A_2213 : vector<16xf32>
        %mul3A_2243 = arith.mulf %sub3A_2242, %sub3A_2242 : vector<16xf32>
        %add3A_2244 = arith.addf %add3A_2139, %mul3A_2243 : vector<16xf32>
        %gather3A_2245 = arith.constant 10240 : i32
        %gather3A_2246 = tpu.memref_slice %arg6[%gather3A_2245] : memref<32768xf32, #tpu.memory_space<vmem>> -> memref<2048xf32, #tpu.memory_space<vmem>>
        %gather3A_2247 = tpu.vector_load_idx %gather3A_2246[%add3A_2214] : memref<2048xf32, #tpu.memory_space<vmem>>[vector<16xi32>], vector<16xf32>,
        %sub3A_2248 = arith.subf %gather3A_2247, %gather3A_2213 : vector<16xf32>
        %mul3A_2249 = arith.mulf %sub3A_2248, %sub3A_2248 : vector<16xf32>
        %add3A_2250 = arith.addf %add3A_2145, %mul3A_2249 : vector<16xf32>
        %gather3A_2251 = arith.constant 12288 : i32
        %gather3A_2252 = tpu.memref_slice %arg6[%gather3A_2251] : memref<32768xf32, #tpu.memory_space<vmem>> -> memref<2048xf32, #tpu.memory_space<vmem>>
        %gather3A_2253 = tpu.vector_load_idx %gather3A_2252[%add3A_2214] : memref<2048xf32, #tpu.memory_space<vmem>>[vector<16xi32>], vector<16xf32>,
        %sub3A_2254 = arith.subf %gather3A_2253, %gather3A_2213 : vector<16xf32>
        %mul3A_2255 = arith.mulf %sub3A_2254, %sub3A_2254 : vector<16xf32>
        %add3A_2256 = arith.addf %add3A_2151, %mul3A_2255 : vector<16xf32>
        %gather3A_2257 = arith.constant 14336 : i32
        %gather3A_2258 = tpu.memref_slice %arg6[%gather3A_2257] : memref<32768xf32, #tpu.memory_space<vmem>> -> memref<2048xf32, #tpu.memory_space<vmem>>
        %gather3A_2259 = tpu.vector_load_idx %gather3A_2258[%add3A_2214] : memref<2048xf32, #tpu.memory_space<vmem>>[vector<16xi32>], vector<16xf32>,
        %sub3A_2260 = arith.subf %gather3A_2259, %gather3A_2213 : vector<16xf32>
        %mul3A_2261 = arith.mulf %sub3A_2260, %sub3A_2260 : vector<16xf32>
        %add3A_2262 = arith.addf %add3A_2157, %mul3A_2261 : vector<16xf32>
        %gather3A_2263 = arith.constant 16384 : i32
        %gather3A_2264 = tpu.memref_slice %arg6[%gather3A_2263] : memref<32768xf32, #tpu.memory_space<vmem>> -> memref<2048xf32, #tpu.memory_space<vmem>>
        %gather3A_2265 = tpu.vector_load_idx %gather3A_2264[%add3A_2214] : memref<2048xf32, #tpu.memory_space<vmem>>[vector<16xi32>], vector<16xf32>,
        %sub3A_2266 = arith.subf %gather3A_2265, %gather3A_2213 : vector<16xf32>
        %mul3A_2267 = arith.mulf %sub3A_2266, %sub3A_2266 : vector<16xf32>
        %add3A_2268 = arith.addf %add3A_2163, %mul3A_2267 : vector<16xf32>
        %gather3A_2269 = arith.constant 18432 : i32
        %gather3A_2270 = tpu.memref_slice %arg6[%gather3A_2269] : memref<32768xf32, #tpu.memory_space<vmem>> -> memref<2048xf32, #tpu.memory_space<vmem>>
        %gather3A_2271 = tpu.vector_load_idx %gather3A_2270[%add3A_2214] : memref<2048xf32, #tpu.memory_space<vmem>>[vector<16xi32>], vector<16xf32>,
        %sub3A_2272 = arith.subf %gather3A_2271, %gather3A_2213 : vector<16xf32>
        %mul3A_2273 = arith.mulf %sub3A_2272, %sub3A_2272 : vector<16xf32>
        %add3A_2274 = arith.addf %add3A_2169, %mul3A_2273 : vector<16xf32>
        %gather3A_2275 = arith.constant 20480 : i32
        %gather3A_2276 = tpu.memref_slice %arg6[%gather3A_2275] : memref<32768xf32, #tpu.memory_space<vmem>> -> memref<2048xf32, #tpu.memory_space<vmem>>
        %gather3A_2277 = tpu.vector_load_idx %gather3A_2276[%add3A_2214] : memref<2048xf32, #tpu.memory_space<vmem>>[vector<16xi32>], vector<16xf32>,
        %sub3A_2278 = arith.subf %gather3A_2277, %gather3A_2213 : vector<16xf32>
        %mul3A_2279 = arith.mulf %sub3A_2278, %sub3A_2278 : vector<16xf32>
        %add3A_2280 = arith.addf %add3A_2175, %mul3A_2279 : vector<16xf32>
        %gather3A_2281 = arith.constant 22528 : i32
        %gather3A_2282 = tpu.memref_slice %arg6[%gather3A_2281] : memref<32768xf32, #tpu.memory_space<vmem>> -> memref<2048xf32, #tpu.memory_space<vmem>>
        %gather3A_2283 = tpu.vector_load_idx %gather3A_2282[%add3A_2214] : memref<2048xf32, #tpu.memory_space<vmem>>[vector<16xi32>], vector<16xf32>,
        %sub3A_2284 = arith.subf %gather3A_2283, %gather3A_2213 : vector<16xf32>
        %mul3A_2285 = arith.mulf %sub3A_2284, %sub3A_2284 : vector<16xf32>
        %add3A_2286 = arith.addf %add3A_2181, %mul3A_2285 : vector<16xf32>
        %gather3A_2287 = arith.constant 24576 : i32
        %gather3A_2288 = tpu.memref_slice %arg6[%gather3A_2287] : memref<32768xf32, #tpu.memory_space<vmem>> -> memref<2048xf32, #tpu.memory_space<vmem>>
        %gather3A_2289 = tpu.vector_load_idx %gather3A_2288[%add3A_2214] : memref<2048xf32, #tpu.memory_space<vmem>>[vector<16xi32>], vector<16xf32>,
        %sub3A_2290 = arith.subf %gather3A_2289, %gather3A_2213 : vector<16xf32>
        %mul3A_2291 = arith.mulf %sub3A_2290, %sub3A_2290 : vector<16xf32>
        %add3A_2292 = arith.addf %add3A_2187, %mul3A_2291 : vector<16xf32>
        %gather3A_2293 = arith.constant 26624 : i32
        %gather3A_2294 = tpu.memref_slice %arg6[%gather3A_2293] : memref<32768xf32, #tpu.memory_space<vmem>> -> memref<2048xf32, #tpu.memory_space<vmem>>
        %gather3A_2295 = tpu.vector_load_idx %gather3A_2294[%add3A_2214] : memref<2048xf32, #tpu.memory_space<vmem>>[vector<16xi32>], vector<16xf32>,
        %sub3A_2296 = arith.subf %gather3A_2295, %gather3A_2213 : vector<16xf32>
        %mul3A_2297 = arith.mulf %sub3A_2296, %sub3A_2296 : vector<16xf32>
        %add3A_2298 = arith.addf %add3A_2193, %mul3A_2297 : vector<16xf32>
        %gather3A_2299 = arith.constant 28672 : i32
        %gather3A_2300 = tpu.memref_slice %arg6[%gather3A_2299] : memref<32768xf32, #tpu.memory_space<vmem>> -> memref<2048xf32, #tpu.memory_space<vmem>>
        %gather3A_2301 = tpu.vector_load_idx %gather3A_2300[%add3A_2214] : memref<2048xf32, #tpu.memory_space<vmem>>[vector<16xi32>], vector<16xf32>,
        %sub3A_2302 = arith.subf %gather3A_2301, %gather3A_2213 : vector<16xf32>
        %mul3A_2303 = arith.mulf %sub3A_2302, %sub3A_2302 : vector<16xf32>
        %add3A_2304 = arith.addf %add3A_2199, %mul3A_2303 : vector<16xf32>
        %gather3A_2305 = arith.constant 30720 : i32
        %gather3A_2306 = tpu.memref_slice %arg6[%gather3A_2305] : memref<32768xf32, #tpu.memory_space<vmem>> -> memref<2048xf32, #tpu.memory_space<vmem>>
        %gather3A_2307 = tpu.vector_load_idx %gather3A_2306[%add3A_2214] : memref<2048xf32, #tpu.memory_space<vmem>>[vector<16xi32>], vector<16xf32>,
        %sub3A_2308 = arith.subf %gather3A_2307, %gather3A_2213 : vector<16xf32>
        %mul3A_2309 = arith.mulf %sub3A_2308, %sub3A_2308 : vector<16xf32>
        %add3A_2310 = arith.addf %add3A_2205, %mul3A_2309 : vector<16xf32>
        %add3A_2311 = arith.constant 1 : i32
        %add3A_2312 = vector.broadcast %add3A_2311 : i32 to vector<16xi32>
        %add3A_2313 = arith.addi %and3A_2210, %add3A_2312 : vector<16xi32>
        %and3A_2314 = arith.constant 127 : i32
        %and3A_2315 = vector.broadcast %and3A_2314 : i32 to vector<16xi32>
        %and3A_2316 = arith.andi %add3A_2313, %and3A_2315 : vector<16xi32>
        scf.yield %and3A_2316, %add3A_2220, %add3A_2226, %add3A_2232, %add3A_2238, %add3A_2244, %add3A_2250, %add3A_2256, %add3A_2262, %add3A_2268, %add3A_2274, %add3A_2280, %add3A_2286, %add3A_2292, %add3A_2298, %add3A_2304, %add3A_2310 : vector<16xi32>, vector<16xf32>, vector<16xf32>, vector<16xf32>, vector<16xf32>, vector<16xf32>, vector<16xf32>, vector<16xf32>, vector<16xf32>, vector<16xf32>, vector<16xf32>, vector<16xf32>, vector<16xf32>, vector<16xf32>, vector<16xf32>, vector<16xf32>, vector<16xf32>
      }
      %scan3A_525 = arith.constant 128 : i32
      %min3A_526 = arith.minimumf %scan3A_473, %scan3A_524#1 : vector<16xf32>
      %max3A_527 = arith.maximumf %scan3A_473, %scan3A_524#1 : vector<16xf32>
      %min3A_528 = arith.minimumf %scan3A_474, %max3A_527 : vector<16xf32>
      %max3A_529 = arith.maximumf %scan3A_474, %max3A_527 : vector<16xf32>
      %min3A_530 = arith.minimumf %scan3A_475, %max3A_529 : vector<16xf32>
      %max3A_531 = arith.maximumf %scan3A_475, %max3A_529 : vector<16xf32>
      %min3A_532 = arith.minimumf %scan3A_476, %max3A_531 : vector<16xf32>
      %max3A_533 = arith.constant 1.000000e-30 : f32
      %max3A_534 = vector.broadcast %max3A_533 : f32 to vector<16xf32>
      %max3A_535 = arith.maximumf %scan3A_524#1, %max3A_534 : vector<16xf32>
      %bitcast_convert_type3A_536 = tpu.bitcast %max3A_535 : vector<16xf32> -> vector<16xi32>
      %shift_right_logical3A_537 = arith.constant 1 : i32
      %shift_right_logical3A_538 = vector.broadcast %shift_right_logical3A_537 : i32 to vector<16xi32>
      %shift_right_logical3A_539 = arith.shrui %bitcast_convert_type3A_536, %shift_right_logical3A_538 : vector<16xi32>
      %sub3A_540 = arith.constant 1597463007 : i32
      %sub3A_541 = vector.broadcast %sub3A_540 : i32 to vector<16xi32>
      %sub3A_542 = arith.subi %sub3A_541, %shift_right_logical3A_539 : vector<16xi32>
      %bitcast_convert_type3A_543 = tpu.bitcast %sub3A_542 : vector<16xi32> -> vector<16xf32>
      %mul3A_544 = arith.constant 5.000000e-01 : f32
      %mul3A_545 = vector.broadcast %mul3A_544 : f32 to vector<16xf32>
      %mul3A_546 = arith.mulf %mul3A_545, %max3A_535 : vector<16xf32>
      %mul3A_547 = arith.mulf %mul3A_546, %bitcast_convert_type3A_543 : vector<16xf32>
      %mul3A_548 = arith.mulf %mul3A_547, %bitcast_convert_type3A_543 : vector<16xf32>
      %sub3A_549 = arith.constant 1.500000e+00 : f32
      %sub3A_550 = vector.broadcast %sub3A_549 : f32 to vector<16xf32>
      %sub3A_551 = arith.subf %sub3A_550, %mul3A_548 : vector<16xf32>
      %mul3A_552 = arith.mulf %bitcast_convert_type3A_543, %sub3A_551 : vector<16xf32>
      %mul3A_553 = arith.constant 5.000000e-01 : f32
      %mul3A_554 = vector.broadcast %mul3A_553 : f32 to vector<16xf32>
      %mul3A_555 = arith.mulf %mul3A_554, %max3A_535 : vector<16xf32>
      %mul3A_556 = arith.mulf %mul3A_555, %mul3A_552 : vector<16xf32>
      %mul3A_557 = arith.mulf %mul3A_556, %mul3A_552 : vector<16xf32>
      %sub3A_558 = arith.constant 1.500000e+00 : f32
      %sub3A_559 = vector.broadcast %sub3A_558 : f32 to vector<16xf32>
      %sub3A_560 = arith.subf %sub3A_559, %mul3A_557 : vector<16xf32>
      %mul3A_561 = arith.mulf %mul3A_552, %sub3A_560 : vector<16xf32>
      %mul3A_562 = arith.constant 5.000000e-01 : f32
      %mul3A_563 = vector.broadcast %mul3A_562 : f32 to vector<16xf32>
      %mul3A_564 = arith.mulf %mul3A_563, %max3A_535 : vector<16xf32>
      %mul3A_565 = arith.mulf %mul3A_564, %mul3A_561 : vector<16xf32>
      %mul3A_566 = arith.mulf %mul3A_565, %mul3A_561 : vector<16xf32>
      %sub3A_567 = arith.constant 1.500000e+00 : f32
      %sub3A_568 = vector.broadcast %sub3A_567 : f32 to vector<16xf32>
      %sub3A_569 = arith.subf %sub3A_568, %mul3A_566 : vector<16xf32>
      %mul3A_570 = arith.mulf %mul3A_561, %sub3A_569 : vector<16xf32>
      %mul3A_571 = arith.mulf %max3A_535, %mul3A_570 : vector<16xf32>
      %add3A_572 = arith.addf %scan3A_472, %mul3A_571 : vector<16xf32>
      %min3A_573 = arith.minimumf %min3A_526, %scan3A_524#2 : vector<16xf32>
      %max3A_574 = arith.maximumf %min3A_526, %scan3A_524#2 : vector<16xf32>
      %min3A_575 = arith.minimumf %min3A_528, %max3A_574 : vector<16xf32>
      %max3A_576 = arith.maximumf %min3A_528, %max3A_574 : vector<16xf32>
      %min3A_577 = arith.minimumf %min3A_530, %max3A_576 : vector<16xf32>
      %max3A_578 = arith.maximumf %min3A_530, %max3A_576 : vector<16xf32>
      %min3A_579 = arith.minimumf %min3A_532, %max3A_578 : vector<16xf32>
      %max3A_580 = arith.constant 1.000000e-30 : f32
      %max3A_581 = vector.broadcast %max3A_580 : f32 to vector<16xf32>
      %max3A_582 = arith.maximumf %scan3A_524#2, %max3A_581 : vector<16xf32>
      %bitcast_convert_type3A_583 = tpu.bitcast %max3A_582 : vector<16xf32> -> vector<16xi32>
      %shift_right_logical3A_584 = arith.constant 1 : i32
      %shift_right_logical3A_585 = vector.broadcast %shift_right_logical3A_584 : i32 to vector<16xi32>
      %shift_right_logical3A_586 = arith.shrui %bitcast_convert_type3A_583, %shift_right_logical3A_585 : vector<16xi32>
      %sub3A_587 = arith.constant 1597463007 : i32
      %sub3A_588 = vector.broadcast %sub3A_587 : i32 to vector<16xi32>
      %sub3A_589 = arith.subi %sub3A_588, %shift_right_logical3A_586 : vector<16xi32>
      %bitcast_convert_type3A_590 = tpu.bitcast %sub3A_589 : vector<16xi32> -> vector<16xf32>
      %mul3A_591 = arith.constant 5.000000e-01 : f32
      %mul3A_592 = vector.broadcast %mul3A_591 : f32 to vector<16xf32>
      %mul3A_593 = arith.mulf %mul3A_592, %max3A_582 : vector<16xf32>
      %mul3A_594 = arith.mulf %mul3A_593, %bitcast_convert_type3A_590 : vector<16xf32>
      %mul3A_595 = arith.mulf %mul3A_594, %bitcast_convert_type3A_590 : vector<16xf32>
      %sub3A_596 = arith.constant 1.500000e+00 : f32
      %sub3A_597 = vector.broadcast %sub3A_596 : f32 to vector<16xf32>
      %sub3A_598 = arith.subf %sub3A_597, %mul3A_595 : vector<16xf32>
      %mul3A_599 = arith.mulf %bitcast_convert_type3A_590, %sub3A_598 : vector<16xf32>
      %mul3A_600 = arith.constant 5.000000e-01 : f32
      %mul3A_601 = vector.broadcast %mul3A_600 : f32 to vector<16xf32>
      %mul3A_602 = arith.mulf %mul3A_601, %max3A_582 : vector<16xf32>
      %mul3A_603 = arith.mulf %mul3A_602, %mul3A_599 : vector<16xf32>
      %mul3A_604 = arith.mulf %mul3A_603, %mul3A_599 : vector<16xf32>
      %sub3A_605 = arith.constant 1.500000e+00 : f32
      %sub3A_606 = vector.broadcast %sub3A_605 : f32 to vector<16xf32>
      %sub3A_607 = arith.subf %sub3A_606, %mul3A_604 : vector<16xf32>
      %mul3A_608 = arith.mulf %mul3A_599, %sub3A_607 : vector<16xf32>
      %mul3A_609 = arith.constant 5.000000e-01 : f32
      %mul3A_610 = vector.broadcast %mul3A_609 : f32 to vector<16xf32>
      %mul3A_611 = arith.mulf %mul3A_610, %max3A_582 : vector<16xf32>
      %mul3A_612 = arith.mulf %mul3A_611, %mul3A_608 : vector<16xf32>
      %mul3A_613 = arith.mulf %mul3A_612, %mul3A_608 : vector<16xf32>
      %sub3A_614 = arith.constant 1.500000e+00 : f32
      %sub3A_615 = vector.broadcast %sub3A_614 : f32 to vector<16xf32>
      %sub3A_616 = arith.subf %sub3A_615, %mul3A_613 : vector<16xf32>
      %mul3A_617 = arith.mulf %mul3A_608, %sub3A_616 : vector<16xf32>
      %mul3A_618 = arith.mulf %max3A_582, %mul3A_617 : vector<16xf32>
      %add3A_619 = arith.addf %add3A_572, %mul3A_618 : vector<16xf32>
      %min3A_620 = arith.minimumf %min3A_573, %scan3A_524#3 : vector<16xf32>
      %max3A_621 = arith.maximumf %min3A_573, %scan3A_524#3 : vector<16xf32>
      %min3A_622 = arith.minimumf %min3A_575, %max3A_621 : vector<16xf32>
      %max3A_623 = arith.maximumf %min3A_575, %max3A_621 : vector<16xf32>
      %min3A_624 = arith.minimumf %min3A_577, %max3A_623 : vector<16xf32>
      %max3A_625 = arith.maximumf %min3A_577, %max3A_623 : vector<16xf32>
      %min3A_626 = arith.minimumf %min3A_579, %max3A_625 : vector<16xf32>
      %max3A_627 = arith.constant 1.000000e-30 : f32
      %max3A_628 = vector.broadcast %max3A_627 : f32 to vector<16xf32>
      %max3A_629 = arith.maximumf %scan3A_524#3, %max3A_628 : vector<16xf32>
      %bitcast_convert_type3A_630 = tpu.bitcast %max3A_629 : vector<16xf32> -> vector<16xi32>
      %shift_right_logical3A_631 = arith.constant 1 : i32
      %shift_right_logical3A_632 = vector.broadcast %shift_right_logical3A_631 : i32 to vector<16xi32>
      %shift_right_logical3A_633 = arith.shrui %bitcast_convert_type3A_630, %shift_right_logical3A_632 : vector<16xi32>
      %sub3A_634 = arith.constant 1597463007 : i32
      %sub3A_635 = vector.broadcast %sub3A_634 : i32 to vector<16xi32>
      %sub3A_636 = arith.subi %sub3A_635, %shift_right_logical3A_633 : vector<16xi32>
      %bitcast_convert_type3A_637 = tpu.bitcast %sub3A_636 : vector<16xi32> -> vector<16xf32>
      %mul3A_638 = arith.constant 5.000000e-01 : f32
      %mul3A_639 = vector.broadcast %mul3A_638 : f32 to vector<16xf32>
      %mul3A_640 = arith.mulf %mul3A_639, %max3A_629 : vector<16xf32>
      %mul3A_641 = arith.mulf %mul3A_640, %bitcast_convert_type3A_637 : vector<16xf32>
      %mul3A_642 = arith.mulf %mul3A_641, %bitcast_convert_type3A_637 : vector<16xf32>
      %sub3A_643 = arith.constant 1.500000e+00 : f32
      %sub3A_644 = vector.broadcast %sub3A_643 : f32 to vector<16xf32>
      %sub3A_645 = arith.subf %sub3A_644, %mul3A_642 : vector<16xf32>
      %mul3A_646 = arith.mulf %bitcast_convert_type3A_637, %sub3A_645 : vector<16xf32>
      %mul3A_647 = arith.constant 5.000000e-01 : f32
      %mul3A_648 = vector.broadcast %mul3A_647 : f32 to vector<16xf32>
      %mul3A_649 = arith.mulf %mul3A_648, %max3A_629 : vector<16xf32>
      %mul3A_650 = arith.mulf %mul3A_649, %mul3A_646 : vector<16xf32>
      %mul3A_651 = arith.mulf %mul3A_650, %mul3A_646 : vector<16xf32>
      %sub3A_652 = arith.constant 1.500000e+00 : f32
      %sub3A_653 = vector.broadcast %sub3A_652 : f32 to vector<16xf32>
      %sub3A_654 = arith.subf %sub3A_653, %mul3A_651 : vector<16xf32>
      %mul3A_655 = arith.mulf %mul3A_646, %sub3A_654 : vector<16xf32>
      %mul3A_656 = arith.constant 5.000000e-01 : f32
      %mul3A_657 = vector.broadcast %mul3A_656 : f32 to vector<16xf32>
      %mul3A_658 = arith.mulf %mul3A_657, %max3A_629 : vector<16xf32>
      %mul3A_659 = arith.mulf %mul3A_658, %mul3A_655 : vector<16xf32>
      %mul3A_660 = arith.mulf %mul3A_659, %mul3A_655 : vector<16xf32>
      %sub3A_661 = arith.constant 1.500000e+00 : f32
      %sub3A_662 = vector.broadcast %sub3A_661 : f32 to vector<16xf32>
      %sub3A_663 = arith.subf %sub3A_662, %mul3A_660 : vector<16xf32>
      %mul3A_664 = arith.mulf %mul3A_655, %sub3A_663 : vector<16xf32>
      %mul3A_665 = arith.mulf %max3A_629, %mul3A_664 : vector<16xf32>
      %add3A_666 = arith.addf %add3A_619, %mul3A_665 : vector<16xf32>
      %min3A_667 = arith.minimumf %min3A_620, %scan3A_524#4 : vector<16xf32>
      %max3A_668 = arith.maximumf %min3A_620, %scan3A_524#4 : vector<16xf32>
      %min3A_669 = arith.minimumf %min3A_622, %max3A_668 : vector<16xf32>
      %max3A_670 = arith.maximumf %min3A_622, %max3A_668 : vector<16xf32>
      %min3A_671 = arith.minimumf %min3A_624, %max3A_670 : vector<16xf32>
      %max3A_672 = arith.maximumf %min3A_624, %max3A_670 : vector<16xf32>
      %min3A_673 = arith.minimumf %min3A_626, %max3A_672 : vector<16xf32>
      %max3A_674 = arith.constant 1.000000e-30 : f32
      %max3A_675 = vector.broadcast %max3A_674 : f32 to vector<16xf32>
      %max3A_676 = arith.maximumf %scan3A_524#4, %max3A_675 : vector<16xf32>
      %bitcast_convert_type3A_677 = tpu.bitcast %max3A_676 : vector<16xf32> -> vector<16xi32>
      %shift_right_logical3A_678 = arith.constant 1 : i32
      %shift_right_logical3A_679 = vector.broadcast %shift_right_logical3A_678 : i32 to vector<16xi32>
      %shift_right_logical3A_680 = arith.shrui %bitcast_convert_type3A_677, %shift_right_logical3A_679 : vector<16xi32>
      %sub3A_681 = arith.constant 1597463007 : i32
      %sub3A_682 = vector.broadcast %sub3A_681 : i32 to vector<16xi32>
      %sub3A_683 = arith.subi %sub3A_682, %shift_right_logical3A_680 : vector<16xi32>
      %bitcast_convert_type3A_684 = tpu.bitcast %sub3A_683 : vector<16xi32> -> vector<16xf32>
      %mul3A_685 = arith.constant 5.000000e-01 : f32
      %mul3A_686 = vector.broadcast %mul3A_685 : f32 to vector<16xf32>
      %mul3A_687 = arith.mulf %mul3A_686, %max3A_676 : vector<16xf32>
      %mul3A_688 = arith.mulf %mul3A_687, %bitcast_convert_type3A_684 : vector<16xf32>
      %mul3A_689 = arith.mulf %mul3A_688, %bitcast_convert_type3A_684 : vector<16xf32>
      %sub3A_690 = arith.constant 1.500000e+00 : f32
      %sub3A_691 = vector.broadcast %sub3A_690 : f32 to vector<16xf32>
      %sub3A_692 = arith.subf %sub3A_691, %mul3A_689 : vector<16xf32>
      %mul3A_693 = arith.mulf %bitcast_convert_type3A_684, %sub3A_692 : vector<16xf32>
      %mul3A_694 = arith.constant 5.000000e-01 : f32
      %mul3A_695 = vector.broadcast %mul3A_694 : f32 to vector<16xf32>
      %mul3A_696 = arith.mulf %mul3A_695, %max3A_676 : vector<16xf32>
      %mul3A_697 = arith.mulf %mul3A_696, %mul3A_693 : vector<16xf32>
      %mul3A_698 = arith.mulf %mul3A_697, %mul3A_693 : vector<16xf32>
      %sub3A_699 = arith.constant 1.500000e+00 : f32
      %sub3A_700 = vector.broadcast %sub3A_699 : f32 to vector<16xf32>
      %sub3A_701 = arith.subf %sub3A_700, %mul3A_698 : vector<16xf32>
      %mul3A_702 = arith.mulf %mul3A_693, %sub3A_701 : vector<16xf32>
      %mul3A_703 = arith.constant 5.000000e-01 : f32
      %mul3A_704 = vector.broadcast %mul3A_703 : f32 to vector<16xf32>
      %mul3A_705 = arith.mulf %mul3A_704, %max3A_676 : vector<16xf32>
      %mul3A_706 = arith.mulf %mul3A_705, %mul3A_702 : vector<16xf32>
      %mul3A_707 = arith.mulf %mul3A_706, %mul3A_702 : vector<16xf32>
      %sub3A_708 = arith.constant 1.500000e+00 : f32
      %sub3A_709 = vector.broadcast %sub3A_708 : f32 to vector<16xf32>
      %sub3A_710 = arith.subf %sub3A_709, %mul3A_707 : vector<16xf32>
      %mul3A_711 = arith.mulf %mul3A_702, %sub3A_710 : vector<16xf32>
      %mul3A_712 = arith.mulf %max3A_676, %mul3A_711 : vector<16xf32>
      %add3A_713 = arith.addf %add3A_666, %mul3A_712 : vector<16xf32>
      %min3A_714 = arith.minimumf %min3A_667, %scan3A_524#5 : vector<16xf32>
      %max3A_715 = arith.maximumf %min3A_667, %scan3A_524#5 : vector<16xf32>
      %min3A_716 = arith.minimumf %min3A_669, %max3A_715 : vector<16xf32>
      %max3A_717 = arith.maximumf %min3A_669, %max3A_715 : vector<16xf32>
      %min3A_718 = arith.minimumf %min3A_671, %max3A_717 : vector<16xf32>
      %max3A_719 = arith.maximumf %min3A_671, %max3A_717 : vector<16xf32>
      %min3A_720 = arith.minimumf %min3A_673, %max3A_719 : vector<16xf32>
      %max3A_721 = arith.constant 1.000000e-30 : f32
      %max3A_722 = vector.broadcast %max3A_721 : f32 to vector<16xf32>
      %max3A_723 = arith.maximumf %scan3A_524#5, %max3A_722 : vector<16xf32>
      %bitcast_convert_type3A_724 = tpu.bitcast %max3A_723 : vector<16xf32> -> vector<16xi32>
      %shift_right_logical3A_725 = arith.constant 1 : i32
      %shift_right_logical3A_726 = vector.broadcast %shift_right_logical3A_725 : i32 to vector<16xi32>
      %shift_right_logical3A_727 = arith.shrui %bitcast_convert_type3A_724, %shift_right_logical3A_726 : vector<16xi32>
      %sub3A_728 = arith.constant 1597463007 : i32
      %sub3A_729 = vector.broadcast %sub3A_728 : i32 to vector<16xi32>
      %sub3A_730 = arith.subi %sub3A_729, %shift_right_logical3A_727 : vector<16xi32>
      %bitcast_convert_type3A_731 = tpu.bitcast %sub3A_730 : vector<16xi32> -> vector<16xf32>
      %mul3A_732 = arith.constant 5.000000e-01 : f32
      %mul3A_733 = vector.broadcast %mul3A_732 : f32 to vector<16xf32>
      %mul3A_734 = arith.mulf %mul3A_733, %max3A_723 : vector<16xf32>
      %mul3A_735 = arith.mulf %mul3A_734, %bitcast_convert_type3A_731 : vector<16xf32>
      %mul3A_736 = arith.mulf %mul3A_735, %bitcast_convert_type3A_731 : vector<16xf32>
      %sub3A_737 = arith.constant 1.500000e+00 : f32
      %sub3A_738 = vector.broadcast %sub3A_737 : f32 to vector<16xf32>
      %sub3A_739 = arith.subf %sub3A_738, %mul3A_736 : vector<16xf32>
      %mul3A_740 = arith.mulf %bitcast_convert_type3A_731, %sub3A_739 : vector<16xf32>
      %mul3A_741 = arith.constant 5.000000e-01 : f32
      %mul3A_742 = vector.broadcast %mul3A_741 : f32 to vector<16xf32>
      %mul3A_743 = arith.mulf %mul3A_742, %max3A_723 : vector<16xf32>
      %mul3A_744 = arith.mulf %mul3A_743, %mul3A_740 : vector<16xf32>
      %mul3A_745 = arith.mulf %mul3A_744, %mul3A_740 : vector<16xf32>
      %sub3A_746 = arith.constant 1.500000e+00 : f32
      %sub3A_747 = vector.broadcast %sub3A_746 : f32 to vector<16xf32>
      %sub3A_748 = arith.subf %sub3A_747, %mul3A_745 : vector<16xf32>
      %mul3A_749 = arith.mulf %mul3A_740, %sub3A_748 : vector<16xf32>
      %mul3A_750 = arith.constant 5.000000e-01 : f32
      %mul3A_751 = vector.broadcast %mul3A_750 : f32 to vector<16xf32>
      %mul3A_752 = arith.mulf %mul3A_751, %max3A_723 : vector<16xf32>
      %mul3A_753 = arith.mulf %mul3A_752, %mul3A_749 : vector<16xf32>
      %mul3A_754 = arith.mulf %mul3A_753, %mul3A_749 : vector<16xf32>
      %sub3A_755 = arith.constant 1.500000e+00 : f32
      %sub3A_756 = vector.broadcast %sub3A_755 : f32 to vector<16xf32>
      %sub3A_757 = arith.subf %sub3A_756, %mul3A_754 : vector<16xf32>
      %mul3A_758 = arith.mulf %mul3A_749, %sub3A_757 : vector<16xf32>
      %mul3A_759 = arith.mulf %max3A_723, %mul3A_758 : vector<16xf32>
      %add3A_760 = arith.addf %add3A_713, %mul3A_759 : vector<16xf32>
      %min3A_761 = arith.minimumf %min3A_714, %scan3A_524#6 : vector<16xf32>
      %max3A_762 = arith.maximumf %min3A_714, %scan3A_524#6 : vector<16xf32>
      %min3A_763 = arith.minimumf %min3A_716, %max3A_762 : vector<16xf32>
      %max3A_764 = arith.maximumf %min3A_716, %max3A_762 : vector<16xf32>
      %min3A_765 = arith.minimumf %min3A_718, %max3A_764 : vector<16xf32>
      %max3A_766 = arith.maximumf %min3A_718, %max3A_764 : vector<16xf32>
      %min3A_767 = arith.minimumf %min3A_720, %max3A_766 : vector<16xf32>
      %max3A_768 = arith.constant 1.000000e-30 : f32
      %max3A_769 = vector.broadcast %max3A_768 : f32 to vector<16xf32>
      %max3A_770 = arith.maximumf %scan3A_524#6, %max3A_769 : vector<16xf32>
      %bitcast_convert_type3A_771 = tpu.bitcast %max3A_770 : vector<16xf32> -> vector<16xi32>
      %shift_right_logical3A_772 = arith.constant 1 : i32
      %shift_right_logical3A_773 = vector.broadcast %shift_right_logical3A_772 : i32 to vector<16xi32>
      %shift_right_logical3A_774 = arith.shrui %bitcast_convert_type3A_771, %shift_right_logical3A_773 : vector<16xi32>
      %sub3A_775 = arith.constant 1597463007 : i32
      %sub3A_776 = vector.broadcast %sub3A_775 : i32 to vector<16xi32>
      %sub3A_777 = arith.subi %sub3A_776, %shift_right_logical3A_774 : vector<16xi32>
      %bitcast_convert_type3A_778 = tpu.bitcast %sub3A_777 : vector<16xi32> -> vector<16xf32>
      %mul3A_779 = arith.constant 5.000000e-01 : f32
      %mul3A_780 = vector.broadcast %mul3A_779 : f32 to vector<16xf32>
      %mul3A_781 = arith.mulf %mul3A_780, %max3A_770 : vector<16xf32>
      %mul3A_782 = arith.mulf %mul3A_781, %bitcast_convert_type3A_778 : vector<16xf32>
      %mul3A_783 = arith.mulf %mul3A_782, %bitcast_convert_type3A_778 : vector<16xf32>
      %sub3A_784 = arith.constant 1.500000e+00 : f32
      %sub3A_785 = vector.broadcast %sub3A_784 : f32 to vector<16xf32>
      %sub3A_786 = arith.subf %sub3A_785, %mul3A_783 : vector<16xf32>
      %mul3A_787 = arith.mulf %bitcast_convert_type3A_778, %sub3A_786 : vector<16xf32>
      %mul3A_788 = arith.constant 5.000000e-01 : f32
      %mul3A_789 = vector.broadcast %mul3A_788 : f32 to vector<16xf32>
      %mul3A_790 = arith.mulf %mul3A_789, %max3A_770 : vector<16xf32>
      %mul3A_791 = arith.mulf %mul3A_790, %mul3A_787 : vector<16xf32>
      %mul3A_792 = arith.mulf %mul3A_791, %mul3A_787 : vector<16xf32>
      %sub3A_793 = arith.constant 1.500000e+00 : f32
      %sub3A_794 = vector.broadcast %sub3A_793 : f32 to vector<16xf32>
      %sub3A_795 = arith.subf %sub3A_794, %mul3A_792 : vector<16xf32>
      %mul3A_796 = arith.mulf %mul3A_787, %sub3A_795 : vector<16xf32>
      %mul3A_797 = arith.constant 5.000000e-01 : f32
      %mul3A_798 = vector.broadcast %mul3A_797 : f32 to vector<16xf32>
      %mul3A_799 = arith.mulf %mul3A_798, %max3A_770 : vector<16xf32>
      %mul3A_800 = arith.mulf %mul3A_799, %mul3A_796 : vector<16xf32>
      %mul3A_801 = arith.mulf %mul3A_800, %mul3A_796 : vector<16xf32>
      %sub3A_802 = arith.constant 1.500000e+00 : f32
      %sub3A_803 = vector.broadcast %sub3A_802 : f32 to vector<16xf32>
      %sub3A_804 = arith.subf %sub3A_803, %mul3A_801 : vector<16xf32>
      %mul3A_805 = arith.mulf %mul3A_796, %sub3A_804 : vector<16xf32>
      %mul3A_806 = arith.mulf %max3A_770, %mul3A_805 : vector<16xf32>
      %add3A_807 = arith.addf %add3A_760, %mul3A_806 : vector<16xf32>
      %min3A_808 = arith.minimumf %min3A_761, %scan3A_524#7 : vector<16xf32>
      %max3A_809 = arith.maximumf %min3A_761, %scan3A_524#7 : vector<16xf32>
      %min3A_810 = arith.minimumf %min3A_763, %max3A_809 : vector<16xf32>
      %max3A_811 = arith.maximumf %min3A_763, %max3A_809 : vector<16xf32>
      %min3A_812 = arith.minimumf %min3A_765, %max3A_811 : vector<16xf32>
      %max3A_813 = arith.maximumf %min3A_765, %max3A_811 : vector<16xf32>
      %min3A_814 = arith.minimumf %min3A_767, %max3A_813 : vector<16xf32>
      %max3A_815 = arith.constant 1.000000e-30 : f32
      %max3A_816 = vector.broadcast %max3A_815 : f32 to vector<16xf32>
      %max3A_817 = arith.maximumf %scan3A_524#7, %max3A_816 : vector<16xf32>
      %bitcast_convert_type3A_818 = tpu.bitcast %max3A_817 : vector<16xf32> -> vector<16xi32>
      %shift_right_logical3A_819 = arith.constant 1 : i32
      %shift_right_logical3A_820 = vector.broadcast %shift_right_logical3A_819 : i32 to vector<16xi32>
      %shift_right_logical3A_821 = arith.shrui %bitcast_convert_type3A_818, %shift_right_logical3A_820 : vector<16xi32>
      %sub3A_822 = arith.constant 1597463007 : i32
      %sub3A_823 = vector.broadcast %sub3A_822 : i32 to vector<16xi32>
      %sub3A_824 = arith.subi %sub3A_823, %shift_right_logical3A_821 : vector<16xi32>
      %bitcast_convert_type3A_825 = tpu.bitcast %sub3A_824 : vector<16xi32> -> vector<16xf32>
      %mul3A_826 = arith.constant 5.000000e-01 : f32
      %mul3A_827 = vector.broadcast %mul3A_826 : f32 to vector<16xf32>
      %mul3A_828 = arith.mulf %mul3A_827, %max3A_817 : vector<16xf32>
      %mul3A_829 = arith.mulf %mul3A_828, %bitcast_convert_type3A_825 : vector<16xf32>
      %mul3A_830 = arith.mulf %mul3A_829, %bitcast_convert_type3A_825 : vector<16xf32>
      %sub3A_831 = arith.constant 1.500000e+00 : f32
      %sub3A_832 = vector.broadcast %sub3A_831 : f32 to vector<16xf32>
      %sub3A_833 = arith.subf %sub3A_832, %mul3A_830 : vector<16xf32>
      %mul3A_834 = arith.mulf %bitcast_convert_type3A_825, %sub3A_833 : vector<16xf32>
      %mul3A_835 = arith.constant 5.000000e-01 : f32
      %mul3A_836 = vector.broadcast %mul3A_835 : f32 to vector<16xf32>
      %mul3A_837 = arith.mulf %mul3A_836, %max3A_817 : vector<16xf32>
      %mul3A_838 = arith.mulf %mul3A_837, %mul3A_834 : vector<16xf32>
      %mul3A_839 = arith.mulf %mul3A_838, %mul3A_834 : vector<16xf32>
      %sub3A_840 = arith.constant 1.500000e+00 : f32
      %sub3A_841 = vector.broadcast %sub3A_840 : f32 to vector<16xf32>
      %sub3A_842 = arith.subf %sub3A_841, %mul3A_839 : vector<16xf32>
      %mul3A_843 = arith.mulf %mul3A_834, %sub3A_842 : vector<16xf32>
      %mul3A_844 = arith.constant 5.000000e-01 : f32
      %mul3A_845 = vector.broadcast %mul3A_844 : f32 to vector<16xf32>
      %mul3A_846 = arith.mulf %mul3A_845, %max3A_817 : vector<16xf32>
      %mul3A_847 = arith.mulf %mul3A_846, %mul3A_843 : vector<16xf32>
      %mul3A_848 = arith.mulf %mul3A_847, %mul3A_843 : vector<16xf32>
      %sub3A_849 = arith.constant 1.500000e+00 : f32
      %sub3A_850 = vector.broadcast %sub3A_849 : f32 to vector<16xf32>
      %sub3A_851 = arith.subf %sub3A_850, %mul3A_848 : vector<16xf32>
      %mul3A_852 = arith.mulf %mul3A_843, %sub3A_851 : vector<16xf32>
      %mul3A_853 = arith.mulf %max3A_817, %mul3A_852 : vector<16xf32>
      %add3A_854 = arith.addf %add3A_807, %mul3A_853 : vector<16xf32>
      %min3A_855 = arith.minimumf %min3A_808, %scan3A_524#8 : vector<16xf32>
      %max3A_856 = arith.maximumf %min3A_808, %scan3A_524#8 : vector<16xf32>
      %min3A_857 = arith.minimumf %min3A_810, %max3A_856 : vector<16xf32>
      %max3A_858 = arith.maximumf %min3A_810, %max3A_856 : vector<16xf32>
      %min3A_859 = arith.minimumf %min3A_812, %max3A_858 : vector<16xf32>
      %max3A_860 = arith.maximumf %min3A_812, %max3A_858 : vector<16xf32>
      %min3A_861 = arith.minimumf %min3A_814, %max3A_860 : vector<16xf32>
      %max3A_862 = arith.constant 1.000000e-30 : f32
      %max3A_863 = vector.broadcast %max3A_862 : f32 to vector<16xf32>
      %max3A_864 = arith.maximumf %scan3A_524#8, %max3A_863 : vector<16xf32>
      %bitcast_convert_type3A_865 = tpu.bitcast %max3A_864 : vector<16xf32> -> vector<16xi32>
      %shift_right_logical3A_866 = arith.constant 1 : i32
      %shift_right_logical3A_867 = vector.broadcast %shift_right_logical3A_866 : i32 to vector<16xi32>
      %shift_right_logical3A_868 = arith.shrui %bitcast_convert_type3A_865, %shift_right_logical3A_867 : vector<16xi32>
      %sub3A_869 = arith.constant 1597463007 : i32
      %sub3A_870 = vector.broadcast %sub3A_869 : i32 to vector<16xi32>
      %sub3A_871 = arith.subi %sub3A_870, %shift_right_logical3A_868 : vector<16xi32>
      %bitcast_convert_type3A_872 = tpu.bitcast %sub3A_871 : vector<16xi32> -> vector<16xf32>
      %mul3A_873 = arith.constant 5.000000e-01 : f32
      %mul3A_874 = vector.broadcast %mul3A_873 : f32 to vector<16xf32>
      %mul3A_875 = arith.mulf %mul3A_874, %max3A_864 : vector<16xf32>
      %mul3A_876 = arith.mulf %mul3A_875, %bitcast_convert_type3A_872 : vector<16xf32>
      %mul3A_877 = arith.mulf %mul3A_876, %bitcast_convert_type3A_872 : vector<16xf32>
      %sub3A_878 = arith.constant 1.500000e+00 : f32
      %sub3A_879 = vector.broadcast %sub3A_878 : f32 to vector<16xf32>
      %sub3A_880 = arith.subf %sub3A_879, %mul3A_877 : vector<16xf32>
      %mul3A_881 = arith.mulf %bitcast_convert_type3A_872, %sub3A_880 : vector<16xf32>
      %mul3A_882 = arith.constant 5.000000e-01 : f32
      %mul3A_883 = vector.broadcast %mul3A_882 : f32 to vector<16xf32>
      %mul3A_884 = arith.mulf %mul3A_883, %max3A_864 : vector<16xf32>
      %mul3A_885 = arith.mulf %mul3A_884, %mul3A_881 : vector<16xf32>
      %mul3A_886 = arith.mulf %mul3A_885, %mul3A_881 : vector<16xf32>
      %sub3A_887 = arith.constant 1.500000e+00 : f32
      %sub3A_888 = vector.broadcast %sub3A_887 : f32 to vector<16xf32>
      %sub3A_889 = arith.subf %sub3A_888, %mul3A_886 : vector<16xf32>
      %mul3A_890 = arith.mulf %mul3A_881, %sub3A_889 : vector<16xf32>
      %mul3A_891 = arith.constant 5.000000e-01 : f32
      %mul3A_892 = vector.broadcast %mul3A_891 : f32 to vector<16xf32>
      %mul3A_893 = arith.mulf %mul3A_892, %max3A_864 : vector<16xf32>
      %mul3A_894 = arith.mulf %mul3A_893, %mul3A_890 : vector<16xf32>
      %mul3A_895 = arith.mulf %mul3A_894, %mul3A_890 : vector<16xf32>
      %sub3A_896 = arith.constant 1.500000e+00 : f32
      %sub3A_897 = vector.broadcast %sub3A_896 : f32 to vector<16xf32>
      %sub3A_898 = arith.subf %sub3A_897, %mul3A_895 : vector<16xf32>
      %mul3A_899 = arith.mulf %mul3A_890, %sub3A_898 : vector<16xf32>
      %mul3A_900 = arith.mulf %max3A_864, %mul3A_899 : vector<16xf32>
      %add3A_901 = arith.addf %add3A_854, %mul3A_900 : vector<16xf32>
      %min3A_902 = arith.minimumf %min3A_855, %scan3A_524#9 : vector<16xf32>
      %max3A_903 = arith.maximumf %min3A_855, %scan3A_524#9 : vector<16xf32>
      %min3A_904 = arith.minimumf %min3A_857, %max3A_903 : vector<16xf32>
      %max3A_905 = arith.maximumf %min3A_857, %max3A_903 : vector<16xf32>
      %min3A_906 = arith.minimumf %min3A_859, %max3A_905 : vector<16xf32>
      %max3A_907 = arith.maximumf %min3A_859, %max3A_905 : vector<16xf32>
      %min3A_908 = arith.minimumf %min3A_861, %max3A_907 : vector<16xf32>
      %max3A_909 = arith.constant 1.000000e-30 : f32
      %max3A_910 = vector.broadcast %max3A_909 : f32 to vector<16xf32>
      %max3A_911 = arith.maximumf %scan3A_524#9, %max3A_910 : vector<16xf32>
      %bitcast_convert_type3A_912 = tpu.bitcast %max3A_911 : vector<16xf32> -> vector<16xi32>
      %shift_right_logical3A_913 = arith.constant 1 : i32
      %shift_right_logical3A_914 = vector.broadcast %shift_right_logical3A_913 : i32 to vector<16xi32>
      %shift_right_logical3A_915 = arith.shrui %bitcast_convert_type3A_912, %shift_right_logical3A_914 : vector<16xi32>
      %sub3A_916 = arith.constant 1597463007 : i32
      %sub3A_917 = vector.broadcast %sub3A_916 : i32 to vector<16xi32>
      %sub3A_918 = arith.subi %sub3A_917, %shift_right_logical3A_915 : vector<16xi32>
      %bitcast_convert_type3A_919 = tpu.bitcast %sub3A_918 : vector<16xi32> -> vector<16xf32>
      %mul3A_920 = arith.constant 5.000000e-01 : f32
      %mul3A_921 = vector.broadcast %mul3A_920 : f32 to vector<16xf32>
      %mul3A_922 = arith.mulf %mul3A_921, %max3A_911 : vector<16xf32>
      %mul3A_923 = arith.mulf %mul3A_922, %bitcast_convert_type3A_919 : vector<16xf32>
      %mul3A_924 = arith.mulf %mul3A_923, %bitcast_convert_type3A_919 : vector<16xf32>
      %sub3A_925 = arith.constant 1.500000e+00 : f32
      %sub3A_926 = vector.broadcast %sub3A_925 : f32 to vector<16xf32>
      %sub3A_927 = arith.subf %sub3A_926, %mul3A_924 : vector<16xf32>
      %mul3A_928 = arith.mulf %bitcast_convert_type3A_919, %sub3A_927 : vector<16xf32>
      %mul3A_929 = arith.constant 5.000000e-01 : f32
      %mul3A_930 = vector.broadcast %mul3A_929 : f32 to vector<16xf32>
      %mul3A_931 = arith.mulf %mul3A_930, %max3A_911 : vector<16xf32>
      %mul3A_932 = arith.mulf %mul3A_931, %mul3A_928 : vector<16xf32>
      %mul3A_933 = arith.mulf %mul3A_932, %mul3A_928 : vector<16xf32>
      %sub3A_934 = arith.constant 1.500000e+00 : f32
      %sub3A_935 = vector.broadcast %sub3A_934 : f32 to vector<16xf32>
      %sub3A_936 = arith.subf %sub3A_935, %mul3A_933 : vector<16xf32>
      %mul3A_937 = arith.mulf %mul3A_928, %sub3A_936 : vector<16xf32>
      %mul3A_938 = arith.constant 5.000000e-01 : f32
      %mul3A_939 = vector.broadcast %mul3A_938 : f32 to vector<16xf32>
      %mul3A_940 = arith.mulf %mul3A_939, %max3A_911 : vector<16xf32>
      %mul3A_941 = arith.mulf %mul3A_940, %mul3A_937 : vector<16xf32>
      %mul3A_942 = arith.mulf %mul3A_941, %mul3A_937 : vector<16xf32>
      %sub3A_943 = arith.constant 1.500000e+00 : f32
      %sub3A_944 = vector.broadcast %sub3A_943 : f32 to vector<16xf32>
      %sub3A_945 = arith.subf %sub3A_944, %mul3A_942 : vector<16xf32>
      %mul3A_946 = arith.mulf %mul3A_937, %sub3A_945 : vector<16xf32>
      %mul3A_947 = arith.mulf %max3A_911, %mul3A_946 : vector<16xf32>
      %add3A_948 = arith.addf %add3A_901, %mul3A_947 : vector<16xf32>
      %min3A_949 = arith.minimumf %min3A_902, %scan3A_524#10 : vector<16xf32>
      %max3A_950 = arith.maximumf %min3A_902, %scan3A_524#10 : vector<16xf32>
      %min3A_951 = arith.minimumf %min3A_904, %max3A_950 : vector<16xf32>
      %max3A_952 = arith.maximumf %min3A_904, %max3A_950 : vector<16xf32>
      %min3A_953 = arith.minimumf %min3A_906, %max3A_952 : vector<16xf32>
      %max3A_954 = arith.maximumf %min3A_906, %max3A_952 : vector<16xf32>
      %min3A_955 = arith.minimumf %min3A_908, %max3A_954 : vector<16xf32>
      %max3A_956 = arith.constant 1.000000e-30 : f32
      %max3A_957 = vector.broadcast %max3A_956 : f32 to vector<16xf32>
      %max3A_958 = arith.maximumf %scan3A_524#10, %max3A_957 : vector<16xf32>
      %bitcast_convert_type3A_959 = tpu.bitcast %max3A_958 : vector<16xf32> -> vector<16xi32>
      %shift_right_logical3A_960 = arith.constant 1 : i32
      %shift_right_logical3A_961 = vector.broadcast %shift_right_logical3A_960 : i32 to vector<16xi32>
      %shift_right_logical3A_962 = arith.shrui %bitcast_convert_type3A_959, %shift_right_logical3A_961 : vector<16xi32>
      %sub3A_963 = arith.constant 1597463007 : i32
      %sub3A_964 = vector.broadcast %sub3A_963 : i32 to vector<16xi32>
      %sub3A_965 = arith.subi %sub3A_964, %shift_right_logical3A_962 : vector<16xi32>
      %bitcast_convert_type3A_966 = tpu.bitcast %sub3A_965 : vector<16xi32> -> vector<16xf32>
      %mul3A_967 = arith.constant 5.000000e-01 : f32
      %mul3A_968 = vector.broadcast %mul3A_967 : f32 to vector<16xf32>
      %mul3A_969 = arith.mulf %mul3A_968, %max3A_958 : vector<16xf32>
      %mul3A_970 = arith.mulf %mul3A_969, %bitcast_convert_type3A_966 : vector<16xf32>
      %mul3A_971 = arith.mulf %mul3A_970, %bitcast_convert_type3A_966 : vector<16xf32>
      %sub3A_972 = arith.constant 1.500000e+00 : f32
      %sub3A_973 = vector.broadcast %sub3A_972 : f32 to vector<16xf32>
      %sub3A_974 = arith.subf %sub3A_973, %mul3A_971 : vector<16xf32>
      %mul3A_975 = arith.mulf %bitcast_convert_type3A_966, %sub3A_974 : vector<16xf32>
      %mul3A_976 = arith.constant 5.000000e-01 : f32
      %mul3A_977 = vector.broadcast %mul3A_976 : f32 to vector<16xf32>
      %mul3A_978 = arith.mulf %mul3A_977, %max3A_958 : vector<16xf32>
      %mul3A_979 = arith.mulf %mul3A_978, %mul3A_975 : vector<16xf32>
      %mul3A_980 = arith.mulf %mul3A_979, %mul3A_975 : vector<16xf32>
      %sub3A_981 = arith.constant 1.500000e+00 : f32
      %sub3A_982 = vector.broadcast %sub3A_981 : f32 to vector<16xf32>
      %sub3A_983 = arith.subf %sub3A_982, %mul3A_980 : vector<16xf32>
      %mul3A_984 = arith.mulf %mul3A_975, %sub3A_983 : vector<16xf32>
      %mul3A_985 = arith.constant 5.000000e-01 : f32
      %mul3A_986 = vector.broadcast %mul3A_985 : f32 to vector<16xf32>
      %mul3A_987 = arith.mulf %mul3A_986, %max3A_958 : vector<16xf32>
      %mul3A_988 = arith.mulf %mul3A_987, %mul3A_984 : vector<16xf32>
      %mul3A_989 = arith.mulf %mul3A_988, %mul3A_984 : vector<16xf32>
      %sub3A_990 = arith.constant 1.500000e+00 : f32
      %sub3A_991 = vector.broadcast %sub3A_990 : f32 to vector<16xf32>
      %sub3A_992 = arith.subf %sub3A_991, %mul3A_989 : vector<16xf32>
      %mul3A_993 = arith.mulf %mul3A_984, %sub3A_992 : vector<16xf32>
      %mul3A_994 = arith.mulf %max3A_958, %mul3A_993 : vector<16xf32>
      %add3A_995 = arith.addf %add3A_948, %mul3A_994 : vector<16xf32>
      %min3A_996 = arith.minimumf %min3A_949, %scan3A_524#11 : vector<16xf32>
      %max3A_997 = arith.maximumf %min3A_949, %scan3A_524#11 : vector<16xf32>
      %min3A_998 = arith.minimumf %min3A_951, %max3A_997 : vector<16xf32>
      %max3A_999 = arith.maximumf %min3A_951, %max3A_997 : vector<16xf32>
      %min3A_1000 = arith.minimumf %min3A_953, %max3A_999 : vector<16xf32>
      %max3A_1001 = arith.maximumf %min3A_953, %max3A_999 : vector<16xf32>
      %min3A_1002 = arith.minimumf %min3A_955, %max3A_1001 : vector<16xf32>
      %max3A_1003 = arith.constant 1.000000e-30 : f32
      %max3A_1004 = vector.broadcast %max3A_1003 : f32 to vector<16xf32>
      %max3A_1005 = arith.maximumf %scan3A_524#11, %max3A_1004 : vector<16xf32>
      %bitcast_convert_type3A_1006 = tpu.bitcast %max3A_1005 : vector<16xf32> -> vector<16xi32>
      %shift_right_logical3A_1007 = arith.constant 1 : i32
      %shift_right_logical3A_1008 = vector.broadcast %shift_right_logical3A_1007 : i32 to vector<16xi32>
      %shift_right_logical3A_1009 = arith.shrui %bitcast_convert_type3A_1006, %shift_right_logical3A_1008 : vector<16xi32>
      %sub3A_1010 = arith.constant 1597463007 : i32
      %sub3A_1011 = vector.broadcast %sub3A_1010 : i32 to vector<16xi32>
      %sub3A_1012 = arith.subi %sub3A_1011, %shift_right_logical3A_1009 : vector<16xi32>
      %bitcast_convert_type3A_1013 = tpu.bitcast %sub3A_1012 : vector<16xi32> -> vector<16xf32>
      %mul3A_1014 = arith.constant 5.000000e-01 : f32
      %mul3A_1015 = vector.broadcast %mul3A_1014 : f32 to vector<16xf32>
      %mul3A_1016 = arith.mulf %mul3A_1015, %max3A_1005 : vector<16xf32>
      %mul3A_1017 = arith.mulf %mul3A_1016, %bitcast_convert_type3A_1013 : vector<16xf32>
      %mul3A_1018 = arith.mulf %mul3A_1017, %bitcast_convert_type3A_1013 : vector<16xf32>
      %sub3A_1019 = arith.constant 1.500000e+00 : f32
      %sub3A_1020 = vector.broadcast %sub3A_1019 : f32 to vector<16xf32>
      %sub3A_1021 = arith.subf %sub3A_1020, %mul3A_1018 : vector<16xf32>
      %mul3A_1022 = arith.mulf %bitcast_convert_type3A_1013, %sub3A_1021 : vector<16xf32>
      %mul3A_1023 = arith.constant 5.000000e-01 : f32
      %mul3A_1024 = vector.broadcast %mul3A_1023 : f32 to vector<16xf32>
      %mul3A_1025 = arith.mulf %mul3A_1024, %max3A_1005 : vector<16xf32>
      %mul3A_1026 = arith.mulf %mul3A_1025, %mul3A_1022 : vector<16xf32>
      %mul3A_1027 = arith.mulf %mul3A_1026, %mul3A_1022 : vector<16xf32>
      %sub3A_1028 = arith.constant 1.500000e+00 : f32
      %sub3A_1029 = vector.broadcast %sub3A_1028 : f32 to vector<16xf32>
      %sub3A_1030 = arith.subf %sub3A_1029, %mul3A_1027 : vector<16xf32>
      %mul3A_1031 = arith.mulf %mul3A_1022, %sub3A_1030 : vector<16xf32>
      %mul3A_1032 = arith.constant 5.000000e-01 : f32
      %mul3A_1033 = vector.broadcast %mul3A_1032 : f32 to vector<16xf32>
      %mul3A_1034 = arith.mulf %mul3A_1033, %max3A_1005 : vector<16xf32>
      %mul3A_1035 = arith.mulf %mul3A_1034, %mul3A_1031 : vector<16xf32>
      %mul3A_1036 = arith.mulf %mul3A_1035, %mul3A_1031 : vector<16xf32>
      %sub3A_1037 = arith.constant 1.500000e+00 : f32
      %sub3A_1038 = vector.broadcast %sub3A_1037 : f32 to vector<16xf32>
      %sub3A_1039 = arith.subf %sub3A_1038, %mul3A_1036 : vector<16xf32>
      %mul3A_1040 = arith.mulf %mul3A_1031, %sub3A_1039 : vector<16xf32>
      %mul3A_1041 = arith.mulf %max3A_1005, %mul3A_1040 : vector<16xf32>
      %add3A_1042 = arith.addf %add3A_995, %mul3A_1041 : vector<16xf32>
      %min3A_1043 = arith.minimumf %min3A_996, %scan3A_524#12 : vector<16xf32>
      %max3A_1044 = arith.maximumf %min3A_996, %scan3A_524#12 : vector<16xf32>
      %min3A_1045 = arith.minimumf %min3A_998, %max3A_1044 : vector<16xf32>
      %max3A_1046 = arith.maximumf %min3A_998, %max3A_1044 : vector<16xf32>
      %min3A_1047 = arith.minimumf %min3A_1000, %max3A_1046 : vector<16xf32>
      %max3A_1048 = arith.maximumf %min3A_1000, %max3A_1046 : vector<16xf32>
      %min3A_1049 = arith.minimumf %min3A_1002, %max3A_1048 : vector<16xf32>
      %max3A_1050 = arith.constant 1.000000e-30 : f32
      %max3A_1051 = vector.broadcast %max3A_1050 : f32 to vector<16xf32>
      %max3A_1052 = arith.maximumf %scan3A_524#12, %max3A_1051 : vector<16xf32>
      %bitcast_convert_type3A_1053 = tpu.bitcast %max3A_1052 : vector<16xf32> -> vector<16xi32>
      %shift_right_logical3A_1054 = arith.constant 1 : i32
      %shift_right_logical3A_1055 = vector.broadcast %shift_right_logical3A_1054 : i32 to vector<16xi32>
      %shift_right_logical3A_1056 = arith.shrui %bitcast_convert_type3A_1053, %shift_right_logical3A_1055 : vector<16xi32>
      %sub3A_1057 = arith.constant 1597463007 : i32
      %sub3A_1058 = vector.broadcast %sub3A_1057 : i32 to vector<16xi32>
      %sub3A_1059 = arith.subi %sub3A_1058, %shift_right_logical3A_1056 : vector<16xi32>
      %bitcast_convert_type3A_1060 = tpu.bitcast %sub3A_1059 : vector<16xi32> -> vector<16xf32>
      %mul3A_1061 = arith.constant 5.000000e-01 : f32
      %mul3A_1062 = vector.broadcast %mul3A_1061 : f32 to vector<16xf32>
      %mul3A_1063 = arith.mulf %mul3A_1062, %max3A_1052 : vector<16xf32>
      %mul3A_1064 = arith.mulf %mul3A_1063, %bitcast_convert_type3A_1060 : vector<16xf32>
      %mul3A_1065 = arith.mulf %mul3A_1064, %bitcast_convert_type3A_1060 : vector<16xf32>
      %sub3A_1066 = arith.constant 1.500000e+00 : f32
      %sub3A_1067 = vector.broadcast %sub3A_1066 : f32 to vector<16xf32>
      %sub3A_1068 = arith.subf %sub3A_1067, %mul3A_1065 : vector<16xf32>
      %mul3A_1069 = arith.mulf %bitcast_convert_type3A_1060, %sub3A_1068 : vector<16xf32>
      %mul3A_1070 = arith.constant 5.000000e-01 : f32
      %mul3A_1071 = vector.broadcast %mul3A_1070 : f32 to vector<16xf32>
      %mul3A_1072 = arith.mulf %mul3A_1071, %max3A_1052 : vector<16xf32>
      %mul3A_1073 = arith.mulf %mul3A_1072, %mul3A_1069 : vector<16xf32>
      %mul3A_1074 = arith.mulf %mul3A_1073, %mul3A_1069 : vector<16xf32>
      %sub3A_1075 = arith.constant 1.500000e+00 : f32
      %sub3A_1076 = vector.broadcast %sub3A_1075 : f32 to vector<16xf32>
      %sub3A_1077 = arith.subf %sub3A_1076, %mul3A_1074 : vector<16xf32>
      %mul3A_1078 = arith.mulf %mul3A_1069, %sub3A_1077 : vector<16xf32>
      %mul3A_1079 = arith.constant 5.000000e-01 : f32
      %mul3A_1080 = vector.broadcast %mul3A_1079 : f32 to vector<16xf32>
      %mul3A_1081 = arith.mulf %mul3A_1080, %max3A_1052 : vector<16xf32>
      %mul3A_1082 = arith.mulf %mul3A_1081, %mul3A_1078 : vector<16xf32>
      %mul3A_1083 = arith.mulf %mul3A_1082, %mul3A_1078 : vector<16xf32>
      %sub3A_1084 = arith.constant 1.500000e+00 : f32
      %sub3A_1085 = vector.broadcast %sub3A_1084 : f32 to vector<16xf32>
      %sub3A_1086 = arith.subf %sub3A_1085, %mul3A_1083 : vector<16xf32>
      %mul3A_1087 = arith.mulf %mul3A_1078, %sub3A_1086 : vector<16xf32>
      %mul3A_1088 = arith.mulf %max3A_1052, %mul3A_1087 : vector<16xf32>
      %add3A_1089 = arith.addf %add3A_1042, %mul3A_1088 : vector<16xf32>
      %min3A_1090 = arith.minimumf %min3A_1043, %scan3A_524#13 : vector<16xf32>
      %max3A_1091 = arith.maximumf %min3A_1043, %scan3A_524#13 : vector<16xf32>
      %min3A_1092 = arith.minimumf %min3A_1045, %max3A_1091 : vector<16xf32>
      %max3A_1093 = arith.maximumf %min3A_1045, %max3A_1091 : vector<16xf32>
      %min3A_1094 = arith.minimumf %min3A_1047, %max3A_1093 : vector<16xf32>
      %max3A_1095 = arith.maximumf %min3A_1047, %max3A_1093 : vector<16xf32>
      %min3A_1096 = arith.minimumf %min3A_1049, %max3A_1095 : vector<16xf32>
      %max3A_1097 = arith.constant 1.000000e-30 : f32
      %max3A_1098 = vector.broadcast %max3A_1097 : f32 to vector<16xf32>
      %max3A_1099 = arith.maximumf %scan3A_524#13, %max3A_1098 : vector<16xf32>
      %bitcast_convert_type3A_1100 = tpu.bitcast %max3A_1099 : vector<16xf32> -> vector<16xi32>
      %shift_right_logical3A_1101 = arith.constant 1 : i32
      %shift_right_logical3A_1102 = vector.broadcast %shift_right_logical3A_1101 : i32 to vector<16xi32>
      %shift_right_logical3A_1103 = arith.shrui %bitcast_convert_type3A_1100, %shift_right_logical3A_1102 : vector<16xi32>
      %sub3A_1104 = arith.constant 1597463007 : i32
      %sub3A_1105 = vector.broadcast %sub3A_1104 : i32 to vector<16xi32>
      %sub3A_1106 = arith.subi %sub3A_1105, %shift_right_logical3A_1103 : vector<16xi32>
      %bitcast_convert_type3A_1107 = tpu.bitcast %sub3A_1106 : vector<16xi32> -> vector<16xf32>
      %mul3A_1108 = arith.constant 5.000000e-01 : f32
      %mul3A_1109 = vector.broadcast %mul3A_1108 : f32 to vector<16xf32>
      %mul3A_1110 = arith.mulf %mul3A_1109, %max3A_1099 : vector<16xf32>
      %mul3A_1111 = arith.mulf %mul3A_1110, %bitcast_convert_type3A_1107 : vector<16xf32>
      %mul3A_1112 = arith.mulf %mul3A_1111, %bitcast_convert_type3A_1107 : vector<16xf32>
      %sub3A_1113 = arith.constant 1.500000e+00 : f32
      %sub3A_1114 = vector.broadcast %sub3A_1113 : f32 to vector<16xf32>
      %sub3A_1115 = arith.subf %sub3A_1114, %mul3A_1112 : vector<16xf32>
      %mul3A_1116 = arith.mulf %bitcast_convert_type3A_1107, %sub3A_1115 : vector<16xf32>
      %mul3A_1117 = arith.constant 5.000000e-01 : f32
      %mul3A_1118 = vector.broadcast %mul3A_1117 : f32 to vector<16xf32>
      %mul3A_1119 = arith.mulf %mul3A_1118, %max3A_1099 : vector<16xf32>
      %mul3A_1120 = arith.mulf %mul3A_1119, %mul3A_1116 : vector<16xf32>
      %mul3A_1121 = arith.mulf %mul3A_1120, %mul3A_1116 : vector<16xf32>
      %sub3A_1122 = arith.constant 1.500000e+00 : f32
      %sub3A_1123 = vector.broadcast %sub3A_1122 : f32 to vector<16xf32>
      %sub3A_1124 = arith.subf %sub3A_1123, %mul3A_1121 : vector<16xf32>
      %mul3A_1125 = arith.mulf %mul3A_1116, %sub3A_1124 : vector<16xf32>
      %mul3A_1126 = arith.constant 5.000000e-01 : f32
      %mul3A_1127 = vector.broadcast %mul3A_1126 : f32 to vector<16xf32>
      %mul3A_1128 = arith.mulf %mul3A_1127, %max3A_1099 : vector<16xf32>
      %mul3A_1129 = arith.mulf %mul3A_1128, %mul3A_1125 : vector<16xf32>
      %mul3A_1130 = arith.mulf %mul3A_1129, %mul3A_1125 : vector<16xf32>
      %sub3A_1131 = arith.constant 1.500000e+00 : f32
      %sub3A_1132 = vector.broadcast %sub3A_1131 : f32 to vector<16xf32>
      %sub3A_1133 = arith.subf %sub3A_1132, %mul3A_1130 : vector<16xf32>
      %mul3A_1134 = arith.mulf %mul3A_1125, %sub3A_1133 : vector<16xf32>
      %mul3A_1135 = arith.mulf %max3A_1099, %mul3A_1134 : vector<16xf32>
      %add3A_1136 = arith.addf %add3A_1089, %mul3A_1135 : vector<16xf32>
      %min3A_1137 = arith.minimumf %min3A_1090, %scan3A_524#14 : vector<16xf32>
      %max3A_1138 = arith.maximumf %min3A_1090, %scan3A_524#14 : vector<16xf32>
      %min3A_1139 = arith.minimumf %min3A_1092, %max3A_1138 : vector<16xf32>
      %max3A_1140 = arith.maximumf %min3A_1092, %max3A_1138 : vector<16xf32>
      %min3A_1141 = arith.minimumf %min3A_1094, %max3A_1140 : vector<16xf32>
      %max3A_1142 = arith.maximumf %min3A_1094, %max3A_1140 : vector<16xf32>
      %min3A_1143 = arith.minimumf %min3A_1096, %max3A_1142 : vector<16xf32>
      %max3A_1144 = arith.constant 1.000000e-30 : f32
      %max3A_1145 = vector.broadcast %max3A_1144 : f32 to vector<16xf32>
      %max3A_1146 = arith.maximumf %scan3A_524#14, %max3A_1145 : vector<16xf32>
      %bitcast_convert_type3A_1147 = tpu.bitcast %max3A_1146 : vector<16xf32> -> vector<16xi32>
      %shift_right_logical3A_1148 = arith.constant 1 : i32
      %shift_right_logical3A_1149 = vector.broadcast %shift_right_logical3A_1148 : i32 to vector<16xi32>
      %shift_right_logical3A_1150 = arith.shrui %bitcast_convert_type3A_1147, %shift_right_logical3A_1149 : vector<16xi32>
      %sub3A_1151 = arith.constant 1597463007 : i32
      %sub3A_1152 = vector.broadcast %sub3A_1151 : i32 to vector<16xi32>
      %sub3A_1153 = arith.subi %sub3A_1152, %shift_right_logical3A_1150 : vector<16xi32>
      %bitcast_convert_type3A_1154 = tpu.bitcast %sub3A_1153 : vector<16xi32> -> vector<16xf32>
      %mul3A_1155 = arith.constant 5.000000e-01 : f32
      %mul3A_1156 = vector.broadcast %mul3A_1155 : f32 to vector<16xf32>
      %mul3A_1157 = arith.mulf %mul3A_1156, %max3A_1146 : vector<16xf32>
      %mul3A_1158 = arith.mulf %mul3A_1157, %bitcast_convert_type3A_1154 : vector<16xf32>
      %mul3A_1159 = arith.mulf %mul3A_1158, %bitcast_convert_type3A_1154 : vector<16xf32>
      %sub3A_1160 = arith.constant 1.500000e+00 : f32
      %sub3A_1161 = vector.broadcast %sub3A_1160 : f32 to vector<16xf32>
      %sub3A_1162 = arith.subf %sub3A_1161, %mul3A_1159 : vector<16xf32>
      %mul3A_1163 = arith.mulf %bitcast_convert_type3A_1154, %sub3A_1162 : vector<16xf32>
      %mul3A_1164 = arith.constant 5.000000e-01 : f32
      %mul3A_1165 = vector.broadcast %mul3A_1164 : f32 to vector<16xf32>
      %mul3A_1166 = arith.mulf %mul3A_1165, %max3A_1146 : vector<16xf32>
      %mul3A_1167 = arith.mulf %mul3A_1166, %mul3A_1163 : vector<16xf32>
      %mul3A_1168 = arith.mulf %mul3A_1167, %mul3A_1163 : vector<16xf32>
      %sub3A_1169 = arith.constant 1.500000e+00 : f32
      %sub3A_1170 = vector.broadcast %sub3A_1169 : f32 to vector<16xf32>
      %sub3A_1171 = arith.subf %sub3A_1170, %mul3A_1168 : vector<16xf32>
      %mul3A_1172 = arith.mulf %mul3A_1163, %sub3A_1171 : vector<16xf32>
      %mul3A_1173 = arith.constant 5.000000e-01 : f32
      %mul3A_1174 = vector.broadcast %mul3A_1173 : f32 to vector<16xf32>
      %mul3A_1175 = arith.mulf %mul3A_1174, %max3A_1146 : vector<16xf32>
      %mul3A_1176 = arith.mulf %mul3A_1175, %mul3A_1172 : vector<16xf32>
      %mul3A_1177 = arith.mulf %mul3A_1176, %mul3A_1172 : vector<16xf32>
      %sub3A_1178 = arith.constant 1.500000e+00 : f32
      %sub3A_1179 = vector.broadcast %sub3A_1178 : f32 to vector<16xf32>
      %sub3A_1180 = arith.subf %sub3A_1179, %mul3A_1177 : vector<16xf32>
      %mul3A_1181 = arith.mulf %mul3A_1172, %sub3A_1180 : vector<16xf32>
      %mul3A_1182 = arith.mulf %max3A_1146, %mul3A_1181 : vector<16xf32>
      %add3A_1183 = arith.addf %add3A_1136, %mul3A_1182 : vector<16xf32>
      %min3A_1184 = arith.minimumf %min3A_1137, %scan3A_524#15 : vector<16xf32>
      %max3A_1185 = arith.maximumf %min3A_1137, %scan3A_524#15 : vector<16xf32>
      %min3A_1186 = arith.minimumf %min3A_1139, %max3A_1185 : vector<16xf32>
      %max3A_1187 = arith.maximumf %min3A_1139, %max3A_1185 : vector<16xf32>
      %min3A_1188 = arith.minimumf %min3A_1141, %max3A_1187 : vector<16xf32>
      %max3A_1189 = arith.maximumf %min3A_1141, %max3A_1187 : vector<16xf32>
      %min3A_1190 = arith.minimumf %min3A_1143, %max3A_1189 : vector<16xf32>
      %max3A_1191 = arith.constant 1.000000e-30 : f32
      %max3A_1192 = vector.broadcast %max3A_1191 : f32 to vector<16xf32>
      %max3A_1193 = arith.maximumf %scan3A_524#15, %max3A_1192 : vector<16xf32>
      %bitcast_convert_type3A_1194 = tpu.bitcast %max3A_1193 : vector<16xf32> -> vector<16xi32>
      %shift_right_logical3A_1195 = arith.constant 1 : i32
      %shift_right_logical3A_1196 = vector.broadcast %shift_right_logical3A_1195 : i32 to vector<16xi32>
      %shift_right_logical3A_1197 = arith.shrui %bitcast_convert_type3A_1194, %shift_right_logical3A_1196 : vector<16xi32>
      %sub3A_1198 = arith.constant 1597463007 : i32
      %sub3A_1199 = vector.broadcast %sub3A_1198 : i32 to vector<16xi32>
      %sub3A_1200 = arith.subi %sub3A_1199, %shift_right_logical3A_1197 : vector<16xi32>
      %bitcast_convert_type3A_1201 = tpu.bitcast %sub3A_1200 : vector<16xi32> -> vector<16xf32>
      %mul3A_1202 = arith.constant 5.000000e-01 : f32
      %mul3A_1203 = vector.broadcast %mul3A_1202 : f32 to vector<16xf32>
      %mul3A_1204 = arith.mulf %mul3A_1203, %max3A_1193 : vector<16xf32>
      %mul3A_1205 = arith.mulf %mul3A_1204, %bitcast_convert_type3A_1201 : vector<16xf32>
      %mul3A_1206 = arith.mulf %mul3A_1205, %bitcast_convert_type3A_1201 : vector<16xf32>
      %sub3A_1207 = arith.constant 1.500000e+00 : f32
      %sub3A_1208 = vector.broadcast %sub3A_1207 : f32 to vector<16xf32>
      %sub3A_1209 = arith.subf %sub3A_1208, %mul3A_1206 : vector<16xf32>
      %mul3A_1210 = arith.mulf %bitcast_convert_type3A_1201, %sub3A_1209 : vector<16xf32>
      %mul3A_1211 = arith.constant 5.000000e-01 : f32
      %mul3A_1212 = vector.broadcast %mul3A_1211 : f32 to vector<16xf32>
      %mul3A_1213 = arith.mulf %mul3A_1212, %max3A_1193 : vector<16xf32>
      %mul3A_1214 = arith.mulf %mul3A_1213, %mul3A_1210 : vector<16xf32>
      %mul3A_1215 = arith.mulf %mul3A_1214, %mul3A_1210 : vector<16xf32>
      %sub3A_1216 = arith.constant 1.500000e+00 : f32
      %sub3A_1217 = vector.broadcast %sub3A_1216 : f32 to vector<16xf32>
      %sub3A_1218 = arith.subf %sub3A_1217, %mul3A_1215 : vector<16xf32>
      %mul3A_1219 = arith.mulf %mul3A_1210, %sub3A_1218 : vector<16xf32>
      %mul3A_1220 = arith.constant 5.000000e-01 : f32
      %mul3A_1221 = vector.broadcast %mul3A_1220 : f32 to vector<16xf32>
      %mul3A_1222 = arith.mulf %mul3A_1221, %max3A_1193 : vector<16xf32>
      %mul3A_1223 = arith.mulf %mul3A_1222, %mul3A_1219 : vector<16xf32>
      %mul3A_1224 = arith.mulf %mul3A_1223, %mul3A_1219 : vector<16xf32>
      %sub3A_1225 = arith.constant 1.500000e+00 : f32
      %sub3A_1226 = vector.broadcast %sub3A_1225 : f32 to vector<16xf32>
      %sub3A_1227 = arith.subf %sub3A_1226, %mul3A_1224 : vector<16xf32>
      %mul3A_1228 = arith.mulf %mul3A_1219, %sub3A_1227 : vector<16xf32>
      %mul3A_1229 = arith.mulf %max3A_1193, %mul3A_1228 : vector<16xf32>
      %add3A_1230 = arith.addf %add3A_1183, %mul3A_1229 : vector<16xf32>
      %min3A_1231 = arith.minimumf %min3A_1184, %scan3A_524#16 : vector<16xf32>
      %max3A_1232 = arith.maximumf %min3A_1184, %scan3A_524#16 : vector<16xf32>
      %min3A_1233 = arith.minimumf %min3A_1186, %max3A_1232 : vector<16xf32>
      %max3A_1234 = arith.maximumf %min3A_1186, %max3A_1232 : vector<16xf32>
      %min3A_1235 = arith.minimumf %min3A_1188, %max3A_1234 : vector<16xf32>
      %max3A_1236 = arith.maximumf %min3A_1188, %max3A_1234 : vector<16xf32>
      %min3A_1237 = arith.minimumf %min3A_1190, %max3A_1236 : vector<16xf32>
      %max3A_1238 = arith.constant 1.000000e-30 : f32
      %max3A_1239 = vector.broadcast %max3A_1238 : f32 to vector<16xf32>
      %max3A_1240 = arith.maximumf %scan3A_524#16, %max3A_1239 : vector<16xf32>
      %bitcast_convert_type3A_1241 = tpu.bitcast %max3A_1240 : vector<16xf32> -> vector<16xi32>
      %shift_right_logical3A_1242 = arith.constant 1 : i32
      %shift_right_logical3A_1243 = vector.broadcast %shift_right_logical3A_1242 : i32 to vector<16xi32>
      %shift_right_logical3A_1244 = arith.shrui %bitcast_convert_type3A_1241, %shift_right_logical3A_1243 : vector<16xi32>
      %sub3A_1245 = arith.constant 1597463007 : i32
      %sub3A_1246 = vector.broadcast %sub3A_1245 : i32 to vector<16xi32>
      %sub3A_1247 = arith.subi %sub3A_1246, %shift_right_logical3A_1244 : vector<16xi32>
      %bitcast_convert_type3A_1248 = tpu.bitcast %sub3A_1247 : vector<16xi32> -> vector<16xf32>
      %mul3A_1249 = arith.constant 5.000000e-01 : f32
      %mul3A_1250 = vector.broadcast %mul3A_1249 : f32 to vector<16xf32>
      %mul3A_1251 = arith.mulf %mul3A_1250, %max3A_1240 : vector<16xf32>
      %mul3A_1252 = arith.mulf %mul3A_1251, %bitcast_convert_type3A_1248 : vector<16xf32>
      %mul3A_1253 = arith.mulf %mul3A_1252, %bitcast_convert_type3A_1248 : vector<16xf32>
      %sub3A_1254 = arith.constant 1.500000e+00 : f32
      %sub3A_1255 = vector.broadcast %sub3A_1254 : f32 to vector<16xf32>
      %sub3A_1256 = arith.subf %sub3A_1255, %mul3A_1253 : vector<16xf32>
      %mul3A_1257 = arith.mulf %bitcast_convert_type3A_1248, %sub3A_1256 : vector<16xf32>
      %mul3A_1258 = arith.constant 5.000000e-01 : f32
      %mul3A_1259 = vector.broadcast %mul3A_1258 : f32 to vector<16xf32>
      %mul3A_1260 = arith.mulf %mul3A_1259, %max3A_1240 : vector<16xf32>
      %mul3A_1261 = arith.mulf %mul3A_1260, %mul3A_1257 : vector<16xf32>
      %mul3A_1262 = arith.mulf %mul3A_1261, %mul3A_1257 : vector<16xf32>
      %sub3A_1263 = arith.constant 1.500000e+00 : f32
      %sub3A_1264 = vector.broadcast %sub3A_1263 : f32 to vector<16xf32>
      %sub3A_1265 = arith.subf %sub3A_1264, %mul3A_1262 : vector<16xf32>
      %mul3A_1266 = arith.mulf %mul3A_1257, %sub3A_1265 : vector<16xf32>
      %mul3A_1267 = arith.constant 5.000000e-01 : f32
      %mul3A_1268 = vector.broadcast %mul3A_1267 : f32 to vector<16xf32>
      %mul3A_1269 = arith.mulf %mul3A_1268, %max3A_1240 : vector<16xf32>
      %mul3A_1270 = arith.mulf %mul3A_1269, %mul3A_1266 : vector<16xf32>
      %mul3A_1271 = arith.mulf %mul3A_1270, %mul3A_1266 : vector<16xf32>
      %sub3A_1272 = arith.constant 1.500000e+00 : f32
      %sub3A_1273 = vector.broadcast %sub3A_1272 : f32 to vector<16xf32>
      %sub3A_1274 = arith.subf %sub3A_1273, %mul3A_1271 : vector<16xf32>
      %mul3A_1275 = arith.mulf %mul3A_1266, %sub3A_1274 : vector<16xf32>
      %mul3A_1276 = arith.mulf %max3A_1240, %mul3A_1275 : vector<16xf32>
      %add3A_1277 = arith.addf %add3A_1230, %mul3A_1276 : vector<16xf32>
      %add3A_1278 = arith.constant 2 : i32
      %add3A_1279 = arith.addi %mul3A_478, %add3A_1278 : i32
      %lt3A_1280 = arith.constant 8 : i32
      %lt3A_1281 = arith.cmpi slt, %add3A_1279, %lt3A_1280 : i32
      %convert_element_type3A = arith.extui %lt3A_1281 : i1 to i32
      %cond3A = arith.constant 0 : i32
      %cond3A_1282 = arith.cmpi ne, %convert_element_type3A, %cond3A : i32
      scf.if %cond3A_1282 {
        %add3A_2091 = arith.constant 2 : i32
        %add3A_2092 = arith.addi %mul3A_478, %add3A_2091 : i32
        %mul3A_2093 = arith.constant 32768 : i32
        %mul3A_2094 = arith.muli %add3A_2092, %mul3A_2093 : i32
        %add3A_2095 = arith.addi %mul3A_2, %mul3A_2094 : i32
        %dma_start3A_2096 = tpu.memref_slice %arg2[%add3A_2095] : memref<12800000xf32, #tpu.memory_space<hbm>> -> memref<32768xf32, #tpu.memory_space<hbm>>
        %dma_start3A_2097 = tpu.memref_slice %arg2[%add3A_2095] : memref<12800000xf32, #tpu.memory_space<hbm>> -> memref<32768xf32, #tpu.memory_space<hbm>>
        tpu.enqueue_dma source(%dma_start3A_2097 : memref<32768xf32, #tpu.memory_space<hbm>>) target(%arg6 : memref<32768xf32, #tpu.memory_space<vmem>>) target_semaphore(%arg10 : memref<!tpu.dma_semaphore, #tpu.memory_space<semaphore_mem>>)
      } else {
      }
      %add3A_1283 = arith.constant 1 : i32
      %add3A_1284 = arith.addi %mul3A_478, %add3A_1283 : i32
      %mul3A_1285 = arith.constant 32768 : i32
      %mul3A_1286 = arith.muli %add3A_1284, %mul3A_1285 : i32
      %add3A_1287 = arith.addi %mul3A_2, %mul3A_1286 : i32
      %dma_wait3A_1288 = tpu.memref_slice %arg2[%add3A_1287] : memref<12800000xf32, #tpu.memory_space<hbm>> -> memref<32768xf32, #tpu.memory_space<hbm>>
      %dma_wait3A_1289 = tpu.memref_slice %arg2[%add3A_1287] : memref<12800000xf32, #tpu.memory_space<hbm>> -> memref<32768xf32, #tpu.memory_space<hbm>>
      tpu.wait_dma2 semaphore(%arg11 : memref<!tpu.dma_semaphore, #tpu.memory_space<semaphore_mem>>) src(%dma_wait3A_1289 : memref<32768xf32, #tpu.memory_space<hbm>>) dst(%arg7 : memref<32768xf32, #tpu.memory_space<vmem>>)
      %iota3A_1290 = tpu.iota {dimensions = array<i32: 0>} : vector<16xi32>
      %mul3A_1291 = arith.constant 128 : i32
      %mul3A_1292 = vector.broadcast %mul3A_1291 : i32 to vector<16xi32>
      %mul3A_1293 = arith.muli %iota3A_1290, %mul3A_1292 : vector<16xi32>
      %broadcast_in_dim3A_1294 = arith.constant 0.000000e+00 : f32
      %broadcast_in_dim3A_1295 = vector.broadcast %broadcast_in_dim3A_1294 : f32 to vector<16xf32>
      %broadcast_in_dim3A_1296 = arith.constant 0.000000e+00 : f32
      %broadcast_in_dim3A_1297 = vector.broadcast %broadcast_in_dim3A_1296 : f32 to vector<16xf32>
      %broadcast_in_dim3A_1298 = arith.constant 0.000000e+00 : f32
      %broadcast_in_dim3A_1299 = vector.broadcast %broadcast_in_dim3A_1298 : f32 to vector<16xf32>
      %broadcast_in_dim3A_1300 = arith.constant 0.000000e+00 : f32
      %broadcast_in_dim3A_1301 = vector.broadcast %broadcast_in_dim3A_1300 : f32 to vector<16xf32>
      %broadcast_in_dim3A_1302 = arith.constant 0.000000e+00 : f32
      %broadcast_in_dim3A_1303 = vector.broadcast %broadcast_in_dim3A_1302 : f32 to vector<16xf32>
      %broadcast_in_dim3A_1304 = arith.constant 0.000000e+00 : f32
      %broadcast_in_dim3A_1305 = vector.broadcast %broadcast_in_dim3A_1304 : f32 to vector<16xf32>
      %broadcast_in_dim3A_1306 = arith.constant 0.000000e+00 : f32
      %broadcast_in_dim3A_1307 = vector.broadcast %broadcast_in_dim3A_1306 : f32 to vector<16xf32>
      %broadcast_in_dim3A_1308 = arith.constant 0.000000e+00 : f32
      %broadcast_in_dim3A_1309 = vector.broadcast %broadcast_in_dim3A_1308 : f32 to vector<16xf32>
      %broadcast_in_dim3A_1310 = arith.constant 0.000000e+00 : f32
      %broadcast_in_dim3A_1311 = vector.broadcast %broadcast_in_dim3A_1310 : f32 to vector<16xf32>
      %broadcast_in_dim3A_1312 = arith.constant 0.000000e+00 : f32
      %broadcast_in_dim3A_1313 = vector.broadcast %broadcast_in_dim3A_1312 : f32 to vector<16xf32>
      %broadcast_in_dim3A_1314 = arith.constant 0.000000e+00 : f32
      %broadcast_in_dim3A_1315 = vector.broadcast %broadcast_in_dim3A_1314 : f32 to vector<16xf32>
      %broadcast_in_dim3A_1316 = arith.constant 0.000000e+00 : f32
      %broadcast_in_dim3A_1317 = vector.broadcast %broadcast_in_dim3A_1316 : f32 to vector<16xf32>
      %broadcast_in_dim3A_1318 = arith.constant 0.000000e+00 : f32
      %broadcast_in_dim3A_1319 = vector.broadcast %broadcast_in_dim3A_1318 : f32 to vector<16xf32>
      %broadcast_in_dim3A_1320 = arith.constant 0.000000e+00 : f32
      %broadcast_in_dim3A_1321 = vector.broadcast %broadcast_in_dim3A_1320 : f32 to vector<16xf32>
      %broadcast_in_dim3A_1322 = arith.constant 0.000000e+00 : f32
      %broadcast_in_dim3A_1323 = vector.broadcast %broadcast_in_dim3A_1322 : f32 to vector<16xf32>
      %broadcast_in_dim3A_1324 = arith.constant 0.000000e+00 : f32
      %broadcast_in_dim3A_1325 = vector.broadcast %broadcast_in_dim3A_1324 : f32 to vector<16xf32>
      %scan3A_1326 = arith.constant 0 : i32
      %scan3A_1327 = arith.constant 128 : i32
      %scan3A_1328 = arith.addi %scan3A_1326, %scan3A_1327 : i32
      %scan3A_1329 = arith.constant 2 : i32
      %scan3A_1330:17 = scf.for %scan3A_2091 = %scan3A_1326 to %scan3A_1328 step %scan3A_1329 iter_args(%scan3A_2092 = %iota3A_1290, %scan3A_2093 = %broadcast_in_dim3A_1295, %scan3A_2094 = %broadcast_in_dim3A_1297, %scan3A_2095 = %broadcast_in_dim3A_1299, %scan3A_2096 = %broadcast_in_dim3A_1301, %scan3A_2097 = %broadcast_in_dim3A_1303, %scan3A_2098 = %broadcast_in_dim3A_1305, %scan3A_2099 = %broadcast_in_dim3A_1307, %scan3A_2100 = %broadcast_in_dim3A_1309, %scan3A_2101 = %broadcast_in_dim3A_1311, %scan3A_2102 = %broadcast_in_dim3A_1313, %scan3A_2103 = %broadcast_in_dim3A_1315, %scan3A_2104 = %broadcast_in_dim3A_1317, %scan3A_2105 = %broadcast_in_dim3A_1319, %scan3A_2106 = %broadcast_in_dim3A_1321, %scan3A_2107 = %broadcast_in_dim3A_1323, %scan3A_2108 = %broadcast_in_dim3A_1325) -> (vector<16xi32>, vector<16xf32>, vector<16xf32>, vector<16xf32>, vector<16xf32>, vector<16xf32>, vector<16xf32>, vector<16xf32>, vector<16xf32>, vector<16xf32>, vector<16xf32>, vector<16xf32>, vector<16xf32>, vector<16xf32>, vector<16xf32>, vector<16xf32>, vector<16xf32>)  : i32 {
        %gather3A = tpu.vector_load_idx %arg5[%scan3A_2092] : memref<128xf32, #tpu.memory_space<vmem>>[vector<16xi32>], vector<16xf32>,
        %add3A_2109 = arith.addi %mul3A_1293, %scan3A_2092 : vector<16xi32>
        %gather3A_2110 = arith.constant 0 : i32
        %gather3A_2111 = tpu.memref_slice %arg7[%gather3A_2110] : memref<32768xf32, #tpu.memory_space<vmem>> -> memref<2048xf32, #tpu.memory_space<vmem>>
        %gather3A_2112 = tpu.vector_load_idx %gather3A_2111[%add3A_2109] : memref<2048xf32, #tpu.memory_space<vmem>>[vector<16xi32>], vector<16xf32>,
        %sub3A_2113 = arith.subf %gather3A_2112, %gather3A : vector<16xf32>
        %mul3A_2114 = arith.mulf %sub3A_2113, %sub3A_2113 : vector<16xf32>
        %add3A_2115 = arith.addf %scan3A_2093, %mul3A_2114 : vector<16xf32>
        %gather3A_2116 = arith.constant 2048 : i32
        %gather3A_2117 = tpu.memref_slice %arg7[%gather3A_2116] : memref<32768xf32, #tpu.memory_space<vmem>> -> memref<2048xf32, #tpu.memory_space<vmem>>
        %gather3A_2118 = tpu.vector_load_idx %gather3A_2117[%add3A_2109] : memref<2048xf32, #tpu.memory_space<vmem>>[vector<16xi32>], vector<16xf32>,
        %sub3A_2119 = arith.subf %gather3A_2118, %gather3A : vector<16xf32>
        %mul3A_2120 = arith.mulf %sub3A_2119, %sub3A_2119 : vector<16xf32>
        %add3A_2121 = arith.addf %scan3A_2094, %mul3A_2120 : vector<16xf32>
        %gather3A_2122 = arith.constant 4096 : i32
        %gather3A_2123 = tpu.memref_slice %arg7[%gather3A_2122] : memref<32768xf32, #tpu.memory_space<vmem>> -> memref<2048xf32, #tpu.memory_space<vmem>>
        %gather3A_2124 = tpu.vector_load_idx %gather3A_2123[%add3A_2109] : memref<2048xf32, #tpu.memory_space<vmem>>[vector<16xi32>], vector<16xf32>,
        %sub3A_2125 = arith.subf %gather3A_2124, %gather3A : vector<16xf32>
        %mul3A_2126 = arith.mulf %sub3A_2125, %sub3A_2125 : vector<16xf32>
        %add3A_2127 = arith.addf %scan3A_2095, %mul3A_2126 : vector<16xf32>
        %gather3A_2128 = arith.constant 6144 : i32
        %gather3A_2129 = tpu.memref_slice %arg7[%gather3A_2128] : memref<32768xf32, #tpu.memory_space<vmem>> -> memref<2048xf32, #tpu.memory_space<vmem>>
        %gather3A_2130 = tpu.vector_load_idx %gather3A_2129[%add3A_2109] : memref<2048xf32, #tpu.memory_space<vmem>>[vector<16xi32>], vector<16xf32>,
        %sub3A_2131 = arith.subf %gather3A_2130, %gather3A : vector<16xf32>
        %mul3A_2132 = arith.mulf %sub3A_2131, %sub3A_2131 : vector<16xf32>
        %add3A_2133 = arith.addf %scan3A_2096, %mul3A_2132 : vector<16xf32>
        %gather3A_2134 = arith.constant 8192 : i32
        %gather3A_2135 = tpu.memref_slice %arg7[%gather3A_2134] : memref<32768xf32, #tpu.memory_space<vmem>> -> memref<2048xf32, #tpu.memory_space<vmem>>
        %gather3A_2136 = tpu.vector_load_idx %gather3A_2135[%add3A_2109] : memref<2048xf32, #tpu.memory_space<vmem>>[vector<16xi32>], vector<16xf32>,
        %sub3A_2137 = arith.subf %gather3A_2136, %gather3A : vector<16xf32>
        %mul3A_2138 = arith.mulf %sub3A_2137, %sub3A_2137 : vector<16xf32>
        %add3A_2139 = arith.addf %scan3A_2097, %mul3A_2138 : vector<16xf32>
        %gather3A_2140 = arith.constant 10240 : i32
        %gather3A_2141 = tpu.memref_slice %arg7[%gather3A_2140] : memref<32768xf32, #tpu.memory_space<vmem>> -> memref<2048xf32, #tpu.memory_space<vmem>>
        %gather3A_2142 = tpu.vector_load_idx %gather3A_2141[%add3A_2109] : memref<2048xf32, #tpu.memory_space<vmem>>[vector<16xi32>], vector<16xf32>,
        %sub3A_2143 = arith.subf %gather3A_2142, %gather3A : vector<16xf32>
        %mul3A_2144 = arith.mulf %sub3A_2143, %sub3A_2143 : vector<16xf32>
        %add3A_2145 = arith.addf %scan3A_2098, %mul3A_2144 : vector<16xf32>
        %gather3A_2146 = arith.constant 12288 : i32
        %gather3A_2147 = tpu.memref_slice %arg7[%gather3A_2146] : memref<32768xf32, #tpu.memory_space<vmem>> -> memref<2048xf32, #tpu.memory_space<vmem>>
        %gather3A_2148 = tpu.vector_load_idx %gather3A_2147[%add3A_2109] : memref<2048xf32, #tpu.memory_space<vmem>>[vector<16xi32>], vector<16xf32>,
        %sub3A_2149 = arith.subf %gather3A_2148, %gather3A : vector<16xf32>
        %mul3A_2150 = arith.mulf %sub3A_2149, %sub3A_2149 : vector<16xf32>
        %add3A_2151 = arith.addf %scan3A_2099, %mul3A_2150 : vector<16xf32>
        %gather3A_2152 = arith.constant 14336 : i32
        %gather3A_2153 = tpu.memref_slice %arg7[%gather3A_2152] : memref<32768xf32, #tpu.memory_space<vmem>> -> memref<2048xf32, #tpu.memory_space<vmem>>
        %gather3A_2154 = tpu.vector_load_idx %gather3A_2153[%add3A_2109] : memref<2048xf32, #tpu.memory_space<vmem>>[vector<16xi32>], vector<16xf32>,
        %sub3A_2155 = arith.subf %gather3A_2154, %gather3A : vector<16xf32>
        %mul3A_2156 = arith.mulf %sub3A_2155, %sub3A_2155 : vector<16xf32>
        %add3A_2157 = arith.addf %scan3A_2100, %mul3A_2156 : vector<16xf32>
        %gather3A_2158 = arith.constant 16384 : i32
        %gather3A_2159 = tpu.memref_slice %arg7[%gather3A_2158] : memref<32768xf32, #tpu.memory_space<vmem>> -> memref<2048xf32, #tpu.memory_space<vmem>>
        %gather3A_2160 = tpu.vector_load_idx %gather3A_2159[%add3A_2109] : memref<2048xf32, #tpu.memory_space<vmem>>[vector<16xi32>], vector<16xf32>,
        %sub3A_2161 = arith.subf %gather3A_2160, %gather3A : vector<16xf32>
        %mul3A_2162 = arith.mulf %sub3A_2161, %sub3A_2161 : vector<16xf32>
        %add3A_2163 = arith.addf %scan3A_2101, %mul3A_2162 : vector<16xf32>
        %gather3A_2164 = arith.constant 18432 : i32
        %gather3A_2165 = tpu.memref_slice %arg7[%gather3A_2164] : memref<32768xf32, #tpu.memory_space<vmem>> -> memref<2048xf32, #tpu.memory_space<vmem>>
        %gather3A_2166 = tpu.vector_load_idx %gather3A_2165[%add3A_2109] : memref<2048xf32, #tpu.memory_space<vmem>>[vector<16xi32>], vector<16xf32>,
        %sub3A_2167 = arith.subf %gather3A_2166, %gather3A : vector<16xf32>
        %mul3A_2168 = arith.mulf %sub3A_2167, %sub3A_2167 : vector<16xf32>
        %add3A_2169 = arith.addf %scan3A_2102, %mul3A_2168 : vector<16xf32>
        %gather3A_2170 = arith.constant 20480 : i32
        %gather3A_2171 = tpu.memref_slice %arg7[%gather3A_2170] : memref<32768xf32, #tpu.memory_space<vmem>> -> memref<2048xf32, #tpu.memory_space<vmem>>
        %gather3A_2172 = tpu.vector_load_idx %gather3A_2171[%add3A_2109] : memref<2048xf32, #tpu.memory_space<vmem>>[vector<16xi32>], vector<16xf32>,
        %sub3A_2173 = arith.subf %gather3A_2172, %gather3A : vector<16xf32>
        %mul3A_2174 = arith.mulf %sub3A_2173, %sub3A_2173 : vector<16xf32>
        %add3A_2175 = arith.addf %scan3A_2103, %mul3A_2174 : vector<16xf32>
        %gather3A_2176 = arith.constant 22528 : i32
        %gather3A_2177 = tpu.memref_slice %arg7[%gather3A_2176] : memref<32768xf32, #tpu.memory_space<vmem>> -> memref<2048xf32, #tpu.memory_space<vmem>>
        %gather3A_2178 = tpu.vector_load_idx %gather3A_2177[%add3A_2109] : memref<2048xf32, #tpu.memory_space<vmem>>[vector<16xi32>], vector<16xf32>,
        %sub3A_2179 = arith.subf %gather3A_2178, %gather3A : vector<16xf32>
        %mul3A_2180 = arith.mulf %sub3A_2179, %sub3A_2179 : vector<16xf32>
        %add3A_2181 = arith.addf %scan3A_2104, %mul3A_2180 : vector<16xf32>
        %gather3A_2182 = arith.constant 24576 : i32
        %gather3A_2183 = tpu.memref_slice %arg7[%gather3A_2182] : memref<32768xf32, #tpu.memory_space<vmem>> -> memref<2048xf32, #tpu.memory_space<vmem>>
        %gather3A_2184 = tpu.vector_load_idx %gather3A_2183[%add3A_2109] : memref<2048xf32, #tpu.memory_space<vmem>>[vector<16xi32>], vector<16xf32>,
        %sub3A_2185 = arith.subf %gather3A_2184, %gather3A : vector<16xf32>
        %mul3A_2186 = arith.mulf %sub3A_2185, %sub3A_2185 : vector<16xf32>
        %add3A_2187 = arith.addf %scan3A_2105, %mul3A_2186 : vector<16xf32>
        %gather3A_2188 = arith.constant 26624 : i32
        %gather3A_2189 = tpu.memref_slice %arg7[%gather3A_2188] : memref<32768xf32, #tpu.memory_space<vmem>> -> memref<2048xf32, #tpu.memory_space<vmem>>
        %gather3A_2190 = tpu.vector_load_idx %gather3A_2189[%add3A_2109] : memref<2048xf32, #tpu.memory_space<vmem>>[vector<16xi32>], vector<16xf32>,
        %sub3A_2191 = arith.subf %gather3A_2190, %gather3A : vector<16xf32>
        %mul3A_2192 = arith.mulf %sub3A_2191, %sub3A_2191 : vector<16xf32>
        %add3A_2193 = arith.addf %scan3A_2106, %mul3A_2192 : vector<16xf32>
        %gather3A_2194 = arith.constant 28672 : i32
        %gather3A_2195 = tpu.memref_slice %arg7[%gather3A_2194] : memref<32768xf32, #tpu.memory_space<vmem>> -> memref<2048xf32, #tpu.memory_space<vmem>>
        %gather3A_2196 = tpu.vector_load_idx %gather3A_2195[%add3A_2109] : memref<2048xf32, #tpu.memory_space<vmem>>[vector<16xi32>], vector<16xf32>,
        %sub3A_2197 = arith.subf %gather3A_2196, %gather3A : vector<16xf32>
        %mul3A_2198 = arith.mulf %sub3A_2197, %sub3A_2197 : vector<16xf32>
        %add3A_2199 = arith.addf %scan3A_2107, %mul3A_2198 : vector<16xf32>
        %gather3A_2200 = arith.constant 30720 : i32
        %gather3A_2201 = tpu.memref_slice %arg7[%gather3A_2200] : memref<32768xf32, #tpu.memory_space<vmem>> -> memref<2048xf32, #tpu.memory_space<vmem>>
        %gather3A_2202 = tpu.vector_load_idx %gather3A_2201[%add3A_2109] : memref<2048xf32, #tpu.memory_space<vmem>>[vector<16xi32>], vector<16xf32>,
        %sub3A_2203 = arith.subf %gather3A_2202, %gather3A : vector<16xf32>
        %mul3A_2204 = arith.mulf %sub3A_2203, %sub3A_2203 : vector<16xf32>
        %add3A_2205 = arith.addf %scan3A_2108, %mul3A_2204 : vector<16xf32>
        %add3A_2206 = arith.constant 1 : i32
        %add3A_2207 = vector.broadcast %add3A_2206 : i32 to vector<16xi32>
        %add3A_2208 = arith.addi %scan3A_2092, %add3A_2207 : vector<16xi32>
        %and3A = arith.constant 127 : i32
        %and3A_2209 = vector.broadcast %and3A : i32 to vector<16xi32>
        %and3A_2210 = arith.andi %add3A_2208, %and3A_2209 : vector<16xi32>
        %scan3A_2211 = arith.constant 1 : i32
        %scan3A_2212 = arith.addi %scan3A_2091, %scan3A_2211 : i32
        %gather3A_2213 = tpu.vector_load_idx %arg5[%and3A_2210] : memref<128xf32, #tpu.memory_space<vmem>>[vector<16xi32>], vector<16xf32>,
        %add3A_2214 = arith.addi %mul3A_1293, %and3A_2210 : vector<16xi32>
        %gather3A_2215 = arith.constant 0 : i32
        %gather3A_2216 = tpu.memref_slice %arg7[%gather3A_2215] : memref<32768xf32, #tpu.memory_space<vmem>> -> memref<2048xf32, #tpu.memory_space<vmem>>
        %gather3A_2217 = tpu.vector_load_idx %gather3A_2216[%add3A_2214] : memref<2048xf32, #tpu.memory_space<vmem>>[vector<16xi32>], vector<16xf32>,
        %sub3A_2218 = arith.subf %gather3A_2217, %gather3A_2213 : vector<16xf32>
        %mul3A_2219 = arith.mulf %sub3A_2218, %sub3A_2218 : vector<16xf32>
        %add3A_2220 = arith.addf %add3A_2115, %mul3A_2219 : vector<16xf32>
        %gather3A_2221 = arith.constant 2048 : i32
        %gather3A_2222 = tpu.memref_slice %arg7[%gather3A_2221] : memref<32768xf32, #tpu.memory_space<vmem>> -> memref<2048xf32, #tpu.memory_space<vmem>>
        %gather3A_2223 = tpu.vector_load_idx %gather3A_2222[%add3A_2214] : memref<2048xf32, #tpu.memory_space<vmem>>[vector<16xi32>], vector<16xf32>,
        %sub3A_2224 = arith.subf %gather3A_2223, %gather3A_2213 : vector<16xf32>
        %mul3A_2225 = arith.mulf %sub3A_2224, %sub3A_2224 : vector<16xf32>
        %add3A_2226 = arith.addf %add3A_2121, %mul3A_2225 : vector<16xf32>
        %gather3A_2227 = arith.constant 4096 : i32
        %gather3A_2228 = tpu.memref_slice %arg7[%gather3A_2227] : memref<32768xf32, #tpu.memory_space<vmem>> -> memref<2048xf32, #tpu.memory_space<vmem>>
        %gather3A_2229 = tpu.vector_load_idx %gather3A_2228[%add3A_2214] : memref<2048xf32, #tpu.memory_space<vmem>>[vector<16xi32>], vector<16xf32>,
        %sub3A_2230 = arith.subf %gather3A_2229, %gather3A_2213 : vector<16xf32>
        %mul3A_2231 = arith.mulf %sub3A_2230, %sub3A_2230 : vector<16xf32>
        %add3A_2232 = arith.addf %add3A_2127, %mul3A_2231 : vector<16xf32>
        %gather3A_2233 = arith.constant 6144 : i32
        %gather3A_2234 = tpu.memref_slice %arg7[%gather3A_2233] : memref<32768xf32, #tpu.memory_space<vmem>> -> memref<2048xf32, #tpu.memory_space<vmem>>
        %gather3A_2235 = tpu.vector_load_idx %gather3A_2234[%add3A_2214] : memref<2048xf32, #tpu.memory_space<vmem>>[vector<16xi32>], vector<16xf32>,
        %sub3A_2236 = arith.subf %gather3A_2235, %gather3A_2213 : vector<16xf32>
        %mul3A_2237 = arith.mulf %sub3A_2236, %sub3A_2236 : vector<16xf32>
        %add3A_2238 = arith.addf %add3A_2133, %mul3A_2237 : vector<16xf32>
        %gather3A_2239 = arith.constant 8192 : i32
        %gather3A_2240 = tpu.memref_slice %arg7[%gather3A_2239] : memref<32768xf32, #tpu.memory_space<vmem>> -> memref<2048xf32, #tpu.memory_space<vmem>>
        %gather3A_2241 = tpu.vector_load_idx %gather3A_2240[%add3A_2214] : memref<2048xf32, #tpu.memory_space<vmem>>[vector<16xi32>], vector<16xf32>,
        %sub3A_2242 = arith.subf %gather3A_2241, %gather3A_2213 : vector<16xf32>
        %mul3A_2243 = arith.mulf %sub3A_2242, %sub3A_2242 : vector<16xf32>
        %add3A_2244 = arith.addf %add3A_2139, %mul3A_2243 : vector<16xf32>
        %gather3A_2245 = arith.constant 10240 : i32
        %gather3A_2246 = tpu.memref_slice %arg7[%gather3A_2245] : memref<32768xf32, #tpu.memory_space<vmem>> -> memref<2048xf32, #tpu.memory_space<vmem>>
        %gather3A_2247 = tpu.vector_load_idx %gather3A_2246[%add3A_2214] : memref<2048xf32, #tpu.memory_space<vmem>>[vector<16xi32>], vector<16xf32>,
        %sub3A_2248 = arith.subf %gather3A_2247, %gather3A_2213 : vector<16xf32>
        %mul3A_2249 = arith.mulf %sub3A_2248, %sub3A_2248 : vector<16xf32>
        %add3A_2250 = arith.addf %add3A_2145, %mul3A_2249 : vector<16xf32>
        %gather3A_2251 = arith.constant 12288 : i32
        %gather3A_2252 = tpu.memref_slice %arg7[%gather3A_2251] : memref<32768xf32, #tpu.memory_space<vmem>> -> memref<2048xf32, #tpu.memory_space<vmem>>
        %gather3A_2253 = tpu.vector_load_idx %gather3A_2252[%add3A_2214] : memref<2048xf32, #tpu.memory_space<vmem>>[vector<16xi32>], vector<16xf32>,
        %sub3A_2254 = arith.subf %gather3A_2253, %gather3A_2213 : vector<16xf32>
        %mul3A_2255 = arith.mulf %sub3A_2254, %sub3A_2254 : vector<16xf32>
        %add3A_2256 = arith.addf %add3A_2151, %mul3A_2255 : vector<16xf32>
        %gather3A_2257 = arith.constant 14336 : i32
        %gather3A_2258 = tpu.memref_slice %arg7[%gather3A_2257] : memref<32768xf32, #tpu.memory_space<vmem>> -> memref<2048xf32, #tpu.memory_space<vmem>>
        %gather3A_2259 = tpu.vector_load_idx %gather3A_2258[%add3A_2214] : memref<2048xf32, #tpu.memory_space<vmem>>[vector<16xi32>], vector<16xf32>,
        %sub3A_2260 = arith.subf %gather3A_2259, %gather3A_2213 : vector<16xf32>
        %mul3A_2261 = arith.mulf %sub3A_2260, %sub3A_2260 : vector<16xf32>
        %add3A_2262 = arith.addf %add3A_2157, %mul3A_2261 : vector<16xf32>
        %gather3A_2263 = arith.constant 16384 : i32
        %gather3A_2264 = tpu.memref_slice %arg7[%gather3A_2263] : memref<32768xf32, #tpu.memory_space<vmem>> -> memref<2048xf32, #tpu.memory_space<vmem>>
        %gather3A_2265 = tpu.vector_load_idx %gather3A_2264[%add3A_2214] : memref<2048xf32, #tpu.memory_space<vmem>>[vector<16xi32>], vector<16xf32>,
        %sub3A_2266 = arith.subf %gather3A_2265, %gather3A_2213 : vector<16xf32>
        %mul3A_2267 = arith.mulf %sub3A_2266, %sub3A_2266 : vector<16xf32>
        %add3A_2268 = arith.addf %add3A_2163, %mul3A_2267 : vector<16xf32>
        %gather3A_2269 = arith.constant 18432 : i32
        %gather3A_2270 = tpu.memref_slice %arg7[%gather3A_2269] : memref<32768xf32, #tpu.memory_space<vmem>> -> memref<2048xf32, #tpu.memory_space<vmem>>
        %gather3A_2271 = tpu.vector_load_idx %gather3A_2270[%add3A_2214] : memref<2048xf32, #tpu.memory_space<vmem>>[vector<16xi32>], vector<16xf32>,
        %sub3A_2272 = arith.subf %gather3A_2271, %gather3A_2213 : vector<16xf32>
        %mul3A_2273 = arith.mulf %sub3A_2272, %sub3A_2272 : vector<16xf32>
        %add3A_2274 = arith.addf %add3A_2169, %mul3A_2273 : vector<16xf32>
        %gather3A_2275 = arith.constant 20480 : i32
        %gather3A_2276 = tpu.memref_slice %arg7[%gather3A_2275] : memref<32768xf32, #tpu.memory_space<vmem>> -> memref<2048xf32, #tpu.memory_space<vmem>>
        %gather3A_2277 = tpu.vector_load_idx %gather3A_2276[%add3A_2214] : memref<2048xf32, #tpu.memory_space<vmem>>[vector<16xi32>], vector<16xf32>,
        %sub3A_2278 = arith.subf %gather3A_2277, %gather3A_2213 : vector<16xf32>
        %mul3A_2279 = arith.mulf %sub3A_2278, %sub3A_2278 : vector<16xf32>
        %add3A_2280 = arith.addf %add3A_2175, %mul3A_2279 : vector<16xf32>
        %gather3A_2281 = arith.constant 22528 : i32
        %gather3A_2282 = tpu.memref_slice %arg7[%gather3A_2281] : memref<32768xf32, #tpu.memory_space<vmem>> -> memref<2048xf32, #tpu.memory_space<vmem>>
        %gather3A_2283 = tpu.vector_load_idx %gather3A_2282[%add3A_2214] : memref<2048xf32, #tpu.memory_space<vmem>>[vector<16xi32>], vector<16xf32>,
        %sub3A_2284 = arith.subf %gather3A_2283, %gather3A_2213 : vector<16xf32>
        %mul3A_2285 = arith.mulf %sub3A_2284, %sub3A_2284 : vector<16xf32>
        %add3A_2286 = arith.addf %add3A_2181, %mul3A_2285 : vector<16xf32>
        %gather3A_2287 = arith.constant 24576 : i32
        %gather3A_2288 = tpu.memref_slice %arg7[%gather3A_2287] : memref<32768xf32, #tpu.memory_space<vmem>> -> memref<2048xf32, #tpu.memory_space<vmem>>
        %gather3A_2289 = tpu.vector_load_idx %gather3A_2288[%add3A_2214] : memref<2048xf32, #tpu.memory_space<vmem>>[vector<16xi32>], vector<16xf32>,
        %sub3A_2290 = arith.subf %gather3A_2289, %gather3A_2213 : vector<16xf32>
        %mul3A_2291 = arith.mulf %sub3A_2290, %sub3A_2290 : vector<16xf32>
        %add3A_2292 = arith.addf %add3A_2187, %mul3A_2291 : vector<16xf32>
        %gather3A_2293 = arith.constant 26624 : i32
        %gather3A_2294 = tpu.memref_slice %arg7[%gather3A_2293] : memref<32768xf32, #tpu.memory_space<vmem>> -> memref<2048xf32, #tpu.memory_space<vmem>>
        %gather3A_2295 = tpu.vector_load_idx %gather3A_2294[%add3A_2214] : memref<2048xf32, #tpu.memory_space<vmem>>[vector<16xi32>], vector<16xf32>,
        %sub3A_2296 = arith.subf %gather3A_2295, %gather3A_2213 : vector<16xf32>
        %mul3A_2297 = arith.mulf %sub3A_2296, %sub3A_2296 : vector<16xf32>
        %add3A_2298 = arith.addf %add3A_2193, %mul3A_2297 : vector<16xf32>
        %gather3A_2299 = arith.constant 28672 : i32
        %gather3A_2300 = tpu.memref_slice %arg7[%gather3A_2299] : memref<32768xf32, #tpu.memory_space<vmem>> -> memref<2048xf32, #tpu.memory_space<vmem>>
        %gather3A_2301 = tpu.vector_load_idx %gather3A_2300[%add3A_2214] : memref<2048xf32, #tpu.memory_space<vmem>>[vector<16xi32>], vector<16xf32>,
        %sub3A_2302 = arith.subf %gather3A_2301, %gather3A_2213 : vector<16xf32>
        %mul3A_2303 = arith.mulf %sub3A_2302, %sub3A_2302 : vector<16xf32>
        %add3A_2304 = arith.addf %add3A_2199, %mul3A_2303 : vector<16xf32>
        %gather3A_2305 = arith.constant 30720 : i32
        %gather3A_2306 = tpu.memref_slice %arg7[%gather3A_2305] : memref<32768xf32, #tpu.memory_space<vmem>> -> memref<2048xf32, #tpu.memory_space<vmem>>
        %gather3A_2307 = tpu.vector_load_idx %gather3A_2306[%add3A_2214] : memref<2048xf32, #tpu.memory_space<vmem>>[vector<16xi32>], vector<16xf32>,
        %sub3A_2308 = arith.subf %gather3A_2307, %gather3A_2213 : vector<16xf32>
        %mul3A_2309 = arith.mulf %sub3A_2308, %sub3A_2308 : vector<16xf32>
        %add3A_2310 = arith.addf %add3A_2205, %mul3A_2309 : vector<16xf32>
        %add3A_2311 = arith.constant 1 : i32
        %add3A_2312 = vector.broadcast %add3A_2311 : i32 to vector<16xi32>
        %add3A_2313 = arith.addi %and3A_2210, %add3A_2312 : vector<16xi32>
        %and3A_2314 = arith.constant 127 : i32
        %and3A_2315 = vector.broadcast %and3A_2314 : i32 to vector<16xi32>
        %and3A_2316 = arith.andi %add3A_2313, %and3A_2315 : vector<16xi32>
        scf.yield %and3A_2316, %add3A_2220, %add3A_2226, %add3A_2232, %add3A_2238, %add3A_2244, %add3A_2250, %add3A_2256, %add3A_2262, %add3A_2268, %add3A_2274, %add3A_2280, %add3A_2286, %add3A_2292, %add3A_2298, %add3A_2304, %add3A_2310 : vector<16xi32>, vector<16xf32>, vector<16xf32>, vector<16xf32>, vector<16xf32>, vector<16xf32>, vector<16xf32>, vector<16xf32>, vector<16xf32>, vector<16xf32>, vector<16xf32>, vector<16xf32>, vector<16xf32>, vector<16xf32>, vector<16xf32>, vector<16xf32>, vector<16xf32>
      }
      %scan3A_1331 = arith.constant 128 : i32
      %min3A_1332 = arith.minimumf %min3A_1231, %scan3A_1330#1 : vector<16xf32>
      %max3A_1333 = arith.maximumf %min3A_1231, %scan3A_1330#1 : vector<16xf32>
      %min3A_1334 = arith.minimumf %min3A_1233, %max3A_1333 : vector<16xf32>
      %max3A_1335 = arith.maximumf %min3A_1233, %max3A_1333 : vector<16xf32>
      %min3A_1336 = arith.minimumf %min3A_1235, %max3A_1335 : vector<16xf32>
      %max3A_1337 = arith.maximumf %min3A_1235, %max3A_1335 : vector<16xf32>
      %min3A_1338 = arith.minimumf %min3A_1237, %max3A_1337 : vector<16xf32>
      %max3A_1339 = arith.constant 1.000000e-30 : f32
      %max3A_1340 = vector.broadcast %max3A_1339 : f32 to vector<16xf32>
      %max3A_1341 = arith.maximumf %scan3A_1330#1, %max3A_1340 : vector<16xf32>
      %bitcast_convert_type3A_1342 = tpu.bitcast %max3A_1341 : vector<16xf32> -> vector<16xi32>
      %shift_right_logical3A_1343 = arith.constant 1 : i32
      %shift_right_logical3A_1344 = vector.broadcast %shift_right_logical3A_1343 : i32 to vector<16xi32>
      %shift_right_logical3A_1345 = arith.shrui %bitcast_convert_type3A_1342, %shift_right_logical3A_1344 : vector<16xi32>
      %sub3A_1346 = arith.constant 1597463007 : i32
      %sub3A_1347 = vector.broadcast %sub3A_1346 : i32 to vector<16xi32>
      %sub3A_1348 = arith.subi %sub3A_1347, %shift_right_logical3A_1345 : vector<16xi32>
      %bitcast_convert_type3A_1349 = tpu.bitcast %sub3A_1348 : vector<16xi32> -> vector<16xf32>
      %mul3A_1350 = arith.constant 5.000000e-01 : f32
      %mul3A_1351 = vector.broadcast %mul3A_1350 : f32 to vector<16xf32>
      %mul3A_1352 = arith.mulf %mul3A_1351, %max3A_1341 : vector<16xf32>
      %mul3A_1353 = arith.mulf %mul3A_1352, %bitcast_convert_type3A_1349 : vector<16xf32>
      %mul3A_1354 = arith.mulf %mul3A_1353, %bitcast_convert_type3A_1349 : vector<16xf32>
      %sub3A_1355 = arith.constant 1.500000e+00 : f32
      %sub3A_1356 = vector.broadcast %sub3A_1355 : f32 to vector<16xf32>
      %sub3A_1357 = arith.subf %sub3A_1356, %mul3A_1354 : vector<16xf32>
      %mul3A_1358 = arith.mulf %bitcast_convert_type3A_1349, %sub3A_1357 : vector<16xf32>
      %mul3A_1359 = arith.constant 5.000000e-01 : f32
      %mul3A_1360 = vector.broadcast %mul3A_1359 : f32 to vector<16xf32>
      %mul3A_1361 = arith.mulf %mul3A_1360, %max3A_1341 : vector<16xf32>
      %mul3A_1362 = arith.mulf %mul3A_1361, %mul3A_1358 : vector<16xf32>
      %mul3A_1363 = arith.mulf %mul3A_1362, %mul3A_1358 : vector<16xf32>
      %sub3A_1364 = arith.constant 1.500000e+00 : f32
      %sub3A_1365 = vector.broadcast %sub3A_1364 : f32 to vector<16xf32>
      %sub3A_1366 = arith.subf %sub3A_1365, %mul3A_1363 : vector<16xf32>
      %mul3A_1367 = arith.mulf %mul3A_1358, %sub3A_1366 : vector<16xf32>
      %mul3A_1368 = arith.constant 5.000000e-01 : f32
      %mul3A_1369 = vector.broadcast %mul3A_1368 : f32 to vector<16xf32>
      %mul3A_1370 = arith.mulf %mul3A_1369, %max3A_1341 : vector<16xf32>
      %mul3A_1371 = arith.mulf %mul3A_1370, %mul3A_1367 : vector<16xf32>
      %mul3A_1372 = arith.mulf %mul3A_1371, %mul3A_1367 : vector<16xf32>
      %sub3A_1373 = arith.constant 1.500000e+00 : f32
      %sub3A_1374 = vector.broadcast %sub3A_1373 : f32 to vector<16xf32>
      %sub3A_1375 = arith.subf %sub3A_1374, %mul3A_1372 : vector<16xf32>
      %mul3A_1376 = arith.mulf %mul3A_1367, %sub3A_1375 : vector<16xf32>
      %mul3A_1377 = arith.mulf %max3A_1341, %mul3A_1376 : vector<16xf32>
      %add3A_1378 = arith.addf %add3A_1277, %mul3A_1377 : vector<16xf32>
      %min3A_1379 = arith.minimumf %min3A_1332, %scan3A_1330#2 : vector<16xf32>
      %max3A_1380 = arith.maximumf %min3A_1332, %scan3A_1330#2 : vector<16xf32>
      %min3A_1381 = arith.minimumf %min3A_1334, %max3A_1380 : vector<16xf32>
      %max3A_1382 = arith.maximumf %min3A_1334, %max3A_1380 : vector<16xf32>
      %min3A_1383 = arith.minimumf %min3A_1336, %max3A_1382 : vector<16xf32>
      %max3A_1384 = arith.maximumf %min3A_1336, %max3A_1382 : vector<16xf32>
      %min3A_1385 = arith.minimumf %min3A_1338, %max3A_1384 : vector<16xf32>
      %max3A_1386 = arith.constant 1.000000e-30 : f32
      %max3A_1387 = vector.broadcast %max3A_1386 : f32 to vector<16xf32>
      %max3A_1388 = arith.maximumf %scan3A_1330#2, %max3A_1387 : vector<16xf32>
      %bitcast_convert_type3A_1389 = tpu.bitcast %max3A_1388 : vector<16xf32> -> vector<16xi32>
      %shift_right_logical3A_1390 = arith.constant 1 : i32
      %shift_right_logical3A_1391 = vector.broadcast %shift_right_logical3A_1390 : i32 to vector<16xi32>
      %shift_right_logical3A_1392 = arith.shrui %bitcast_convert_type3A_1389, %shift_right_logical3A_1391 : vector<16xi32>
      %sub3A_1393 = arith.constant 1597463007 : i32
      %sub3A_1394 = vector.broadcast %sub3A_1393 : i32 to vector<16xi32>
      %sub3A_1395 = arith.subi %sub3A_1394, %shift_right_logical3A_1392 : vector<16xi32>
      %bitcast_convert_type3A_1396 = tpu.bitcast %sub3A_1395 : vector<16xi32> -> vector<16xf32>
      %mul3A_1397 = arith.constant 5.000000e-01 : f32
      %mul3A_1398 = vector.broadcast %mul3A_1397 : f32 to vector<16xf32>
      %mul3A_1399 = arith.mulf %mul3A_1398, %max3A_1388 : vector<16xf32>
      %mul3A_1400 = arith.mulf %mul3A_1399, %bitcast_convert_type3A_1396 : vector<16xf32>
      %mul3A_1401 = arith.mulf %mul3A_1400, %bitcast_convert_type3A_1396 : vector<16xf32>
      %sub3A_1402 = arith.constant 1.500000e+00 : f32
      %sub3A_1403 = vector.broadcast %sub3A_1402 : f32 to vector<16xf32>
      %sub3A_1404 = arith.subf %sub3A_1403, %mul3A_1401 : vector<16xf32>
      %mul3A_1405 = arith.mulf %bitcast_convert_type3A_1396, %sub3A_1404 : vector<16xf32>
      %mul3A_1406 = arith.constant 5.000000e-01 : f32
      %mul3A_1407 = vector.broadcast %mul3A_1406 : f32 to vector<16xf32>
      %mul3A_1408 = arith.mulf %mul3A_1407, %max3A_1388 : vector<16xf32>
      %mul3A_1409 = arith.mulf %mul3A_1408, %mul3A_1405 : vector<16xf32>
      %mul3A_1410 = arith.mulf %mul3A_1409, %mul3A_1405 : vector<16xf32>
      %sub3A_1411 = arith.constant 1.500000e+00 : f32
      %sub3A_1412 = vector.broadcast %sub3A_1411 : f32 to vector<16xf32>
      %sub3A_1413 = arith.subf %sub3A_1412, %mul3A_1410 : vector<16xf32>
      %mul3A_1414 = arith.mulf %mul3A_1405, %sub3A_1413 : vector<16xf32>
      %mul3A_1415 = arith.constant 5.000000e-01 : f32
      %mul3A_1416 = vector.broadcast %mul3A_1415 : f32 to vector<16xf32>
      %mul3A_1417 = arith.mulf %mul3A_1416, %max3A_1388 : vector<16xf32>
      %mul3A_1418 = arith.mulf %mul3A_1417, %mul3A_1414 : vector<16xf32>
      %mul3A_1419 = arith.mulf %mul3A_1418, %mul3A_1414 : vector<16xf32>
      %sub3A_1420 = arith.constant 1.500000e+00 : f32
      %sub3A_1421 = vector.broadcast %sub3A_1420 : f32 to vector<16xf32>
      %sub3A_1422 = arith.subf %sub3A_1421, %mul3A_1419 : vector<16xf32>
      %mul3A_1423 = arith.mulf %mul3A_1414, %sub3A_1422 : vector<16xf32>
      %mul3A_1424 = arith.mulf %max3A_1388, %mul3A_1423 : vector<16xf32>
      %add3A_1425 = arith.addf %add3A_1378, %mul3A_1424 : vector<16xf32>
      %min3A_1426 = arith.minimumf %min3A_1379, %scan3A_1330#3 : vector<16xf32>
      %max3A_1427 = arith.maximumf %min3A_1379, %scan3A_1330#3 : vector<16xf32>
      %min3A_1428 = arith.minimumf %min3A_1381, %max3A_1427 : vector<16xf32>
      %max3A_1429 = arith.maximumf %min3A_1381, %max3A_1427 : vector<16xf32>
      %min3A_1430 = arith.minimumf %min3A_1383, %max3A_1429 : vector<16xf32>
      %max3A_1431 = arith.maximumf %min3A_1383, %max3A_1429 : vector<16xf32>
      %min3A_1432 = arith.minimumf %min3A_1385, %max3A_1431 : vector<16xf32>
      %max3A_1433 = arith.constant 1.000000e-30 : f32
      %max3A_1434 = vector.broadcast %max3A_1433 : f32 to vector<16xf32>
      %max3A_1435 = arith.maximumf %scan3A_1330#3, %max3A_1434 : vector<16xf32>
      %bitcast_convert_type3A_1436 = tpu.bitcast %max3A_1435 : vector<16xf32> -> vector<16xi32>
      %shift_right_logical3A_1437 = arith.constant 1 : i32
      %shift_right_logical3A_1438 = vector.broadcast %shift_right_logical3A_1437 : i32 to vector<16xi32>
      %shift_right_logical3A_1439 = arith.shrui %bitcast_convert_type3A_1436, %shift_right_logical3A_1438 : vector<16xi32>
      %sub3A_1440 = arith.constant 1597463007 : i32
      %sub3A_1441 = vector.broadcast %sub3A_1440 : i32 to vector<16xi32>
      %sub3A_1442 = arith.subi %sub3A_1441, %shift_right_logical3A_1439 : vector<16xi32>
      %bitcast_convert_type3A_1443 = tpu.bitcast %sub3A_1442 : vector<16xi32> -> vector<16xf32>
      %mul3A_1444 = arith.constant 5.000000e-01 : f32
      %mul3A_1445 = vector.broadcast %mul3A_1444 : f32 to vector<16xf32>
      %mul3A_1446 = arith.mulf %mul3A_1445, %max3A_1435 : vector<16xf32>
      %mul3A_1447 = arith.mulf %mul3A_1446, %bitcast_convert_type3A_1443 : vector<16xf32>
      %mul3A_1448 = arith.mulf %mul3A_1447, %bitcast_convert_type3A_1443 : vector<16xf32>
      %sub3A_1449 = arith.constant 1.500000e+00 : f32
      %sub3A_1450 = vector.broadcast %sub3A_1449 : f32 to vector<16xf32>
      %sub3A_1451 = arith.subf %sub3A_1450, %mul3A_1448 : vector<16xf32>
      %mul3A_1452 = arith.mulf %bitcast_convert_type3A_1443, %sub3A_1451 : vector<16xf32>
      %mul3A_1453 = arith.constant 5.000000e-01 : f32
      %mul3A_1454 = vector.broadcast %mul3A_1453 : f32 to vector<16xf32>
      %mul3A_1455 = arith.mulf %mul3A_1454, %max3A_1435 : vector<16xf32>
      %mul3A_1456 = arith.mulf %mul3A_1455, %mul3A_1452 : vector<16xf32>
      %mul3A_1457 = arith.mulf %mul3A_1456, %mul3A_1452 : vector<16xf32>
      %sub3A_1458 = arith.constant 1.500000e+00 : f32
      %sub3A_1459 = vector.broadcast %sub3A_1458 : f32 to vector<16xf32>
      %sub3A_1460 = arith.subf %sub3A_1459, %mul3A_1457 : vector<16xf32>
      %mul3A_1461 = arith.mulf %mul3A_1452, %sub3A_1460 : vector<16xf32>
      %mul3A_1462 = arith.constant 5.000000e-01 : f32
      %mul3A_1463 = vector.broadcast %mul3A_1462 : f32 to vector<16xf32>
      %mul3A_1464 = arith.mulf %mul3A_1463, %max3A_1435 : vector<16xf32>
      %mul3A_1465 = arith.mulf %mul3A_1464, %mul3A_1461 : vector<16xf32>
      %mul3A_1466 = arith.mulf %mul3A_1465, %mul3A_1461 : vector<16xf32>
      %sub3A_1467 = arith.constant 1.500000e+00 : f32
      %sub3A_1468 = vector.broadcast %sub3A_1467 : f32 to vector<16xf32>
      %sub3A_1469 = arith.subf %sub3A_1468, %mul3A_1466 : vector<16xf32>
      %mul3A_1470 = arith.mulf %mul3A_1461, %sub3A_1469 : vector<16xf32>
      %mul3A_1471 = arith.mulf %max3A_1435, %mul3A_1470 : vector<16xf32>
      %add3A_1472 = arith.addf %add3A_1425, %mul3A_1471 : vector<16xf32>
      %min3A_1473 = arith.minimumf %min3A_1426, %scan3A_1330#4 : vector<16xf32>
      %max3A_1474 = arith.maximumf %min3A_1426, %scan3A_1330#4 : vector<16xf32>
      %min3A_1475 = arith.minimumf %min3A_1428, %max3A_1474 : vector<16xf32>
      %max3A_1476 = arith.maximumf %min3A_1428, %max3A_1474 : vector<16xf32>
      %min3A_1477 = arith.minimumf %min3A_1430, %max3A_1476 : vector<16xf32>
      %max3A_1478 = arith.maximumf %min3A_1430, %max3A_1476 : vector<16xf32>
      %min3A_1479 = arith.minimumf %min3A_1432, %max3A_1478 : vector<16xf32>
      %max3A_1480 = arith.constant 1.000000e-30 : f32
      %max3A_1481 = vector.broadcast %max3A_1480 : f32 to vector<16xf32>
      %max3A_1482 = arith.maximumf %scan3A_1330#4, %max3A_1481 : vector<16xf32>
      %bitcast_convert_type3A_1483 = tpu.bitcast %max3A_1482 : vector<16xf32> -> vector<16xi32>
      %shift_right_logical3A_1484 = arith.constant 1 : i32
      %shift_right_logical3A_1485 = vector.broadcast %shift_right_logical3A_1484 : i32 to vector<16xi32>
      %shift_right_logical3A_1486 = arith.shrui %bitcast_convert_type3A_1483, %shift_right_logical3A_1485 : vector<16xi32>
      %sub3A_1487 = arith.constant 1597463007 : i32
      %sub3A_1488 = vector.broadcast %sub3A_1487 : i32 to vector<16xi32>
      %sub3A_1489 = arith.subi %sub3A_1488, %shift_right_logical3A_1486 : vector<16xi32>
      %bitcast_convert_type3A_1490 = tpu.bitcast %sub3A_1489 : vector<16xi32> -> vector<16xf32>
      %mul3A_1491 = arith.constant 5.000000e-01 : f32
      %mul3A_1492 = vector.broadcast %mul3A_1491 : f32 to vector<16xf32>
      %mul3A_1493 = arith.mulf %mul3A_1492, %max3A_1482 : vector<16xf32>
      %mul3A_1494 = arith.mulf %mul3A_1493, %bitcast_convert_type3A_1490 : vector<16xf32>
      %mul3A_1495 = arith.mulf %mul3A_1494, %bitcast_convert_type3A_1490 : vector<16xf32>
      %sub3A_1496 = arith.constant 1.500000e+00 : f32
      %sub3A_1497 = vector.broadcast %sub3A_1496 : f32 to vector<16xf32>
      %sub3A_1498 = arith.subf %sub3A_1497, %mul3A_1495 : vector<16xf32>
      %mul3A_1499 = arith.mulf %bitcast_convert_type3A_1490, %sub3A_1498 : vector<16xf32>
      %mul3A_1500 = arith.constant 5.000000e-01 : f32
      %mul3A_1501 = vector.broadcast %mul3A_1500 : f32 to vector<16xf32>
      %mul3A_1502 = arith.mulf %mul3A_1501, %max3A_1482 : vector<16xf32>
      %mul3A_1503 = arith.mulf %mul3A_1502, %mul3A_1499 : vector<16xf32>
      %mul3A_1504 = arith.mulf %mul3A_1503, %mul3A_1499 : vector<16xf32>
      %sub3A_1505 = arith.constant 1.500000e+00 : f32
      %sub3A_1506 = vector.broadcast %sub3A_1505 : f32 to vector<16xf32>
      %sub3A_1507 = arith.subf %sub3A_1506, %mul3A_1504 : vector<16xf32>
      %mul3A_1508 = arith.mulf %mul3A_1499, %sub3A_1507 : vector<16xf32>
      %mul3A_1509 = arith.constant 5.000000e-01 : f32
      %mul3A_1510 = vector.broadcast %mul3A_1509 : f32 to vector<16xf32>
      %mul3A_1511 = arith.mulf %mul3A_1510, %max3A_1482 : vector<16xf32>
      %mul3A_1512 = arith.mulf %mul3A_1511, %mul3A_1508 : vector<16xf32>
      %mul3A_1513 = arith.mulf %mul3A_1512, %mul3A_1508 : vector<16xf32>
      %sub3A_1514 = arith.constant 1.500000e+00 : f32
      %sub3A_1515 = vector.broadcast %sub3A_1514 : f32 to vector<16xf32>
      %sub3A_1516 = arith.subf %sub3A_1515, %mul3A_1513 : vector<16xf32>
      %mul3A_1517 = arith.mulf %mul3A_1508, %sub3A_1516 : vector<16xf32>
      %mul3A_1518 = arith.mulf %max3A_1482, %mul3A_1517 : vector<16xf32>
      %add3A_1519 = arith.addf %add3A_1472, %mul3A_1518 : vector<16xf32>
      %min3A_1520 = arith.minimumf %min3A_1473, %scan3A_1330#5 : vector<16xf32>
      %max3A_1521 = arith.maximumf %min3A_1473, %scan3A_1330#5 : vector<16xf32>
      %min3A_1522 = arith.minimumf %min3A_1475, %max3A_1521 : vector<16xf32>
      %max3A_1523 = arith.maximumf %min3A_1475, %max3A_1521 : vector<16xf32>
      %min3A_1524 = arith.minimumf %min3A_1477, %max3A_1523 : vector<16xf32>
      %max3A_1525 = arith.maximumf %min3A_1477, %max3A_1523 : vector<16xf32>
      %min3A_1526 = arith.minimumf %min3A_1479, %max3A_1525 : vector<16xf32>
      %max3A_1527 = arith.constant 1.000000e-30 : f32
      %max3A_1528 = vector.broadcast %max3A_1527 : f32 to vector<16xf32>
      %max3A_1529 = arith.maximumf %scan3A_1330#5, %max3A_1528 : vector<16xf32>
      %bitcast_convert_type3A_1530 = tpu.bitcast %max3A_1529 : vector<16xf32> -> vector<16xi32>
      %shift_right_logical3A_1531 = arith.constant 1 : i32
      %shift_right_logical3A_1532 = vector.broadcast %shift_right_logical3A_1531 : i32 to vector<16xi32>
      %shift_right_logical3A_1533 = arith.shrui %bitcast_convert_type3A_1530, %shift_right_logical3A_1532 : vector<16xi32>
      %sub3A_1534 = arith.constant 1597463007 : i32
      %sub3A_1535 = vector.broadcast %sub3A_1534 : i32 to vector<16xi32>
      %sub3A_1536 = arith.subi %sub3A_1535, %shift_right_logical3A_1533 : vector<16xi32>
      %bitcast_convert_type3A_1537 = tpu.bitcast %sub3A_1536 : vector<16xi32> -> vector<16xf32>
      %mul3A_1538 = arith.constant 5.000000e-01 : f32
      %mul3A_1539 = vector.broadcast %mul3A_1538 : f32 to vector<16xf32>
      %mul3A_1540 = arith.mulf %mul3A_1539, %max3A_1529 : vector<16xf32>
      %mul3A_1541 = arith.mulf %mul3A_1540, %bitcast_convert_type3A_1537 : vector<16xf32>
      %mul3A_1542 = arith.mulf %mul3A_1541, %bitcast_convert_type3A_1537 : vector<16xf32>
      %sub3A_1543 = arith.constant 1.500000e+00 : f32
      %sub3A_1544 = vector.broadcast %sub3A_1543 : f32 to vector<16xf32>
      %sub3A_1545 = arith.subf %sub3A_1544, %mul3A_1542 : vector<16xf32>
      %mul3A_1546 = arith.mulf %bitcast_convert_type3A_1537, %sub3A_1545 : vector<16xf32>
      %mul3A_1547 = arith.constant 5.000000e-01 : f32
      %mul3A_1548 = vector.broadcast %mul3A_1547 : f32 to vector<16xf32>
      %mul3A_1549 = arith.mulf %mul3A_1548, %max3A_1529 : vector<16xf32>
      %mul3A_1550 = arith.mulf %mul3A_1549, %mul3A_1546 : vector<16xf32>
      %mul3A_1551 = arith.mulf %mul3A_1550, %mul3A_1546 : vector<16xf32>
      %sub3A_1552 = arith.constant 1.500000e+00 : f32
      %sub3A_1553 = vector.broadcast %sub3A_1552 : f32 to vector<16xf32>
      %sub3A_1554 = arith.subf %sub3A_1553, %mul3A_1551 : vector<16xf32>
      %mul3A_1555 = arith.mulf %mul3A_1546, %sub3A_1554 : vector<16xf32>
      %mul3A_1556 = arith.constant 5.000000e-01 : f32
      %mul3A_1557 = vector.broadcast %mul3A_1556 : f32 to vector<16xf32>
      %mul3A_1558 = arith.mulf %mul3A_1557, %max3A_1529 : vector<16xf32>
      %mul3A_1559 = arith.mulf %mul3A_1558, %mul3A_1555 : vector<16xf32>
      %mul3A_1560 = arith.mulf %mul3A_1559, %mul3A_1555 : vector<16xf32>
      %sub3A_1561 = arith.constant 1.500000e+00 : f32
      %sub3A_1562 = vector.broadcast %sub3A_1561 : f32 to vector<16xf32>
      %sub3A_1563 = arith.subf %sub3A_1562, %mul3A_1560 : vector<16xf32>
      %mul3A_1564 = arith.mulf %mul3A_1555, %sub3A_1563 : vector<16xf32>
      %mul3A_1565 = arith.mulf %max3A_1529, %mul3A_1564 : vector<16xf32>
      %add3A_1566 = arith.addf %add3A_1519, %mul3A_1565 : vector<16xf32>
      %min3A_1567 = arith.minimumf %min3A_1520, %scan3A_1330#6 : vector<16xf32>
      %max3A_1568 = arith.maximumf %min3A_1520, %scan3A_1330#6 : vector<16xf32>
      %min3A_1569 = arith.minimumf %min3A_1522, %max3A_1568 : vector<16xf32>
      %max3A_1570 = arith.maximumf %min3A_1522, %max3A_1568 : vector<16xf32>
      %min3A_1571 = arith.minimumf %min3A_1524, %max3A_1570 : vector<16xf32>
      %max3A_1572 = arith.maximumf %min3A_1524, %max3A_1570 : vector<16xf32>
      %min3A_1573 = arith.minimumf %min3A_1526, %max3A_1572 : vector<16xf32>
      %max3A_1574 = arith.constant 1.000000e-30 : f32
      %max3A_1575 = vector.broadcast %max3A_1574 : f32 to vector<16xf32>
      %max3A_1576 = arith.maximumf %scan3A_1330#6, %max3A_1575 : vector<16xf32>
      %bitcast_convert_type3A_1577 = tpu.bitcast %max3A_1576 : vector<16xf32> -> vector<16xi32>
      %shift_right_logical3A_1578 = arith.constant 1 : i32
      %shift_right_logical3A_1579 = vector.broadcast %shift_right_logical3A_1578 : i32 to vector<16xi32>
      %shift_right_logical3A_1580 = arith.shrui %bitcast_convert_type3A_1577, %shift_right_logical3A_1579 : vector<16xi32>
      %sub3A_1581 = arith.constant 1597463007 : i32
      %sub3A_1582 = vector.broadcast %sub3A_1581 : i32 to vector<16xi32>
      %sub3A_1583 = arith.subi %sub3A_1582, %shift_right_logical3A_1580 : vector<16xi32>
      %bitcast_convert_type3A_1584 = tpu.bitcast %sub3A_1583 : vector<16xi32> -> vector<16xf32>
      %mul3A_1585 = arith.constant 5.000000e-01 : f32
      %mul3A_1586 = vector.broadcast %mul3A_1585 : f32 to vector<16xf32>
      %mul3A_1587 = arith.mulf %mul3A_1586, %max3A_1576 : vector<16xf32>
      %mul3A_1588 = arith.mulf %mul3A_1587, %bitcast_convert_type3A_1584 : vector<16xf32>
      %mul3A_1589 = arith.mulf %mul3A_1588, %bitcast_convert_type3A_1584 : vector<16xf32>
      %sub3A_1590 = arith.constant 1.500000e+00 : f32
      %sub3A_1591 = vector.broadcast %sub3A_1590 : f32 to vector<16xf32>
      %sub3A_1592 = arith.subf %sub3A_1591, %mul3A_1589 : vector<16xf32>
      %mul3A_1593 = arith.mulf %bitcast_convert_type3A_1584, %sub3A_1592 : vector<16xf32>
      %mul3A_1594 = arith.constant 5.000000e-01 : f32
      %mul3A_1595 = vector.broadcast %mul3A_1594 : f32 to vector<16xf32>
      %mul3A_1596 = arith.mulf %mul3A_1595, %max3A_1576 : vector<16xf32>
      %mul3A_1597 = arith.mulf %mul3A_1596, %mul3A_1593 : vector<16xf32>
      %mul3A_1598 = arith.mulf %mul3A_1597, %mul3A_1593 : vector<16xf32>
      %sub3A_1599 = arith.constant 1.500000e+00 : f32
      %sub3A_1600 = vector.broadcast %sub3A_1599 : f32 to vector<16xf32>
      %sub3A_1601 = arith.subf %sub3A_1600, %mul3A_1598 : vector<16xf32>
      %mul3A_1602 = arith.mulf %mul3A_1593, %sub3A_1601 : vector<16xf32>
      %mul3A_1603 = arith.constant 5.000000e-01 : f32
      %mul3A_1604 = vector.broadcast %mul3A_1603 : f32 to vector<16xf32>
      %mul3A_1605 = arith.mulf %mul3A_1604, %max3A_1576 : vector<16xf32>
      %mul3A_1606 = arith.mulf %mul3A_1605, %mul3A_1602 : vector<16xf32>
      %mul3A_1607 = arith.mulf %mul3A_1606, %mul3A_1602 : vector<16xf32>
      %sub3A_1608 = arith.constant 1.500000e+00 : f32
      %sub3A_1609 = vector.broadcast %sub3A_1608 : f32 to vector<16xf32>
      %sub3A_1610 = arith.subf %sub3A_1609, %mul3A_1607 : vector<16xf32>
      %mul3A_1611 = arith.mulf %mul3A_1602, %sub3A_1610 : vector<16xf32>
      %mul3A_1612 = arith.mulf %max3A_1576, %mul3A_1611 : vector<16xf32>
      %add3A_1613 = arith.addf %add3A_1566, %mul3A_1612 : vector<16xf32>
      %min3A_1614 = arith.minimumf %min3A_1567, %scan3A_1330#7 : vector<16xf32>
      %max3A_1615 = arith.maximumf %min3A_1567, %scan3A_1330#7 : vector<16xf32>
      %min3A_1616 = arith.minimumf %min3A_1569, %max3A_1615 : vector<16xf32>
      %max3A_1617 = arith.maximumf %min3A_1569, %max3A_1615 : vector<16xf32>
      %min3A_1618 = arith.minimumf %min3A_1571, %max3A_1617 : vector<16xf32>
      %max3A_1619 = arith.maximumf %min3A_1571, %max3A_1617 : vector<16xf32>
      %min3A_1620 = arith.minimumf %min3A_1573, %max3A_1619 : vector<16xf32>
      %max3A_1621 = arith.constant 1.000000e-30 : f32
      %max3A_1622 = vector.broadcast %max3A_1621 : f32 to vector<16xf32>
      %max3A_1623 = arith.maximumf %scan3A_1330#7, %max3A_1622 : vector<16xf32>
      %bitcast_convert_type3A_1624 = tpu.bitcast %max3A_1623 : vector<16xf32> -> vector<16xi32>
      %shift_right_logical3A_1625 = arith.constant 1 : i32
      %shift_right_logical3A_1626 = vector.broadcast %shift_right_logical3A_1625 : i32 to vector<16xi32>
      %shift_right_logical3A_1627 = arith.shrui %bitcast_convert_type3A_1624, %shift_right_logical3A_1626 : vector<16xi32>
      %sub3A_1628 = arith.constant 1597463007 : i32
      %sub3A_1629 = vector.broadcast %sub3A_1628 : i32 to vector<16xi32>
      %sub3A_1630 = arith.subi %sub3A_1629, %shift_right_logical3A_1627 : vector<16xi32>
      %bitcast_convert_type3A_1631 = tpu.bitcast %sub3A_1630 : vector<16xi32> -> vector<16xf32>
      %mul3A_1632 = arith.constant 5.000000e-01 : f32
      %mul3A_1633 = vector.broadcast %mul3A_1632 : f32 to vector<16xf32>
      %mul3A_1634 = arith.mulf %mul3A_1633, %max3A_1623 : vector<16xf32>
      %mul3A_1635 = arith.mulf %mul3A_1634, %bitcast_convert_type3A_1631 : vector<16xf32>
      %mul3A_1636 = arith.mulf %mul3A_1635, %bitcast_convert_type3A_1631 : vector<16xf32>
      %sub3A_1637 = arith.constant 1.500000e+00 : f32
      %sub3A_1638 = vector.broadcast %sub3A_1637 : f32 to vector<16xf32>
      %sub3A_1639 = arith.subf %sub3A_1638, %mul3A_1636 : vector<16xf32>
      %mul3A_1640 = arith.mulf %bitcast_convert_type3A_1631, %sub3A_1639 : vector<16xf32>
      %mul3A_1641 = arith.constant 5.000000e-01 : f32
      %mul3A_1642 = vector.broadcast %mul3A_1641 : f32 to vector<16xf32>
      %mul3A_1643 = arith.mulf %mul3A_1642, %max3A_1623 : vector<16xf32>
      %mul3A_1644 = arith.mulf %mul3A_1643, %mul3A_1640 : vector<16xf32>
      %mul3A_1645 = arith.mulf %mul3A_1644, %mul3A_1640 : vector<16xf32>
      %sub3A_1646 = arith.constant 1.500000e+00 : f32
      %sub3A_1647 = vector.broadcast %sub3A_1646 : f32 to vector<16xf32>
      %sub3A_1648 = arith.subf %sub3A_1647, %mul3A_1645 : vector<16xf32>
      %mul3A_1649 = arith.mulf %mul3A_1640, %sub3A_1648 : vector<16xf32>
      %mul3A_1650 = arith.constant 5.000000e-01 : f32
      %mul3A_1651 = vector.broadcast %mul3A_1650 : f32 to vector<16xf32>
      %mul3A_1652 = arith.mulf %mul3A_1651, %max3A_1623 : vector<16xf32>
      %mul3A_1653 = arith.mulf %mul3A_1652, %mul3A_1649 : vector<16xf32>
      %mul3A_1654 = arith.mulf %mul3A_1653, %mul3A_1649 : vector<16xf32>
      %sub3A_1655 = arith.constant 1.500000e+00 : f32
      %sub3A_1656 = vector.broadcast %sub3A_1655 : f32 to vector<16xf32>
      %sub3A_1657 = arith.subf %sub3A_1656, %mul3A_1654 : vector<16xf32>
      %mul3A_1658 = arith.mulf %mul3A_1649, %sub3A_1657 : vector<16xf32>
      %mul3A_1659 = arith.mulf %max3A_1623, %mul3A_1658 : vector<16xf32>
      %add3A_1660 = arith.addf %add3A_1613, %mul3A_1659 : vector<16xf32>
      %min3A_1661 = arith.minimumf %min3A_1614, %scan3A_1330#8 : vector<16xf32>
      %max3A_1662 = arith.maximumf %min3A_1614, %scan3A_1330#8 : vector<16xf32>
      %min3A_1663 = arith.minimumf %min3A_1616, %max3A_1662 : vector<16xf32>
      %max3A_1664 = arith.maximumf %min3A_1616, %max3A_1662 : vector<16xf32>
      %min3A_1665 = arith.minimumf %min3A_1618, %max3A_1664 : vector<16xf32>
      %max3A_1666 = arith.maximumf %min3A_1618, %max3A_1664 : vector<16xf32>
      %min3A_1667 = arith.minimumf %min3A_1620, %max3A_1666 : vector<16xf32>
      %max3A_1668 = arith.constant 1.000000e-30 : f32
      %max3A_1669 = vector.broadcast %max3A_1668 : f32 to vector<16xf32>
      %max3A_1670 = arith.maximumf %scan3A_1330#8, %max3A_1669 : vector<16xf32>
      %bitcast_convert_type3A_1671 = tpu.bitcast %max3A_1670 : vector<16xf32> -> vector<16xi32>
      %shift_right_logical3A_1672 = arith.constant 1 : i32
      %shift_right_logical3A_1673 = vector.broadcast %shift_right_logical3A_1672 : i32 to vector<16xi32>
      %shift_right_logical3A_1674 = arith.shrui %bitcast_convert_type3A_1671, %shift_right_logical3A_1673 : vector<16xi32>
      %sub3A_1675 = arith.constant 1597463007 : i32
      %sub3A_1676 = vector.broadcast %sub3A_1675 : i32 to vector<16xi32>
      %sub3A_1677 = arith.subi %sub3A_1676, %shift_right_logical3A_1674 : vector<16xi32>
      %bitcast_convert_type3A_1678 = tpu.bitcast %sub3A_1677 : vector<16xi32> -> vector<16xf32>
      %mul3A_1679 = arith.constant 5.000000e-01 : f32
      %mul3A_1680 = vector.broadcast %mul3A_1679 : f32 to vector<16xf32>
      %mul3A_1681 = arith.mulf %mul3A_1680, %max3A_1670 : vector<16xf32>
      %mul3A_1682 = arith.mulf %mul3A_1681, %bitcast_convert_type3A_1678 : vector<16xf32>
      %mul3A_1683 = arith.mulf %mul3A_1682, %bitcast_convert_type3A_1678 : vector<16xf32>
      %sub3A_1684 = arith.constant 1.500000e+00 : f32
      %sub3A_1685 = vector.broadcast %sub3A_1684 : f32 to vector<16xf32>
      %sub3A_1686 = arith.subf %sub3A_1685, %mul3A_1683 : vector<16xf32>
      %mul3A_1687 = arith.mulf %bitcast_convert_type3A_1678, %sub3A_1686 : vector<16xf32>
      %mul3A_1688 = arith.constant 5.000000e-01 : f32
      %mul3A_1689 = vector.broadcast %mul3A_1688 : f32 to vector<16xf32>
      %mul3A_1690 = arith.mulf %mul3A_1689, %max3A_1670 : vector<16xf32>
      %mul3A_1691 = arith.mulf %mul3A_1690, %mul3A_1687 : vector<16xf32>
      %mul3A_1692 = arith.mulf %mul3A_1691, %mul3A_1687 : vector<16xf32>
      %sub3A_1693 = arith.constant 1.500000e+00 : f32
      %sub3A_1694 = vector.broadcast %sub3A_1693 : f32 to vector<16xf32>
      %sub3A_1695 = arith.subf %sub3A_1694, %mul3A_1692 : vector<16xf32>
      %mul3A_1696 = arith.mulf %mul3A_1687, %sub3A_1695 : vector<16xf32>
      %mul3A_1697 = arith.constant 5.000000e-01 : f32
      %mul3A_1698 = vector.broadcast %mul3A_1697 : f32 to vector<16xf32>
      %mul3A_1699 = arith.mulf %mul3A_1698, %max3A_1670 : vector<16xf32>
      %mul3A_1700 = arith.mulf %mul3A_1699, %mul3A_1696 : vector<16xf32>
      %mul3A_1701 = arith.mulf %mul3A_1700, %mul3A_1696 : vector<16xf32>
      %sub3A_1702 = arith.constant 1.500000e+00 : f32
      %sub3A_1703 = vector.broadcast %sub3A_1702 : f32 to vector<16xf32>
      %sub3A_1704 = arith.subf %sub3A_1703, %mul3A_1701 : vector<16xf32>
      %mul3A_1705 = arith.mulf %mul3A_1696, %sub3A_1704 : vector<16xf32>
      %mul3A_1706 = arith.mulf %max3A_1670, %mul3A_1705 : vector<16xf32>
      %add3A_1707 = arith.addf %add3A_1660, %mul3A_1706 : vector<16xf32>
      %min3A_1708 = arith.minimumf %min3A_1661, %scan3A_1330#9 : vector<16xf32>
      %max3A_1709 = arith.maximumf %min3A_1661, %scan3A_1330#9 : vector<16xf32>
      %min3A_1710 = arith.minimumf %min3A_1663, %max3A_1709 : vector<16xf32>
      %max3A_1711 = arith.maximumf %min3A_1663, %max3A_1709 : vector<16xf32>
      %min3A_1712 = arith.minimumf %min3A_1665, %max3A_1711 : vector<16xf32>
      %max3A_1713 = arith.maximumf %min3A_1665, %max3A_1711 : vector<16xf32>
      %min3A_1714 = arith.minimumf %min3A_1667, %max3A_1713 : vector<16xf32>
      %max3A_1715 = arith.constant 1.000000e-30 : f32
      %max3A_1716 = vector.broadcast %max3A_1715 : f32 to vector<16xf32>
      %max3A_1717 = arith.maximumf %scan3A_1330#9, %max3A_1716 : vector<16xf32>
      %bitcast_convert_type3A_1718 = tpu.bitcast %max3A_1717 : vector<16xf32> -> vector<16xi32>
      %shift_right_logical3A_1719 = arith.constant 1 : i32
      %shift_right_logical3A_1720 = vector.broadcast %shift_right_logical3A_1719 : i32 to vector<16xi32>
      %shift_right_logical3A_1721 = arith.shrui %bitcast_convert_type3A_1718, %shift_right_logical3A_1720 : vector<16xi32>
      %sub3A_1722 = arith.constant 1597463007 : i32
      %sub3A_1723 = vector.broadcast %sub3A_1722 : i32 to vector<16xi32>
      %sub3A_1724 = arith.subi %sub3A_1723, %shift_right_logical3A_1721 : vector<16xi32>
      %bitcast_convert_type3A_1725 = tpu.bitcast %sub3A_1724 : vector<16xi32> -> vector<16xf32>
      %mul3A_1726 = arith.constant 5.000000e-01 : f32
      %mul3A_1727 = vector.broadcast %mul3A_1726 : f32 to vector<16xf32>
      %mul3A_1728 = arith.mulf %mul3A_1727, %max3A_1717 : vector<16xf32>
      %mul3A_1729 = arith.mulf %mul3A_1728, %bitcast_convert_type3A_1725 : vector<16xf32>
      %mul3A_1730 = arith.mulf %mul3A_1729, %bitcast_convert_type3A_1725 : vector<16xf32>
      %sub3A_1731 = arith.constant 1.500000e+00 : f32
      %sub3A_1732 = vector.broadcast %sub3A_1731 : f32 to vector<16xf32>
      %sub3A_1733 = arith.subf %sub3A_1732, %mul3A_1730 : vector<16xf32>
      %mul3A_1734 = arith.mulf %bitcast_convert_type3A_1725, %sub3A_1733 : vector<16xf32>
      %mul3A_1735 = arith.constant 5.000000e-01 : f32
      %mul3A_1736 = vector.broadcast %mul3A_1735 : f32 to vector<16xf32>
      %mul3A_1737 = arith.mulf %mul3A_1736, %max3A_1717 : vector<16xf32>
      %mul3A_1738 = arith.mulf %mul3A_1737, %mul3A_1734 : vector<16xf32>
      %mul3A_1739 = arith.mulf %mul3A_1738, %mul3A_1734 : vector<16xf32>
      %sub3A_1740 = arith.constant 1.500000e+00 : f32
      %sub3A_1741 = vector.broadcast %sub3A_1740 : f32 to vector<16xf32>
      %sub3A_1742 = arith.subf %sub3A_1741, %mul3A_1739 : vector<16xf32>
      %mul3A_1743 = arith.mulf %mul3A_1734, %sub3A_1742 : vector<16xf32>
      %mul3A_1744 = arith.constant 5.000000e-01 : f32
      %mul3A_1745 = vector.broadcast %mul3A_1744 : f32 to vector<16xf32>
      %mul3A_1746 = arith.mulf %mul3A_1745, %max3A_1717 : vector<16xf32>
      %mul3A_1747 = arith.mulf %mul3A_1746, %mul3A_1743 : vector<16xf32>
      %mul3A_1748 = arith.mulf %mul3A_1747, %mul3A_1743 : vector<16xf32>
      %sub3A_1749 = arith.constant 1.500000e+00 : f32
      %sub3A_1750 = vector.broadcast %sub3A_1749 : f32 to vector<16xf32>
      %sub3A_1751 = arith.subf %sub3A_1750, %mul3A_1748 : vector<16xf32>
      %mul3A_1752 = arith.mulf %mul3A_1743, %sub3A_1751 : vector<16xf32>
      %mul3A_1753 = arith.mulf %max3A_1717, %mul3A_1752 : vector<16xf32>
      %add3A_1754 = arith.addf %add3A_1707, %mul3A_1753 : vector<16xf32>
      %min3A_1755 = arith.minimumf %min3A_1708, %scan3A_1330#10 : vector<16xf32>
      %max3A_1756 = arith.maximumf %min3A_1708, %scan3A_1330#10 : vector<16xf32>
      %min3A_1757 = arith.minimumf %min3A_1710, %max3A_1756 : vector<16xf32>
      %max3A_1758 = arith.maximumf %min3A_1710, %max3A_1756 : vector<16xf32>
      %min3A_1759 = arith.minimumf %min3A_1712, %max3A_1758 : vector<16xf32>
      %max3A_1760 = arith.maximumf %min3A_1712, %max3A_1758 : vector<16xf32>
      %min3A_1761 = arith.minimumf %min3A_1714, %max3A_1760 : vector<16xf32>
      %max3A_1762 = arith.constant 1.000000e-30 : f32
      %max3A_1763 = vector.broadcast %max3A_1762 : f32 to vector<16xf32>
      %max3A_1764 = arith.maximumf %scan3A_1330#10, %max3A_1763 : vector<16xf32>
      %bitcast_convert_type3A_1765 = tpu.bitcast %max3A_1764 : vector<16xf32> -> vector<16xi32>
      %shift_right_logical3A_1766 = arith.constant 1 : i32
      %shift_right_logical3A_1767 = vector.broadcast %shift_right_logical3A_1766 : i32 to vector<16xi32>
      %shift_right_logical3A_1768 = arith.shrui %bitcast_convert_type3A_1765, %shift_right_logical3A_1767 : vector<16xi32>
      %sub3A_1769 = arith.constant 1597463007 : i32
      %sub3A_1770 = vector.broadcast %sub3A_1769 : i32 to vector<16xi32>
      %sub3A_1771 = arith.subi %sub3A_1770, %shift_right_logical3A_1768 : vector<16xi32>
      %bitcast_convert_type3A_1772 = tpu.bitcast %sub3A_1771 : vector<16xi32> -> vector<16xf32>
      %mul3A_1773 = arith.constant 5.000000e-01 : f32
      %mul3A_1774 = vector.broadcast %mul3A_1773 : f32 to vector<16xf32>
      %mul3A_1775 = arith.mulf %mul3A_1774, %max3A_1764 : vector<16xf32>
      %mul3A_1776 = arith.mulf %mul3A_1775, %bitcast_convert_type3A_1772 : vector<16xf32>
      %mul3A_1777 = arith.mulf %mul3A_1776, %bitcast_convert_type3A_1772 : vector<16xf32>
      %sub3A_1778 = arith.constant 1.500000e+00 : f32
      %sub3A_1779 = vector.broadcast %sub3A_1778 : f32 to vector<16xf32>
      %sub3A_1780 = arith.subf %sub3A_1779, %mul3A_1777 : vector<16xf32>
      %mul3A_1781 = arith.mulf %bitcast_convert_type3A_1772, %sub3A_1780 : vector<16xf32>
      %mul3A_1782 = arith.constant 5.000000e-01 : f32
      %mul3A_1783 = vector.broadcast %mul3A_1782 : f32 to vector<16xf32>
      %mul3A_1784 = arith.mulf %mul3A_1783, %max3A_1764 : vector<16xf32>
      %mul3A_1785 = arith.mulf %mul3A_1784, %mul3A_1781 : vector<16xf32>
      %mul3A_1786 = arith.mulf %mul3A_1785, %mul3A_1781 : vector<16xf32>
      %sub3A_1787 = arith.constant 1.500000e+00 : f32
      %sub3A_1788 = vector.broadcast %sub3A_1787 : f32 to vector<16xf32>
      %sub3A_1789 = arith.subf %sub3A_1788, %mul3A_1786 : vector<16xf32>
      %mul3A_1790 = arith.mulf %mul3A_1781, %sub3A_1789 : vector<16xf32>
      %mul3A_1791 = arith.constant 5.000000e-01 : f32
      %mul3A_1792 = vector.broadcast %mul3A_1791 : f32 to vector<16xf32>
      %mul3A_1793 = arith.mulf %mul3A_1792, %max3A_1764 : vector<16xf32>
      %mul3A_1794 = arith.mulf %mul3A_1793, %mul3A_1790 : vector<16xf32>
      %mul3A_1795 = arith.mulf %mul3A_1794, %mul3A_1790 : vector<16xf32>
      %sub3A_1796 = arith.constant 1.500000e+00 : f32
      %sub3A_1797 = vector.broadcast %sub3A_1796 : f32 to vector<16xf32>
      %sub3A_1798 = arith.subf %sub3A_1797, %mul3A_1795 : vector<16xf32>
      %mul3A_1799 = arith.mulf %mul3A_1790, %sub3A_1798 : vector<16xf32>
      %mul3A_1800 = arith.mulf %max3A_1764, %mul3A_1799 : vector<16xf32>
      %add3A_1801 = arith.addf %add3A_1754, %mul3A_1800 : vector<16xf32>
      %min3A_1802 = arith.minimumf %min3A_1755, %scan3A_1330#11 : vector<16xf32>
      %max3A_1803 = arith.maximumf %min3A_1755, %scan3A_1330#11 : vector<16xf32>
      %min3A_1804 = arith.minimumf %min3A_1757, %max3A_1803 : vector<16xf32>
      %max3A_1805 = arith.maximumf %min3A_1757, %max3A_1803 : vector<16xf32>
      %min3A_1806 = arith.minimumf %min3A_1759, %max3A_1805 : vector<16xf32>
      %max3A_1807 = arith.maximumf %min3A_1759, %max3A_1805 : vector<16xf32>
      %min3A_1808 = arith.minimumf %min3A_1761, %max3A_1807 : vector<16xf32>
      %max3A_1809 = arith.constant 1.000000e-30 : f32
      %max3A_1810 = vector.broadcast %max3A_1809 : f32 to vector<16xf32>
      %max3A_1811 = arith.maximumf %scan3A_1330#11, %max3A_1810 : vector<16xf32>
      %bitcast_convert_type3A_1812 = tpu.bitcast %max3A_1811 : vector<16xf32> -> vector<16xi32>
      %shift_right_logical3A_1813 = arith.constant 1 : i32
      %shift_right_logical3A_1814 = vector.broadcast %shift_right_logical3A_1813 : i32 to vector<16xi32>
      %shift_right_logical3A_1815 = arith.shrui %bitcast_convert_type3A_1812, %shift_right_logical3A_1814 : vector<16xi32>
      %sub3A_1816 = arith.constant 1597463007 : i32
      %sub3A_1817 = vector.broadcast %sub3A_1816 : i32 to vector<16xi32>
      %sub3A_1818 = arith.subi %sub3A_1817, %shift_right_logical3A_1815 : vector<16xi32>
      %bitcast_convert_type3A_1819 = tpu.bitcast %sub3A_1818 : vector<16xi32> -> vector<16xf32>
      %mul3A_1820 = arith.constant 5.000000e-01 : f32
      %mul3A_1821 = vector.broadcast %mul3A_1820 : f32 to vector<16xf32>
      %mul3A_1822 = arith.mulf %mul3A_1821, %max3A_1811 : vector<16xf32>
      %mul3A_1823 = arith.mulf %mul3A_1822, %bitcast_convert_type3A_1819 : vector<16xf32>
      %mul3A_1824 = arith.mulf %mul3A_1823, %bitcast_convert_type3A_1819 : vector<16xf32>
      %sub3A_1825 = arith.constant 1.500000e+00 : f32
      %sub3A_1826 = vector.broadcast %sub3A_1825 : f32 to vector<16xf32>
      %sub3A_1827 = arith.subf %sub3A_1826, %mul3A_1824 : vector<16xf32>
      %mul3A_1828 = arith.mulf %bitcast_convert_type3A_1819, %sub3A_1827 : vector<16xf32>
      %mul3A_1829 = arith.constant 5.000000e-01 : f32
      %mul3A_1830 = vector.broadcast %mul3A_1829 : f32 to vector<16xf32>
      %mul3A_1831 = arith.mulf %mul3A_1830, %max3A_1811 : vector<16xf32>
      %mul3A_1832 = arith.mulf %mul3A_1831, %mul3A_1828 : vector<16xf32>
      %mul3A_1833 = arith.mulf %mul3A_1832, %mul3A_1828 : vector<16xf32>
      %sub3A_1834 = arith.constant 1.500000e+00 : f32
      %sub3A_1835 = vector.broadcast %sub3A_1834 : f32 to vector<16xf32>
      %sub3A_1836 = arith.subf %sub3A_1835, %mul3A_1833 : vector<16xf32>
      %mul3A_1837 = arith.mulf %mul3A_1828, %sub3A_1836 : vector<16xf32>
      %mul3A_1838 = arith.constant 5.000000e-01 : f32
      %mul3A_1839 = vector.broadcast %mul3A_1838 : f32 to vector<16xf32>
      %mul3A_1840 = arith.mulf %mul3A_1839, %max3A_1811 : vector<16xf32>
      %mul3A_1841 = arith.mulf %mul3A_1840, %mul3A_1837 : vector<16xf32>
      %mul3A_1842 = arith.mulf %mul3A_1841, %mul3A_1837 : vector<16xf32>
      %sub3A_1843 = arith.constant 1.500000e+00 : f32
      %sub3A_1844 = vector.broadcast %sub3A_1843 : f32 to vector<16xf32>
      %sub3A_1845 = arith.subf %sub3A_1844, %mul3A_1842 : vector<16xf32>
      %mul3A_1846 = arith.mulf %mul3A_1837, %sub3A_1845 : vector<16xf32>
      %mul3A_1847 = arith.mulf %max3A_1811, %mul3A_1846 : vector<16xf32>
      %add3A_1848 = arith.addf %add3A_1801, %mul3A_1847 : vector<16xf32>
      %min3A_1849 = arith.minimumf %min3A_1802, %scan3A_1330#12 : vector<16xf32>
      %max3A_1850 = arith.maximumf %min3A_1802, %scan3A_1330#12 : vector<16xf32>
      %min3A_1851 = arith.minimumf %min3A_1804, %max3A_1850 : vector<16xf32>
      %max3A_1852 = arith.maximumf %min3A_1804, %max3A_1850 : vector<16xf32>
      %min3A_1853 = arith.minimumf %min3A_1806, %max3A_1852 : vector<16xf32>
      %max3A_1854 = arith.maximumf %min3A_1806, %max3A_1852 : vector<16xf32>
      %min3A_1855 = arith.minimumf %min3A_1808, %max3A_1854 : vector<16xf32>
      %max3A_1856 = arith.constant 1.000000e-30 : f32
      %max3A_1857 = vector.broadcast %max3A_1856 : f32 to vector<16xf32>
      %max3A_1858 = arith.maximumf %scan3A_1330#12, %max3A_1857 : vector<16xf32>
      %bitcast_convert_type3A_1859 = tpu.bitcast %max3A_1858 : vector<16xf32> -> vector<16xi32>
      %shift_right_logical3A_1860 = arith.constant 1 : i32
      %shift_right_logical3A_1861 = vector.broadcast %shift_right_logical3A_1860 : i32 to vector<16xi32>
      %shift_right_logical3A_1862 = arith.shrui %bitcast_convert_type3A_1859, %shift_right_logical3A_1861 : vector<16xi32>
      %sub3A_1863 = arith.constant 1597463007 : i32
      %sub3A_1864 = vector.broadcast %sub3A_1863 : i32 to vector<16xi32>
      %sub3A_1865 = arith.subi %sub3A_1864, %shift_right_logical3A_1862 : vector<16xi32>
      %bitcast_convert_type3A_1866 = tpu.bitcast %sub3A_1865 : vector<16xi32> -> vector<16xf32>
      %mul3A_1867 = arith.constant 5.000000e-01 : f32
      %mul3A_1868 = vector.broadcast %mul3A_1867 : f32 to vector<16xf32>
      %mul3A_1869 = arith.mulf %mul3A_1868, %max3A_1858 : vector<16xf32>
      %mul3A_1870 = arith.mulf %mul3A_1869, %bitcast_convert_type3A_1866 : vector<16xf32>
      %mul3A_1871 = arith.mulf %mul3A_1870, %bitcast_convert_type3A_1866 : vector<16xf32>
      %sub3A_1872 = arith.constant 1.500000e+00 : f32
      %sub3A_1873 = vector.broadcast %sub3A_1872 : f32 to vector<16xf32>
      %sub3A_1874 = arith.subf %sub3A_1873, %mul3A_1871 : vector<16xf32>
      %mul3A_1875 = arith.mulf %bitcast_convert_type3A_1866, %sub3A_1874 : vector<16xf32>
      %mul3A_1876 = arith.constant 5.000000e-01 : f32
      %mul3A_1877 = vector.broadcast %mul3A_1876 : f32 to vector<16xf32>
      %mul3A_1878 = arith.mulf %mul3A_1877, %max3A_1858 : vector<16xf32>
      %mul3A_1879 = arith.mulf %mul3A_1878, %mul3A_1875 : vector<16xf32>
      %mul3A_1880 = arith.mulf %mul3A_1879, %mul3A_1875 : vector<16xf32>
      %sub3A_1881 = arith.constant 1.500000e+00 : f32
      %sub3A_1882 = vector.broadcast %sub3A_1881 : f32 to vector<16xf32>
      %sub3A_1883 = arith.subf %sub3A_1882, %mul3A_1880 : vector<16xf32>
      %mul3A_1884 = arith.mulf %mul3A_1875, %sub3A_1883 : vector<16xf32>
      %mul3A_1885 = arith.constant 5.000000e-01 : f32
      %mul3A_1886 = vector.broadcast %mul3A_1885 : f32 to vector<16xf32>
      %mul3A_1887 = arith.mulf %mul3A_1886, %max3A_1858 : vector<16xf32>
      %mul3A_1888 = arith.mulf %mul3A_1887, %mul3A_1884 : vector<16xf32>
      %mul3A_1889 = arith.mulf %mul3A_1888, %mul3A_1884 : vector<16xf32>
      %sub3A_1890 = arith.constant 1.500000e+00 : f32
      %sub3A_1891 = vector.broadcast %sub3A_1890 : f32 to vector<16xf32>
      %sub3A_1892 = arith.subf %sub3A_1891, %mul3A_1889 : vector<16xf32>
      %mul3A_1893 = arith.mulf %mul3A_1884, %sub3A_1892 : vector<16xf32>
      %mul3A_1894 = arith.mulf %max3A_1858, %mul3A_1893 : vector<16xf32>
      %add3A_1895 = arith.addf %add3A_1848, %mul3A_1894 : vector<16xf32>
      %min3A_1896 = arith.minimumf %min3A_1849, %scan3A_1330#13 : vector<16xf32>
      %max3A_1897 = arith.maximumf %min3A_1849, %scan3A_1330#13 : vector<16xf32>
      %min3A_1898 = arith.minimumf %min3A_1851, %max3A_1897 : vector<16xf32>
      %max3A_1899 = arith.maximumf %min3A_1851, %max3A_1897 : vector<16xf32>
      %min3A_1900 = arith.minimumf %min3A_1853, %max3A_1899 : vector<16xf32>
      %max3A_1901 = arith.maximumf %min3A_1853, %max3A_1899 : vector<16xf32>
      %min3A_1902 = arith.minimumf %min3A_1855, %max3A_1901 : vector<16xf32>
      %max3A_1903 = arith.constant 1.000000e-30 : f32
      %max3A_1904 = vector.broadcast %max3A_1903 : f32 to vector<16xf32>
      %max3A_1905 = arith.maximumf %scan3A_1330#13, %max3A_1904 : vector<16xf32>
      %bitcast_convert_type3A_1906 = tpu.bitcast %max3A_1905 : vector<16xf32> -> vector<16xi32>
      %shift_right_logical3A_1907 = arith.constant 1 : i32
      %shift_right_logical3A_1908 = vector.broadcast %shift_right_logical3A_1907 : i32 to vector<16xi32>
      %shift_right_logical3A_1909 = arith.shrui %bitcast_convert_type3A_1906, %shift_right_logical3A_1908 : vector<16xi32>
      %sub3A_1910 = arith.constant 1597463007 : i32
      %sub3A_1911 = vector.broadcast %sub3A_1910 : i32 to vector<16xi32>
      %sub3A_1912 = arith.subi %sub3A_1911, %shift_right_logical3A_1909 : vector<16xi32>
      %bitcast_convert_type3A_1913 = tpu.bitcast %sub3A_1912 : vector<16xi32> -> vector<16xf32>
      %mul3A_1914 = arith.constant 5.000000e-01 : f32
      %mul3A_1915 = vector.broadcast %mul3A_1914 : f32 to vector<16xf32>
      %mul3A_1916 = arith.mulf %mul3A_1915, %max3A_1905 : vector<16xf32>
      %mul3A_1917 = arith.mulf %mul3A_1916, %bitcast_convert_type3A_1913 : vector<16xf32>
      %mul3A_1918 = arith.mulf %mul3A_1917, %bitcast_convert_type3A_1913 : vector<16xf32>
      %sub3A_1919 = arith.constant 1.500000e+00 : f32
      %sub3A_1920 = vector.broadcast %sub3A_1919 : f32 to vector<16xf32>
      %sub3A_1921 = arith.subf %sub3A_1920, %mul3A_1918 : vector<16xf32>
      %mul3A_1922 = arith.mulf %bitcast_convert_type3A_1913, %sub3A_1921 : vector<16xf32>
      %mul3A_1923 = arith.constant 5.000000e-01 : f32
      %mul3A_1924 = vector.broadcast %mul3A_1923 : f32 to vector<16xf32>
      %mul3A_1925 = arith.mulf %mul3A_1924, %max3A_1905 : vector<16xf32>
      %mul3A_1926 = arith.mulf %mul3A_1925, %mul3A_1922 : vector<16xf32>
      %mul3A_1927 = arith.mulf %mul3A_1926, %mul3A_1922 : vector<16xf32>
      %sub3A_1928 = arith.constant 1.500000e+00 : f32
      %sub3A_1929 = vector.broadcast %sub3A_1928 : f32 to vector<16xf32>
      %sub3A_1930 = arith.subf %sub3A_1929, %mul3A_1927 : vector<16xf32>
      %mul3A_1931 = arith.mulf %mul3A_1922, %sub3A_1930 : vector<16xf32>
      %mul3A_1932 = arith.constant 5.000000e-01 : f32
      %mul3A_1933 = vector.broadcast %mul3A_1932 : f32 to vector<16xf32>
      %mul3A_1934 = arith.mulf %mul3A_1933, %max3A_1905 : vector<16xf32>
      %mul3A_1935 = arith.mulf %mul3A_1934, %mul3A_1931 : vector<16xf32>
      %mul3A_1936 = arith.mulf %mul3A_1935, %mul3A_1931 : vector<16xf32>
      %sub3A_1937 = arith.constant 1.500000e+00 : f32
      %sub3A_1938 = vector.broadcast %sub3A_1937 : f32 to vector<16xf32>
      %sub3A_1939 = arith.subf %sub3A_1938, %mul3A_1936 : vector<16xf32>
      %mul3A_1940 = arith.mulf %mul3A_1931, %sub3A_1939 : vector<16xf32>
      %mul3A_1941 = arith.mulf %max3A_1905, %mul3A_1940 : vector<16xf32>
      %add3A_1942 = arith.addf %add3A_1895, %mul3A_1941 : vector<16xf32>
      %min3A_1943 = arith.minimumf %min3A_1896, %scan3A_1330#14 : vector<16xf32>
      %max3A_1944 = arith.maximumf %min3A_1896, %scan3A_1330#14 : vector<16xf32>
      %min3A_1945 = arith.minimumf %min3A_1898, %max3A_1944 : vector<16xf32>
      %max3A_1946 = arith.maximumf %min3A_1898, %max3A_1944 : vector<16xf32>
      %min3A_1947 = arith.minimumf %min3A_1900, %max3A_1946 : vector<16xf32>
      %max3A_1948 = arith.maximumf %min3A_1900, %max3A_1946 : vector<16xf32>
      %min3A_1949 = arith.minimumf %min3A_1902, %max3A_1948 : vector<16xf32>
      %max3A_1950 = arith.constant 1.000000e-30 : f32
      %max3A_1951 = vector.broadcast %max3A_1950 : f32 to vector<16xf32>
      %max3A_1952 = arith.maximumf %scan3A_1330#14, %max3A_1951 : vector<16xf32>
      %bitcast_convert_type3A_1953 = tpu.bitcast %max3A_1952 : vector<16xf32> -> vector<16xi32>
      %shift_right_logical3A_1954 = arith.constant 1 : i32
      %shift_right_logical3A_1955 = vector.broadcast %shift_right_logical3A_1954 : i32 to vector<16xi32>
      %shift_right_logical3A_1956 = arith.shrui %bitcast_convert_type3A_1953, %shift_right_logical3A_1955 : vector<16xi32>
      %sub3A_1957 = arith.constant 1597463007 : i32
      %sub3A_1958 = vector.broadcast %sub3A_1957 : i32 to vector<16xi32>
      %sub3A_1959 = arith.subi %sub3A_1958, %shift_right_logical3A_1956 : vector<16xi32>
      %bitcast_convert_type3A_1960 = tpu.bitcast %sub3A_1959 : vector<16xi32> -> vector<16xf32>
      %mul3A_1961 = arith.constant 5.000000e-01 : f32
      %mul3A_1962 = vector.broadcast %mul3A_1961 : f32 to vector<16xf32>
      %mul3A_1963 = arith.mulf %mul3A_1962, %max3A_1952 : vector<16xf32>
      %mul3A_1964 = arith.mulf %mul3A_1963, %bitcast_convert_type3A_1960 : vector<16xf32>
      %mul3A_1965 = arith.mulf %mul3A_1964, %bitcast_convert_type3A_1960 : vector<16xf32>
      %sub3A_1966 = arith.constant 1.500000e+00 : f32
      %sub3A_1967 = vector.broadcast %sub3A_1966 : f32 to vector<16xf32>
      %sub3A_1968 = arith.subf %sub3A_1967, %mul3A_1965 : vector<16xf32>
      %mul3A_1969 = arith.mulf %bitcast_convert_type3A_1960, %sub3A_1968 : vector<16xf32>
      %mul3A_1970 = arith.constant 5.000000e-01 : f32
      %mul3A_1971 = vector.broadcast %mul3A_1970 : f32 to vector<16xf32>
      %mul3A_1972 = arith.mulf %mul3A_1971, %max3A_1952 : vector<16xf32>
      %mul3A_1973 = arith.mulf %mul3A_1972, %mul3A_1969 : vector<16xf32>
      %mul3A_1974 = arith.mulf %mul3A_1973, %mul3A_1969 : vector<16xf32>
      %sub3A_1975 = arith.constant 1.500000e+00 : f32
      %sub3A_1976 = vector.broadcast %sub3A_1975 : f32 to vector<16xf32>
      %sub3A_1977 = arith.subf %sub3A_1976, %mul3A_1974 : vector<16xf32>
      %mul3A_1978 = arith.mulf %mul3A_1969, %sub3A_1977 : vector<16xf32>
      %mul3A_1979 = arith.constant 5.000000e-01 : f32
      %mul3A_1980 = vector.broadcast %mul3A_1979 : f32 to vector<16xf32>
      %mul3A_1981 = arith.mulf %mul3A_1980, %max3A_1952 : vector<16xf32>
      %mul3A_1982 = arith.mulf %mul3A_1981, %mul3A_1978 : vector<16xf32>
      %mul3A_1983 = arith.mulf %mul3A_1982, %mul3A_1978 : vector<16xf32>
      %sub3A_1984 = arith.constant 1.500000e+00 : f32
      %sub3A_1985 = vector.broadcast %sub3A_1984 : f32 to vector<16xf32>
      %sub3A_1986 = arith.subf %sub3A_1985, %mul3A_1983 : vector<16xf32>
      %mul3A_1987 = arith.mulf %mul3A_1978, %sub3A_1986 : vector<16xf32>
      %mul3A_1988 = arith.mulf %max3A_1952, %mul3A_1987 : vector<16xf32>
      %add3A_1989 = arith.addf %add3A_1942, %mul3A_1988 : vector<16xf32>
      %min3A_1990 = arith.minimumf %min3A_1943, %scan3A_1330#15 : vector<16xf32>
      %max3A_1991 = arith.maximumf %min3A_1943, %scan3A_1330#15 : vector<16xf32>
      %min3A_1992 = arith.minimumf %min3A_1945, %max3A_1991 : vector<16xf32>
      %max3A_1993 = arith.maximumf %min3A_1945, %max3A_1991 : vector<16xf32>
      %min3A_1994 = arith.minimumf %min3A_1947, %max3A_1993 : vector<16xf32>
      %max3A_1995 = arith.maximumf %min3A_1947, %max3A_1993 : vector<16xf32>
      %min3A_1996 = arith.minimumf %min3A_1949, %max3A_1995 : vector<16xf32>
      %max3A_1997 = arith.constant 1.000000e-30 : f32
      %max3A_1998 = vector.broadcast %max3A_1997 : f32 to vector<16xf32>
      %max3A_1999 = arith.maximumf %scan3A_1330#15, %max3A_1998 : vector<16xf32>
      %bitcast_convert_type3A_2000 = tpu.bitcast %max3A_1999 : vector<16xf32> -> vector<16xi32>
      %shift_right_logical3A_2001 = arith.constant 1 : i32
      %shift_right_logical3A_2002 = vector.broadcast %shift_right_logical3A_2001 : i32 to vector<16xi32>
      %shift_right_logical3A_2003 = arith.shrui %bitcast_convert_type3A_2000, %shift_right_logical3A_2002 : vector<16xi32>
      %sub3A_2004 = arith.constant 1597463007 : i32
      %sub3A_2005 = vector.broadcast %sub3A_2004 : i32 to vector<16xi32>
      %sub3A_2006 = arith.subi %sub3A_2005, %shift_right_logical3A_2003 : vector<16xi32>
      %bitcast_convert_type3A_2007 = tpu.bitcast %sub3A_2006 : vector<16xi32> -> vector<16xf32>
      %mul3A_2008 = arith.constant 5.000000e-01 : f32
      %mul3A_2009 = vector.broadcast %mul3A_2008 : f32 to vector<16xf32>
      %mul3A_2010 = arith.mulf %mul3A_2009, %max3A_1999 : vector<16xf32>
      %mul3A_2011 = arith.mulf %mul3A_2010, %bitcast_convert_type3A_2007 : vector<16xf32>
      %mul3A_2012 = arith.mulf %mul3A_2011, %bitcast_convert_type3A_2007 : vector<16xf32>
      %sub3A_2013 = arith.constant 1.500000e+00 : f32
      %sub3A_2014 = vector.broadcast %sub3A_2013 : f32 to vector<16xf32>
      %sub3A_2015 = arith.subf %sub3A_2014, %mul3A_2012 : vector<16xf32>
      %mul3A_2016 = arith.mulf %bitcast_convert_type3A_2007, %sub3A_2015 : vector<16xf32>
      %mul3A_2017 = arith.constant 5.000000e-01 : f32
      %mul3A_2018 = vector.broadcast %mul3A_2017 : f32 to vector<16xf32>
      %mul3A_2019 = arith.mulf %mul3A_2018, %max3A_1999 : vector<16xf32>
      %mul3A_2020 = arith.mulf %mul3A_2019, %mul3A_2016 : vector<16xf32>
      %mul3A_2021 = arith.mulf %mul3A_2020, %mul3A_2016 : vector<16xf32>
      %sub3A_2022 = arith.constant 1.500000e+00 : f32
      %sub3A_2023 = vector.broadcast %sub3A_2022 : f32 to vector<16xf32>
      %sub3A_2024 = arith.subf %sub3A_2023, %mul3A_2021 : vector<16xf32>
      %mul3A_2025 = arith.mulf %mul3A_2016, %sub3A_2024 : vector<16xf32>
      %mul3A_2026 = arith.constant 5.000000e-01 : f32
      %mul3A_2027 = vector.broadcast %mul3A_2026 : f32 to vector<16xf32>
      %mul3A_2028 = arith.mulf %mul3A_2027, %max3A_1999 : vector<16xf32>
      %mul3A_2029 = arith.mulf %mul3A_2028, %mul3A_2025 : vector<16xf32>
      %mul3A_2030 = arith.mulf %mul3A_2029, %mul3A_2025 : vector<16xf32>
      %sub3A_2031 = arith.constant 1.500000e+00 : f32
      %sub3A_2032 = vector.broadcast %sub3A_2031 : f32 to vector<16xf32>
      %sub3A_2033 = arith.subf %sub3A_2032, %mul3A_2030 : vector<16xf32>
      %mul3A_2034 = arith.mulf %mul3A_2025, %sub3A_2033 : vector<16xf32>
      %mul3A_2035 = arith.mulf %max3A_1999, %mul3A_2034 : vector<16xf32>
      %add3A_2036 = arith.addf %add3A_1989, %mul3A_2035 : vector<16xf32>
      %min3A_2037 = arith.minimumf %min3A_1990, %scan3A_1330#16 : vector<16xf32>
      %max3A_2038 = arith.maximumf %min3A_1990, %scan3A_1330#16 : vector<16xf32>
      %min3A_2039 = arith.minimumf %min3A_1992, %max3A_2038 : vector<16xf32>
      %max3A_2040 = arith.maximumf %min3A_1992, %max3A_2038 : vector<16xf32>
      %min3A_2041 = arith.minimumf %min3A_1994, %max3A_2040 : vector<16xf32>
      %max3A_2042 = arith.maximumf %min3A_1994, %max3A_2040 : vector<16xf32>
      %min3A_2043 = arith.minimumf %min3A_1996, %max3A_2042 : vector<16xf32>
      %max3A_2044 = arith.constant 1.000000e-30 : f32
      %max3A_2045 = vector.broadcast %max3A_2044 : f32 to vector<16xf32>
      %max3A_2046 = arith.maximumf %scan3A_1330#16, %max3A_2045 : vector<16xf32>
      %bitcast_convert_type3A_2047 = tpu.bitcast %max3A_2046 : vector<16xf32> -> vector<16xi32>
      %shift_right_logical3A_2048 = arith.constant 1 : i32
      %shift_right_logical3A_2049 = vector.broadcast %shift_right_logical3A_2048 : i32 to vector<16xi32>
      %shift_right_logical3A_2050 = arith.shrui %bitcast_convert_type3A_2047, %shift_right_logical3A_2049 : vector<16xi32>
      %sub3A_2051 = arith.constant 1597463007 : i32
      %sub3A_2052 = vector.broadcast %sub3A_2051 : i32 to vector<16xi32>
      %sub3A_2053 = arith.subi %sub3A_2052, %shift_right_logical3A_2050 : vector<16xi32>
      %bitcast_convert_type3A_2054 = tpu.bitcast %sub3A_2053 : vector<16xi32> -> vector<16xf32>
      %mul3A_2055 = arith.constant 5.000000e-01 : f32
      %mul3A_2056 = vector.broadcast %mul3A_2055 : f32 to vector<16xf32>
      %mul3A_2057 = arith.mulf %mul3A_2056, %max3A_2046 : vector<16xf32>
      %mul3A_2058 = arith.mulf %mul3A_2057, %bitcast_convert_type3A_2054 : vector<16xf32>
      %mul3A_2059 = arith.mulf %mul3A_2058, %bitcast_convert_type3A_2054 : vector<16xf32>
      %sub3A_2060 = arith.constant 1.500000e+00 : f32
      %sub3A_2061 = vector.broadcast %sub3A_2060 : f32 to vector<16xf32>
      %sub3A_2062 = arith.subf %sub3A_2061, %mul3A_2059 : vector<16xf32>
      %mul3A_2063 = arith.mulf %bitcast_convert_type3A_2054, %sub3A_2062 : vector<16xf32>
      %mul3A_2064 = arith.constant 5.000000e-01 : f32
      %mul3A_2065 = vector.broadcast %mul3A_2064 : f32 to vector<16xf32>
      %mul3A_2066 = arith.mulf %mul3A_2065, %max3A_2046 : vector<16xf32>
      %mul3A_2067 = arith.mulf %mul3A_2066, %mul3A_2063 : vector<16xf32>
      %mul3A_2068 = arith.mulf %mul3A_2067, %mul3A_2063 : vector<16xf32>
      %sub3A_2069 = arith.constant 1.500000e+00 : f32
      %sub3A_2070 = vector.broadcast %sub3A_2069 : f32 to vector<16xf32>
      %sub3A_2071 = arith.subf %sub3A_2070, %mul3A_2068 : vector<16xf32>
      %mul3A_2072 = arith.mulf %mul3A_2063, %sub3A_2071 : vector<16xf32>
      %mul3A_2073 = arith.constant 5.000000e-01 : f32
      %mul3A_2074 = vector.broadcast %mul3A_2073 : f32 to vector<16xf32>
      %mul3A_2075 = arith.mulf %mul3A_2074, %max3A_2046 : vector<16xf32>
      %mul3A_2076 = arith.mulf %mul3A_2075, %mul3A_2072 : vector<16xf32>
      %mul3A_2077 = arith.mulf %mul3A_2076, %mul3A_2072 : vector<16xf32>
      %sub3A_2078 = arith.constant 1.500000e+00 : f32
      %sub3A_2079 = vector.broadcast %sub3A_2078 : f32 to vector<16xf32>
      %sub3A_2080 = arith.subf %sub3A_2079, %mul3A_2077 : vector<16xf32>
      %mul3A_2081 = arith.mulf %mul3A_2072, %sub3A_2080 : vector<16xf32>
      %mul3A_2082 = arith.mulf %max3A_2046, %mul3A_2081 : vector<16xf32>
      %add3A_2083 = arith.addf %add3A_2036, %mul3A_2082 : vector<16xf32>
      %add3A_2084 = arith.constant 3 : i32
      %add3A_2085 = arith.addi %mul3A_478, %add3A_2084 : i32
      %lt3A_2086 = arith.constant 8 : i32
      %lt3A_2087 = arith.cmpi slt, %add3A_2085, %lt3A_2086 : i32
      %convert_element_type3A_2088 = arith.extui %lt3A_2087 : i1 to i32
      %cond3A_2089 = arith.constant 0 : i32
      %cond3A_2090 = arith.cmpi ne, %convert_element_type3A_2088, %cond3A_2089 : i32
      scf.if %cond3A_2090 {
        %add3A_2091 = arith.constant 3 : i32
        %add3A_2092 = arith.addi %mul3A_478, %add3A_2091 : i32
        %mul3A_2093 = arith.constant 32768 : i32
        %mul3A_2094 = arith.muli %add3A_2092, %mul3A_2093 : i32
        %add3A_2095 = arith.addi %mul3A_2, %mul3A_2094 : i32
        %dma_start3A_2096 = tpu.memref_slice %arg2[%add3A_2095] : memref<12800000xf32, #tpu.memory_space<hbm>> -> memref<32768xf32, #tpu.memory_space<hbm>>
        %dma_start3A_2097 = tpu.memref_slice %arg2[%add3A_2095] : memref<12800000xf32, #tpu.memory_space<hbm>> -> memref<32768xf32, #tpu.memory_space<hbm>>
        tpu.enqueue_dma source(%dma_start3A_2097 : memref<32768xf32, #tpu.memory_space<hbm>>) target(%arg7 : memref<32768xf32, #tpu.memory_space<vmem>>) target_semaphore(%arg11 : memref<!tpu.dma_semaphore, #tpu.memory_space<semaphore_mem>>)
      } else {
      }
      scf.yield %add3A_2083, %min3A_2037, %min3A_2039, %min3A_2041, %min3A_2043 : vector<16xf32>, vector<16xf32>, vector<16xf32>, vector<16xf32>, vector<16xf32>
    }
    %scan3A_76 = arith.constant 4 : i32
    %add3A_77 = arith.constant 262144 : i32
    %add3A_78 = arith.addi %mul3A_2, %add3A_77 : i32
    %dma_wait3A = arith.constant 0 : i32
    %dma_wait3A_79 = tpu.memref_slice %arg8[%dma_wait3A] : memref<12288xf32, #tpu.memory_space<vmem>> -> memref<12288xf32, #tpu.memory_space<vmem>>
    %dma_wait3A_80 = tpu.memref_slice %arg2[%add3A_78] : memref<12800000xf32, #tpu.memory_space<hbm>> -> memref<12288xf32, #tpu.memory_space<hbm>>
    %dma_wait3A_81 = arith.constant 0 : i32
    %dma_wait3A_82 = tpu.memref_slice %arg8[%dma_wait3A_81] : memref<12288xf32, #tpu.memory_space<vmem>> -> memref<12288xf32, #tpu.memory_space<vmem>>
    %dma_wait3A_83 = tpu.memref_slice %arg2[%add3A_78] : memref<12800000xf32, #tpu.memory_space<hbm>> -> memref<12288xf32, #tpu.memory_space<hbm>>
    tpu.wait_dma2 semaphore(%arg12 : memref<!tpu.dma_semaphore, #tpu.memory_space<semaphore_mem>>) src(%dma_wait3A_83 : memref<12288xf32, #tpu.memory_space<hbm>>) dst(%dma_wait3A_82 : memref<12288xf32, #tpu.memory_space<vmem>>)
    %mul3A_84 = arith.constant 128 : i32
    %mul3A_85 = vector.broadcast %mul3A_84 : i32 to vector<16xi32>
    %mul3A_86 = arith.muli %iota3A, %mul3A_85 : vector<16xi32>
    %min3A = arith.constant 15 : i32
    %min3A_87 = vector.broadcast %min3A : i32 to vector<16xi32>
    %min3A_88 = arith.minsi %iota3A, %min3A_87 : vector<16xi32>
    %mul3A_89 = arith.constant 128 : i32
    %mul3A_90 = vector.broadcast %mul3A_89 : i32 to vector<16xi32>
    %mul3A_91 = arith.muli %min3A_88, %mul3A_90 : vector<16xi32>
    %iota3A_92 = tpu.iota {dimensions = array<i32: 0>} : vector<16xi32>
    %broadcast_in_dim3A_93 = arith.constant 0.000000e+00 : f32
    %broadcast_in_dim3A_94 = vector.broadcast %broadcast_in_dim3A_93 : f32 to vector<16xf32>
    %broadcast_in_dim3A_95 = arith.constant 0.000000e+00 : f32
    %broadcast_in_dim3A_96 = vector.broadcast %broadcast_in_dim3A_95 : f32 to vector<16xf32>
    %broadcast_in_dim3A_97 = arith.constant 0.000000e+00 : f32
    %broadcast_in_dim3A_98 = vector.broadcast %broadcast_in_dim3A_97 : f32 to vector<16xf32>
    %broadcast_in_dim3A_99 = arith.constant 0.000000e+00 : f32
    %broadcast_in_dim3A_100 = vector.broadcast %broadcast_in_dim3A_99 : f32 to vector<16xf32>
    %broadcast_in_dim3A_101 = arith.constant 0.000000e+00 : f32
    %broadcast_in_dim3A_102 = vector.broadcast %broadcast_in_dim3A_101 : f32 to vector<16xf32>
    %broadcast_in_dim3A_103 = arith.constant 0.000000e+00 : f32
    %broadcast_in_dim3A_104 = vector.broadcast %broadcast_in_dim3A_103 : f32 to vector<16xf32>
    %scan3A_105 = arith.constant 0 : i32
    %scan3A_106 = arith.constant 128 : i32
    %scan3A_107 = arith.addi %scan3A_105, %scan3A_106 : i32
    %scan3A_108 = arith.constant 2 : i32
    %scan3A_109:7 = scf.for %scan3A_471 = %scan3A_105 to %scan3A_107 step %scan3A_108 iter_args(%scan3A_472 = %iota3A_92, %scan3A_473 = %broadcast_in_dim3A_94, %scan3A_474 = %broadcast_in_dim3A_96, %scan3A_475 = %broadcast_in_dim3A_98, %scan3A_476 = %broadcast_in_dim3A_100, %scan3A_477 = %broadcast_in_dim3A_102, %scan3A_478 = %broadcast_in_dim3A_104) -> (vector<16xi32>, vector<16xf32>, vector<16xf32>, vector<16xf32>, vector<16xf32>, vector<16xf32>, vector<16xf32>)  : i32 {
      %gather3A = tpu.vector_load_idx %arg5[%scan3A_472] : memref<128xf32, #tpu.memory_space<vmem>>[vector<16xi32>], vector<16xf32>,
      %add3A_479 = arith.addi %mul3A_86, %scan3A_472 : vector<16xi32>
      %add3A_480 = arith.addi %mul3A_86, %scan3A_472 : vector<16xi32>
      %gather3A_481 = arith.constant 0 : i32
      %gather3A_482 = tpu.memref_slice %arg8[%gather3A_481] : memref<12288xf32, #tpu.memory_space<vmem>> -> memref<2048xf32, #tpu.memory_space<vmem>>
      %gather3A_483 = tpu.vector_load_idx %gather3A_482[%add3A_480] : memref<2048xf32, #tpu.memory_space<vmem>>[vector<16xi32>], vector<16xf32>,
      %sub3A_484 = arith.subf %gather3A_483, %gather3A : vector<16xf32>
      %mul3A_485 = arith.mulf %sub3A_484, %sub3A_484 : vector<16xf32>
      %add3A_486 = arith.addf %scan3A_473, %mul3A_485 : vector<16xf32>
      %add3A_487 = arith.addi %mul3A_86, %scan3A_472 : vector<16xi32>
      %gather3A_488 = arith.constant 2048 : i32
      %gather3A_489 = tpu.memref_slice %arg8[%gather3A_488] : memref<12288xf32, #tpu.memory_space<vmem>> -> memref<2048xf32, #tpu.memory_space<vmem>>
      %gather3A_490 = tpu.vector_load_idx %gather3A_489[%add3A_487] : memref<2048xf32, #tpu.memory_space<vmem>>[vector<16xi32>], vector<16xf32>,
      %sub3A_491 = arith.subf %gather3A_490, %gather3A : vector<16xf32>
      %mul3A_492 = arith.mulf %sub3A_491, %sub3A_491 : vector<16xf32>
      %add3A_493 = arith.addf %scan3A_474, %mul3A_492 : vector<16xf32>
      %add3A_494 = arith.addi %mul3A_86, %scan3A_472 : vector<16xi32>
      %gather3A_495 = arith.constant 4096 : i32
      %gather3A_496 = tpu.memref_slice %arg8[%gather3A_495] : memref<12288xf32, #tpu.memory_space<vmem>> -> memref<2048xf32, #tpu.memory_space<vmem>>
      %gather3A_497 = tpu.vector_load_idx %gather3A_496[%add3A_494] : memref<2048xf32, #tpu.memory_space<vmem>>[vector<16xi32>], vector<16xf32>,
      %sub3A_498 = arith.subf %gather3A_497, %gather3A : vector<16xf32>
      %mul3A_499 = arith.mulf %sub3A_498, %sub3A_498 : vector<16xf32>
      %add3A_500 = arith.addf %scan3A_475, %mul3A_499 : vector<16xf32>
      %add3A_501 = arith.addi %mul3A_86, %scan3A_472 : vector<16xi32>
      %gather3A_502 = arith.constant 6144 : i32
      %gather3A_503 = tpu.memref_slice %arg8[%gather3A_502] : memref<12288xf32, #tpu.memory_space<vmem>> -> memref<2048xf32, #tpu.memory_space<vmem>>
      %gather3A_504 = tpu.vector_load_idx %gather3A_503[%add3A_501] : memref<2048xf32, #tpu.memory_space<vmem>>[vector<16xi32>], vector<16xf32>,
      %sub3A_505 = arith.subf %gather3A_504, %gather3A : vector<16xf32>
      %mul3A_506 = arith.mulf %sub3A_505, %sub3A_505 : vector<16xf32>
      %add3A_507 = arith.addf %scan3A_476, %mul3A_506 : vector<16xf32>
      %add3A_508 = arith.addi %mul3A_86, %scan3A_472 : vector<16xi32>
      %gather3A_509 = arith.constant 8192 : i32
      %gather3A_510 = tpu.memref_slice %arg8[%gather3A_509] : memref<12288xf32, #tpu.memory_space<vmem>> -> memref<2048xf32, #tpu.memory_space<vmem>>
      %gather3A_511 = tpu.vector_load_idx %gather3A_510[%add3A_508] : memref<2048xf32, #tpu.memory_space<vmem>>[vector<16xi32>], vector<16xf32>,
      %sub3A_512 = arith.subf %gather3A_511, %gather3A : vector<16xf32>
      %mul3A_513 = arith.mulf %sub3A_512, %sub3A_512 : vector<16xf32>
      %add3A_514 = arith.addf %scan3A_477, %mul3A_513 : vector<16xf32>
      %add3A_515 = arith.addi %mul3A_91, %scan3A_472 : vector<16xi32>
      %gather3A_516 = arith.constant 10240 : i32
      %gather3A_517 = tpu.memref_slice %arg8[%gather3A_516] : memref<12288xf32, #tpu.memory_space<vmem>> -> memref<2048xf32, #tpu.memory_space<vmem>>
      %gather3A_518 = tpu.vector_load_idx %gather3A_517[%add3A_515] : memref<2048xf32, #tpu.memory_space<vmem>>[vector<16xi32>], vector<16xf32>,
      %sub3A_519 = arith.subf %gather3A_518, %gather3A : vector<16xf32>
      %mul3A_520 = arith.mulf %sub3A_519, %sub3A_519 : vector<16xf32>
      %add3A_521 = arith.addf %scan3A_478, %mul3A_520 : vector<16xf32>
      %add3A_522 = arith.constant 1 : i32
      %add3A_523 = vector.broadcast %add3A_522 : i32 to vector<16xi32>
      %add3A_524 = arith.addi %scan3A_472, %add3A_523 : vector<16xi32>
      %and3A = arith.constant 127 : i32
      %and3A_525 = vector.broadcast %and3A : i32 to vector<16xi32>
      %and3A_526 = arith.andi %add3A_524, %and3A_525 : vector<16xi32>
      %scan3A_527 = arith.constant 1 : i32
      %scan3A_528 = arith.addi %scan3A_471, %scan3A_527 : i32
      %gather3A_529 = tpu.vector_load_idx %arg5[%and3A_526] : memref<128xf32, #tpu.memory_space<vmem>>[vector<16xi32>], vector<16xf32>,
      %add3A_530 = arith.addi %mul3A_86, %and3A_526 : vector<16xi32>
      %add3A_531 = arith.addi %mul3A_86, %and3A_526 : vector<16xi32>
      %gather3A_532 = arith.constant 0 : i32
      %gather3A_533 = tpu.memref_slice %arg8[%gather3A_532] : memref<12288xf32, #tpu.memory_space<vmem>> -> memref<2048xf32, #tpu.memory_space<vmem>>
      %gather3A_534 = tpu.vector_load_idx %gather3A_533[%add3A_531] : memref<2048xf32, #tpu.memory_space<vmem>>[vector<16xi32>], vector<16xf32>,
      %sub3A_535 = arith.subf %gather3A_534, %gather3A_529 : vector<16xf32>
      %mul3A_536 = arith.mulf %sub3A_535, %sub3A_535 : vector<16xf32>
      %add3A_537 = arith.addf %add3A_486, %mul3A_536 : vector<16xf32>
      %add3A_538 = arith.addi %mul3A_86, %and3A_526 : vector<16xi32>
      %gather3A_539 = arith.constant 2048 : i32
      %gather3A_540 = tpu.memref_slice %arg8[%gather3A_539] : memref<12288xf32, #tpu.memory_space<vmem>> -> memref<2048xf32, #tpu.memory_space<vmem>>
      %gather3A_541 = tpu.vector_load_idx %gather3A_540[%add3A_538] : memref<2048xf32, #tpu.memory_space<vmem>>[vector<16xi32>], vector<16xf32>,
      %sub3A_542 = arith.subf %gather3A_541, %gather3A_529 : vector<16xf32>
      %mul3A_543 = arith.mulf %sub3A_542, %sub3A_542 : vector<16xf32>
      %add3A_544 = arith.addf %add3A_493, %mul3A_543 : vector<16xf32>
      %add3A_545 = arith.addi %mul3A_86, %and3A_526 : vector<16xi32>
      %gather3A_546 = arith.constant 4096 : i32
      %gather3A_547 = tpu.memref_slice %arg8[%gather3A_546] : memref<12288xf32, #tpu.memory_space<vmem>> -> memref<2048xf32, #tpu.memory_space<vmem>>
      %gather3A_548 = tpu.vector_load_idx %gather3A_547[%add3A_545] : memref<2048xf32, #tpu.memory_space<vmem>>[vector<16xi32>], vector<16xf32>,
      %sub3A_549 = arith.subf %gather3A_548, %gather3A_529 : vector<16xf32>
      %mul3A_550 = arith.mulf %sub3A_549, %sub3A_549 : vector<16xf32>
      %add3A_551 = arith.addf %add3A_500, %mul3A_550 : vector<16xf32>
      %add3A_552 = arith.addi %mul3A_86, %and3A_526 : vector<16xi32>
      %gather3A_553 = arith.constant 6144 : i32
      %gather3A_554 = tpu.memref_slice %arg8[%gather3A_553] : memref<12288xf32, #tpu.memory_space<vmem>> -> memref<2048xf32, #tpu.memory_space<vmem>>
      %gather3A_555 = tpu.vector_load_idx %gather3A_554[%add3A_552] : memref<2048xf32, #tpu.memory_space<vmem>>[vector<16xi32>], vector<16xf32>,
      %sub3A_556 = arith.subf %gather3A_555, %gather3A_529 : vector<16xf32>
      %mul3A_557 = arith.mulf %sub3A_556, %sub3A_556 : vector<16xf32>
      %add3A_558 = arith.addf %add3A_507, %mul3A_557 : vector<16xf32>
      %add3A_559 = arith.addi %mul3A_86, %and3A_526 : vector<16xi32>
      %gather3A_560 = arith.constant 8192 : i32
      %gather3A_561 = tpu.memref_slice %arg8[%gather3A_560] : memref<12288xf32, #tpu.memory_space<vmem>> -> memref<2048xf32, #tpu.memory_space<vmem>>
      %gather3A_562 = tpu.vector_load_idx %gather3A_561[%add3A_559] : memref<2048xf32, #tpu.memory_space<vmem>>[vector<16xi32>], vector<16xf32>,
      %sub3A_563 = arith.subf %gather3A_562, %gather3A_529 : vector<16xf32>
      %mul3A_564 = arith.mulf %sub3A_563, %sub3A_563 : vector<16xf32>
      %add3A_565 = arith.addf %add3A_514, %mul3A_564 : vector<16xf32>
      %add3A_566 = arith.addi %mul3A_91, %and3A_526 : vector<16xi32>
      %gather3A_567 = arith.constant 10240 : i32
      %gather3A_568 = tpu.memref_slice %arg8[%gather3A_567] : memref<12288xf32, #tpu.memory_space<vmem>> -> memref<2048xf32, #tpu.memory_space<vmem>>
      %gather3A_569 = tpu.vector_load_idx %gather3A_568[%add3A_566] : memref<2048xf32, #tpu.memory_space<vmem>>[vector<16xi32>], vector<16xf32>,
      %sub3A_570 = arith.subf %gather3A_569, %gather3A_529 : vector<16xf32>
      %mul3A_571 = arith.mulf %sub3A_570, %sub3A_570 : vector<16xf32>
      %add3A_572 = arith.addf %add3A_521, %mul3A_571 : vector<16xf32>
      %add3A_573 = arith.constant 1 : i32
      %add3A_574 = vector.broadcast %add3A_573 : i32 to vector<16xi32>
      %add3A_575 = arith.addi %and3A_526, %add3A_574 : vector<16xi32>
      %and3A_576 = arith.constant 127 : i32
      %and3A_577 = vector.broadcast %and3A_576 : i32 to vector<16xi32>
      %and3A_578 = arith.andi %add3A_575, %and3A_577 : vector<16xi32>
      scf.yield %and3A_578, %add3A_537, %add3A_544, %add3A_551, %add3A_558, %add3A_565, %add3A_572 : vector<16xi32>, vector<16xf32>, vector<16xf32>, vector<16xf32>, vector<16xf32>, vector<16xf32>, vector<16xf32>
    }
    %scan3A_110 = arith.constant 128 : i32
    %add3A_111 = arith.constant 0 : i32
    %add3A_112 = vector.broadcast %add3A_111 : i32 to vector<16xi32>
    %add3A_113 = arith.addi %iota3A, %add3A_112 : vector<16xi32>
    %lt3A = arith.constant 96 : i32
    %lt3A_114 = vector.broadcast %lt3A : i32 to vector<16xi32>
    %lt3A_115 = arith.cmpi slt, %add3A_113, %lt3A_114 : vector<16xi32>
    %jit3A = arith.constant 0x7F800000 : f32
    %broadcast_in_dim3A_116 = vector.broadcast %jit3A : f32 to vector<16xf32>
    %select_n3A = arith.select %lt3A_115, %scan3A_109#1, %broadcast_in_dim3A_116 : vector<16xi1>, vector<16xf32>
    %min3A_117 = arith.minimumf %scan3A_75#1, %select_n3A : vector<16xf32>
    %max3A = arith.maximumf %scan3A_75#1, %select_n3A : vector<16xf32>
    %min3A_118 = arith.minimumf %scan3A_75#2, %max3A : vector<16xf32>
    %max3A_119 = arith.maximumf %scan3A_75#2, %max3A : vector<16xf32>
    %min3A_120 = arith.minimumf %scan3A_75#3, %max3A_119 : vector<16xf32>
    %max3A_121 = arith.maximumf %scan3A_75#3, %max3A_119 : vector<16xf32>
    %min3A_122 = arith.minimumf %scan3A_75#4, %max3A_121 : vector<16xf32>
    %max3A_123 = arith.constant 1.000000e-30 : f32
    %max3A_124 = vector.broadcast %max3A_123 : f32 to vector<16xf32>
    %max3A_125 = arith.maximumf %scan3A_109#1, %max3A_124 : vector<16xf32>
    %bitcast_convert_type3A = tpu.bitcast %max3A_125 : vector<16xf32> -> vector<16xi32>
    %shift_right_logical3A = arith.constant 1 : i32
    %shift_right_logical3A_126 = vector.broadcast %shift_right_logical3A : i32 to vector<16xi32>
    %shift_right_logical3A_127 = arith.shrui %bitcast_convert_type3A, %shift_right_logical3A_126 : vector<16xi32>
    %sub3A_128 = arith.constant 1597463007 : i32
    %sub3A_129 = vector.broadcast %sub3A_128 : i32 to vector<16xi32>
    %sub3A_130 = arith.subi %sub3A_129, %shift_right_logical3A_127 : vector<16xi32>
    %bitcast_convert_type3A_131 = tpu.bitcast %sub3A_130 : vector<16xi32> -> vector<16xf32>
    %mul3A_132 = arith.constant 5.000000e-01 : f32
    %mul3A_133 = vector.broadcast %mul3A_132 : f32 to vector<16xf32>
    %mul3A_134 = arith.mulf %mul3A_133, %max3A_125 : vector<16xf32>
    %mul3A_135 = arith.mulf %mul3A_134, %bitcast_convert_type3A_131 : vector<16xf32>
    %mul3A_136 = arith.mulf %mul3A_135, %bitcast_convert_type3A_131 : vector<16xf32>
    %sub3A_137 = arith.constant 1.500000e+00 : f32
    %sub3A_138 = vector.broadcast %sub3A_137 : f32 to vector<16xf32>
    %sub3A_139 = arith.subf %sub3A_138, %mul3A_136 : vector<16xf32>
    %mul3A_140 = arith.mulf %bitcast_convert_type3A_131, %sub3A_139 : vector<16xf32>
    %mul3A_141 = arith.constant 5.000000e-01 : f32
    %mul3A_142 = vector.broadcast %mul3A_141 : f32 to vector<16xf32>
    %mul3A_143 = arith.mulf %mul3A_142, %max3A_125 : vector<16xf32>
    %mul3A_144 = arith.mulf %mul3A_143, %mul3A_140 : vector<16xf32>
    %mul3A_145 = arith.mulf %mul3A_144, %mul3A_140 : vector<16xf32>
    %sub3A_146 = arith.constant 1.500000e+00 : f32
    %sub3A_147 = vector.broadcast %sub3A_146 : f32 to vector<16xf32>
    %sub3A_148 = arith.subf %sub3A_147, %mul3A_145 : vector<16xf32>
    %mul3A_149 = arith.mulf %mul3A_140, %sub3A_148 : vector<16xf32>
    %mul3A_150 = arith.constant 5.000000e-01 : f32
    %mul3A_151 = vector.broadcast %mul3A_150 : f32 to vector<16xf32>
    %mul3A_152 = arith.mulf %mul3A_151, %max3A_125 : vector<16xf32>
    %mul3A_153 = arith.mulf %mul3A_152, %mul3A_149 : vector<16xf32>
    %mul3A_154 = arith.mulf %mul3A_153, %mul3A_149 : vector<16xf32>
    %sub3A_155 = arith.constant 1.500000e+00 : f32
    %sub3A_156 = vector.broadcast %sub3A_155 : f32 to vector<16xf32>
    %sub3A_157 = arith.subf %sub3A_156, %mul3A_154 : vector<16xf32>
    %mul3A_158 = arith.mulf %mul3A_149, %sub3A_157 : vector<16xf32>
    %mul3A_159 = arith.mulf %max3A_125, %mul3A_158 : vector<16xf32>
    %jit3A_160 = arith.constant 0.000000e+00 : f32
    %broadcast_in_dim3A_161 = vector.broadcast %jit3A_160 : f32 to vector<16xf32>
    %select_n3A_162 = arith.select %lt3A_115, %mul3A_159, %broadcast_in_dim3A_161 : vector<16xi1>, vector<16xf32>
    %add3A_163 = arith.addf %scan3A_75#0, %select_n3A_162 : vector<16xf32>
    %add3A_164 = arith.constant 16 : i32
    %add3A_165 = vector.broadcast %add3A_164 : i32 to vector<16xi32>
    %add3A_166 = arith.addi %iota3A, %add3A_165 : vector<16xi32>
    %lt3A_167 = arith.constant 96 : i32
    %lt3A_168 = vector.broadcast %lt3A_167 : i32 to vector<16xi32>
    %lt3A_169 = arith.cmpi slt, %add3A_166, %lt3A_168 : vector<16xi32>
    %jit3A_170 = arith.constant 0x7F800000 : f32
    %broadcast_in_dim3A_171 = vector.broadcast %jit3A_170 : f32 to vector<16xf32>
    %select_n3A_172 = arith.select %lt3A_169, %scan3A_109#2, %broadcast_in_dim3A_171 : vector<16xi1>, vector<16xf32>
    %min3A_173 = arith.minimumf %min3A_117, %select_n3A_172 : vector<16xf32>
    %max3A_174 = arith.maximumf %min3A_117, %select_n3A_172 : vector<16xf32>
    %min3A_175 = arith.minimumf %min3A_118, %max3A_174 : vector<16xf32>
    %max3A_176 = arith.maximumf %min3A_118, %max3A_174 : vector<16xf32>
    %min3A_177 = arith.minimumf %min3A_120, %max3A_176 : vector<16xf32>
    %max3A_178 = arith.maximumf %min3A_120, %max3A_176 : vector<16xf32>
    %min3A_179 = arith.minimumf %min3A_122, %max3A_178 : vector<16xf32>
    %max3A_180 = arith.constant 1.000000e-30 : f32
    %max3A_181 = vector.broadcast %max3A_180 : f32 to vector<16xf32>
    %max3A_182 = arith.maximumf %scan3A_109#2, %max3A_181 : vector<16xf32>
    %bitcast_convert_type3A_183 = tpu.bitcast %max3A_182 : vector<16xf32> -> vector<16xi32>
    %shift_right_logical3A_184 = arith.constant 1 : i32
    %shift_right_logical3A_185 = vector.broadcast %shift_right_logical3A_184 : i32 to vector<16xi32>
    %shift_right_logical3A_186 = arith.shrui %bitcast_convert_type3A_183, %shift_right_logical3A_185 : vector<16xi32>
    %sub3A_187 = arith.constant 1597463007 : i32
    %sub3A_188 = vector.broadcast %sub3A_187 : i32 to vector<16xi32>
    %sub3A_189 = arith.subi %sub3A_188, %shift_right_logical3A_186 : vector<16xi32>
    %bitcast_convert_type3A_190 = tpu.bitcast %sub3A_189 : vector<16xi32> -> vector<16xf32>
    %mul3A_191 = arith.constant 5.000000e-01 : f32
    %mul3A_192 = vector.broadcast %mul3A_191 : f32 to vector<16xf32>
    %mul3A_193 = arith.mulf %mul3A_192, %max3A_182 : vector<16xf32>
    %mul3A_194 = arith.mulf %mul3A_193, %bitcast_convert_type3A_190 : vector<16xf32>
    %mul3A_195 = arith.mulf %mul3A_194, %bitcast_convert_type3A_190 : vector<16xf32>
    %sub3A_196 = arith.constant 1.500000e+00 : f32
    %sub3A_197 = vector.broadcast %sub3A_196 : f32 to vector<16xf32>
    %sub3A_198 = arith.subf %sub3A_197, %mul3A_195 : vector<16xf32>
    %mul3A_199 = arith.mulf %bitcast_convert_type3A_190, %sub3A_198 : vector<16xf32>
    %mul3A_200 = arith.constant 5.000000e-01 : f32
    %mul3A_201 = vector.broadcast %mul3A_200 : f32 to vector<16xf32>
    %mul3A_202 = arith.mulf %mul3A_201, %max3A_182 : vector<16xf32>
    %mul3A_203 = arith.mulf %mul3A_202, %mul3A_199 : vector<16xf32>
    %mul3A_204 = arith.mulf %mul3A_203, %mul3A_199 : vector<16xf32>
    %sub3A_205 = arith.constant 1.500000e+00 : f32
    %sub3A_206 = vector.broadcast %sub3A_205 : f32 to vector<16xf32>
    %sub3A_207 = arith.subf %sub3A_206, %mul3A_204 : vector<16xf32>
    %mul3A_208 = arith.mulf %mul3A_199, %sub3A_207 : vector<16xf32>
    %mul3A_209 = arith.constant 5.000000e-01 : f32
    %mul3A_210 = vector.broadcast %mul3A_209 : f32 to vector<16xf32>
    %mul3A_211 = arith.mulf %mul3A_210, %max3A_182 : vector<16xf32>
    %mul3A_212 = arith.mulf %mul3A_211, %mul3A_208 : vector<16xf32>
    %mul3A_213 = arith.mulf %mul3A_212, %mul3A_208 : vector<16xf32>
    %sub3A_214 = arith.constant 1.500000e+00 : f32
    %sub3A_215 = vector.broadcast %sub3A_214 : f32 to vector<16xf32>
    %sub3A_216 = arith.subf %sub3A_215, %mul3A_213 : vector<16xf32>
    %mul3A_217 = arith.mulf %mul3A_208, %sub3A_216 : vector<16xf32>
    %mul3A_218 = arith.mulf %max3A_182, %mul3A_217 : vector<16xf32>
    %jit3A_219 = arith.constant 0.000000e+00 : f32
    %broadcast_in_dim3A_220 = vector.broadcast %jit3A_219 : f32 to vector<16xf32>
    %select_n3A_221 = arith.select %lt3A_169, %mul3A_218, %broadcast_in_dim3A_220 : vector<16xi1>, vector<16xf32>
    %add3A_222 = arith.addf %add3A_163, %select_n3A_221 : vector<16xf32>
    %add3A_223 = arith.constant 32 : i32
    %add3A_224 = vector.broadcast %add3A_223 : i32 to vector<16xi32>
    %add3A_225 = arith.addi %iota3A, %add3A_224 : vector<16xi32>
    %lt3A_226 = arith.constant 96 : i32
    %lt3A_227 = vector.broadcast %lt3A_226 : i32 to vector<16xi32>
    %lt3A_228 = arith.cmpi slt, %add3A_225, %lt3A_227 : vector<16xi32>
    %jit3A_229 = arith.constant 0x7F800000 : f32
    %broadcast_in_dim3A_230 = vector.broadcast %jit3A_229 : f32 to vector<16xf32>
    %select_n3A_231 = arith.select %lt3A_228, %scan3A_109#3, %broadcast_in_dim3A_230 : vector<16xi1>, vector<16xf32>
    %min3A_232 = arith.minimumf %min3A_173, %select_n3A_231 : vector<16xf32>
    %max3A_233 = arith.maximumf %min3A_173, %select_n3A_231 : vector<16xf32>
    %min3A_234 = arith.minimumf %min3A_175, %max3A_233 : vector<16xf32>
    %max3A_235 = arith.maximumf %min3A_175, %max3A_233 : vector<16xf32>
    %min3A_236 = arith.minimumf %min3A_177, %max3A_235 : vector<16xf32>
    %max3A_237 = arith.maximumf %min3A_177, %max3A_235 : vector<16xf32>
    %min3A_238 = arith.minimumf %min3A_179, %max3A_237 : vector<16xf32>
    %max3A_239 = arith.constant 1.000000e-30 : f32
    %max3A_240 = vector.broadcast %max3A_239 : f32 to vector<16xf32>
    %max3A_241 = arith.maximumf %scan3A_109#3, %max3A_240 : vector<16xf32>
    %bitcast_convert_type3A_242 = tpu.bitcast %max3A_241 : vector<16xf32> -> vector<16xi32>
    %shift_right_logical3A_243 = arith.constant 1 : i32
    %shift_right_logical3A_244 = vector.broadcast %shift_right_logical3A_243 : i32 to vector<16xi32>
    %shift_right_logical3A_245 = arith.shrui %bitcast_convert_type3A_242, %shift_right_logical3A_244 : vector<16xi32>
    %sub3A_246 = arith.constant 1597463007 : i32
    %sub3A_247 = vector.broadcast %sub3A_246 : i32 to vector<16xi32>
    %sub3A_248 = arith.subi %sub3A_247, %shift_right_logical3A_245 : vector<16xi32>
    %bitcast_convert_type3A_249 = tpu.bitcast %sub3A_248 : vector<16xi32> -> vector<16xf32>
    %mul3A_250 = arith.constant 5.000000e-01 : f32
    %mul3A_251 = vector.broadcast %mul3A_250 : f32 to vector<16xf32>
    %mul3A_252 = arith.mulf %mul3A_251, %max3A_241 : vector<16xf32>
    %mul3A_253 = arith.mulf %mul3A_252, %bitcast_convert_type3A_249 : vector<16xf32>
    %mul3A_254 = arith.mulf %mul3A_253, %bitcast_convert_type3A_249 : vector<16xf32>
    %sub3A_255 = arith.constant 1.500000e+00 : f32
    %sub3A_256 = vector.broadcast %sub3A_255 : f32 to vector<16xf32>
    %sub3A_257 = arith.subf %sub3A_256, %mul3A_254 : vector<16xf32>
    %mul3A_258 = arith.mulf %bitcast_convert_type3A_249, %sub3A_257 : vector<16xf32>
    %mul3A_259 = arith.constant 5.000000e-01 : f32
    %mul3A_260 = vector.broadcast %mul3A_259 : f32 to vector<16xf32>
    %mul3A_261 = arith.mulf %mul3A_260, %max3A_241 : vector<16xf32>
    %mul3A_262 = arith.mulf %mul3A_261, %mul3A_258 : vector<16xf32>
    %mul3A_263 = arith.mulf %mul3A_262, %mul3A_258 : vector<16xf32>
    %sub3A_264 = arith.constant 1.500000e+00 : f32
    %sub3A_265 = vector.broadcast %sub3A_264 : f32 to vector<16xf32>
    %sub3A_266 = arith.subf %sub3A_265, %mul3A_263 : vector<16xf32>
    %mul3A_267 = arith.mulf %mul3A_258, %sub3A_266 : vector<16xf32>
    %mul3A_268 = arith.constant 5.000000e-01 : f32
    %mul3A_269 = vector.broadcast %mul3A_268 : f32 to vector<16xf32>
    %mul3A_270 = arith.mulf %mul3A_269, %max3A_241 : vector<16xf32>
    %mul3A_271 = arith.mulf %mul3A_270, %mul3A_267 : vector<16xf32>
    %mul3A_272 = arith.mulf %mul3A_271, %mul3A_267 : vector<16xf32>
    %sub3A_273 = arith.constant 1.500000e+00 : f32
    %sub3A_274 = vector.broadcast %sub3A_273 : f32 to vector<16xf32>
    %sub3A_275 = arith.subf %sub3A_274, %mul3A_272 : vector<16xf32>
    %mul3A_276 = arith.mulf %mul3A_267, %sub3A_275 : vector<16xf32>
    %mul3A_277 = arith.mulf %max3A_241, %mul3A_276 : vector<16xf32>
    %jit3A_278 = arith.constant 0.000000e+00 : f32
    %broadcast_in_dim3A_279 = vector.broadcast %jit3A_278 : f32 to vector<16xf32>
    %select_n3A_280 = arith.select %lt3A_228, %mul3A_277, %broadcast_in_dim3A_279 : vector<16xi1>, vector<16xf32>
    %add3A_281 = arith.addf %add3A_222, %select_n3A_280 : vector<16xf32>
    %add3A_282 = arith.constant 48 : i32
    %add3A_283 = vector.broadcast %add3A_282 : i32 to vector<16xi32>
    %add3A_284 = arith.addi %iota3A, %add3A_283 : vector<16xi32>
    %lt3A_285 = arith.constant 96 : i32
    %lt3A_286 = vector.broadcast %lt3A_285 : i32 to vector<16xi32>
    %lt3A_287 = arith.cmpi slt, %add3A_284, %lt3A_286 : vector<16xi32>
    %jit3A_288 = arith.constant 0x7F800000 : f32
    %broadcast_in_dim3A_289 = vector.broadcast %jit3A_288 : f32 to vector<16xf32>
    %select_n3A_290 = arith.select %lt3A_287, %scan3A_109#4, %broadcast_in_dim3A_289 : vector<16xi1>, vector<16xf32>
    %min3A_291 = arith.minimumf %min3A_232, %select_n3A_290 : vector<16xf32>
    %max3A_292 = arith.maximumf %min3A_232, %select_n3A_290 : vector<16xf32>
    %min3A_293 = arith.minimumf %min3A_234, %max3A_292 : vector<16xf32>
    %max3A_294 = arith.maximumf %min3A_234, %max3A_292 : vector<16xf32>
    %min3A_295 = arith.minimumf %min3A_236, %max3A_294 : vector<16xf32>
    %max3A_296 = arith.maximumf %min3A_236, %max3A_294 : vector<16xf32>
    %min3A_297 = arith.minimumf %min3A_238, %max3A_296 : vector<16xf32>
    %max3A_298 = arith.constant 1.000000e-30 : f32
    %max3A_299 = vector.broadcast %max3A_298 : f32 to vector<16xf32>
    %max3A_300 = arith.maximumf %scan3A_109#4, %max3A_299 : vector<16xf32>
    %bitcast_convert_type3A_301 = tpu.bitcast %max3A_300 : vector<16xf32> -> vector<16xi32>
    %shift_right_logical3A_302 = arith.constant 1 : i32
    %shift_right_logical3A_303 = vector.broadcast %shift_right_logical3A_302 : i32 to vector<16xi32>
    %shift_right_logical3A_304 = arith.shrui %bitcast_convert_type3A_301, %shift_right_logical3A_303 : vector<16xi32>
    %sub3A_305 = arith.constant 1597463007 : i32
    %sub3A_306 = vector.broadcast %sub3A_305 : i32 to vector<16xi32>
    %sub3A_307 = arith.subi %sub3A_306, %shift_right_logical3A_304 : vector<16xi32>
    %bitcast_convert_type3A_308 = tpu.bitcast %sub3A_307 : vector<16xi32> -> vector<16xf32>
    %mul3A_309 = arith.constant 5.000000e-01 : f32
    %mul3A_310 = vector.broadcast %mul3A_309 : f32 to vector<16xf32>
    %mul3A_311 = arith.mulf %mul3A_310, %max3A_300 : vector<16xf32>
    %mul3A_312 = arith.mulf %mul3A_311, %bitcast_convert_type3A_308 : vector<16xf32>
    %mul3A_313 = arith.mulf %mul3A_312, %bitcast_convert_type3A_308 : vector<16xf32>
    %sub3A_314 = arith.constant 1.500000e+00 : f32
    %sub3A_315 = vector.broadcast %sub3A_314 : f32 to vector<16xf32>
    %sub3A_316 = arith.subf %sub3A_315, %mul3A_313 : vector<16xf32>
    %mul3A_317 = arith.mulf %bitcast_convert_type3A_308, %sub3A_316 : vector<16xf32>
    %mul3A_318 = arith.constant 5.000000e-01 : f32
    %mul3A_319 = vector.broadcast %mul3A_318 : f32 to vector<16xf32>
    %mul3A_320 = arith.mulf %mul3A_319, %max3A_300 : vector<16xf32>
    %mul3A_321 = arith.mulf %mul3A_320, %mul3A_317 : vector<16xf32>
    %mul3A_322 = arith.mulf %mul3A_321, %mul3A_317 : vector<16xf32>
    %sub3A_323 = arith.constant 1.500000e+00 : f32
    %sub3A_324 = vector.broadcast %sub3A_323 : f32 to vector<16xf32>
    %sub3A_325 = arith.subf %sub3A_324, %mul3A_322 : vector<16xf32>
    %mul3A_326 = arith.mulf %mul3A_317, %sub3A_325 : vector<16xf32>
    %mul3A_327 = arith.constant 5.000000e-01 : f32
    %mul3A_328 = vector.broadcast %mul3A_327 : f32 to vector<16xf32>
    %mul3A_329 = arith.mulf %mul3A_328, %max3A_300 : vector<16xf32>
    %mul3A_330 = arith.mulf %mul3A_329, %mul3A_326 : vector<16xf32>
    %mul3A_331 = arith.mulf %mul3A_330, %mul3A_326 : vector<16xf32>
    %sub3A_332 = arith.constant 1.500000e+00 : f32
    %sub3A_333 = vector.broadcast %sub3A_332 : f32 to vector<16xf32>
    %sub3A_334 = arith.subf %sub3A_333, %mul3A_331 : vector<16xf32>
    %mul3A_335 = arith.mulf %mul3A_326, %sub3A_334 : vector<16xf32>
    %mul3A_336 = arith.mulf %max3A_300, %mul3A_335 : vector<16xf32>
    %jit3A_337 = arith.constant 0.000000e+00 : f32
    %broadcast_in_dim3A_338 = vector.broadcast %jit3A_337 : f32 to vector<16xf32>
    %select_n3A_339 = arith.select %lt3A_287, %mul3A_336, %broadcast_in_dim3A_338 : vector<16xi1>, vector<16xf32>
    %add3A_340 = arith.addf %add3A_281, %select_n3A_339 : vector<16xf32>
    %add3A_341 = arith.constant 64 : i32
    %add3A_342 = vector.broadcast %add3A_341 : i32 to vector<16xi32>
    %add3A_343 = arith.addi %iota3A, %add3A_342 : vector<16xi32>
    %lt3A_344 = arith.constant 96 : i32
    %lt3A_345 = vector.broadcast %lt3A_344 : i32 to vector<16xi32>
    %lt3A_346 = arith.cmpi slt, %add3A_343, %lt3A_345 : vector<16xi32>
    %jit3A_347 = arith.constant 0x7F800000 : f32
    %broadcast_in_dim3A_348 = vector.broadcast %jit3A_347 : f32 to vector<16xf32>
    %select_n3A_349 = arith.select %lt3A_346, %scan3A_109#5, %broadcast_in_dim3A_348 : vector<16xi1>, vector<16xf32>
    %min3A_350 = arith.minimumf %min3A_291, %select_n3A_349 : vector<16xf32>
    %max3A_351 = arith.maximumf %min3A_291, %select_n3A_349 : vector<16xf32>
    %min3A_352 = arith.minimumf %min3A_293, %max3A_351 : vector<16xf32>
    %max3A_353 = arith.maximumf %min3A_293, %max3A_351 : vector<16xf32>
    %min3A_354 = arith.minimumf %min3A_295, %max3A_353 : vector<16xf32>
    %max3A_355 = arith.maximumf %min3A_295, %max3A_353 : vector<16xf32>
    %min3A_356 = arith.minimumf %min3A_297, %max3A_355 : vector<16xf32>
    %max3A_357 = arith.constant 1.000000e-30 : f32
    %max3A_358 = vector.broadcast %max3A_357 : f32 to vector<16xf32>
    %max3A_359 = arith.maximumf %scan3A_109#5, %max3A_358 : vector<16xf32>
    %bitcast_convert_type3A_360 = tpu.bitcast %max3A_359 : vector<16xf32> -> vector<16xi32>
    %shift_right_logical3A_361 = arith.constant 1 : i32
    %shift_right_logical3A_362 = vector.broadcast %shift_right_logical3A_361 : i32 to vector<16xi32>
    %shift_right_logical3A_363 = arith.shrui %bitcast_convert_type3A_360, %shift_right_logical3A_362 : vector<16xi32>
    %sub3A_364 = arith.constant 1597463007 : i32
    %sub3A_365 = vector.broadcast %sub3A_364 : i32 to vector<16xi32>
    %sub3A_366 = arith.subi %sub3A_365, %shift_right_logical3A_363 : vector<16xi32>
    %bitcast_convert_type3A_367 = tpu.bitcast %sub3A_366 : vector<16xi32> -> vector<16xf32>
    %mul3A_368 = arith.constant 5.000000e-01 : f32
    %mul3A_369 = vector.broadcast %mul3A_368 : f32 to vector<16xf32>
    %mul3A_370 = arith.mulf %mul3A_369, %max3A_359 : vector<16xf32>
    %mul3A_371 = arith.mulf %mul3A_370, %bitcast_convert_type3A_367 : vector<16xf32>
    %mul3A_372 = arith.mulf %mul3A_371, %bitcast_convert_type3A_367 : vector<16xf32>
    %sub3A_373 = arith.constant 1.500000e+00 : f32
    %sub3A_374 = vector.broadcast %sub3A_373 : f32 to vector<16xf32>
    %sub3A_375 = arith.subf %sub3A_374, %mul3A_372 : vector<16xf32>
    %mul3A_376 = arith.mulf %bitcast_convert_type3A_367, %sub3A_375 : vector<16xf32>
    %mul3A_377 = arith.constant 5.000000e-01 : f32
    %mul3A_378 = vector.broadcast %mul3A_377 : f32 to vector<16xf32>
    %mul3A_379 = arith.mulf %mul3A_378, %max3A_359 : vector<16xf32>
    %mul3A_380 = arith.mulf %mul3A_379, %mul3A_376 : vector<16xf32>
    %mul3A_381 = arith.mulf %mul3A_380, %mul3A_376 : vector<16xf32>
    %sub3A_382 = arith.constant 1.500000e+00 : f32
    %sub3A_383 = vector.broadcast %sub3A_382 : f32 to vector<16xf32>
    %sub3A_384 = arith.subf %sub3A_383, %mul3A_381 : vector<16xf32>
    %mul3A_385 = arith.mulf %mul3A_376, %sub3A_384 : vector<16xf32>
    %mul3A_386 = arith.constant 5.000000e-01 : f32
    %mul3A_387 = vector.broadcast %mul3A_386 : f32 to vector<16xf32>
    %mul3A_388 = arith.mulf %mul3A_387, %max3A_359 : vector<16xf32>
    %mul3A_389 = arith.mulf %mul3A_388, %mul3A_385 : vector<16xf32>
    %mul3A_390 = arith.mulf %mul3A_389, %mul3A_385 : vector<16xf32>
    %sub3A_391 = arith.constant 1.500000e+00 : f32
    %sub3A_392 = vector.broadcast %sub3A_391 : f32 to vector<16xf32>
    %sub3A_393 = arith.subf %sub3A_392, %mul3A_390 : vector<16xf32>
    %mul3A_394 = arith.mulf %mul3A_385, %sub3A_393 : vector<16xf32>
    %mul3A_395 = arith.mulf %max3A_359, %mul3A_394 : vector<16xf32>
    %jit3A_396 = arith.constant 0.000000e+00 : f32
    %broadcast_in_dim3A_397 = vector.broadcast %jit3A_396 : f32 to vector<16xf32>
    %select_n3A_398 = arith.select %lt3A_346, %mul3A_395, %broadcast_in_dim3A_397 : vector<16xi1>, vector<16xf32>
    %add3A_399 = arith.addf %add3A_340, %select_n3A_398 : vector<16xf32>
    %add3A_400 = arith.constant 80 : i32
    %add3A_401 = vector.broadcast %add3A_400 : i32 to vector<16xi32>
    %add3A_402 = arith.addi %iota3A, %add3A_401 : vector<16xi32>
    %lt3A_403 = arith.constant 96 : i32
    %lt3A_404 = vector.broadcast %lt3A_403 : i32 to vector<16xi32>
    %lt3A_405 = arith.cmpi slt, %add3A_402, %lt3A_404 : vector<16xi32>
    %jit3A_406 = arith.constant 0x7F800000 : f32
    %broadcast_in_dim3A_407 = vector.broadcast %jit3A_406 : f32 to vector<16xf32>
    %select_n3A_408 = arith.select %lt3A_405, %scan3A_109#6, %broadcast_in_dim3A_407 : vector<16xi1>, vector<16xf32>
    %min3A_409 = arith.minimumf %min3A_350, %select_n3A_408 : vector<16xf32>
    %max3A_410 = arith.maximumf %min3A_350, %select_n3A_408 : vector<16xf32>
    %min3A_411 = arith.minimumf %min3A_352, %max3A_410 : vector<16xf32>
    %max3A_412 = arith.maximumf %min3A_352, %max3A_410 : vector<16xf32>
    %min3A_413 = arith.minimumf %min3A_354, %max3A_412 : vector<16xf32>
    %max3A_414 = arith.maximumf %min3A_354, %max3A_412 : vector<16xf32>
    %min3A_415 = arith.minimumf %min3A_356, %max3A_414 : vector<16xf32>
    %max3A_416 = arith.constant 1.000000e-30 : f32
    %max3A_417 = vector.broadcast %max3A_416 : f32 to vector<16xf32>
    %max3A_418 = arith.maximumf %scan3A_109#6, %max3A_417 : vector<16xf32>
    %bitcast_convert_type3A_419 = tpu.bitcast %max3A_418 : vector<16xf32> -> vector<16xi32>
    %shift_right_logical3A_420 = arith.constant 1 : i32
    %shift_right_logical3A_421 = vector.broadcast %shift_right_logical3A_420 : i32 to vector<16xi32>
    %shift_right_logical3A_422 = arith.shrui %bitcast_convert_type3A_419, %shift_right_logical3A_421 : vector<16xi32>
    %sub3A_423 = arith.constant 1597463007 : i32
    %sub3A_424 = vector.broadcast %sub3A_423 : i32 to vector<16xi32>
    %sub3A_425 = arith.subi %sub3A_424, %shift_right_logical3A_422 : vector<16xi32>
    %bitcast_convert_type3A_426 = tpu.bitcast %sub3A_425 : vector<16xi32> -> vector<16xf32>
    %mul3A_427 = arith.constant 5.000000e-01 : f32
    %mul3A_428 = vector.broadcast %mul3A_427 : f32 to vector<16xf32>
    %mul3A_429 = arith.mulf %mul3A_428, %max3A_418 : vector<16xf32>
    %mul3A_430 = arith.mulf %mul3A_429, %bitcast_convert_type3A_426 : vector<16xf32>
    %mul3A_431 = arith.mulf %mul3A_430, %bitcast_convert_type3A_426 : vector<16xf32>
    %sub3A_432 = arith.constant 1.500000e+00 : f32
    %sub3A_433 = vector.broadcast %sub3A_432 : f32 to vector<16xf32>
    %sub3A_434 = arith.subf %sub3A_433, %mul3A_431 : vector<16xf32>
    %mul3A_435 = arith.mulf %bitcast_convert_type3A_426, %sub3A_434 : vector<16xf32>
    %mul3A_436 = arith.constant 5.000000e-01 : f32
    %mul3A_437 = vector.broadcast %mul3A_436 : f32 to vector<16xf32>
    %mul3A_438 = arith.mulf %mul3A_437, %max3A_418 : vector<16xf32>
    %mul3A_439 = arith.mulf %mul3A_438, %mul3A_435 : vector<16xf32>
    %mul3A_440 = arith.mulf %mul3A_439, %mul3A_435 : vector<16xf32>
    %sub3A_441 = arith.constant 1.500000e+00 : f32
    %sub3A_442 = vector.broadcast %sub3A_441 : f32 to vector<16xf32>
    %sub3A_443 = arith.subf %sub3A_442, %mul3A_440 : vector<16xf32>
    %mul3A_444 = arith.mulf %mul3A_435, %sub3A_443 : vector<16xf32>
    %mul3A_445 = arith.constant 5.000000e-01 : f32
    %mul3A_446 = vector.broadcast %mul3A_445 : f32 to vector<16xf32>
    %mul3A_447 = arith.mulf %mul3A_446, %max3A_418 : vector<16xf32>
    %mul3A_448 = arith.mulf %mul3A_447, %mul3A_444 : vector<16xf32>
    %mul3A_449 = arith.mulf %mul3A_448, %mul3A_444 : vector<16xf32>
    %sub3A_450 = arith.constant 1.500000e+00 : f32
    %sub3A_451 = vector.broadcast %sub3A_450 : f32 to vector<16xf32>
    %sub3A_452 = arith.subf %sub3A_451, %mul3A_449 : vector<16xf32>
    %mul3A_453 = arith.mulf %mul3A_444, %sub3A_452 : vector<16xf32>
    %mul3A_454 = arith.mulf %max3A_418, %mul3A_453 : vector<16xf32>
    %jit3A_455 = arith.constant 0.000000e+00 : f32
    %broadcast_in_dim3A_456 = vector.broadcast %jit3A_455 : f32 to vector<16xf32>
    %select_n3A_457 = arith.select %lt3A_405, %mul3A_454, %broadcast_in_dim3A_456 : vector<16xi1>, vector<16xf32>
    %add3A_458 = arith.addf %add3A_399, %select_n3A_457 : vector<16xf32>
    %swap3A_459 = arith.constant 0 : index
    %swap3A_460 = tpu.vector_load %arg9[%swap3A_459] {strides = array<i32>} : memref<80xf32, #tpu.memory_space<vmem>>, vector<16xf32>,
    tpu.vector_store %arg9[%swap3A_459], %add3A_458 {strides = array<i32>} : memref<80xf32, #tpu.memory_space<vmem>>, vector<16xf32>,
    %swap3A_461 = arith.constant 16 : index
    %swap3A_462 = tpu.vector_load %arg9[%swap3A_461] {strides = array<i32>} : memref<80xf32, #tpu.memory_space<vmem>>, vector<16xf32>,
    tpu.vector_store %arg9[%swap3A_461], %min3A_409 {strides = array<i32>} : memref<80xf32, #tpu.memory_space<vmem>>, vector<16xf32>,
    %swap3A_463 = arith.constant 32 : index
    %swap3A_464 = tpu.vector_load %arg9[%swap3A_463] {strides = array<i32>} : memref<80xf32, #tpu.memory_space<vmem>>, vector<16xf32>,
    tpu.vector_store %arg9[%swap3A_463], %min3A_411 {strides = array<i32>} : memref<80xf32, #tpu.memory_space<vmem>>, vector<16xf32>,
    %swap3A_465 = arith.constant 48 : index
    %swap3A_466 = tpu.vector_load %arg9[%swap3A_465] {strides = array<i32>} : memref<80xf32, #tpu.memory_space<vmem>>, vector<16xf32>,
    tpu.vector_store %arg9[%swap3A_465], %min3A_413 {strides = array<i32>} : memref<80xf32, #tpu.memory_space<vmem>>, vector<16xf32>,
    %swap3A_467 = arith.constant 64 : index
    %swap3A_468 = tpu.vector_load %arg9[%swap3A_467] {strides = array<i32>} : memref<80xf32, #tpu.memory_space<vmem>>, vector<16xf32>,
    tpu.vector_store %arg9[%swap3A_467], %min3A_415 {strides = array<i32>} : memref<80xf32, #tpu.memory_space<vmem>>, vector<16xf32>,
    %mul3A_469 = arith.constant 80 : i32
    %mul3A_470 = arith.muli %add3A, %mul3A_469 : i32
    "tpu.region"() ({
      %run_scoped3A = tpu.sem_alloc : memref<!tpu.dma_semaphore, #tpu.memory_space<semaphore_mem>>
      %dma_start3A_471 = tpu.memref_slice %arg4[%mul3A_470] : memref<2560xf32, #tpu.memory_space<hbm>> -> memref<80xf32, #tpu.memory_space<hbm>>
      %dma_start3A_472 = tpu.memref_slice %arg4[%mul3A_470] : memref<2560xf32, #tpu.memory_space<hbm>> -> memref<80xf32, #tpu.memory_space<hbm>>
      tpu.enqueue_dma source(%arg9 : memref<80xf32, #tpu.memory_space<vmem>>) target(%dma_start3A_472 : memref<80xf32, #tpu.memory_space<hbm>>) target_semaphore(%run_scoped3A : memref<!tpu.dma_semaphore, #tpu.memory_space<semaphore_mem>>)
      %dma_wait3A_473 = tpu.memref_slice %arg4[%mul3A_470] : memref<2560xf32, #tpu.memory_space<hbm>> -> memref<80xf32, #tpu.memory_space<hbm>>
      %dma_wait3A_474 = tpu.memref_slice %arg4[%mul3A_470] : memref<2560xf32, #tpu.memory_space<hbm>> -> memref<80xf32, #tpu.memory_space<hbm>>
      tpu.wait_dma2 semaphore(%run_scoped3A : memref<!tpu.dma_semaphore, #tpu.memory_space<semaphore_mem>>) src(%arg9 : memref<80xf32, #tpu.memory_space<vmem>>) dst(%dma_wait3A_474 : memref<80xf32, #tpu.memory_space<hbm>>)
      tpu.yield
    }) : () -> ()
    return
  }
}

module attributes {stable_mosaic.version = 14 : i64} {
  func.func @_tc_dist(%arg0: i32, %arg1: memref<1x128xf32, #tpu.memory_space<vmem>>, %arg2: memref<1024x128xf32, #tpu.memory_space<vmem>>, %arg3: memref<1024xf32, #tpu.memory_space<vmem>>, %arg4: memref<1024xf32, #tpu.memory_space<vmem>>, %arg5: memref<1024xf32, #tpu.memory_space<vmem>>, %arg6: memref<1024xf32, #tpu.memory_space<vmem>>, %arg7: memref<1024xf32, #tpu.memory_space<vmem>>, %arg8: memref<1024xf32, #tpu.memory_space<vmem>>, %arg9: memref<1024xf32, #tpu.memory_space<vmem>>, %arg10: memref<1024xf32, #tpu.memory_space<vmem>>, %arg11: memref<1024xf32, #tpu.memory_space<vmem>>, %arg12: memref<1024xf32, #tpu.memory_space<vmem>>) attributes {dimension_semantics = [#tpu.dimension_semantics<arbitrary>], iteration_bounds = array<i64: 31>, scalar_prefetch = 0 : i64, scratch_operands = 5 : i64, tpu.core_type = #tpu.core_type<tc>, window_params = [{pipeline_mode = #tpu.pipeline_mode<synchronous>, transform_indices = @transform_0, window_bounds = array<i64: 1, 128>}, {transform_indices = @transform_1, window_bounds = array<i64: 1024, 128>}, {pipeline_mode = #tpu.pipeline_mode<synchronous>, transform_indices = @transform_2, window_bounds = array<i64: 1024>}, {pipeline_mode = #tpu.pipeline_mode<synchronous>, transform_indices = @transform_3, window_bounds = array<i64: 1024>}, {pipeline_mode = #tpu.pipeline_mode<synchronous>, transform_indices = @transform_4, window_bounds = array<i64: 1024>}, {pipeline_mode = #tpu.pipeline_mode<synchronous>, transform_indices = @transform_5, window_bounds = array<i64: 1024>}, {pipeline_mode = #tpu.pipeline_mode<synchronous>, transform_indices = @transform_6, window_bounds = array<i64: 1024>}]} {
    %eq3A = arith.constant 0 : i32
    %eq3A_0 = arith.cmpi eq, %arg0, %eq3A : i32
    %convert_element_type3A = arith.extui %eq3A_0 : i1 to i32
    %cond3A = arith.constant 0 : i32
    %cond3A_1 = arith.cmpi ne, %convert_element_type3A, %cond3A : i32
    scf.if %cond3A_1 {
      %broadcast_in_dim3A_53 = arith.constant 0.000000e+00 : f32
      %broadcast_in_dim3A_54 = vector.broadcast %broadcast_in_dim3A_53 : f32 to vector<1024xf32>
      %swap3A_55 = arith.constant 0 : index
      %swap3A_56 = vector.load %arg8[%swap3A_55] : memref<1024xf32, #tpu.memory_space<vmem>>, vector<1024xf32>
      tpu.vector_store %arg8[%swap3A_55], %broadcast_in_dim3A_54 {strides = array<i32>} : memref<1024xf32, #tpu.memory_space<vmem>>, vector<1024xf32>,
      %broadcast_in_dim3A_57 = arith.constant 0x7F800000 : f32
      %broadcast_in_dim3A_58 = vector.broadcast %broadcast_in_dim3A_57 : f32 to vector<1024xf32>
      %swap3A_59 = arith.constant 0 : index
      %swap3A_60 = vector.load %arg9[%swap3A_59] : memref<1024xf32, #tpu.memory_space<vmem>>, vector<1024xf32>
      tpu.vector_store %arg9[%swap3A_59], %broadcast_in_dim3A_58 {strides = array<i32>} : memref<1024xf32, #tpu.memory_space<vmem>>, vector<1024xf32>,
      %broadcast_in_dim3A_61 = arith.constant 0x7F800000 : f32
      %broadcast_in_dim3A_62 = vector.broadcast %broadcast_in_dim3A_61 : f32 to vector<1024xf32>
      %swap3A_63 = arith.constant 0 : index
      %swap3A_64 = vector.load %arg10[%swap3A_63] : memref<1024xf32, #tpu.memory_space<vmem>>, vector<1024xf32>
      tpu.vector_store %arg10[%swap3A_63], %broadcast_in_dim3A_62 {strides = array<i32>} : memref<1024xf32, #tpu.memory_space<vmem>>, vector<1024xf32>,
      %broadcast_in_dim3A_65 = arith.constant 0x7F800000 : f32
      %broadcast_in_dim3A_66 = vector.broadcast %broadcast_in_dim3A_65 : f32 to vector<1024xf32>
      %swap3A_67 = arith.constant 0 : index
      %swap3A_68 = vector.load %arg11[%swap3A_67] : memref<1024xf32, #tpu.memory_space<vmem>>, vector<1024xf32>
      tpu.vector_store %arg11[%swap3A_67], %broadcast_in_dim3A_66 {strides = array<i32>} : memref<1024xf32, #tpu.memory_space<vmem>>, vector<1024xf32>,
      %broadcast_in_dim3A_69 = arith.constant 0x7F800000 : f32
      %broadcast_in_dim3A_70 = vector.broadcast %broadcast_in_dim3A_69 : f32 to vector<1024xf32>
      %swap3A_71 = arith.constant 0 : index
      %swap3A_72 = vector.load %arg12[%swap3A_71] : memref<1024xf32, #tpu.memory_space<vmem>>, vector<1024xf32>
      tpu.vector_store %arg12[%swap3A_71], %broadcast_in_dim3A_70 {strides = array<i32>} : memref<1024xf32, #tpu.memory_space<vmem>>, vector<1024xf32>,
    } else {
    }
    %get3A = arith.constant 0 : index
    %get3A_2 = arith.constant 0 : index
    %get3A_3 = vector.load %arg1[%get3A, %get3A_2] : memref<1x128xf32, #tpu.memory_space<vmem>>, vector<1x128xf32>
    %sub3A = arith.constant 9.99999997E-7 : f32
    %sub3A_4 = vector.broadcast %sub3A : f32 to vector<1x128xf32>
    %sub3A_5 = arith.subf %get3A_3, %sub3A_4 : vector<1x128xf32>
    %get3A_6 = arith.constant 0 : index
    %get3A_7 = arith.constant 0 : index
    %get3A_8 = vector.load %arg2[%get3A_6, %get3A_7] : memref<1024x128xf32, #tpu.memory_space<vmem>>, vector<1024x128xf32>
    %sub3A_9 = vector.broadcast %sub3A_5 : vector<1x128xf32> to vector<1024x128xf32>
    %sub3A_10 = arith.subf %get3A_8, %sub3A_9 : vector<1024x128xf32>
    %mul3A = arith.mulf %sub3A_10, %sub3A_10 : vector<1024x128xf32>
    %reduce_sum3A = arith.constant dense<0.000000e+00> : vector<1024xf32>
    %reduce_sum3A_11 = vector.multi_reduction <add>, %mul3A, %reduce_sum3A [1] : vector<1024x128xf32> to vector<1024xf32>
    %mul3A_12 = arith.constant 1024 : i32
    %mul3A_13 = arith.muli %arg0, %mul3A_12 : i32
    %add3A = arith.constant 68608 : i32
    %add3A_14 = arith.addi %add3A, %mul3A_13 : i32
    %iota3A = tpu.iota {dimensions = array<i32: 1>} : vector<1x1024xi32>
    %iota3A_15 = vector.shape_cast %iota3A : vector<1x1024xi32> to vector<1024xi32>
    %add3A_16 = vector.broadcast %add3A_14 : i32 to vector<1024xi32>
    %add3A_17 = arith.addi %add3A_16, %iota3A_15 : vector<1024xi32>
    %lt3A = arith.constant 100000 : i32
    %lt3A_18 = vector.broadcast %lt3A : i32 to vector<1024xi32>
    %lt3A_19 = arith.cmpi slt, %add3A_17, %lt3A_18 : vector<1024xi32>
    %jit3A = arith.constant 0x7F800000 : f32
    %broadcast_in_dim3A = vector.broadcast %jit3A : f32 to vector<1024xf32>
    %select_n3A = arith.select %lt3A_19, %reduce_sum3A_11, %broadcast_in_dim3A : vector<1024xi1>, vector<1024xf32>
    %get3A_20 = arith.constant 0 : index
    %get3A_21 = vector.load %arg9[%get3A_20] : memref<1024xf32, #tpu.memory_space<vmem>>, vector<1024xf32>
    %get3A_22 = arith.constant 0 : index
    %get3A_23 = vector.load %arg10[%get3A_22] : memref<1024xf32, #tpu.memory_space<vmem>>, vector<1024xf32>
    %get3A_24 = arith.constant 0 : index
    %get3A_25 = vector.load %arg11[%get3A_24] : memref<1024xf32, #tpu.memory_space<vmem>>, vector<1024xf32>
    %get3A_26 = arith.constant 0 : index
    %get3A_27 = vector.load %arg12[%get3A_26] : memref<1024xf32, #tpu.memory_space<vmem>>, vector<1024xf32>
    %min3A = arith.minimumf %get3A_21, %select_n3A : vector<1024xf32>
    %max3A = arith.maximumf %get3A_21, %select_n3A : vector<1024xf32>
    %min3A_28 = arith.minimumf %get3A_23, %max3A : vector<1024xf32>
    %max3A_29 = arith.maximumf %get3A_23, %max3A : vector<1024xf32>
    %min3A_30 = arith.minimumf %get3A_25, %max3A_29 : vector<1024xf32>
    %max3A_31 = arith.maximumf %get3A_25, %max3A_29 : vector<1024xf32>
    %min3A_32 = arith.minimumf %get3A_27, %max3A_31 : vector<1024xf32>
    %swap3A = arith.constant 0 : index
    %swap3A_33 = vector.load %arg9[%swap3A] : memref<1024xf32, #tpu.memory_space<vmem>>, vector<1024xf32>
    tpu.vector_store %arg9[%swap3A], %min3A {strides = array<i32>} : memref<1024xf32, #tpu.memory_space<vmem>>, vector<1024xf32>,
    %swap3A_34 = arith.constant 0 : index
    %swap3A_35 = vector.load %arg10[%swap3A_34] : memref<1024xf32, #tpu.memory_space<vmem>>, vector<1024xf32>
    tpu.vector_store %arg10[%swap3A_34], %min3A_28 {strides = array<i32>} : memref<1024xf32, #tpu.memory_space<vmem>>, vector<1024xf32>,
    %swap3A_36 = arith.constant 0 : index
    %swap3A_37 = vector.load %arg11[%swap3A_36] : memref<1024xf32, #tpu.memory_space<vmem>>, vector<1024xf32>
    tpu.vector_store %arg11[%swap3A_36], %min3A_30 {strides = array<i32>} : memref<1024xf32, #tpu.memory_space<vmem>>, vector<1024xf32>,
    %swap3A_38 = arith.constant 0 : index
    %swap3A_39 = vector.load %arg12[%swap3A_38] : memref<1024xf32, #tpu.memory_space<vmem>>, vector<1024xf32>
    tpu.vector_store %arg12[%swap3A_38], %min3A_32 {strides = array<i32>} : memref<1024xf32, #tpu.memory_space<vmem>>, vector<1024xf32>,
    %get3A_40 = arith.constant 0 : index
    %get3A_41 = vector.load %arg8[%get3A_40] : memref<1024xf32, #tpu.memory_space<vmem>>, vector<1024xf32>
    %sqrt3A = math.sqrt %reduce_sum3A_11 : vector<1024xf32>
    %jit3A_42 = arith.constant 0.000000e+00 : f32
    %broadcast_in_dim3A_43 = vector.broadcast %jit3A_42 : f32 to vector<1024xf32>
    %select_n3A_44 = arith.select %lt3A_19, %sqrt3A, %broadcast_in_dim3A_43 : vector<1024xi1>, vector<1024xf32>
    %add3A_45 = arith.addf %get3A_41, %select_n3A_44 : vector<1024xf32>
    %swap3A_46 = arith.constant 0 : index
    %swap3A_47 = vector.load %arg8[%swap3A_46] : memref<1024xf32, #tpu.memory_space<vmem>>, vector<1024xf32>
    tpu.vector_store %arg8[%swap3A_46], %add3A_45 {strides = array<i32>} : memref<1024xf32, #tpu.memory_space<vmem>>, vector<1024xf32>,
    %eq3A_48 = arith.constant 30 : i32
    %eq3A_49 = arith.cmpi eq, %arg0, %eq3A_48 : i32
    %convert_element_type3A_50 = arith.extui %eq3A_49 : i1 to i32
    %cond3A_51 = arith.constant 0 : i32
    %cond3A_52 = arith.cmpi ne, %convert_element_type3A_50, %cond3A_51 : i32
    scf.if %cond3A_52 {
      %get3A_53 = arith.constant 0 : index
      %get3A_54 = vector.load %arg8[%get3A_53] : memref<1024xf32, #tpu.memory_space<vmem>>, vector<1024xf32>
      %swap3A_55 = arith.constant 0 : index
      %swap3A_56 = vector.load %arg3[%swap3A_55] : memref<1024xf32, #tpu.memory_space<vmem>>, vector<1024xf32>
      tpu.vector_store %arg3[%swap3A_55], %get3A_54 {strides = array<i32>} : memref<1024xf32, #tpu.memory_space<vmem>>, vector<1024xf32>,
      %get3A_57 = arith.constant 0 : index
      %get3A_58 = vector.load %arg9[%get3A_57] : memref<1024xf32, #tpu.memory_space<vmem>>, vector<1024xf32>
      %swap3A_59 = arith.constant 0 : index
      %swap3A_60 = vector.load %arg4[%swap3A_59] : memref<1024xf32, #tpu.memory_space<vmem>>, vector<1024xf32>
      tpu.vector_store %arg4[%swap3A_59], %get3A_58 {strides = array<i32>} : memref<1024xf32, #tpu.memory_space<vmem>>, vector<1024xf32>,
      %get3A_61 = arith.constant 0 : index
      %get3A_62 = vector.load %arg10[%get3A_61] : memref<1024xf32, #tpu.memory_space<vmem>>, vector<1024xf32>
      %swap3A_63 = arith.constant 0 : index
      %swap3A_64 = vector.load %arg5[%swap3A_63] : memref<1024xf32, #tpu.memory_space<vmem>>, vector<1024xf32>
      tpu.vector_store %arg5[%swap3A_63], %get3A_62 {strides = array<i32>} : memref<1024xf32, #tpu.memory_space<vmem>>, vector<1024xf32>,
      %get3A_65 = arith.constant 0 : index
      %get3A_66 = vector.load %arg11[%get3A_65] : memref<1024xf32, #tpu.memory_space<vmem>>, vector<1024xf32>
      %swap3A_67 = arith.constant 0 : index
      %swap3A_68 = vector.load %arg6[%swap3A_67] : memref<1024xf32, #tpu.memory_space<vmem>>, vector<1024xf32>
      tpu.vector_store %arg6[%swap3A_67], %get3A_66 {strides = array<i32>} : memref<1024xf32, #tpu.memory_space<vmem>>, vector<1024xf32>,
      %get3A_69 = arith.constant 0 : index
      %get3A_70 = vector.load %arg12[%get3A_69] : memref<1024xf32, #tpu.memory_space<vmem>>, vector<1024xf32>
      %swap3A_71 = arith.constant 0 : index
      %swap3A_72 = vector.load %arg7[%swap3A_71] : memref<1024xf32, #tpu.memory_space<vmem>>, vector<1024xf32>
      tpu.vector_store %arg7[%swap3A_71], %get3A_70 {strides = array<i32>} : memref<1024xf32, #tpu.memory_space<vmem>>, vector<1024xf32>,
    } else {
    }
    return
  }
  func.func @transform_0(%arg0: i32) -> (i32, i32) {
    %c0_i32 = arith.constant 0 : i32
    %c0_i32_0 = arith.constant 0 : i32
    %c0_i32_1 = arith.constant 0 : i32
    return %c0_i32, %c0_i32_0 : i32, i32
  }
  func.func @transform_1(%arg0: i32) -> (i32, i32) {
    %add3A = arith.constant 67 : i32
    %add3A_0 = arith.addi %add3A, %arg0 : i32
    %c0_i32 = arith.constant 0 : i32
    %c0_i32_1 = arith.constant 0 : i32
    return %add3A_0, %c0_i32 : i32, i32
  }
  func.func @transform_2(%arg0: i32) -> i32 {
    %c0_i32 = arith.constant 0 : i32
    %c0_i32_0 = arith.constant 0 : i32
    return %c0_i32 : i32
  }
  func.func @transform_3(%arg0: i32) -> i32 {
    %c0_i32 = arith.constant 0 : i32
    %c0_i32_0 = arith.constant 0 : i32
    return %c0_i32 : i32
  }
  func.func @transform_4(%arg0: i32) -> i32 {
    %c0_i32 = arith.constant 0 : i32
    %c0_i32_0 = arith.constant 0 : i32
    return %c0_i32 : i32
  }
  func.func @transform_5(%arg0: i32) -> i32 {
    %c0_i32 = arith.constant 0 : i32
    %c0_i32_0 = arith.constant 0 : i32
    return %c0_i32 : i32
  }
  func.func @transform_6(%arg0: i32) -> i32 {
    %c0_i32 = arith.constant 0 : i32
    %c0_i32_0 = arith.constant 0 : i32
    return %c0_i32 : i32
  }
}

module attributes {stable_mosaic.version = 14 : i64} {
  func.func @_tc_finish(%arg0: memref<20x128xf32, #tpu.memory_space<vmem>>, %arg1: memref<1024xf32, #tpu.memory_space<vmem>>, %arg2: memref<1024xf32, #tpu.memory_space<vmem>>, %arg3: memref<1024xf32, #tpu.memory_space<vmem>>, %arg4: memref<1024xf32, #tpu.memory_space<vmem>>, %arg5: memref<1024xf32, #tpu.memory_space<vmem>>, %arg6: memref<1x1xf32, #tpu.memory_space<smem>>, %arg7: memref<1x1xf32, #tpu.memory_space<smem>>, %arg8: memref<1x1xf32, #tpu.memory_space<smem>>) attributes {dimension_semantics = [], scalar_prefetch = 0 : i64, scratch_operands = 0 : i64, tpu.core_type = #tpu.core_type<tc>} {
    %get3A = arith.constant 0 : index
    %get3A_0 = arith.constant 0 : index
    %get3A_1 = vector.load %arg0[%get3A, %get3A_0] : memref<20x128xf32, #tpu.memory_space<vmem>>, vector<20x128xf32>
    %iota3A = tpu.iota {dimensions = array<i32: 0>} : vector<20x128xi32>
    %iota3A_2 = tpu.iota {dimensions = array<i32: 1>} : vector<20x128xi32>
    %mul3A = arith.constant 128 : i32
    %mul3A_3 = vector.broadcast %mul3A : i32 to vector<20x128xi32>
    %mul3A_4 = arith.muli %iota3A, %mul3A_3 : vector<20x128xi32>
    %add3A = arith.addi %mul3A_4, %iota3A_2 : vector<20x128xi32>
    %jit3A = arith.constant 80 : i32
    %eq3A = arith.constant 0 : i32
    %eq3A_5 = arith.cmpi eq, %jit3A, %eq3A : i32
    %jit3A_6 = arith.constant 1 : i32
    %select_n3A = arith.select %eq3A_5, %jit3A_6, %jit3A : i32
    %rem3A = vector.broadcast %select_n3A : i32 to vector<20x128xi32>
    %rem3A_7 = arith.remsi %add3A, %rem3A : vector<20x128xi32>
    %ne3A = arith.constant 0 : i32
    %ne3A_8 = vector.broadcast %ne3A : i32 to vector<20x128xi32>
    %ne3A_9 = arith.cmpi ne, %rem3A_7, %ne3A_8 : vector<20x128xi32>
    %lt3A = arith.constant 0 : i32
    %lt3A_10 = vector.broadcast %lt3A : i32 to vector<20x128xi32>
    %lt3A_11 = arith.cmpi slt, %rem3A_7, %lt3A_10 : vector<20x128xi32>
    %lt3A_12 = arith.constant 0 : i32
    %lt3A_13 = arith.cmpi slt, %select_n3A, %lt3A_12 : i32
    %ne3A_14 = vector.broadcast %lt3A_13 : i1 to vector<20x128xi1>
    %ne3A_15 = vector.broadcast %ne3A_14 : vector<20x128xi1> to vector<20x128xi1>
    %ne3A_16 = arith.xori %lt3A_11, %ne3A_15 : vector<20x128xi1>
    %and3A = arith.andi %ne3A_16, %ne3A_9 : vector<20x128xi1>
    %add3A_17 = vector.broadcast %select_n3A : i32 to vector<20x128xi32>
    %add3A_18 = arith.addi %rem3A_7, %add3A_17 : vector<20x128xi32>
    %select_n3A_19 = arith.select %and3A, %add3A_18, %rem3A_7 : vector<20x128xi1>, vector<20x128xi32>
    %jit3A_20 = arith.constant 16 : i32
    %div3A = vector.broadcast %jit3A_20 : i32 to vector<20x128xi32>
    %div3A_21 = arith.divsi %select_n3A_19, %div3A : vector<20x128xi32>
    %sign3A = arith.constant 0 : i32
    %sign3A_22 = vector.broadcast %sign3A : i32 to vector<20x128xi32>
    %sign3A_23 = arith.cmpi sgt, %select_n3A_19, %sign3A_22 : vector<20x128xi32>
    %sign3A_24 = arith.extui %sign3A_23 : vector<20x128xi1> to vector<20x128xi32>
    %sign3A_25 = arith.constant 0 : i32
    %sign3A_26 = vector.broadcast %sign3A_25 : i32 to vector<20x128xi32>
    %sign3A_27 = arith.cmpi slt, %select_n3A_19, %sign3A_26 : vector<20x128xi32>
    %sign3A_28 = arith.extui %sign3A_27 : vector<20x128xi1> to vector<20x128xi32>
    %sign3A_29 = arith.subi %sign3A_24, %sign3A_28 : vector<20x128xi32>
    %sign3A_30 = arith.constant 0 : i32
    %sign3A_31 = arith.cmpi sgt, %jit3A_20, %sign3A_30 : i32
    %sign3A_32 = arith.extui %sign3A_31 : i1 to i32
    %sign3A_33 = arith.constant 0 : i32
    %sign3A_34 = arith.cmpi slt, %jit3A_20, %sign3A_33 : i32
    %sign3A_35 = arith.extui %sign3A_34 : i1 to i32
    %sign3A_36 = arith.subi %sign3A_32, %sign3A_35 : i32
    %ne3A_37 = vector.broadcast %sign3A_36 : i32 to vector<20x128xi32>
    %ne3A_38 = arith.cmpi ne, %sign3A_29, %ne3A_37 : vector<20x128xi32>
    %rem3A_39 = vector.broadcast %jit3A_20 : i32 to vector<20x128xi32>
    %rem3A_40 = arith.remsi %select_n3A_19, %rem3A_39 : vector<20x128xi32>
    %ne3A_41 = arith.constant 0 : i32
    %ne3A_42 = vector.broadcast %ne3A_41 : i32 to vector<20x128xi32>
    %ne3A_43 = arith.cmpi ne, %rem3A_40, %ne3A_42 : vector<20x128xi32>
    %and3A_44 = arith.andi %ne3A_38, %ne3A_43 : vector<20x128xi1>
    %sub3A = arith.constant 1 : i32
    %sub3A_45 = vector.broadcast %sub3A : i32 to vector<20x128xi32>
    %sub3A_46 = arith.subi %div3A_21, %sub3A_45 : vector<20x128xi32>
    %select_n3A_47 = arith.select %and3A_44, %sub3A_46, %div3A_21 : vector<20x128xi1>, vector<20x128xi32>
    %eq3A_48 = arith.constant 0 : i32
    %eq3A_49 = vector.broadcast %eq3A_48 : i32 to vector<20x128xi32>
    %eq3A_50 = arith.cmpi eq, %select_n3A_47, %eq3A_49 : vector<20x128xi32>
    %jit3A_51 = arith.constant 0.000000e+00 : f32
    %broadcast_in_dim3A = vector.broadcast %jit3A_51 : f32 to vector<20x128xf32>
    %select_n3A_52 = arith.select %eq3A_50, %get3A_1, %broadcast_in_dim3A : vector<20x128xi1>, vector<20x128xf32>
    %reduce_sum3A = vector.shape_cast %select_n3A_52 : vector<20x128xf32> to vector<1x20x128xf32>
    %reduce_sum3A_53 = arith.constant dense<0.000000e+00> : vector<1xf32>
    %reduce_sum3A_54 = vector.multi_reduction <add>, %reduce_sum3A, %reduce_sum3A_53 [1, 2] : vector<1x20x128xf32> to vector<1xf32>
    %reduce_sum3A_55 = vector.shape_cast %reduce_sum3A_54 : vector<1xf32> to vector<1x1x1xf32>
    %reduce_sum3A_56 = vector.extract %reduce_sum3A_55[0, 0, 0] : f32 from vector<1x1x1xf32>
    %get3A_57 = arith.constant 0 : index
    %get3A_58 = vector.load %arg1[%get3A_57] : memref<1024xf32, #tpu.memory_space<vmem>>, vector<1024xf32>
    %reduce_sum3A_59 = vector.shape_cast %get3A_58 : vector<1024xf32> to vector<1x1024xf32>
    %reduce_sum3A_60 = arith.constant dense<0.000000e+00> : vector<1xf32>
    %reduce_sum3A_61 = vector.multi_reduction <add>, %reduce_sum3A_59, %reduce_sum3A_60 [1] : vector<1x1024xf32> to vector<1xf32>
    %reduce_sum3A_62 = vector.shape_cast %reduce_sum3A_61 : vector<1xf32> to vector<1x1xf32>
    %reduce_sum3A_63 = vector.extract %reduce_sum3A_62[0, 0] : f32 from vector<1x1xf32>
    %add3A_64 = arith.addf %reduce_sum3A_56, %reduce_sum3A_63 : f32
    %iota3A_65 = tpu.iota {dimensions = array<i32: 1>} : vector<1x1024xi32>
    %iota3A_66 = vector.shape_cast %iota3A_65 : vector<1x1024xi32> to vector<1024xi32>
    %ge3A = arith.constant 1 : i32
    %ge3A_67 = vector.broadcast %ge3A : i32 to vector<20x128xi32>
    %ge3A_68 = arith.cmpi sge, %select_n3A_47, %ge3A_67 : vector<20x128xi32>
    %jit3A_69 = arith.constant 0x7F800000 : f32
    %broadcast_in_dim3A_70 = vector.broadcast %jit3A_69 : f32 to vector<20x128xf32>
    %select_n3A_71 = arith.select %ge3A_68, %get3A_1, %broadcast_in_dim3A_70 : vector<20x128xi1>, vector<20x128xf32>
    %get3A_72 = arith.constant 0 : index
    %get3A_73 = vector.load %arg2[%get3A_72] : memref<1024xf32, #tpu.memory_space<vmem>>, vector<1024xf32>
    %get3A_74 = arith.constant 0 : index
    %get3A_75 = vector.load %arg3[%get3A_74] : memref<1024xf32, #tpu.memory_space<vmem>>, vector<1024xf32>
    %get3A_76 = arith.constant 0 : index
    %get3A_77 = vector.load %arg4[%get3A_76] : memref<1024xf32, #tpu.memory_space<vmem>>, vector<1024xf32>
    %get3A_78 = arith.constant 0 : index
    %get3A_79 = vector.load %arg5[%get3A_78] : memref<1024xf32, #tpu.memory_space<vmem>>, vector<1024xf32>
    %reduce_min3A = vector.shape_cast %select_n3A_71 : vector<20x128xf32> to vector<1x20x128xf32>
    %reduce_min3A_80 = arith.constant dense<0x7F800000> : vector<1xf32>
    %reduce_min3A_81 = vector.multi_reduction <minimumf>, %reduce_min3A, %reduce_min3A_80 [1, 2] : vector<1x20x128xf32> to vector<1xf32>
    %reduce_min3A_82 = vector.shape_cast %reduce_min3A_81 : vector<1xf32> to vector<1x1x1xf32>
    %reduce_min3A_83 = vector.extract %reduce_min3A_82[0, 0, 0] : f32 from vector<1x1x1xf32>
    %reduce_min3A_84 = vector.shape_cast %get3A_73 : vector<1024xf32> to vector<1x1024xf32>
    %reduce_min3A_85 = arith.constant dense<0x7F800000> : vector<1xf32>
    %reduce_min3A_86 = vector.multi_reduction <minimumf>, %reduce_min3A_84, %reduce_min3A_85 [1] : vector<1x1024xf32> to vector<1xf32>
    %reduce_min3A_87 = vector.shape_cast %reduce_min3A_86 : vector<1xf32> to vector<1x1xf32>
    %reduce_min3A_88 = vector.extract %reduce_min3A_87[0, 0] : f32 from vector<1x1xf32>
    %min3A = arith.minimumf %reduce_min3A_83, %reduce_min3A_88 : f32
    %reduce_min3A_89 = vector.shape_cast %get3A_75 : vector<1024xf32> to vector<1x1024xf32>
    %reduce_min3A_90 = arith.constant dense<0x7F800000> : vector<1xf32>
    %reduce_min3A_91 = vector.multi_reduction <minimumf>, %reduce_min3A_89, %reduce_min3A_90 [1] : vector<1x1024xf32> to vector<1xf32>
    %reduce_min3A_92 = vector.shape_cast %reduce_min3A_91 : vector<1xf32> to vector<1x1xf32>
    %reduce_min3A_93 = vector.extract %reduce_min3A_92[0, 0] : f32 from vector<1x1xf32>
    %min3A_94 = arith.minimumf %min3A, %reduce_min3A_93 : f32
    %reduce_min3A_95 = vector.shape_cast %get3A_77 : vector<1024xf32> to vector<1x1024xf32>
    %reduce_min3A_96 = arith.constant dense<0x7F800000> : vector<1xf32>
    %reduce_min3A_97 = vector.multi_reduction <minimumf>, %reduce_min3A_95, %reduce_min3A_96 [1] : vector<1x1024xf32> to vector<1xf32>
    %reduce_min3A_98 = vector.shape_cast %reduce_min3A_97 : vector<1xf32> to vector<1x1xf32>
    %reduce_min3A_99 = vector.extract %reduce_min3A_98[0, 0] : f32 from vector<1x1xf32>
    %min3A_100 = arith.minimumf %min3A_94, %reduce_min3A_99 : f32
    %reduce_min3A_101 = vector.shape_cast %get3A_79 : vector<1024xf32> to vector<1x1024xf32>
    %reduce_min3A_102 = arith.constant dense<0x7F800000> : vector<1xf32>
    %reduce_min3A_103 = vector.multi_reduction <minimumf>, %reduce_min3A_101, %reduce_min3A_102 [1] : vector<1x1024xf32> to vector<1xf32>
    %reduce_min3A_104 = vector.shape_cast %reduce_min3A_103 : vector<1xf32> to vector<1x1xf32>
    %reduce_min3A_105 = vector.extract %reduce_min3A_104[0, 0] : f32 from vector<1x1xf32>
    %min3A_106 = arith.minimumf %min3A_100, %reduce_min3A_105 : f32
    %ne3A_107 = arith.cmpf one, %min3A_106, %min3A_106 : f32
    %eq3A_108 = vector.broadcast %min3A_106 : f32 to vector<20x128xf32>
    %eq3A_109 = arith.cmpf oeq, %select_n3A_71, %eq3A_108 : vector<20x128xf32>
    %jit3A_110 = arith.constant 2147483647 : i32
    %broadcast_in_dim3A_111 = vector.broadcast %jit3A_110 : i32 to vector<20x128xi32>
    %select_n3A_112 = arith.select %eq3A_109, %add3A, %broadcast_in_dim3A_111 : vector<20x128xi1>, vector<20x128xi32>
    %reduce_min3A_113 = vector.shape_cast %select_n3A_112 : vector<20x128xi32> to vector<1x20x128xi32>
    %reduce_min3A_114 = arith.constant dense<2147483647> : vector<1xi32>
    %reduce_min3A_115 = vector.multi_reduction <minsi>, %reduce_min3A_113, %reduce_min3A_114 [1, 2] : vector<1x20x128xi32> to vector<1xi32>
    %reduce_min3A_116 = vector.shape_cast %reduce_min3A_115 : vector<1xi32> to vector<1x1x1xi32>
    %reduce_min3A_117 = vector.extract %reduce_min3A_116[0, 0, 0] : i32 from vector<1x1x1xi32>
    %lt3A_118 = arith.constant 2147483647 : i32
    %lt3A_119 = arith.cmpi slt, %reduce_min3A_117, %lt3A_118 : i32
    %not3A = arith.constant true
    %not3A_120 = arith.xori %ne3A_107, %not3A : i1
    %and3A_121 = arith.andi %lt3A_119, %not3A_120 : i1
    %eq3A_122 = vector.broadcast %reduce_min3A_117 : i32 to vector<20x128xi32>
    %eq3A_123 = arith.cmpi eq, %add3A, %eq3A_122 : vector<20x128xi32>
    %and3A_124 = vector.broadcast %and3A_121 : i1 to vector<20x128xi1>
    %and3A_125 = arith.andi %eq3A_123, %and3A_124 : vector<20x128xi1>
    %jit3A_126 = arith.constant 0x7F800000 : f32
    %broadcast_in_dim3A_127 = vector.broadcast %jit3A_126 : f32 to vector<20x128xf32>
    %select_n3A_128 = arith.select %and3A_125, %broadcast_in_dim3A_127, %select_n3A_71 : vector<20x128xi1>, vector<20x128xf32>
    %or3A = arith.ori %ne3A_107, %lt3A_119 : i1
    %eq3A_129 = vector.broadcast %min3A_106 : f32 to vector<1024xf32>
    %eq3A_130 = arith.cmpf oeq, %get3A_73, %eq3A_129 : vector<1024xf32>
    %jit3A_131 = arith.constant 2147483647 : i32
    %broadcast_in_dim3A_132 = vector.broadcast %jit3A_131 : i32 to vector<1024xi32>
    %select_n3A_133 = arith.select %eq3A_130, %iota3A_66, %broadcast_in_dim3A_132 : vector<1024xi1>, vector<1024xi32>
    %reduce_min3A_134 = vector.shape_cast %select_n3A_133 : vector<1024xi32> to vector<1x1024xi32>
    %reduce_min3A_135 = arith.constant dense<2147483647> : vector<1xi32>
    %reduce_min3A_136 = vector.multi_reduction <minsi>, %reduce_min3A_134, %reduce_min3A_135 [1] : vector<1x1024xi32> to vector<1xi32>
    %reduce_min3A_137 = vector.shape_cast %reduce_min3A_136 : vector<1xi32> to vector<1x1xi32>
    %reduce_min3A_138 = vector.extract %reduce_min3A_137[0, 0] : i32 from vector<1x1xi32>
    %lt3A_139 = arith.constant 2147483647 : i32
    %lt3A_140 = arith.cmpi slt, %reduce_min3A_138, %lt3A_139 : i32
    %not3A_141 = arith.constant true
    %not3A_142 = arith.xori %or3A, %not3A_141 : i1
    %and3A_143 = arith.andi %lt3A_140, %not3A_142 : i1
    %eq3A_144 = vector.broadcast %reduce_min3A_138 : i32 to vector<1024xi32>
    %eq3A_145 = arith.cmpi eq, %iota3A_66, %eq3A_144 : vector<1024xi32>
    %and3A_146 = vector.broadcast %and3A_143 : i1 to vector<1024xi1>
    %and3A_147 = arith.andi %eq3A_145, %and3A_146 : vector<1024xi1>
    %jit3A_148 = arith.constant 0x7F800000 : f32
    %broadcast_in_dim3A_149 = vector.broadcast %jit3A_148 : f32 to vector<1024xf32>
    %select_n3A_150 = arith.select %and3A_147, %broadcast_in_dim3A_149, %get3A_73 : vector<1024xi1>, vector<1024xf32>
    %or3A_151 = arith.ori %or3A, %lt3A_140 : i1
    %eq3A_152 = vector.broadcast %min3A_106 : f32 to vector<1024xf32>
    %eq3A_153 = arith.cmpf oeq, %get3A_75, %eq3A_152 : vector<1024xf32>
    %jit3A_154 = arith.constant 2147483647 : i32
    %broadcast_in_dim3A_155 = vector.broadcast %jit3A_154 : i32 to vector<1024xi32>
    %select_n3A_156 = arith.select %eq3A_153, %iota3A_66, %broadcast_in_dim3A_155 : vector<1024xi1>, vector<1024xi32>
    %reduce_min3A_157 = vector.shape_cast %select_n3A_156 : vector<1024xi32> to vector<1x1024xi32>
    %reduce_min3A_158 = arith.constant dense<2147483647> : vector<1xi32>
    %reduce_min3A_159 = vector.multi_reduction <minsi>, %reduce_min3A_157, %reduce_min3A_158 [1] : vector<1x1024xi32> to vector<1xi32>
    %reduce_min3A_160 = vector.shape_cast %reduce_min3A_159 : vector<1xi32> to vector<1x1xi32>
    %reduce_min3A_161 = vector.extract %reduce_min3A_160[0, 0] : i32 from vector<1x1xi32>
    %lt3A_162 = arith.constant 2147483647 : i32
    %lt3A_163 = arith.cmpi slt, %reduce_min3A_161, %lt3A_162 : i32
    %not3A_164 = arith.constant true
    %not3A_165 = arith.xori %or3A_151, %not3A_164 : i1
    %and3A_166 = arith.andi %lt3A_163, %not3A_165 : i1
    %eq3A_167 = vector.broadcast %reduce_min3A_161 : i32 to vector<1024xi32>
    %eq3A_168 = arith.cmpi eq, %iota3A_66, %eq3A_167 : vector<1024xi32>
    %and3A_169 = vector.broadcast %and3A_166 : i1 to vector<1024xi1>
    %and3A_170 = arith.andi %eq3A_168, %and3A_169 : vector<1024xi1>
    %jit3A_171 = arith.constant 0x7F800000 : f32
    %broadcast_in_dim3A_172 = vector.broadcast %jit3A_171 : f32 to vector<1024xf32>
    %select_n3A_173 = arith.select %and3A_170, %broadcast_in_dim3A_172, %get3A_75 : vector<1024xi1>, vector<1024xf32>
    %or3A_174 = arith.ori %or3A_151, %lt3A_163 : i1
    %eq3A_175 = vector.broadcast %min3A_106 : f32 to vector<1024xf32>
    %eq3A_176 = arith.cmpf oeq, %get3A_77, %eq3A_175 : vector<1024xf32>
    %jit3A_177 = arith.constant 2147483647 : i32
    %broadcast_in_dim3A_178 = vector.broadcast %jit3A_177 : i32 to vector<1024xi32>
    %select_n3A_179 = arith.select %eq3A_176, %iota3A_66, %broadcast_in_dim3A_178 : vector<1024xi1>, vector<1024xi32>
    %reduce_min3A_180 = vector.shape_cast %select_n3A_179 : vector<1024xi32> to vector<1x1024xi32>
    %reduce_min3A_181 = arith.constant dense<2147483647> : vector<1xi32>
    %reduce_min3A_182 = vector.multi_reduction <minsi>, %reduce_min3A_180, %reduce_min3A_181 [1] : vector<1x1024xi32> to vector<1xi32>
    %reduce_min3A_183 = vector.shape_cast %reduce_min3A_182 : vector<1xi32> to vector<1x1xi32>
    %reduce_min3A_184 = vector.extract %reduce_min3A_183[0, 0] : i32 from vector<1x1xi32>
    %lt3A_185 = arith.constant 2147483647 : i32
    %lt3A_186 = arith.cmpi slt, %reduce_min3A_184, %lt3A_185 : i32
    %not3A_187 = arith.constant true
    %not3A_188 = arith.xori %or3A_174, %not3A_187 : i1
    %and3A_189 = arith.andi %lt3A_186, %not3A_188 : i1
    %eq3A_190 = vector.broadcast %reduce_min3A_184 : i32 to vector<1024xi32>
    %eq3A_191 = arith.cmpi eq, %iota3A_66, %eq3A_190 : vector<1024xi32>
    %and3A_192 = vector.broadcast %and3A_189 : i1 to vector<1024xi1>
    %and3A_193 = arith.andi %eq3A_191, %and3A_192 : vector<1024xi1>
    %jit3A_194 = arith.constant 0x7F800000 : f32
    %broadcast_in_dim3A_195 = vector.broadcast %jit3A_194 : f32 to vector<1024xf32>
    %select_n3A_196 = arith.select %and3A_193, %broadcast_in_dim3A_195, %get3A_77 : vector<1024xi1>, vector<1024xf32>
    %or3A_197 = arith.ori %or3A_174, %lt3A_186 : i1
    %eq3A_198 = vector.broadcast %min3A_106 : f32 to vector<1024xf32>
    %eq3A_199 = arith.cmpf oeq, %get3A_79, %eq3A_198 : vector<1024xf32>
    %jit3A_200 = arith.constant 2147483647 : i32
    %broadcast_in_dim3A_201 = vector.broadcast %jit3A_200 : i32 to vector<1024xi32>
    %select_n3A_202 = arith.select %eq3A_199, %iota3A_66, %broadcast_in_dim3A_201 : vector<1024xi1>, vector<1024xi32>
    %reduce_min3A_203 = vector.shape_cast %select_n3A_202 : vector<1024xi32> to vector<1x1024xi32>
    %reduce_min3A_204 = arith.constant dense<2147483647> : vector<1xi32>
    %reduce_min3A_205 = vector.multi_reduction <minsi>, %reduce_min3A_203, %reduce_min3A_204 [1] : vector<1x1024xi32> to vector<1xi32>
    %reduce_min3A_206 = vector.shape_cast %reduce_min3A_205 : vector<1xi32> to vector<1x1xi32>
    %reduce_min3A_207 = vector.extract %reduce_min3A_206[0, 0] : i32 from vector<1x1xi32>
    %lt3A_208 = arith.constant 2147483647 : i32
    %lt3A_209 = arith.cmpi slt, %reduce_min3A_207, %lt3A_208 : i32
    %not3A_210 = arith.constant true
    %not3A_211 = arith.xori %or3A_197, %not3A_210 : i1
    %and3A_212 = arith.andi %lt3A_209, %not3A_211 : i1
    %eq3A_213 = vector.broadcast %reduce_min3A_207 : i32 to vector<1024xi32>
    %eq3A_214 = arith.cmpi eq, %iota3A_66, %eq3A_213 : vector<1024xi32>
    %and3A_215 = vector.broadcast %and3A_212 : i1 to vector<1024xi1>
    %and3A_216 = arith.andi %eq3A_214, %and3A_215 : vector<1024xi1>
    %jit3A_217 = arith.constant 0x7F800000 : f32
    %broadcast_in_dim3A_218 = vector.broadcast %jit3A_217 : f32 to vector<1024xf32>
    %select_n3A_219 = arith.select %and3A_216, %broadcast_in_dim3A_218, %get3A_79 : vector<1024xi1>, vector<1024xf32>
    %reduce_min3A_220 = vector.shape_cast %select_n3A_128 : vector<20x128xf32> to vector<1x20x128xf32>
    %reduce_min3A_221 = arith.constant dense<0x7F800000> : vector<1xf32>
    %reduce_min3A_222 = vector.multi_reduction <minimumf>, %reduce_min3A_220, %reduce_min3A_221 [1, 2] : vector<1x20x128xf32> to vector<1xf32>
    %reduce_min3A_223 = vector.shape_cast %reduce_min3A_222 : vector<1xf32> to vector<1x1x1xf32>
    %reduce_min3A_224 = vector.extract %reduce_min3A_223[0, 0, 0] : f32 from vector<1x1x1xf32>
    %reduce_min3A_225 = vector.shape_cast %select_n3A_150 : vector<1024xf32> to vector<1x1024xf32>
    %reduce_min3A_226 = arith.constant dense<0x7F800000> : vector<1xf32>
    %reduce_min3A_227 = vector.multi_reduction <minimumf>, %reduce_min3A_225, %reduce_min3A_226 [1] : vector<1x1024xf32> to vector<1xf32>
    %reduce_min3A_228 = vector.shape_cast %reduce_min3A_227 : vector<1xf32> to vector<1x1xf32>
    %reduce_min3A_229 = vector.extract %reduce_min3A_228[0, 0] : f32 from vector<1x1xf32>
    %min3A_230 = arith.minimumf %reduce_min3A_224, %reduce_min3A_229 : f32
    %reduce_min3A_231 = vector.shape_cast %select_n3A_173 : vector<1024xf32> to vector<1x1024xf32>
    %reduce_min3A_232 = arith.constant dense<0x7F800000> : vector<1xf32>
    %reduce_min3A_233 = vector.multi_reduction <minimumf>, %reduce_min3A_231, %reduce_min3A_232 [1] : vector<1x1024xf32> to vector<1xf32>
    %reduce_min3A_234 = vector.shape_cast %reduce_min3A_233 : vector<1xf32> to vector<1x1xf32>
    %reduce_min3A_235 = vector.extract %reduce_min3A_234[0, 0] : f32 from vector<1x1xf32>
    %min3A_236 = arith.minimumf %min3A_230, %reduce_min3A_235 : f32
    %reduce_min3A_237 = vector.shape_cast %select_n3A_196 : vector<1024xf32> to vector<1x1024xf32>
    %reduce_min3A_238 = arith.constant dense<0x7F800000> : vector<1xf32>
    %reduce_min3A_239 = vector.multi_reduction <minimumf>, %reduce_min3A_237, %reduce_min3A_238 [1] : vector<1x1024xf32> to vector<1xf32>
    %reduce_min3A_240 = vector.shape_cast %reduce_min3A_239 : vector<1xf32> to vector<1x1xf32>
    %reduce_min3A_241 = vector.extract %reduce_min3A_240[0, 0] : f32 from vector<1x1xf32>
    %min3A_242 = arith.minimumf %min3A_236, %reduce_min3A_241 : f32
    %reduce_min3A_243 = vector.shape_cast %select_n3A_219 : vector<1024xf32> to vector<1x1024xf32>
    %reduce_min3A_244 = arith.constant dense<0x7F800000> : vector<1xf32>
    %reduce_min3A_245 = vector.multi_reduction <minimumf>, %reduce_min3A_243, %reduce_min3A_244 [1] : vector<1x1024xf32> to vector<1xf32>
    %reduce_min3A_246 = vector.shape_cast %reduce_min3A_245 : vector<1xf32> to vector<1x1xf32>
    %reduce_min3A_247 = vector.extract %reduce_min3A_246[0, 0] : f32 from vector<1x1xf32>
    %min3A_248 = arith.minimumf %min3A_242, %reduce_min3A_247 : f32
    %ne3A_249 = arith.cmpf one, %min3A_248, %min3A_248 : f32
    %eq3A_250 = vector.broadcast %min3A_248 : f32 to vector<20x128xf32>
    %eq3A_251 = arith.cmpf oeq, %select_n3A_128, %eq3A_250 : vector<20x128xf32>
    %jit3A_252 = arith.constant 2147483647 : i32
    %broadcast_in_dim3A_253 = vector.broadcast %jit3A_252 : i32 to vector<20x128xi32>
    %select_n3A_254 = arith.select %eq3A_251, %add3A, %broadcast_in_dim3A_253 : vector<20x128xi1>, vector<20x128xi32>
    %reduce_min3A_255 = vector.shape_cast %select_n3A_254 : vector<20x128xi32> to vector<1x20x128xi32>
    %reduce_min3A_256 = arith.constant dense<2147483647> : vector<1xi32>
    %reduce_min3A_257 = vector.multi_reduction <minsi>, %reduce_min3A_255, %reduce_min3A_256 [1, 2] : vector<1x20x128xi32> to vector<1xi32>
    %reduce_min3A_258 = vector.shape_cast %reduce_min3A_257 : vector<1xi32> to vector<1x1x1xi32>
    %reduce_min3A_259 = vector.extract %reduce_min3A_258[0, 0, 0] : i32 from vector<1x1x1xi32>
    %lt3A_260 = arith.constant 2147483647 : i32
    %lt3A_261 = arith.cmpi slt, %reduce_min3A_259, %lt3A_260 : i32
    %not3A_262 = arith.constant true
    %not3A_263 = arith.xori %ne3A_249, %not3A_262 : i1
    %and3A_264 = arith.andi %lt3A_261, %not3A_263 : i1
    %eq3A_265 = vector.broadcast %reduce_min3A_259 : i32 to vector<20x128xi32>
    %eq3A_266 = arith.cmpi eq, %add3A, %eq3A_265 : vector<20x128xi32>
    %and3A_267 = vector.broadcast %and3A_264 : i1 to vector<20x128xi1>
    %and3A_268 = arith.andi %eq3A_266, %and3A_267 : vector<20x128xi1>
    %jit3A_269 = arith.constant 0x7F800000 : f32
    %broadcast_in_dim3A_270 = vector.broadcast %jit3A_269 : f32 to vector<20x128xf32>
    %select_n3A_271 = arith.select %and3A_268, %broadcast_in_dim3A_270, %select_n3A_128 : vector<20x128xi1>, vector<20x128xf32>
    %or3A_272 = arith.ori %ne3A_249, %lt3A_261 : i1
    %eq3A_273 = vector.broadcast %min3A_248 : f32 to vector<1024xf32>
    %eq3A_274 = arith.cmpf oeq, %select_n3A_150, %eq3A_273 : vector<1024xf32>
    %jit3A_275 = arith.constant 2147483647 : i32
    %broadcast_in_dim3A_276 = vector.broadcast %jit3A_275 : i32 to vector<1024xi32>
    %select_n3A_277 = arith.select %eq3A_274, %iota3A_66, %broadcast_in_dim3A_276 : vector<1024xi1>, vector<1024xi32>
    %reduce_min3A_278 = vector.shape_cast %select_n3A_277 : vector<1024xi32> to vector<1x1024xi32>
    %reduce_min3A_279 = arith.constant dense<2147483647> : vector<1xi32>
    %reduce_min3A_280 = vector.multi_reduction <minsi>, %reduce_min3A_278, %reduce_min3A_279 [1] : vector<1x1024xi32> to vector<1xi32>
    %reduce_min3A_281 = vector.shape_cast %reduce_min3A_280 : vector<1xi32> to vector<1x1xi32>
    %reduce_min3A_282 = vector.extract %reduce_min3A_281[0, 0] : i32 from vector<1x1xi32>
    %lt3A_283 = arith.constant 2147483647 : i32
    %lt3A_284 = arith.cmpi slt, %reduce_min3A_282, %lt3A_283 : i32
    %not3A_285 = arith.constant true
    %not3A_286 = arith.xori %or3A_272, %not3A_285 : i1
    %and3A_287 = arith.andi %lt3A_284, %not3A_286 : i1
    %eq3A_288 = vector.broadcast %reduce_min3A_282 : i32 to vector<1024xi32>
    %eq3A_289 = arith.cmpi eq, %iota3A_66, %eq3A_288 : vector<1024xi32>
    %and3A_290 = vector.broadcast %and3A_287 : i1 to vector<1024xi1>
    %and3A_291 = arith.andi %eq3A_289, %and3A_290 : vector<1024xi1>
    %jit3A_292 = arith.constant 0x7F800000 : f32
    %broadcast_in_dim3A_293 = vector.broadcast %jit3A_292 : f32 to vector<1024xf32>
    %select_n3A_294 = arith.select %and3A_291, %broadcast_in_dim3A_293, %select_n3A_150 : vector<1024xi1>, vector<1024xf32>
    %or3A_295 = arith.ori %or3A_272, %lt3A_284 : i1
    %eq3A_296 = vector.broadcast %min3A_248 : f32 to vector<1024xf32>
    %eq3A_297 = arith.cmpf oeq, %select_n3A_173, %eq3A_296 : vector<1024xf32>
    %jit3A_298 = arith.constant 2147483647 : i32
    %broadcast_in_dim3A_299 = vector.broadcast %jit3A_298 : i32 to vector<1024xi32>
    %select_n3A_300 = arith.select %eq3A_297, %iota3A_66, %broadcast_in_dim3A_299 : vector<1024xi1>, vector<1024xi32>
    %reduce_min3A_301 = vector.shape_cast %select_n3A_300 : vector<1024xi32> to vector<1x1024xi32>
    %reduce_min3A_302 = arith.constant dense<2147483647> : vector<1xi32>
    %reduce_min3A_303 = vector.multi_reduction <minsi>, %reduce_min3A_301, %reduce_min3A_302 [1] : vector<1x1024xi32> to vector<1xi32>
    %reduce_min3A_304 = vector.shape_cast %reduce_min3A_303 : vector<1xi32> to vector<1x1xi32>
    %reduce_min3A_305 = vector.extract %reduce_min3A_304[0, 0] : i32 from vector<1x1xi32>
    %lt3A_306 = arith.constant 2147483647 : i32
    %lt3A_307 = arith.cmpi slt, %reduce_min3A_305, %lt3A_306 : i32
    %not3A_308 = arith.constant true
    %not3A_309 = arith.xori %or3A_295, %not3A_308 : i1
    %and3A_310 = arith.andi %lt3A_307, %not3A_309 : i1
    %eq3A_311 = vector.broadcast %reduce_min3A_305 : i32 to vector<1024xi32>
    %eq3A_312 = arith.cmpi eq, %iota3A_66, %eq3A_311 : vector<1024xi32>
    %and3A_313 = vector.broadcast %and3A_310 : i1 to vector<1024xi1>
    %and3A_314 = arith.andi %eq3A_312, %and3A_313 : vector<1024xi1>
    %jit3A_315 = arith.constant 0x7F800000 : f32
    %broadcast_in_dim3A_316 = vector.broadcast %jit3A_315 : f32 to vector<1024xf32>
    %select_n3A_317 = arith.select %and3A_314, %broadcast_in_dim3A_316, %select_n3A_173 : vector<1024xi1>, vector<1024xf32>
    %or3A_318 = arith.ori %or3A_295, %lt3A_307 : i1
    %eq3A_319 = vector.broadcast %min3A_248 : f32 to vector<1024xf32>
    %eq3A_320 = arith.cmpf oeq, %select_n3A_196, %eq3A_319 : vector<1024xf32>
    %jit3A_321 = arith.constant 2147483647 : i32
    %broadcast_in_dim3A_322 = vector.broadcast %jit3A_321 : i32 to vector<1024xi32>
    %select_n3A_323 = arith.select %eq3A_320, %iota3A_66, %broadcast_in_dim3A_322 : vector<1024xi1>, vector<1024xi32>
    %reduce_min3A_324 = vector.shape_cast %select_n3A_323 : vector<1024xi32> to vector<1x1024xi32>
    %reduce_min3A_325 = arith.constant dense<2147483647> : vector<1xi32>
    %reduce_min3A_326 = vector.multi_reduction <minsi>, %reduce_min3A_324, %reduce_min3A_325 [1] : vector<1x1024xi32> to vector<1xi32>
    %reduce_min3A_327 = vector.shape_cast %reduce_min3A_326 : vector<1xi32> to vector<1x1xi32>
    %reduce_min3A_328 = vector.extract %reduce_min3A_327[0, 0] : i32 from vector<1x1xi32>
    %lt3A_329 = arith.constant 2147483647 : i32
    %lt3A_330 = arith.cmpi slt, %reduce_min3A_328, %lt3A_329 : i32
    %not3A_331 = arith.constant true
    %not3A_332 = arith.xori %or3A_318, %not3A_331 : i1
    %and3A_333 = arith.andi %lt3A_330, %not3A_332 : i1
    %eq3A_334 = vector.broadcast %reduce_min3A_328 : i32 to vector<1024xi32>
    %eq3A_335 = arith.cmpi eq, %iota3A_66, %eq3A_334 : vector<1024xi32>
    %and3A_336 = vector.broadcast %and3A_333 : i1 to vector<1024xi1>
    %and3A_337 = arith.andi %eq3A_335, %and3A_336 : vector<1024xi1>
    %jit3A_338 = arith.constant 0x7F800000 : f32
    %broadcast_in_dim3A_339 = vector.broadcast %jit3A_338 : f32 to vector<1024xf32>
    %select_n3A_340 = arith.select %and3A_337, %broadcast_in_dim3A_339, %select_n3A_196 : vector<1024xi1>, vector<1024xf32>
    %or3A_341 = arith.ori %or3A_318, %lt3A_330 : i1
    %eq3A_342 = vector.broadcast %min3A_248 : f32 to vector<1024xf32>
    %eq3A_343 = arith.cmpf oeq, %select_n3A_219, %eq3A_342 : vector<1024xf32>
    %jit3A_344 = arith.constant 2147483647 : i32
    %broadcast_in_dim3A_345 = vector.broadcast %jit3A_344 : i32 to vector<1024xi32>
    %select_n3A_346 = arith.select %eq3A_343, %iota3A_66, %broadcast_in_dim3A_345 : vector<1024xi1>, vector<1024xi32>
    %reduce_min3A_347 = vector.shape_cast %select_n3A_346 : vector<1024xi32> to vector<1x1024xi32>
    %reduce_min3A_348 = arith.constant dense<2147483647> : vector<1xi32>
    %reduce_min3A_349 = vector.multi_reduction <minsi>, %reduce_min3A_347, %reduce_min3A_348 [1] : vector<1x1024xi32> to vector<1xi32>
    %reduce_min3A_350 = vector.shape_cast %reduce_min3A_349 : vector<1xi32> to vector<1x1xi32>
    %reduce_min3A_351 = vector.extract %reduce_min3A_350[0, 0] : i32 from vector<1x1xi32>
    %lt3A_352 = arith.constant 2147483647 : i32
    %lt3A_353 = arith.cmpi slt, %reduce_min3A_351, %lt3A_352 : i32
    %not3A_354 = arith.constant true
    %not3A_355 = arith.xori %or3A_341, %not3A_354 : i1
    %and3A_356 = arith.andi %lt3A_353, %not3A_355 : i1
    %eq3A_357 = vector.broadcast %reduce_min3A_351 : i32 to vector<1024xi32>
    %eq3A_358 = arith.cmpi eq, %iota3A_66, %eq3A_357 : vector<1024xi32>
    %and3A_359 = vector.broadcast %and3A_356 : i1 to vector<1024xi1>
    %and3A_360 = arith.andi %eq3A_358, %and3A_359 : vector<1024xi1>
    %jit3A_361 = arith.constant 0x7F800000 : f32
    %broadcast_in_dim3A_362 = vector.broadcast %jit3A_361 : f32 to vector<1024xf32>
    %select_n3A_363 = arith.select %and3A_360, %broadcast_in_dim3A_362, %select_n3A_219 : vector<1024xi1>, vector<1024xf32>
    %reduce_min3A_364 = vector.shape_cast %select_n3A_271 : vector<20x128xf32> to vector<1x20x128xf32>
    %reduce_min3A_365 = arith.constant dense<0x7F800000> : vector<1xf32>
    %reduce_min3A_366 = vector.multi_reduction <minimumf>, %reduce_min3A_364, %reduce_min3A_365 [1, 2] : vector<1x20x128xf32> to vector<1xf32>
    %reduce_min3A_367 = vector.shape_cast %reduce_min3A_366 : vector<1xf32> to vector<1x1x1xf32>
    %reduce_min3A_368 = vector.extract %reduce_min3A_367[0, 0, 0] : f32 from vector<1x1x1xf32>
    %reduce_min3A_369 = vector.shape_cast %select_n3A_294 : vector<1024xf32> to vector<1x1024xf32>
    %reduce_min3A_370 = arith.constant dense<0x7F800000> : vector<1xf32>
    %reduce_min3A_371 = vector.multi_reduction <minimumf>, %reduce_min3A_369, %reduce_min3A_370 [1] : vector<1x1024xf32> to vector<1xf32>
    %reduce_min3A_372 = vector.shape_cast %reduce_min3A_371 : vector<1xf32> to vector<1x1xf32>
    %reduce_min3A_373 = vector.extract %reduce_min3A_372[0, 0] : f32 from vector<1x1xf32>
    %min3A_374 = arith.minimumf %reduce_min3A_368, %reduce_min3A_373 : f32
    %reduce_min3A_375 = vector.shape_cast %select_n3A_317 : vector<1024xf32> to vector<1x1024xf32>
    %reduce_min3A_376 = arith.constant dense<0x7F800000> : vector<1xf32>
    %reduce_min3A_377 = vector.multi_reduction <minimumf>, %reduce_min3A_375, %reduce_min3A_376 [1] : vector<1x1024xf32> to vector<1xf32>
    %reduce_min3A_378 = vector.shape_cast %reduce_min3A_377 : vector<1xf32> to vector<1x1xf32>
    %reduce_min3A_379 = vector.extract %reduce_min3A_378[0, 0] : f32 from vector<1x1xf32>
    %min3A_380 = arith.minimumf %min3A_374, %reduce_min3A_379 : f32
    %reduce_min3A_381 = vector.shape_cast %select_n3A_340 : vector<1024xf32> to vector<1x1024xf32>
    %reduce_min3A_382 = arith.constant dense<0x7F800000> : vector<1xf32>
    %reduce_min3A_383 = vector.multi_reduction <minimumf>, %reduce_min3A_381, %reduce_min3A_382 [1] : vector<1x1024xf32> to vector<1xf32>
    %reduce_min3A_384 = vector.shape_cast %reduce_min3A_383 : vector<1xf32> to vector<1x1xf32>
    %reduce_min3A_385 = vector.extract %reduce_min3A_384[0, 0] : f32 from vector<1x1xf32>
    %min3A_386 = arith.minimumf %min3A_380, %reduce_min3A_385 : f32
    %reduce_min3A_387 = vector.shape_cast %select_n3A_363 : vector<1024xf32> to vector<1x1024xf32>
    %reduce_min3A_388 = arith.constant dense<0x7F800000> : vector<1xf32>
    %reduce_min3A_389 = vector.multi_reduction <minimumf>, %reduce_min3A_387, %reduce_min3A_388 [1] : vector<1x1024xf32> to vector<1xf32>
    %reduce_min3A_390 = vector.shape_cast %reduce_min3A_389 : vector<1xf32> to vector<1x1xf32>
    %reduce_min3A_391 = vector.extract %reduce_min3A_390[0, 0] : f32 from vector<1x1xf32>
    %min3A_392 = arith.minimumf %min3A_386, %reduce_min3A_391 : f32
    %ne3A_393 = arith.cmpf one, %min3A_392, %min3A_392 : f32
    %eq3A_394 = vector.broadcast %min3A_392 : f32 to vector<20x128xf32>
    %eq3A_395 = arith.cmpf oeq, %select_n3A_271, %eq3A_394 : vector<20x128xf32>
    %jit3A_396 = arith.constant 2147483647 : i32
    %broadcast_in_dim3A_397 = vector.broadcast %jit3A_396 : i32 to vector<20x128xi32>
    %select_n3A_398 = arith.select %eq3A_395, %add3A, %broadcast_in_dim3A_397 : vector<20x128xi1>, vector<20x128xi32>
    %reduce_min3A_399 = vector.shape_cast %select_n3A_398 : vector<20x128xi32> to vector<1x20x128xi32>
    %reduce_min3A_400 = arith.constant dense<2147483647> : vector<1xi32>
    %reduce_min3A_401 = vector.multi_reduction <minsi>, %reduce_min3A_399, %reduce_min3A_400 [1, 2] : vector<1x20x128xi32> to vector<1xi32>
    %reduce_min3A_402 = vector.shape_cast %reduce_min3A_401 : vector<1xi32> to vector<1x1x1xi32>
    %reduce_min3A_403 = vector.extract %reduce_min3A_402[0, 0, 0] : i32 from vector<1x1x1xi32>
    %lt3A_404 = arith.constant 2147483647 : i32
    %lt3A_405 = arith.cmpi slt, %reduce_min3A_403, %lt3A_404 : i32
    %not3A_406 = arith.constant true
    %not3A_407 = arith.xori %ne3A_393, %not3A_406 : i1
    %and3A_408 = arith.andi %lt3A_405, %not3A_407 : i1
    %eq3A_409 = vector.broadcast %reduce_min3A_403 : i32 to vector<20x128xi32>
    %eq3A_410 = arith.cmpi eq, %add3A, %eq3A_409 : vector<20x128xi32>
    %and3A_411 = vector.broadcast %and3A_408 : i1 to vector<20x128xi1>
    %and3A_412 = arith.andi %eq3A_410, %and3A_411 : vector<20x128xi1>
    %jit3A_413 = arith.constant 0x7F800000 : f32
    %broadcast_in_dim3A_414 = vector.broadcast %jit3A_413 : f32 to vector<20x128xf32>
    %select_n3A_415 = arith.select %and3A_412, %broadcast_in_dim3A_414, %select_n3A_271 : vector<20x128xi1>, vector<20x128xf32>
    %or3A_416 = arith.ori %ne3A_393, %lt3A_405 : i1
    %eq3A_417 = vector.broadcast %min3A_392 : f32 to vector<1024xf32>
    %eq3A_418 = arith.cmpf oeq, %select_n3A_294, %eq3A_417 : vector<1024xf32>
    %jit3A_419 = arith.constant 2147483647 : i32
    %broadcast_in_dim3A_420 = vector.broadcast %jit3A_419 : i32 to vector<1024xi32>
    %select_n3A_421 = arith.select %eq3A_418, %iota3A_66, %broadcast_in_dim3A_420 : vector<1024xi1>, vector<1024xi32>
    %reduce_min3A_422 = vector.shape_cast %select_n3A_421 : vector<1024xi32> to vector<1x1024xi32>
    %reduce_min3A_423 = arith.constant dense<2147483647> : vector<1xi32>
    %reduce_min3A_424 = vector.multi_reduction <minsi>, %reduce_min3A_422, %reduce_min3A_423 [1] : vector<1x1024xi32> to vector<1xi32>
    %reduce_min3A_425 = vector.shape_cast %reduce_min3A_424 : vector<1xi32> to vector<1x1xi32>
    %reduce_min3A_426 = vector.extract %reduce_min3A_425[0, 0] : i32 from vector<1x1xi32>
    %lt3A_427 = arith.constant 2147483647 : i32
    %lt3A_428 = arith.cmpi slt, %reduce_min3A_426, %lt3A_427 : i32
    %not3A_429 = arith.constant true
    %not3A_430 = arith.xori %or3A_416, %not3A_429 : i1
    %and3A_431 = arith.andi %lt3A_428, %not3A_430 : i1
    %eq3A_432 = vector.broadcast %reduce_min3A_426 : i32 to vector<1024xi32>
    %eq3A_433 = arith.cmpi eq, %iota3A_66, %eq3A_432 : vector<1024xi32>
    %and3A_434 = vector.broadcast %and3A_431 : i1 to vector<1024xi1>
    %and3A_435 = arith.andi %eq3A_433, %and3A_434 : vector<1024xi1>
    %jit3A_436 = arith.constant 0x7F800000 : f32
    %broadcast_in_dim3A_437 = vector.broadcast %jit3A_436 : f32 to vector<1024xf32>
    %select_n3A_438 = arith.select %and3A_435, %broadcast_in_dim3A_437, %select_n3A_294 : vector<1024xi1>, vector<1024xf32>
    %or3A_439 = arith.ori %or3A_416, %lt3A_428 : i1
    %eq3A_440 = vector.broadcast %min3A_392 : f32 to vector<1024xf32>
    %eq3A_441 = arith.cmpf oeq, %select_n3A_317, %eq3A_440 : vector<1024xf32>
    %jit3A_442 = arith.constant 2147483647 : i32
    %broadcast_in_dim3A_443 = vector.broadcast %jit3A_442 : i32 to vector<1024xi32>
    %select_n3A_444 = arith.select %eq3A_441, %iota3A_66, %broadcast_in_dim3A_443 : vector<1024xi1>, vector<1024xi32>
    %reduce_min3A_445 = vector.shape_cast %select_n3A_444 : vector<1024xi32> to vector<1x1024xi32>
    %reduce_min3A_446 = arith.constant dense<2147483647> : vector<1xi32>
    %reduce_min3A_447 = vector.multi_reduction <minsi>, %reduce_min3A_445, %reduce_min3A_446 [1] : vector<1x1024xi32> to vector<1xi32>
    %reduce_min3A_448 = vector.shape_cast %reduce_min3A_447 : vector<1xi32> to vector<1x1xi32>
    %reduce_min3A_449 = vector.extract %reduce_min3A_448[0, 0] : i32 from vector<1x1xi32>
    %lt3A_450 = arith.constant 2147483647 : i32
    %lt3A_451 = arith.cmpi slt, %reduce_min3A_449, %lt3A_450 : i32
    %not3A_452 = arith.constant true
    %not3A_453 = arith.xori %or3A_439, %not3A_452 : i1
    %and3A_454 = arith.andi %lt3A_451, %not3A_453 : i1
    %eq3A_455 = vector.broadcast %reduce_min3A_449 : i32 to vector<1024xi32>
    %eq3A_456 = arith.cmpi eq, %iota3A_66, %eq3A_455 : vector<1024xi32>
    %and3A_457 = vector.broadcast %and3A_454 : i1 to vector<1024xi1>
    %and3A_458 = arith.andi %eq3A_456, %and3A_457 : vector<1024xi1>
    %jit3A_459 = arith.constant 0x7F800000 : f32
    %broadcast_in_dim3A_460 = vector.broadcast %jit3A_459 : f32 to vector<1024xf32>
    %select_n3A_461 = arith.select %and3A_458, %broadcast_in_dim3A_460, %select_n3A_317 : vector<1024xi1>, vector<1024xf32>
    %or3A_462 = arith.ori %or3A_439, %lt3A_451 : i1
    %eq3A_463 = vector.broadcast %min3A_392 : f32 to vector<1024xf32>
    %eq3A_464 = arith.cmpf oeq, %select_n3A_340, %eq3A_463 : vector<1024xf32>
    %jit3A_465 = arith.constant 2147483647 : i32
    %broadcast_in_dim3A_466 = vector.broadcast %jit3A_465 : i32 to vector<1024xi32>
    %select_n3A_467 = arith.select %eq3A_464, %iota3A_66, %broadcast_in_dim3A_466 : vector<1024xi1>, vector<1024xi32>
    %reduce_min3A_468 = vector.shape_cast %select_n3A_467 : vector<1024xi32> to vector<1x1024xi32>
    %reduce_min3A_469 = arith.constant dense<2147483647> : vector<1xi32>
    %reduce_min3A_470 = vector.multi_reduction <minsi>, %reduce_min3A_468, %reduce_min3A_469 [1] : vector<1x1024xi32> to vector<1xi32>
    %reduce_min3A_471 = vector.shape_cast %reduce_min3A_470 : vector<1xi32> to vector<1x1xi32>
    %reduce_min3A_472 = vector.extract %reduce_min3A_471[0, 0] : i32 from vector<1x1xi32>
    %lt3A_473 = arith.constant 2147483647 : i32
    %lt3A_474 = arith.cmpi slt, %reduce_min3A_472, %lt3A_473 : i32
    %not3A_475 = arith.constant true
    %not3A_476 = arith.xori %or3A_462, %not3A_475 : i1
    %and3A_477 = arith.andi %lt3A_474, %not3A_476 : i1
    %eq3A_478 = vector.broadcast %reduce_min3A_472 : i32 to vector<1024xi32>
    %eq3A_479 = arith.cmpi eq, %iota3A_66, %eq3A_478 : vector<1024xi32>
    %and3A_480 = vector.broadcast %and3A_477 : i1 to vector<1024xi1>
    %and3A_481 = arith.andi %eq3A_479, %and3A_480 : vector<1024xi1>
    %jit3A_482 = arith.constant 0x7F800000 : f32
    %broadcast_in_dim3A_483 = vector.broadcast %jit3A_482 : f32 to vector<1024xf32>
    %select_n3A_484 = arith.select %and3A_481, %broadcast_in_dim3A_483, %select_n3A_340 : vector<1024xi1>, vector<1024xf32>
    %or3A_485 = arith.ori %or3A_462, %lt3A_474 : i1
    %eq3A_486 = vector.broadcast %min3A_392 : f32 to vector<1024xf32>
    %eq3A_487 = arith.cmpf oeq, %select_n3A_363, %eq3A_486 : vector<1024xf32>
    %jit3A_488 = arith.constant 2147483647 : i32
    %broadcast_in_dim3A_489 = vector.broadcast %jit3A_488 : i32 to vector<1024xi32>
    %select_n3A_490 = arith.select %eq3A_487, %iota3A_66, %broadcast_in_dim3A_489 : vector<1024xi1>, vector<1024xi32>
    %reduce_min3A_491 = vector.shape_cast %select_n3A_490 : vector<1024xi32> to vector<1x1024xi32>
    %reduce_min3A_492 = arith.constant dense<2147483647> : vector<1xi32>
    %reduce_min3A_493 = vector.multi_reduction <minsi>, %reduce_min3A_491, %reduce_min3A_492 [1] : vector<1x1024xi32> to vector<1xi32>
    %reduce_min3A_494 = vector.shape_cast %reduce_min3A_493 : vector<1xi32> to vector<1x1xi32>
    %reduce_min3A_495 = vector.extract %reduce_min3A_494[0, 0] : i32 from vector<1x1xi32>
    %lt3A_496 = arith.constant 2147483647 : i32
    %lt3A_497 = arith.cmpi slt, %reduce_min3A_495, %lt3A_496 : i32
    %not3A_498 = arith.constant true
    %not3A_499 = arith.xori %or3A_485, %not3A_498 : i1
    %and3A_500 = arith.andi %lt3A_497, %not3A_499 : i1
    %eq3A_501 = vector.broadcast %reduce_min3A_495 : i32 to vector<1024xi32>
    %eq3A_502 = arith.cmpi eq, %iota3A_66, %eq3A_501 : vector<1024xi32>
    %and3A_503 = vector.broadcast %and3A_500 : i1 to vector<1024xi1>
    %and3A_504 = arith.andi %eq3A_502, %and3A_503 : vector<1024xi1>
    %jit3A_505 = arith.constant 0x7F800000 : f32
    %broadcast_in_dim3A_506 = vector.broadcast %jit3A_505 : f32 to vector<1024xf32>
    %select_n3A_507 = arith.select %and3A_504, %broadcast_in_dim3A_506, %select_n3A_363 : vector<1024xi1>, vector<1024xf32>
    %reduce_min3A_508 = vector.shape_cast %select_n3A_415 : vector<20x128xf32> to vector<1x20x128xf32>
    %reduce_min3A_509 = arith.constant dense<0x7F800000> : vector<1xf32>
    %reduce_min3A_510 = vector.multi_reduction <minimumf>, %reduce_min3A_508, %reduce_min3A_509 [1, 2] : vector<1x20x128xf32> to vector<1xf32>
    %reduce_min3A_511 = vector.shape_cast %reduce_min3A_510 : vector<1xf32> to vector<1x1x1xf32>
    %reduce_min3A_512 = vector.extract %reduce_min3A_511[0, 0, 0] : f32 from vector<1x1x1xf32>
    %reduce_min3A_513 = vector.shape_cast %select_n3A_438 : vector<1024xf32> to vector<1x1024xf32>
    %reduce_min3A_514 = arith.constant dense<0x7F800000> : vector<1xf32>
    %reduce_min3A_515 = vector.multi_reduction <minimumf>, %reduce_min3A_513, %reduce_min3A_514 [1] : vector<1x1024xf32> to vector<1xf32>
    %reduce_min3A_516 = vector.shape_cast %reduce_min3A_515 : vector<1xf32> to vector<1x1xf32>
    %reduce_min3A_517 = vector.extract %reduce_min3A_516[0, 0] : f32 from vector<1x1xf32>
    %min3A_518 = arith.minimumf %reduce_min3A_512, %reduce_min3A_517 : f32
    %reduce_min3A_519 = vector.shape_cast %select_n3A_461 : vector<1024xf32> to vector<1x1024xf32>
    %reduce_min3A_520 = arith.constant dense<0x7F800000> : vector<1xf32>
    %reduce_min3A_521 = vector.multi_reduction <minimumf>, %reduce_min3A_519, %reduce_min3A_520 [1] : vector<1x1024xf32> to vector<1xf32>
    %reduce_min3A_522 = vector.shape_cast %reduce_min3A_521 : vector<1xf32> to vector<1x1xf32>
    %reduce_min3A_523 = vector.extract %reduce_min3A_522[0, 0] : f32 from vector<1x1xf32>
    %min3A_524 = arith.minimumf %min3A_518, %reduce_min3A_523 : f32
    %reduce_min3A_525 = vector.shape_cast %select_n3A_484 : vector<1024xf32> to vector<1x1024xf32>
    %reduce_min3A_526 = arith.constant dense<0x7F800000> : vector<1xf32>
    %reduce_min3A_527 = vector.multi_reduction <minimumf>, %reduce_min3A_525, %reduce_min3A_526 [1] : vector<1x1024xf32> to vector<1xf32>
    %reduce_min3A_528 = vector.shape_cast %reduce_min3A_527 : vector<1xf32> to vector<1x1xf32>
    %reduce_min3A_529 = vector.extract %reduce_min3A_528[0, 0] : f32 from vector<1x1xf32>
    %min3A_530 = arith.minimumf %min3A_524, %reduce_min3A_529 : f32
    %reduce_min3A_531 = vector.shape_cast %select_n3A_507 : vector<1024xf32> to vector<1x1024xf32>
    %reduce_min3A_532 = arith.constant dense<0x7F800000> : vector<1xf32>
    %reduce_min3A_533 = vector.multi_reduction <minimumf>, %reduce_min3A_531, %reduce_min3A_532 [1] : vector<1x1024xf32> to vector<1xf32>
    %reduce_min3A_534 = vector.shape_cast %reduce_min3A_533 : vector<1xf32> to vector<1x1xf32>
    %reduce_min3A_535 = vector.extract %reduce_min3A_534[0, 0] : f32 from vector<1x1xf32>
    %min3A_536 = arith.minimumf %min3A_530, %reduce_min3A_535 : f32
    %div3A_537 = arith.constant 1.000000e+05 : f32
    %div3A_538 = arith.divf %add3A_64, %div3A_537 : f32
    %swap3A = arith.constant 0 : index
    %swap3A_539 = arith.constant 0 : index
    %swap3A_540 = memref.load %arg6[%swap3A, %swap3A_539] : memref<1x1xf32, #tpu.memory_space<smem>>
    memref.store %div3A_538, %arg6[%swap3A, %swap3A_539] : memref<1x1xf32, #tpu.memory_space<smem>>
    %sqrt3A = math.sqrt %min3A_106 : f32
    %sqrt3A_541 = math.sqrt %min3A_248 : f32
    %add3A_542 = arith.addf %sqrt3A, %sqrt3A_541 : f32
    %sqrt3A_543 = math.sqrt %min3A_392 : f32
    %add3A_544 = arith.addf %add3A_542, %sqrt3A_543 : f32
    %sqrt3A_545 = math.sqrt %min3A_536 : f32
    %add3A_546 = arith.addf %add3A_544, %sqrt3A_545 : f32
    %mul3A_547 = arith.constant 2.500000e-01 : f32
    %mul3A_548 = arith.mulf %add3A_546, %mul3A_547 : f32
    %swap3A_549 = arith.constant 0 : index
    %swap3A_550 = arith.constant 0 : index
    %swap3A_551 = memref.load %arg7[%swap3A_549, %swap3A_550] : memref<1x1xf32, #tpu.memory_space<smem>>
    memref.store %mul3A_548, %arg7[%swap3A_549, %swap3A_550] : memref<1x1xf32, #tpu.memory_space<smem>>
    %sqrt3A_552 = math.sqrt %min3A_106 : f32
    %swap3A_553 = arith.constant 0 : index
    %swap3A_554 = arith.constant 0 : index
    %swap3A_555 = memref.load %arg8[%swap3A_553, %swap3A_554] : memref<1x1xf32, #tpu.memory_space<smem>>
    memref.store %sqrt3A_552, %arg8[%swap3A_553, %swap3A_554] : memref<1x1xf32, #tpu.memory_space<smem>>
    return
  }
}

</mosaic_0001>

<sc_bundles>
// kernel: kernel.5.cloned.1.call-start
scs
__scs_entry_jumppad:
0x0: {  	(pc) =	sbr.rel $0x88, $3  }
0x1: {  	(tag) =	ssettag $0x0;
	lr =	simm.s32 $0x1  }
0x2: {  	[smem:$0x3F9F] =	sst lr;
	_ =	strace $0xD0000000  }
0x3: {  	_ = 	snop  }
0x4: {  	_ = 	snop  }
0x5: {  	_ = 	snop  }
0x6: {  	_ = 	snop  }
0x7: {  	_ = 	snop  }
__scs_overlays_trampoline_lowered:
0x8: {  	[smem:$0x3FAE] =	sst s0  }
0x9: {  	[smem:$0x3FAF] =	sst s1  }
0xa: {  	[smem:$0x3FB0] =	sst s2  }
0xb: {  	[smem:$0x3FB1] =	sst s3  }
0xc: {  	[smem:$0x3FB2] =	sst s4  }
0xd: {  	[smem:$0x3FB3] =	sst s5  }
0xe: {  	[smem:$0x3FB4] =	sst s6  }
0xf: {  	[smem:$0x3FB5] =	sst s7  }
0x10: {  	[smem:$0x3FB6] =	sst s8  }
0x11: {  	[smem:$0x3FB7] =	sst s9;
	s0 =	simm.s32 @!p0 $0x0  }
0x12: {  	s1 =	sld [smem:$0x3F9D];
	s0 =	simm.s32 @p0 $0x1  }
0x13: {  	[smem:$0x3FB8] =	sst s0;
	s0 =	simm.s32 @!p1 $0x0  }
0x14: {  	s2 =	sld [smem:$0x3F9C];
	s0 =	simm.s32 @p1 $0x1  }
0x15: {  	[smem:$0x3FB9] =	sst s0;
	s0 =	simm.s32 @!p2 $0x0  }
0x16: {  	s3 =	sld [smem:$0x3FDB];
	s0 =	simm.s32 @p2 $0x1  }
0x17: {  	s4 =	simm.s32 $0x1BF5;
	[smem:$0x3FBB] =	sst s0  }
0x18: {  	s0 =	sld [smem:$0x3F9E];
	_ =	swait.ge [sflag:s4], $0x0  }
0x19: {  	s7 =	sld [smem:$0x3F9F]  }
0x1a: {  	s8 =	sadd.s32 $0xFFFFE003, lr  }
0x1b: {  	s9 =	sadd.s32 $0xFFFFFEF7, lr;
	s5 =	simm.s32 $0xFFFFFFFF;
	p2 =	slt.u32 s8, $0xFFFFF086  }
0x1c: {  	p1 =	slt.u32 s9, $0xF7A;
	s5 =	simm.s32 @!p2 $0x0  }
0x1d: {  	s5 =	simm.s32 @p1 $0x1;
	p0 =	seq.s32 s7, s2  }
0x1e: {  	s7 =	smul.u32 @!p0 $0xF7A, s2;
	p2 =	seq.s32 @!p0 s5, $0x0  }
0x1f: {  	s9 =	smul.u32 $0xF7A, s1;
	s8 =	simm.s32 @!p0 $0x1BF5;
	p2 =	por !p2, p0  }
0x20: {  	[sflag:s8] =	ssyncset.s32 @!p0 $0xFFFFF086;
	s6 =	sadd.s32 @!p0 s3, s7;
	s7 =	simm.s32 @!p0 $0x108  }
0x21: {  	s3 =	sadd.s32 s3, s9;
	s6 =	sadd.s32 @!p0 $0x88, s6;
	s7 =	simm.s32 @p2 $0x1082  }
0x22: {  	[simem:s7], [sflag:s8] =	dma.local @!p0 [hbm:s6], $0xF7A  }
0x23: {  	s9 =	sor.u32 $0xD0000000, s2;
	s6 =	simm.s32 $0x108;
	_ =	swait.ge @!p0 [sflag:s8], $0x0  }
0x24: {  	s3 =	sadd.s32 $0x88, s3;
	s6 =	simm.s32 @!p1 $0x1082;
	[sflag:s4] =	ssyncset.s32 $0xFFFFF086  }
0x25: {  	[simem:s6], [sflag:s4] =	dma.local [hbm:s3], $0xF7A  }
0x26: {  	[smem:$0x3F9F] =	sst s1;
	(tag) =	ssettag s2;
	_ =	strace s9  }
0x27: {  	s1 =	sld [smem:$0x3FAF]  }
0x28: {  	s2 =	sld [smem:$0x3FB0]  }
0x29: {  	s4 =	sld [smem:$0x3FB2]  }
0x2a: {  	p0 =	seq.s32 s5, $0x0;
	s5 =	sld [smem:$0x3FB3]  }
0x2b: {  	s6 =	sld [smem:$0x3FB4]  }
0x2c: {  	s7 =	sld [smem:$0x3FB5]  }
0x2d: {  	s3 =	simm.s32 $0x108;
	s8 =	sld [smem:$0x3FB6]  }
0x2e: {  	s3 =	simm.s32 @!p0 $0x1082;
	s9 =	sld [smem:$0x3FB7]  }
0x2f: {  	lr =	sadd.s32 s0, s3;
	s0 =	sld [smem:$0x3FAE]  }
0x30: {  	s3 =	sld [smem:$0x3FB1]  }
0x31: {  	[smem:$0x3FBA] =	sst s10  }
0x32: {  	s10 =	sld [smem:$0x3FB8];
	_ =	sdelay $0x3  }
0x33: {  	p0 =	seq.s32 s10, $0x1;
	s10 =	sld [smem:$0x3FBA];
	_ =	sdelay $0x3  }
0x34: {  	[smem:$0x3FBA] =	sst s10  }
0x35: {  	s10 =	sld [smem:$0x3FB9];
	_ =	sdelay $0x3  }
0x36: {  	p1 =	seq.s32 s10, $0x1;
	s10 =	sld [smem:$0x3FBA];
	_ =	sdelay $0x3  }
0x37: {  	[smem:$0x3FBA] =	sst s10  }
0x38: {  	s10 =	sld [smem:$0x3FBB]  }
0x39: {  	_ = 	snop;
	(pc) =	sbr.ind lr, $3  }
0x3a: {  	_ = 	snop  }
0x3b: {  	_ = 	snop  }
0x3c: {  	p2 =	seq.s32 s10, $0x1;
	s10 =	sld [smem:$0x3FBA]  }
0x3d: {  	_ =	shalt  }
0x3e: {  	_ =	shalt  }
0x3f: {  	_ =	shalt  }
0x40: {  	_ =	shalt  }
0x41: {  	_ =	shalt  }
0x42: {  	_ =	shalt  }
0x43: {  	_ =	shalt  }
0x44: {  	_ =	shalt  }
0x45: {  	_ =	shalt  }
0x46: {  	_ =	shalt  }
0x47: {  	_ =	shalt  }
0x48: {  	_ =	shalt  }
0x49: {  	_ =	shalt  }
0x4a: {  	_ =	shalt  }
0x4b: {  	_ =	shalt  }
0x4c: {  	_ =	shalt  }
0x4d: {  	_ =	shalt  }
0x4e: {  	_ =	shalt  }
0x4f: {  	_ =	shalt  }
0x50: {  	_ =	shalt  }
0x51: {  	_ =	shalt  }
0x52: {  	_ =	shalt  }
0x53: {  	_ =	shalt  }
0x54: {  	_ =	shalt  }
0x55: {  	_ =	shalt  }
0x56: {  	_ =	shalt  }
0x57: {  	_ =	shalt  }
0x58: {  	_ =	shalt  }
0x59: {  	_ =	shalt  }
0x5a: {  	_ =	shalt  }
0x5b: {  	_ =	shalt  }
0x5c: {  	_ =	shalt  }
0x5d: {  	_ =	shalt  }
0x5e: {  	_ =	shalt  }
0x5f: {  	_ =	shalt  }
0x60: {  	_ =	shalt  }
0x61: {  	_ =	shalt  }
0x62: {  	_ =	shalt  }
0x63: {  	_ =	shalt  }
0x64: {  	_ =	shalt  }
0x65: {  	_ =	shalt  }
0x66: {  	_ =	shalt  }
0x67: {  	_ =	shalt  }
0x68: {  	_ =	shalt  }
0x69: {  	_ =	shalt  }
0x6a: {  	_ =	shalt  }
0x6b: {  	_ =	shalt  }
0x6c: {  	_ =	shalt  }
0x6d: {  	_ =	shalt  }
0x6e: {  	_ =	shalt  }
0x6f: {  	_ =	shalt  }
0x70: {  	_ =	shalt  }
0x71: {  	_ =	shalt  }
0x72: {  	_ =	shalt  }
0x73: {  	_ =	shalt  }
0x74: {  	_ =	shalt  }
0x75: {  	_ =	shalt  }
0x76: {  	_ =	shalt  }
0x77: {  	_ =	shalt  }
0x78: {  	_ =	shalt  }
0x79: {  	_ =	shalt  }
0x7a: {  	_ =	shalt  }
0x7b: {  	_ =	shalt  }
0x7c: {  	_ =	shalt  }
0x7d: {  	_ =	shalt  }
0x7e: {  	_ =	shalt  }
0x7f: {  	_ =	shalt  }
0x80: {  	_ =	shalt  }
0x81: {  	_ =	shalt  }
0x82: {  	_ =	shalt  }
0x83: {  	_ =	shalt  }
0x84: {  	_ =	shalt  }
0x85: {  	_ =	shalt  }
0x86: {  	_ =	shalt  }
0x87: {  	_ =	shalt  }
.Lfunc_end0:
.L_simem_size_0:
called_computation_lowered:
.L_overlay_start_0:
0x88: {  	s2 =	sld [smem:$0x3FD9]  }
0x89: {  	s3 =	sld [smem:$0x3FFE];
	_ =	sdelay $0x1  }
0x8a: {  	s1 =	srdreg.scid  }
0x8b: {  	s0 =	sand.u32 $0x1, s1  }
0x8c: {  	s17 =	sshll.u32 s0, $0xA;
	s2 =	sadd.s32 s3, s2  }
0x8d: {  	s2 =	sadd.s32 s2, s17  }
0x8e: {  	[smem:$0x3FC6] =	sst s2  }
0x8f: {  	_ = 	snop  }
0x90: {  	s2 =	sld [smem:$0x3FC9]  }
0x91: {  	s18 =	sld [smem:$0x3FC8];
	(tm) =	ssettm $0x1  }
0x92: {  	s4 =	sld [smem:$0x3FFB];
	_ =	sdelay $0x3  }
0x93: {  	_ =	strace s4  }
0x94: {  	s4 =	sld [smem:$0x3FFC];
	_ =	sdelay $0x3  }
0x95: {  	_ =	strace s4  }
0x96: {  	s4 =	sld [smem:$0x3FFD];
	_ =	sdelay $0x3  }
0x97: {  	_ =	strace s4  }
0x98: {  	_ =	strace $0x8FFFFFFF  }
0x99: {  	s19 =	sld [smem:$0x3FDB];
	_ =	sdelay $0x1  }
0x9a: {  	s5 =	simm.s32 $_scs_section_size  }
0x9b: {  	s6 =	simm.s32 $_size__tile_overlayer_lowered;
	s7 =	simm.s32 $_tile_overlayer_lowered  }
0x9c: {  	s22 =	simm.s32 $0x1BFF;
	s21 =	sshll.u32 s7, $0x1;
	s4 =	sadd.s32 s5, s19  }
0x9d: {  	s8 =	simm.s32 $0x0;
	s20 =	sshll.u32 s6, $0x1;
	s6 =	sadd.s32 s21, s4  }
0x9e: {  	[timem:s8], [sflag:s22] =	dma.local [hbm:s6], s20  }
0x9f: {  	_ =	swait.ge [sflag:s22], s20  }
0xa0: {  	s5 =	ssub.s32 $0x0, s20;
	[sflag:s22] =	ssyncset.done $0x0  }
0xa1: {  	[sflag:s22] =	ssyncadd.s32 s5;
	_ =	sdelay $0x1  }
0xa2: {  	s23 =	simm.s32 $0x1B8B  }
0xa3: {  	_ =	swait.ge [sflag:s23], $0x1  }
0xa4: {  	[sflag:s23] =	ssyncset.done $0x0  }
0xa5: {  	s25 =	simm.s32 $0x1B8E;
	s24 =	sld [smem:$0x3FFE];
	[sflag:s23] =	ssyncadd.s32 $0xFFFFFFFF  }
0xa6: {  	s26 =	simm.s32 $execute0_lowered;
	[smem:$0x3FD2] =	sst s25  }
0xa7: {  	s6 =	sshll.u32 s26, $0x1;
	_ =	strace $0x80000046;
	[dreg:$0x1] =	wrdreg $0xFFFFFFFF  }
0xa8: {  	s28 =	simm.s32 $_size_execute0_lowered;
	s4 =	sadd.s32 s4, s6;
	[dreg:$0x0] =	wrdreg $0x0  }
0xa9: {  	s6 =	sshll.u32 s28, $0x1;
	[dreg:$0x2] =	wrdreg s4  }
0xaa: {  	[dreg:$0x3] =	wrdreg s6  }
0xab: {  	[dreg:$0x4] =	wrdreg $0xC0  }
0xac: {  	_ =	task [dreg:s8], $0x5FFFF  }
0xad: {  	[dreg:$0x1] =	wrdreg $0xFFFFFFFF  }
0xae: {  	[dreg:$0x0] =	wrdreg $0x60  }
0xaf: {  	[dreg:$0x2] =	wrdreg s18  }
0xb0: {  	[dreg:$0x3] =	wrdreg s2  }
0xb1: {  	[dreg:$0x4] =	wrdreg s24  }
0xb2: {  	[dreg:$0x5] =	wrdreg $0x9  }
0xb3: {  	_ =	task.clear_ibuf [dreg:s8], $0x6FFFF;
	_ =	strace $0x90000046  }
0xb4: {  	s29 =	simm.s32 $0x9;
	_ =	strace $0x80000048  }
0xb5: {  	_ =	swait.ge [sflag:s29], $0x1  }
0xb6: {  	[sflag:s29] =	ssyncadd.s32 $0xFFFFFFFF  }
0xb7: {  	_ =	strace $0x90000048  }
0xb8: {  	_ =	sfence  }
0xb9: {  	s30 =	sld [smem:$0x0];
	_ =	sdelay $0x2  }
0xba: {  	s31 =	sshll.u32 s1, $0xD;
	s1 =	sshrl.u32 s1, $0x2  }
0xbb: {  	s3 =	sand.u32 $0x4000, s31;
	s1 =	sadd.s32 s1, s30  }
0xbc: {  	s0 =	sor.u32 s3, s0;
	s1 =	sshll.u32 s1, $0x11  }
0xbd: {  	s0 =	sor.u32 s1, s0  }
0xbe: {  	s0 =	sadd.s32 $0x8F2B, s0  }
0xbf: {  	[sflag:s0] =	ssyncadd.remote.s32 $0x1  }
0xc0: {  	_ =	sfence.sel $0xFFFF  }
0xc1: {  	[dreg:$0x0] =	wrdreg $0xFFFFFFFF;
	(pc) =	sbr.abs _section_cstart, $3  }
0xc2: {  	[dreg:$0x1] =	wrdreg $0xFFFFFFFF  }
0xc3: {  	_ =	task.clear_ibuf [dreg:s8], $0x2FFFF;
	_ =	strace $0x9FFFFFFF  }
0xc4: {  	(tm) =	ssettm $0x7FFFFFFF  }
0xc5: {  	_ =	shalt  }
tec
execute0_lowered:
.L_overlay_start_1:
0x0: {  	(tag) =	ssettag $0x1  }
0x1: {  	s6 =	rddreg [dreg:$0x0];
	s0 =	srdreg.scid  }
0x2: {  	s1 =	stileid.u32;
	s2 =	rddreg [dreg:$0x2];
	s4 =	simm.s32 $0x0  }
0x3: {  	s18 =	simm.s32 $0x4;
	s22 =	simm.s32 $0x10080;
	s20 =	simm.s32 $0x2080  }
0x4: {  	s21 =	simm.s32 $0x3080;
	s7 =	simm.s32 $0x9880;
	s10 =	simm.s32 $0xA080  }
0x5: {  	s11 =	simm.s32 $0xA880;
	s12 =	simm.s32 $0xB880;
	s9 =	simm.s32 $0xC080  }
0x6: {  	s8 =	simm.s32 $0xD080;
	s16 =	simm.s32 $0xD880;
	s15 =	simm.s32 $0xE880  }
0x7: {  	s13 =	simm.s32 $0xF080;
	s14 =	simm.s32 $0xF880;
	s29 =	simm.s32 $0x5080  }
0x8: {  	s31 =	simm.s32 $0x6080;
	s0 =	sand.u32 $0x1, s0;
	s1 =	sshll.u32 s1, $0x1  }
0x9: {  	s30 =	simm.s32 $0x5880;
	s1 =	sor.u32 s0, s1;
	s0 =	ssub.s32 $0x2, s0  }
0xa: {  	[smem:$0x7FF] =	sst s4;
	s3 =	smul.u32 $0x43000, s1;
	s23 =	sshrl.u32 s0, $0x1  }
0xb: {  	_ =	strace $0x80000047;
	s1 =	smul.u32 $0xA, s1;
	s0 =	ssub.s32 s0, s23  }
0xc: {  	s23 =	simm.s32 $0x3880;
	s5 =	sshrl.u32 s3, $0x3;
	s26 =	sadd.s32 $0x10000, s3  }
0xd: {  	s1 =	sadd.s32 s1, s2;
	s28 =	sadd.s32 $0x18000, s3;
	[dreg:$0x7] =	wrdreg s26  }
0xe: {  	s0 =	smax.u32 s0, $0x1;
	s2 =	simm.s32 $0x7080;
	[dreg:$0x8] =	wrdreg s28  }
0xf: {  	s3 =	simm.s32 $0x7880;
	s5 =	sadd.s32 s6, s5;
	[dreg:$0xa] =	wrdreg s0  }
0x10: {  	s1 =	sadd.s32 $0xC00, s1;
	s0 =	simm.s32 $0xE080;
	[dreg:$0x4] =	wrdreg s5  }
0x11: {  	s6 =	simm.s32 $0x0;
	s24 =	sadd.s32 $0x1000, s5;
	[dreg:$0x9] =	wrdreg s1  }
0x12: {  	v0 =	vlaneseq.u32;
	s25 =	sadd.s32 $0x8000, s5;
	s5 =	simm.s32 $0xB080;
	[dreg:$0x5] =	wrdreg s24  }
0x13: {  	v0 =	vmul.u32 $0x80, v0;
	s1 =	simm.s32 $0xC880;
	[dreg:$0x6] =	wrdreg s25;
	s24 =	simm.s32 $0x5080  }
.LBB2_1:
0x14: {  	[dreg:$0xb] =	wrdreg s6  }
0x15: {  	s17 =	rddreg [dreg:$0x1]  }
0x16: {  	[tilespmem:s4], [sflag:$0x4] =	stream.linear.gather [hbm4b:s17+s4], $0x80, $0x38;
	[tilespmem:$0x13100] =	vst v63  }
0x17: {  	_ =	swait.ge [sflag:s18], $0x80  }
0x18: {  	[sflag:s18] =	ssyncset.done $0x0  }
0x19: {  	[sflag:s18] =	ssyncadd.s32 $0xFFFFFF80  }
0x1a: {  	v1 =	vld [tilespmem:$0x0]  }
0x1b: {  	v2 =	vld [tilespmem:$0x10]  }
0x1c: {  	v3 =	vld [tilespmem:$0x20]  }
0x1d: {  	v4 =	vld [tilespmem:$0x30]  }
0x1e: {  	v5 =	vld [tilespmem:$0x40]  }
0x1f: {  	v6 =	vld [tilespmem:$0x50];
	v1 =	vadd.f32 $-9.999999970e-07, v1  }
0x20: {  	v7 =	vld [tilespmem:$0x60];
	v2 =	vadd.f32 $-9.999999970e-07, v2  }
0x21: {  	[tilespmem:$0x0] =	vst v1;
	v1 =	vadd.f32 $-9.999999970e-07, v3;
	v3 =	vld [tilespmem:$0x70]  }
0x22: {  	[tilespmem:$0x10] =	vst v2;
	v2 =	vadd.f32 $-9.999999970e-07, v4  }
0x23: {  	[tilespmem:$0x20] =	vst v1;
	v1 =	vadd.f32 $-9.999999970e-07, v5  }
0x24: {  	[tilespmem:$0x30] =	vst v2;
	v2 =	vadd.f32 $-9.999999970e-07, v6  }
0x25: {  	[tilespmem:$0x40] =	vst v1;
	v1 =	vadd.f32 $-9.999999970e-07, v7  }
0x26: {  	s28 =	simm.s32 $0x0;
	[tilespmem:$0x50] =	vst v2;
	v2 =	vadd.f32 $-9.999999970e-07, v3  }
0x27: {  	[dreg:$0xc] =	wrdreg s28;
	[tilespmem:$0x60] =	vst v1  }
0x28: {  	s19 =	rddreg [dreg:$0x4];
	s18 =	simm.s32 $0x80;
	[tilespmem:$0x70] =	vst v2  }
0x29: {  	[tilespmem:s18], [sflag:$0x1] =	stream.linear.gather [hbm4b:s19+s4], $0x8000, $0x38;
	[tilespmem:$0x13100] =	vst v63  }
0x2a: {  	s25 =	rddreg [dreg:$0x5];
	s19 =	simm.s32 $0x8080  }
0x2b: {  	[tilespmem:s19], [sflag:$0x2] =	stream.linear.gather [hbm4b:s25+s4], $0x8000, $0x38;
	[tilespmem:$0x13100] =	vst v63  }
0x2c: {  	s26 =	rddreg [dreg:$0x6];
	v4 =	vimm.f32 $+Inf;
	v5 =	vimm.f32 $+Inf;
	v6 =	vimm.f32 $+Inf  }
0x2d: {  	v3 =	vimm.f32 $0.0e+00;
	v1 =	vimm.f32 $0.0e+00;
	v2 =	vimm.f32 $+Inf;
	[tilespmem:s22], [sflag:$0x3] =	stream.linear.gather [hbm4b:s26+s4], $0x3000, $0x38;
	[tilespmem:$0x13100] =	vst v63  }
.LBB2_2:
0x2e: {  	v7 =	vlaneseq.u32  }
0x2f: {  	s17 =	simm.s32 $0x1;
	v10 =	vor.u32 v0, v7  }
0x30: {  	_ =	swait.ge [sflag:s17], $0x8000  }
0x31: {  	[sflag:s17] =	ssyncset.done $0x0  }
0x32: {  	[sflag:s17] =	ssyncadd.s32 $0xFFFF8000  }
0x33: {  	v19 =	vld.idx.msk [tilespmem:v7+s4+$0x0], $0xffff  }
0x34: {  	v9 =	vld.idx.msk [tilespmem:v10+s3+$0x0], $0xffff  }
0x35: {  	s22 =	simm.s32 $0x2080;
	v14 =	vld.idx.msk [tilespmem:v10+s2+$0x0], $0xffff  }
0x36: {  	v8 =	vadd.s32 $0x1, v7;
	v17 =	vld.idx.msk [tilespmem:v10+s22+$0x0], $0xffff  }
0x37: {  	v8 =	vand.u32 $0x7F, v8;
	v18 =	vld.idx.msk [tilespmem:v10+s21+$0x0], $0xffff  }
0x38: {  	s26 =	simm.s32 $0x4080;
	v24 =	vld.idx.msk [tilespmem:v10+s31+$0x0], $0xffff  }
0x39: {  	s28 =	simm.s32 $0x4880;
	v11 =	vor.u32 v0, v8;
	v25 =	vld.idx.msk [tilespmem:v10+s26+$0x0], $0xffff  }
0x3a: {  	s19 =	simm.s32 $0x880;
	v30 =	vld.idx.msk [tilespmem:v10+s28+$0x0], $0xffff  }
0x3b: {  	v39 =	vld.idx.msk [tilespmem:v10+s19+$0x0], $0xffff  }
0x3c: {  	s21 =	simm.s32 $0x1880;
	v27 =	vld.idx.msk [tilespmem:v8+s4+$0x0], $0xffff  }
0x3d: {  	v22 =	vld.idx.msk [tilespmem:v10+s21+$0x0], $0xffff  }
0x3e: {  	v8 =	vld.idx.msk [tilespmem:v11+s20+$0x0], $0xffff  }
0x3f: {  	v12 =	vld.idx.msk [tilespmem:v11+s2+$0x0], $0xffff  }
0x40: {  	v15 =	vld.idx.msk [tilespmem:v11+s23+$0x0], $0xffff  }
0x41: {  	v20 =	vld.idx.msk [tilespmem:v11+s28+$0x0], $0xffff  }
0x42: {  	v32 =	vld.idx.msk [tilespmem:v11+s21+$0x0], $0xffff  }
0x43: {  	v35 =	vld.idx.msk [tilespmem:v11+s29+$0x0], $0xffff;
	v14 =	vsub.f32 v14, v19;
	v9 =	vsub.f32 v9, v19  }
0x44: {  	v7 =	vadd.s32 $0x2, v7;
	v38 =	vld.idx.msk [tilespmem:v11+s31+$0x0], $0xffff;
	v17 =	vsub.f32 v17, v19;
	v24 =	vsub.f32 v24, v19  }
0x45: {  	v26 =	vand.u32 $0x7F, v7;
	s20 =	simm.s32 $0x1080;
	v46 =	vld.idx.msk [tilespmem:v11+s18+$0x0], $0xffff;
	v25 =	vsub.f32 v25, v19;
	v39 =	vsub.f32 v39, v19  }
0x46: {  	s23 =	simm.s32 $0x2880;
	v13 =	vld.idx.msk [tilespmem:v11+s20+$0x0], $0xffff;
	v22 =	vsub.f32 v22, v19;
	v12 =	vsub.f32 v12, v27;
	v14 =	vmul.f32 v14, v14  }
0x47: {  	v16 =	vld.idx.msk [tilespmem:v11+s23+$0x0], $0xffff;
	v7 =	vmul.f32 v9, v9;
	v20 =	vsub.f32 v20, v27;
	v17 =	vmul.f32 v17, v17  }
0x48: {  	s2 =	simm.s32 $0x6880;
	v23 =	vld.idx.msk [tilespmem:v10+s23+$0x0], $0xffff;
	v24 =	vmul.f32 v24, v24;
	v37 =	vsub.f32 v15, v27;
	v15 =	vsub.f32 v30, v19  }
0x49: {  	v34 =	vld.idx.msk [tilespmem:v11+s2+$0x0], $0xffff;
	v30 =	vmul.f32 v25, v25;
	v40 =	vsub.f32 v8, v27;
	v58 =	vsub.f32 v32, v27  }
0x4a: {  	v8 =	vadd.s32 $0x1, v26;
	v61 =	vsub.f32 v46, v27;
	v38 =	vsub.f32 v38, v27  }
0x4b: {  	v21 =	vld.idx.msk [tilespmem:v10+s24+$0x0], $0xffff;
	v62 =	vsub.f32 v35, v27;
	v14 =	vadd.f32 v14, v1;
	v12 =	vmul.f32 v12, v12  }
0x4c: {  	v48 =	vmul.f32 v39, v39;
	v9 =	vsub.f32 v16, v27;
	v28 =	vadd.f32 v7, v1  }
0x4d: {  	v29 =	vld.idx.msk [tilespmem:v10+s30+$0x0], $0xffff;
	v7 =	vadd.f32 v12, v14;
	v12 =	vmul.f32 v20, v20;
	v20 =	vsub.f32 v23, v19  }
0x4e: {  	v16 =	vld.idx.msk [tilespmem:v10+s20+$0x0], $0xffff;
	v13 =	vsub.f32 v13, v27;
	v22 =	vmul.f32 v22, v22;
	v47 =	vsub.f32 v34, v27  }
0x4f: {  	v43 =	vld.idx.msk [tilespmem:v10+s18+$0x0], $0xffff;
	v33 =	vadd.f32 v17, v1;
	v15 =	vmul.f32 v15, v15;
	v17 =	vmul.f32 v20, v20  }
0x50: {  	v31 =	vld.idx.msk [tilespmem:v11+s30+$0x0], $0xffff;
	v36 =	vmul.f32 v13, v13;
	v13 =	vsub.f32 v18, v19;
	v20 =	vsub.f32 v21, v19  }
0x51: {  	s25 =	simm.s32 $0x3880;
	v41 =	vld.idx.msk [tilespmem:v11+s26+$0x0], $0xffff;
	v37 =	vmul.f32 v37, v37;
	v9 =	vmul.f32 v9, v9;
	v17 =	vadd.f32 v17, v1  }
0x52: {  	v22 =	vadd.f32 v22, v1;
	v23 =	vld.idx.msk [tilespmem:v10+s25+$0x0], $0xffff;
	v25 =	vmul.f32 v13, v13;
	v18 =	vmul.f32 v20, v20  }
0x53: {  	v10 =	vld.idx.msk [tilespmem:v10+s2+$0x0], $0xffff;
	v16 =	vsub.f32 v16, v19;
	v13 =	vadd.f32 v9, v17;
	v9 =	vor.u32 v0, v26  }
0x54: {  	s24 =	simm.s32 $0x3080;
	v42 =	vld.idx.msk [tilespmem:v11+s19+$0x0], $0xffff;
	v21 =	vsub.f32 v29, v19;
	v20 =	vadd.f32 v18, v1;
	v18 =	vand.u32 $0x7F, v8  }
0x55: {  	s6 =	simm.s32 $0x7880;
	v14 =	vadd.s32 $0x2, v26;
	v29 =	vld.idx.msk [tilespmem:v11+s24+$0x0], $0xffff;
	v45 =	vadd.f32 v25, v1;
	v25 =	vadd.f32 v15, v1  }
0x56: {  	v15 =	vsub.f32 v31, v27;
	v44 =	vmul.f32 v21, v21;
	v21 =	vadd.f32 v30, v1;
	v30 =	vld.idx.msk [tilespmem:v11+s6+$0x0], $0xffff  }
0x57: {  	v14 =	vand.u32 $0x7F, v14;
	v16 =	vmul.f32 v16, v16;
	v23 =	vsub.f32 v23, v19;
	v17 =	vld.idx.msk [tilespmem:v26+s4+$0x0], $0xffff  }
0x58: {  	v32 =	vmul.f32 v15, v15;
	v10 =	vsub.f32 v10, v19;
	v8 =	vor.u32 v0, v18;
	v31 =	vld.idx.msk [tilespmem:v9+s6+$0x0], $0xffff  }
0x59: {  	s3 =	simm.s32 $0x7080;
	v16 =	vadd.f32 v16, v1;
	v11 =	vmul.f32 v23, v23;
	v23 =	vadd.f32 v24, v1;
	v15 =	vld.idx.msk [tilespmem:v18+s4+$0x0], $0xffff  }
0x5a: {  	v24 =	vmul.f32 v40, v40;
	v26 =	vsub.f32 v29, v27;
	v29 =	vsub.f32 v43, v19;
	v49 =	vld.idx.msk [tilespmem:v9+s3+$0x0], $0xffff  }
0x5b: {  	v19 =	vsub.f32 v42, v27;
	v10 =	vmul.f32 v10, v10;
	v40 =	vmul.f32 v58, v58;
	v35 =	vld.idx.msk [tilespmem:v9+s22+$0x0], $0xffff  }
0x5c: {  	v42 =	vmul.f32 v61, v61;
	v43 =	vsub.f32 v41, v27;
	v16 =	vadd.f32 v36, v16;
	v34 =	vld.idx.msk [tilespmem:v9+s29+$0x0], $0xffff  }
0x5d: {  	v11 =	vadd.f32 v11, v1;
	v59 =	vmul.f32 v29, v29;
	v30 =	vsub.f32 v30, v27;
	v18 =	vld.idx.msk [tilespmem:v8+s22+$0x0], $0xffff  }
0x5e: {  	v60 =	vmul.f32 v26, v26;
	v29 =	vadd.f32 v24, v33;
	v33 =	vadd.f32 v44, v1;
	v36 =	vld.idx.msk [tilespmem:v8+s3+$0x0], $0xffff  }
0x5f: {  	v22 =	vadd.f32 v40, v22;
	v30 =	vmul.f32 v30, v30;
	v26 =	vld.idx.msk [tilespmem:v8+s20+$0x0], $0xffff;
	v31 =	vsub.f32 v31, v17  }
0x60: {  	v41 =	vmul.f32 v62, v62;
	v27 =	vadd.f32 v48, v1;
	v11 =	vadd.f32 v37, v11;
	v24 =	vld.idx.msk [tilespmem:v8+s25+$0x0], $0xffff  }
0x61: {  	v39 =	vld.idx.msk [tilespmem:v8+s23+$0x0], $0xffff;
	v63 =	vmul.f32 v31, v31;
	v31 =	vadd.f32 v10, v1;
	v10 =	vadd.f32 v30, v28  }
0x62: {  	v37 =	vmul.f32 v19, v19;
	v19 =	vadd.f32 v60, v45;
	v40 =	vld.idx.msk [tilespmem:v8+s28+$0x0], $0xffff;
	v28 =	vadd.f32 v59, v1  }
0x63: {  	s17 =	simm.s32 $0x2;
	v45 =	vmul.f32 v47, v47;
	v44 =	vsub.f32 v49, v17;
	v30 =	vld.idx.msk [tilespmem:v9+s24+$0x0], $0xffff;
	v10 =	vadd.f32 v63, v10  }
.LBB2_3:
0x64: {  	s17 =	sadd.s32 $0x2, s17;
	v46 =	vld.idx.msk [tilespmem:v9+s21+$0x0], $0xffff;
	v36 =	vsub.f32 v36, v15;
	v28 =	vadd.f32 v42, v28;
	v42 =	vmul.f32 v43, v43  }
0x65: {  	p0 =	slt.u32 s17, $0x7E;
	v43 =	vld.idx.msk [tilespmem:v9+s23+$0x0], $0xffff;
	v44 =	vmul.f32 v44, v44;
	v27 =	vadd.f32 v37, v27;
	v31 =	vadd.f32 v45, v31  }
0x66: {  	v39 =	vsub.f32 v39, v15;
	v25 =	vadd.f32 v12, v25;
	v12 =	vmul.f32 v38, v38;
	v37 =	vld.idx.msk [tilespmem:v9+s31+$0x0], $0xffff  }
0x67: {  	v33 =	vadd.f32 v32, v33;
	v45 =	vmul.f32 v36, v36;
	v38 =	vld.idx.msk [tilespmem:v9+s20+$0x0], $0xffff;
	v7 =	vadd.f32 v44, v7  }
0x68: {  	v20 =	vadd.f32 v41, v20;
	v39 =	vmul.f32 v39, v39;
	v40 =	vsub.f32 v40, v15;
	v32 =	vld.idx.msk [tilespmem:v9+s26+$0x0], $0xffff  }
0x69: {  	v23 =	vadd.f32 v12, v23;
	v36 =	vmovc v14;
	v41 =	vld.idx.msk [tilespmem:v9+s30+$0x0], $0xffff;
	v7 =	vadd.f32 v45, v7;
	v44 =	vmov v17  }
0x6a: {  	v21 =	vadd.f32 v42, v21;
	v12 =	vmul.f32 v40, v40;
	v17 =	vsub.f32 v35, v44;
	v35 =	vld.idx.msk [tilespmem:v9+s28+$0x0], $0xffff  }
0x6b: {  	v40 =	vsub.f32 v43, v44;
	v43 =	vmov v15;
	v42 =	vld.idx.msk [tilespmem:v9+s25+$0x0], $0xffff  }
0x6c: {  	v14 =	vadd.s32 $0x2, v14;
	v15 =	vmul.f32 v17, v17;
	v17 =	vsub.f32 v37, v44;
	v37 =	vld.idx.msk [tilespmem:v8+s30+$0x0], $0xffff  }
0x6d: {  	v14 =	vand.u32 $0x7F, v14;
	v45 =	vsub.f32 v46, v44;
	v38 =	vsub.f32 v38, v44;
	v46 =	vld.idx.msk [tilespmem:v8+s21+$0x0], $0xffff  }
0x6e: {  	v26 =	vsub.f32 v26, v43;
	v29 =	vadd.f32 v15, v29;
	v15 =	vmul.f32 v40, v40;
	v40 =	vld.idx.msk [tilespmem:v8+s2+$0x0], $0xffff  }
0x6f: {  	v34 =	vsub.f32 v34, v44;
	v41 =	vsub.f32 v41, v44;
	v47 =	vmul.f32 v17, v17;
	v48 =	vld.idx.msk [tilespmem:v8+s24+$0x0], $0xffff  }
0x70: {  	v32 =	vsub.f32 v32, v44;
	v17 =	vmul.f32 v38, v38;
	v38 =	vmul.f32 v45, v45;
	v45 =	vld.idx.msk [tilespmem:v8+s29+$0x0], $0xffff  }
0x71: {  	v24 =	vsub.f32 v24, v43;
	v13 =	vadd.f32 v15, v13;
	v15 =	vmul.f32 v26, v26;
	v49 =	vld.idx.msk [tilespmem:v8+s31+$0x0], $0xffff  }
0x72: {  	v34 =	vmul.f32 v34, v34;
	v26 =	vsub.f32 v30, v44;
	v30 =	vsub.f32 v35, v44;
	v50 =	vld.idx.msk [tilespmem:v8+s26+$0x0], $0xffff  }
0x73: {  	v32 =	vmul.f32 v32, v32;
	v16 =	vadd.f32 v17, v16;
	v17 =	vsub.f32 v42, v44;
	v35 =	vld.idx.msk [tilespmem:v9+s19+$0x0], $0xffff  }
0x74: {  	v18 =	vsub.f32 v18, v43;
	v26 =	vmul.f32 v26, v26;
	v13 =	vadd.f32 v39, v13;
	v42 =	vld.idx.msk [tilespmem:v8+s19+$0x0], $0xffff  }
0x75: {  	v22 =	vadd.f32 v38, v22;
	v39 =	vadd.s32 $0x1, v36;
	v30 =	vmul.f32 v30, v30;
	v51 =	vld.idx.msk [tilespmem:v9+s18+$0x0], $0xffff  }
0x76: {  	v20 =	vadd.f32 v34, v20;
	v34 =	vmul.f32 v41, v41;
	v38 =	vld.idx.msk [tilespmem:v9+s2+$0x0], $0xffff;
	v9 =	vor.u32 v0, v36  }
0x77: {  	v39 =	vand.u32 $0x7F, v39;
	v19 =	vadd.f32 v26, v19;
	v25 =	vadd.f32 v30, v25;
	v30 =	vld.idx.msk [tilespmem:v8+s18+$0x0], $0xffff  }
0x78: {  	v21 =	vadd.f32 v32, v21;
	v16 =	vadd.f32 v15, v16;
	v26 =	vld.idx.msk [tilespmem:v8+s6+$0x0], $0xffff;
	v8 =	vor.u32 v0, v39  }
0x79: {  	v41 =	vmul.f32 v17, v17;
	v15 =	vsub.f32 v37, v43;
	v35 =	vsub.f32 v35, v44  }
0x7a: {  	v23 =	vadd.f32 v47, v23;
	v47 =	vmul.f32 v18, v18;
	v37 =	vsub.f32 v48, v43;
	v17 =	vld.idx.msk [tilespmem:v36+s4+$0x0], $0xffff  }
0x7b: {  	v46 =	vsub.f32 v46, v43;
	v32 =	vmul.f32 v15, v15;
	v36 =	vsub.f32 v51, v44;
	v48 =	vld.idx.msk [tilespmem:v9+s6+$0x0], $0xffff  }
0x7c: {  	v24 =	vmul.f32 v24, v24;
	v11 =	vadd.f32 v41, v11;
	v51 =	vsub.f32 v40, v43;
	v15 =	vld.idx.msk [tilespmem:v39+s4+$0x0], $0xffff  }
0x7d: {  	v38 =	vsub.f32 v38, v44;
	v40 =	vmul.f32 v36, v36;
	v39 =	vsub.f32 v42, v43;
	v18 =	vld.idx.msk [tilespmem:v8+s22+$0x0], $0xffff  }
0x7e: {  	v41 =	vmul.f32 v37, v37;
	v11 =	vadd.f32 v24, v11;
	v42 =	vsub.f32 v26, v43;
	v36 =	vld.idx.msk [tilespmem:v8+s3+$0x0], $0xffff  }
0x7f: {  	v29 =	vadd.f32 v47, v29;
	v52 =	vmul.f32 v35, v35;
	v37 =	vmul.f32 v39, v39;
	v26 =	vld.idx.msk [tilespmem:v8+s20+$0x0], $0xffff  }
0x80: {  	v19 =	vadd.f32 v41, v19;
	v53 =	vsub.f32 v30, v43;
	v47 =	vmul.f32 v38, v38;
	v44 =	vld.idx.msk [tilespmem:v9+s3+$0x0], $0xffff  }
0x81: {  	v38 =	vsub.f32 v49, v43;
	v41 =	vmul.f32 v42, v42;
	v30 =	vsub.f32 v48, v17;
	v24 =	vld.idx.msk [tilespmem:v8+s25+$0x0], $0xffff  }
.Ltmp0:
0x82: {  	v33 =	vadd.f32 v34, v33;
	v34 =	vmul.f32 v46, v46;
	v45 =	vsub.f32 v45, v43;
	v39 =	vld.idx.msk [tilespmem:v8+s23+$0x0], $0xffff;
	(pc) =	sbr.rel @p0 .LBB2_3-.Ltmp0, $4  }
0x83: {  	v31 =	vadd.f32 v47, v31;
	v10 =	vadd.f32 v41, v10;
	v46 =	vmul.f32 v30, v30;
	v35 =	vld.idx.msk [tilespmem:v9+s22+$0x0], $0xffff  }
0x84: {  	v22 =	vadd.f32 v34, v22;
	v28 =	vadd.f32 v40, v28;
	v42 =	vmul.f32 v53, v53;
	v30 =	vld.idx.msk [tilespmem:v9+s24+$0x0], $0xffff  }
0x85: {  	v43 =	vsub.f32 v50, v43;
	v41 =	vmul.f32 v45, v45;
	v10 =	vadd.f32 v46, v10;
	v40 =	vld.idx.msk [tilespmem:v8+s28+$0x0], $0xffff  }
0x86: {  	v27 =	vadd.f32 v52, v27;
	v45 =	vmul.f32 v51, v51;
	v44 =	vsub.f32 v44, v17;
	v34 =	vld.idx.msk [tilespmem:v9+s29+$0x0], $0xffff  }
0x87: {  	_ =	sdelay $0x3  }
0x88: {  	v14 =	vld.idx.msk [tilespmem:v9+s21+$0x0], $0xffff;
	v36 =	vsub.f32 v36, v15;
	v28 =	vadd.f32 v42, v28  }
0x89: {  	v56 =	vld.idx.msk [tilespmem:v9+s23+$0x0], $0xffff;
	v39 =	vsub.f32 v39, v15;
	v12 =	vadd.f32 v12, v25  }
0x8a: {  	v58 =	vld.idx.msk [tilespmem:v9+s31+$0x0], $0xffff;
	v32 =	vadd.f32 v32, v33;
	v20 =	vadd.f32 v41, v20  }
0x8b: {  	v57 =	vmul.f32 v43, v43;
	v25 =	vld.idx.msk [tilespmem:v9+s20+$0x0], $0xffff;
	v26 =	vsub.f32 v26, v15;
	v24 =	vsub.f32 v24, v15  }
0x8c: {  	v59 =	vmul.f32 v38, v38;
	v61 =	vld.idx.msk [tilespmem:v9+s30+$0x0], $0xffff;
	v18 =	vsub.f32 v18, v15;
	v27 =	vadd.f32 v37, v27  }
0x8d: {  	v62 =	vld.idx.msk [tilespmem:v9+s26+$0x0], $0xffff;
	v44 =	vmul.f32 v44, v44;
	v31 =	vadd.f32 v45, v31;
	v35 =	vsub.f32 v35, v17  }
0x8e: {  	v46 =	vld.idx.msk [tilespmem:v9+s28+$0x0], $0xffff;
	v36 =	vmul.f32 v36, v36;
	v23 =	vadd.f32 v59, v23;
	v21 =	vadd.f32 v57, v21  }
0x8f: {  	v47 =	vld.idx.msk [tilespmem:v9+s25+$0x0], $0xffff;
	v39 =	vmul.f32 v39, v39;
	v30 =	vsub.f32 v30, v17;
	v7 =	vadd.f32 v44, v7  }
0x90: {  	v49 =	vld.idx.msk [tilespmem:v9+s18+$0x0], $0xffff;
	v26 =	vmul.f32 v26, v26;
	v18 =	vmul.f32 v18, v18;
	v60 =	vsub.f32 v40, v15  }
0x91: {  	v50 =	vld.idx.msk [tilespmem:v8+s18+$0x0], $0xffff;
	v24 =	vmul.f32 v24, v24;
	v34 =	vsub.f32 v34, v17;
	v7 =	vadd.f32 v36, v7  }
0x92: {  	v51 =	vld.idx.msk [tilespmem:v8+s30+$0x0], $0xffff;
	v35 =	vmul.f32 v35, v35;
	v63 =	vsub.f32 v56, v17;
	v45 =	vsub.f32 v58, v17  }
0x93: {  	v52 =	vld.idx.msk [tilespmem:v9+s19+$0x0], $0xffff;
	v30 =	vmul.f32 v30, v30;
	v25 =	vsub.f32 v25, v17;
	v14 =	vsub.f32 v14, v17  }
0x94: {  	v53 =	vld.idx.msk [tilespmem:v8+s21+$0x0], $0xffff;
	v38 =	vmul.f32 v60, v60;
	v29 =	vadd.f32 v35, v29;
	v48 =	vsub.f32 v61, v17  }
0x95: {  	v9 =	vld.idx.msk [tilespmem:v9+s2+$0x0], $0xffff;
	v36 =	vsub.f32 v62, v17;
	v41 =	vsub.f32 v46, v17;
	v33 =	vmul.f32 v63, v63  }
0x96: {  	v42 =	vsub.f32 v47, v17;
	v40 =	vsub.f32 v49, v17;
	v25 =	vmul.f32 v25, v25  }
0x97: {  	v58 =	vsub.f32 v51, v15;
	v14 =	vmul.f32 v14, v14;
	v13 =	vadd.f32 v33, v13  }
0x98: {  	v54 =	vmul.f32 v40, v40;
	v25 =	vadd.f32 v25, v16;
	v33 =	vsub.f32 v50, v15  }
0x99: {  	v16 =	vadd.f32 v39, v13;
	v13 =	vadd.f32 v14, v22;
	v14 =	vmul.f32 v41, v41  }
0x9a: {  	v59 =	vsub.f32 v53, v15;
	v9 =	vsub.f32 v9, v17;
	v34 =	vmul.f32 v34, v34  }
0x9b: {  	v55 =	vld.idx.msk [tilespmem:v8+s19+$0x0], $0xffff;
	v12 =	vadd.f32 v14, v12;
	v14 =	vadd.f32 v54, v28;
	v28 =	vmul.f32 v33, v33  }
0x9c: {  	v30 =	vadd.f32 v30, v19;
	v37 =	vmul.f32 v45, v45;
	v19 =	vadd.f32 v26, v25  }
0x9d: {  	v36 =	vmul.f32 v36, v36;
	v25 =	vsub.f32 v52, v17;
	v28 =	vadd.f32 v28, v14  }
0x9e: {  	v56 =	vmul.f32 v48, v48;
	v57 =	vmul.f32 v42, v42;
	v18 =	vadd.f32 v18, v29;
	v22 =	vld.idx.msk [tilespmem:v8+s24+$0x0], $0xffff  }
0x9f: {  	v20 =	vadd.f32 v34, v20;
	v25 =	vmul.f32 v25, v25;
	v60 =	vmax.f32 v28, $1.000000000e-30  }
0xa0: {  	v26 =	vld.idx.msk [tilespmem:v8+s2+$0x0], $0xffff;
	v14 =	vsub.f32 v55, v15;
	v62 =	vshrl.u32 v60, $0x1;
	v63 =	vmul.f32 $5.000000000e-01, v60  }
0xa1: {  	v61 =	vld.idx.msk [tilespmem:v8+s6+$0x0], $0xffff;
	v21 =	vadd.f32 v36, v21;
	v11 =	vadd.f32 v57, v11;
	v45 =	vsub.s32 $0x5F3759DF, v62  }
0xa2: {  	v25 =	vadd.f32 v25, v27;
	v46 =	vmul.f32 v14, v14;
	v27 =	vmul.f32 v45, v63  }
0xa3: {  	v9 =	vmul.f32 v9, v9;
	v23 =	vadd.f32 v37, v23;
	v22 =	vsub.f32 v22, v15  }
0xa4: {  	v14 =	vadd.f32 v24, v11;
	v24 =	vadd.f32 v46, v25;
	v11 =	vmul.f32 v45, v27  }
0xa5: {  	v47 =	vld.idx.msk [tilespmem:v8+s31+$0x0], $0xffff;
	v50 =	vmul.f32 v59, v59;
	v26 =	vsub.f32 v26, v15;
	v17 =	vmul.f32 v22, v22  }
0xa6: {  	v29 =	vld.idx.msk [tilespmem:v8+s26+$0x0], $0xffff;
	v22 =	vsub.f32 v61, v15;
	v27 =	vmax.f32 v24, $1.000000000e-30;
	v11 =	vsub.f32 $1.500000000e+00, v11  }
0xa7: {  	v25 =	vld.idx.msk [tilespmem:v8+s29+$0x0], $0xffff;
	v17 =	vadd.f32 v17, v30;
	v8 =	vshrl.u32 v27, $0x1;
	v30 =	vmul.f32 $5.000000000e-01, v27  }
0xa8: {  	v26 =	vmul.f32 v26, v26;
	v34 =	vmul.f32 v45, v11;
	v11 =	vsub.s32 $0x5F3759DF, v8  }
0xa9: {  	v9 =	vadd.f32 v9, v31;
	v8 =	vmul.f32 v22, v22;
	v49 =	vmul.f32 v11, v30  }
0xaa: {  	v48 =	vsub.f32 v47, v15;
	v31 =	vadd.f32 v50, v13;
	v51 =	vmul.f32 v34, v63  }
0xab: {  	v9 =	vadd.f32 v26, v9;
	v8 =	vadd.f32 v8, v10;
	v10 =	vmul.f32 v11, v49  }
0xac: {  	v25 =	vsub.f32 v25, v15;
	v15 =	vsub.f32 v29, v15;
	v29 =	vmul.f32 v51, v34  }
0xad: {  	v35 =	vmul.f32 v58, v58;
	v22 =	vadd.f32 v56, v32;
	v10 =	vsub.f32 $1.500000000e+00, v10  }
0xae: {  	v25 =	vmul.f32 v25, v25;
	v15 =	vmul.f32 v15, v15;
	v26 =	vsub.f32 $1.500000000e+00, v29  }
0xaf: {  	v13 =	vadd.f32 v38, v12;
	v29 =	vmul.f32 v48, v48;
	v52 =	vmul.f32 v11, v10  }
0xb0: {  	v11 =	vadd.f32 v35, v22;
	v22 =	vmul.f32 v26, v34;
	v26 =	vmax.f32 v19, $1.000000000e-30  }
0xb1: {  	v53 =	vmul.f32 v52, v30;
	v10 =	vshrl.u32 v26, $0x1;
	v54 =	vmul.f32 $5.000000000e-01, v26  }
0xb2: {  	v12 =	vadd.f32 v25, v20;
	v20 =	vmul.f32 v22, v63;
	v25 =	vsub.s32 $0x5F3759DF, v10  }
0xb3: {  	v10 =	vadd.f32 v29, v23;
	v23 =	vmul.f32 v53, v52;
	v29 =	vmul.f32 v25, v54  }
0xb4: {  	v15 =	vadd.f32 v15, v21;
	v21 =	vmin.f32 v6, v28;
	v20 =	vmul.f32 v20, v22  }
0xb5: {  	v6 =	vmax.f32 v6, v28;
	v23 =	vsub.f32 $1.500000000e+00, v23;
	v28 =	vmul.f32 v25, v29  }
0xb6: {  	v29 =	vmin.f32 v5, v6;
	v5 =	vmax.f32 v5, v6;
	v6 =	vsub.f32 $1.500000000e+00, v20  }
0xb7: {  	v20 =	vmul.f32 v23, v52;
	v23 =	vsub.f32 $1.500000000e+00, v28;
	v28 =	vmax.f32 v31, $1.000000000e-30  }
0xb8: {  	v6 =	vmul.f32 v6, v22;
	v22 =	vshrl.u32 v28, $0x1;
	v55 =	vmul.f32 $5.000000000e-01, v28  }
0xb9: {  	v30 =	vmul.f32 v20, v30;
	v23 =	vmul.f32 v25, v23;
	v22 =	vsub.s32 $0x5F3759DF, v22  }
0xba: {  	v25 =	vmin.f32 v4, v5;
	v6 =	vmul.f32 v6, v60;
	v56 =	vmul.f32 v22, v55  }
0xbb: {  	v4 =	vmax.f32 v4, v5;
	v5 =	vmul.f32 v30, v20;
	v30 =	vmul.f32 v23, v54  }
0xbc: {  	v2 =	vmin.f32 v2, v4;
	v3 =	vadd.f32 v6, v3;
	v4 =	vmul.f32 v22, v56  }
0xbd: {  	v6 =	vmax.f32 v21, v24;
	v5 =	vsub.f32 $1.500000000e+00, v5;
	v30 =	vmul.f32 v30, v23  }
0xbe: {  	v21 =	vmin.f32 v21, v24;
	v24 =	vmin.f32 v29, v6;
	v4 =	vsub.f32 $1.500000000e+00, v4  }
0xbf: {  	v6 =	vmax.f32 v29, v6;
	v5 =	vmul.f32 v5, v20;
	v20 =	vsub.f32 $1.500000000e+00, v30  }
0xc0: {  	v29 =	vmin.f32 v25, v6;
	v6 =	vmax.f32 v25, v6;
	v4 =	vmul.f32 v22, v4  }
0xc1: {  	v22 =	vmax.f32 v18, $1.000000000e-30;
	v5 =	vmul.f32 v5, v27;
	v20 =	vmul.f32 v20, v23  }
0xc2: {  	v25 =	vshrl.u32 v22, $0x1;
	v27 =	vmul.f32 $5.000000000e-01, v22;
	v23 =	vmul.f32 v4, v55  }
0xc3: {  	v2 =	vmin.f32 v2, v6;
	v25 =	vsub.s32 $0x5F3759DF, v25;
	v6 =	vmul.f32 v20, v54  }
0xc4: {  	v3 =	vadd.f32 v5, v3;
	v5 =	vmul.f32 v23, v4;
	v23 =	vmul.f32 v25, v27  }
0xc5: {  	v30 =	vmin.f32 v21, v19;
	v19 =	vmax.f32 v21, v19;
	v6 =	vmul.f32 v6, v20  }
0xc6: {  	v21 =	vmax.f32 v24, v19;
	v5 =	vsub.f32 $1.500000000e+00, v5;
	v23 =	vmul.f32 v25, v23  }
0xc7: {  	v19 =	vmin.f32 v24, v19;
	v24 =	vmin.f32 v29, v21;
	v6 =	vsub.f32 $1.500000000e+00, v6  }
0xc8: {  	v4 =	vmul.f32 v5, v4;
	v5 =	vsub.f32 $1.500000000e+00, v23;
	v23 =	vmax.f32 v16, $1.000000000e-30  }
0xc9: {  	v6 =	vmul.f32 v6, v20;
	v20 =	vshrl.u32 v23, $0x1;
	v57 =	vmul.f32 $5.000000000e-01, v23  }
0xca: {  	v32 =	vmul.f32 v4, v55;
	v5 =	vmul.f32 v25, v5;
	v20 =	vsub.s32 $0x5F3759DF, v20  }
0xcb: {  	v21 =	vmax.f32 v29, v21;
	v6 =	vmul.f32 v6, v26;
	v25 =	vmul.f32 v20, v57  }
0xcc: {  	v2 =	vmin.f32 v2, v21;
	v21 =	vmul.f32 v32, v4;
	v26 =	vmul.f32 v5, v27  }
0xcd: {  	v29 =	vmax.f32 v30, v31;
	v3 =	vadd.f32 v6, v3;
	v25 =	vmul.f32 v20, v25  }
0xce: {  	v6 =	vmin.f32 v30, v31;
	v21 =	vsub.f32 $1.500000000e+00, v21;
	v26 =	vmul.f32 v26, v5  }
0xcf: {  	v30 =	vmin.f32 v19, v29;
	v19 =	vmax.f32 v19, v29;
	v25 =	vsub.f32 $1.500000000e+00, v25  }
0xd0: {  	v4 =	vmul.f32 v21, v4;
	v21 =	vsub.f32 $1.500000000e+00, v26;
	v26 =	vmax.f32 v17, $1.000000000e-30  }
0xd1: {  	v20 =	vmul.f32 v20, v25;
	v25 =	vshrl.u32 v26, $0x1;
	v29 =	vmul.f32 $5.000000000e-01, v26  }
0xd2: {  	v4 =	vmul.f32 v4, v28;
	v5 =	vmul.f32 v21, v5;
	v21 =	vsub.s32 $0x5F3759DF, v25  }
0xd3: {  	v25 =	vmax.f32 v24, v19;
	v28 =	vmul.f32 v20, v57;
	v31 =	vmul.f32 v21, v29  }
0xd4: {  	v19 =	vmin.f32 v24, v19;
	v2 =	vmin.f32 v2, v25;
	v24 =	vmul.f32 v5, v27  }
0xd5: {  	v3 =	vadd.f32 v4, v3;
	v4 =	vmul.f32 v28, v20;
	v25 =	vmul.f32 v21, v31  }
0xd6: {  	v27 =	vmin.f32 v6, v18;
	v6 =	vmax.f32 v6, v18;
	v18 =	vmul.f32 v24, v5  }
0xd7: {  	v24 =	vmax.f32 v30, v6;
	v4 =	vsub.f32 $1.500000000e+00, v4;
	v25 =	vsub.f32 $1.500000000e+00, v25  }
0xd8: {  	v6 =	vmin.f32 v30, v6;
	v28 =	vmin.f32 v19, v24;
	v18 =	vsub.f32 $1.500000000e+00, v18  }
0xd9: {  	v4 =	vmul.f32 v4, v20;
	v20 =	vmul.f32 v21, v25;
	v21 =	vmax.f32 v14, $1.000000000e-30  }
0xda: {  	v5 =	vmul.f32 v18, v5;
	v18 =	vshrl.u32 v21, $0x1;
	v25 =	vmul.f32 $5.000000000e-01, v21  }
0xdb: {  	v30 =	vmul.f32 v4, v57;
	v31 =	vmul.f32 v20, v29;
	v18 =	vsub.s32 $0x5F3759DF, v18  }
0xdc: {  	v19 =	vmax.f32 v19, v24;
	v5 =	vmul.f32 v5, v22;
	v22 =	vmul.f32 v18, v25  }
0xdd: {  	v2 =	vmin.f32 v2, v19;
	v19 =	vmul.f32 v30, v4;
	v24 =	vmul.f32 v31, v20  }
0xde: {  	v3 =	vadd.f32 v5, v3;
	v5 =	vmin.f32 v27, v16;
	v22 =	vmul.f32 v18, v22  }
0xdf: {  	v16 =	vmax.f32 v27, v16;
	v19 =	vsub.f32 $1.500000000e+00, v19;
	v24 =	vsub.f32 $1.500000000e+00, v24  }
0xe0: {  	v27 =	vmin.f32 v6, v16;
	v6 =	vmax.f32 v6, v16;
	v16 =	vsub.f32 $1.500000000e+00, v22  }
0xe1: {  	v22 =	vmax.f32 v28, v6;
	v4 =	vmul.f32 v19, v4;
	v19 =	vmul.f32 v24, v20  }
0xe2: {  	v6 =	vmin.f32 v28, v6;
	v2 =	vmin.f32 v2, v22;
	v16 =	vmul.f32 v18, v16  }
0xe3: {  	v20 =	vmax.f32 v15, $1.000000000e-30;
	v4 =	vmul.f32 v4, v23;
	v18 =	vmul.f32 v19, v29  }
0xe4: {  	v24 =	vmul.f32 $5.000000000e-01, v20;
	v23 =	vshrl.u32 v20, $0x1;
	v22 =	vmul.f32 v16, v25  }
0xe5: {  	v3 =	vadd.f32 v4, v3;
	v4 =	vmul.f32 v18, v19;
	v18 =	vsub.s32 $0x5F3759DF, v23  }
0xe6: {  	v29 =	vmax.f32 v13, $1.000000000e-30;
	v22 =	vmul.f32 v22, v16;
	v28 =	vmul.f32 v18, v24  }
0xe7: {  	v30 =	vmul.f32 $5.000000000e-01, v29;
	v23 =	vmax.f32 v5, v17;
	v4 =	vsub.f32 $1.500000000e+00, v4  }
0xe8: {  	v5 =	vmin.f32 v5, v17;
	v22 =	vsub.f32 $1.500000000e+00, v22;
	v28 =	vmul.f32 v18, v28  }
0xe9: {  	v17 =	vmin.f32 v27, v23;
	v4 =	vmul.f32 v4, v19;
	v19 =	vshrl.u32 v29, $0x1  }
0xea: {  	v16 =	vmul.f32 v22, v16;
	v22 =	vsub.f32 $1.500000000e+00, v28;
	v19 =	vsub.s32 $0x5F3759DF, v19  }
0xeb: {  	v23 =	vmax.f32 v27, v23;
	v4 =	vmul.f32 v4, v26;
	v26 =	vmul.f32 v19, v30  }
0xec: {  	v27 =	vmax.f32 v6, v23;
	v25 =	vmul.f32 v16, v25;
	v18 =	vmul.f32 v18, v22  }
0xed: {  	v6 =	vmin.f32 v6, v23;
	v2 =	vmin.f32 v2, v27;
	v22 =	vmul.f32 v19, v26  }
0xee: {  	v3 =	vadd.f32 v4, v3;
	v4 =	vmul.f32 v25, v16;
	v23 =	vmul.f32 v18, v24  }
0xef: {  	v25 =	vmin.f32 v5, v14;
	v5 =	vmax.f32 v5, v14;
	v14 =	vsub.f32 $1.500000000e+00, v22  }
0xf0: {  	v4 =	vsub.f32 $1.500000000e+00, v4;
	v22 =	vmul.f32 v23, v18;
	v23 =	vmax.f32 v12, $1.000000000e-30  }
0xf1: {  	v14 =	vmul.f32 v19, v14;
	v19 =	vshrl.u32 v23, $0x1;
	v26 =	vmul.f32 $5.000000000e-01, v23  }
0xf2: {  	v4 =	vmul.f32 v4, v16;
	v16 =	vsub.f32 $1.500000000e+00, v22;
	v19 =	vsub.s32 $0x5F3759DF, v19  }
0xf3: {  	v22 =	vmin.f32 v17, v5;
	v27 =	vmul.f32 v14, v30;
	v28 =	vmul.f32 v19, v26  }
0xf4: {  	v5 =	vmax.f32 v17, v5;
	v4 =	vmul.f32 v4, v21;
	v16 =	vmul.f32 v16, v18  }
0xf5: {  	v17 =	vmin.f32 v6, v5;
	v18 =	vmul.f32 v27, v14;
	v21 =	vmul.f32 v19, v28  }
0xf6: {  	v5 =	vmax.f32 v6, v5;
	v3 =	vadd.f32 v4, v3;
	v4 =	vmul.f32 v16, v24  }
0xf7: {  	v2 =	vmin.f32 v2, v5;
	v5 =	vsub.f32 $1.500000000e+00, v18;
	v6 =	vsub.f32 $1.500000000e+00, v21  }
0xf8: {  	v18 =	vmin.f32 v25, v15;
	v15 =	vmax.f32 v25, v15;
	v4 =	vmul.f32 v4, v16  }
0xf9: {  	v5 =	vmul.f32 v5, v14;
	v6 =	vmul.f32 v19, v6;
	v14 =	vmax.f32 v11, $1.000000000e-30  }
0xfa: {  	v4 =	vsub.f32 $1.500000000e+00, v4;
	v19 =	vshrl.u32 v14, $0x1;
	v21 =	vmul.f32 $5.000000000e-01, v14  }
0xfb: {  	v24 =	vmul.f32 v5, v30;
	v25 =	vmul.f32 v6, v26;
	v19 =	vsub.s32 $0x5F3759DF, v19  }
0xfc: {  	v27 =	vmin.f32 v22, v15;
	v4 =	vmul.f32 v4, v16;
	v16 =	vmul.f32 v19, v21  }
0xfd: {  	v15 =	vmax.f32 v22, v15;
	v22 =	vmul.f32 v24, v5;
	v24 =	vmul.f32 v25, v6  }
0xfe: {  	v25 =	vmin.f32 v17, v15;
	v4 =	vmul.f32 v4, v20;
	v16 =	vmul.f32 v19, v16  }
0xff: {  	v15 =	vmax.f32 v17, v15;
	v17 =	vsub.f32 $1.500000000e+00, v22;
	v20 =	vsub.f32 $1.500000000e+00, v24  }
0x100: {  	v2 =	vmin.f32 v2, v15;
	v3 =	vadd.f32 v4, v3;
	v4 =	vsub.f32 $1.500000000e+00, v16  }
0x101: {  	v15 =	vmax.f32 v18, v13;
	v5 =	vmul.f32 v17, v5;
	v6 =	vmul.f32 v20, v6  }
0x102: {  	v13 =	vmin.f32 v18, v13;
	v16 =	vmin.f32 v27, v15;
	v4 =	vmul.f32 v19, v4  }
0x103: {  	v15 =	vmax.f32 v27, v15;
	v5 =	vmul.f32 v5, v29;
	v17 =	vmul.f32 v6, v26  }
0x104: {  	v18 =	vmin.f32 v25, v15;
	v15 =	vmax.f32 v25, v15;
	v19 =	vmul.f32 v4, v21  }
0x105: {  	v2 =	vmin.f32 v2, v15;
	v3 =	vadd.f32 v5, v3;
	v5 =	vmul.f32 v17, v6  }
0x106: {  	v15 =	vmin.f32 v13, v12;
	v12 =	vmax.f32 v13, v12;
	v13 =	vmul.f32 v19, v4  }
0x107: {  	v17 =	vmin.f32 v16, v12;
	v19 =	vmax.f32 v10, $1.000000000e-30;
	v5 =	vsub.f32 $1.500000000e+00, v5  }
0x108: {  	v20 =	vshrl.u32 v19, $0x1;
	v22 =	vmul.f32 $5.000000000e-01, v19;
	v13 =	vsub.f32 $1.500000000e+00, v13  }
0x109: {  	v12 =	vmax.f32 v16, v12;
	v5 =	vmul.f32 v5, v6;
	v6 =	vsub.s32 $0x5F3759DF, v20  }
0x10a: {  	v16 =	vmax.f32 v18, v12;
	v4 =	vmul.f32 v13, v4;
	v13 =	vmul.f32 v6, v22  }
0x10b: {  	v12 =	vmin.f32 v18, v12;
	v18 =	vmax.f32 v9, $1.000000000e-30;
	v5 =	vmul.f32 v5, v23  }
0x10c: {  	v2 =	vmin.f32 v2, v16;
	v16 =	vmul.f32 v4, v21;
	v13 =	vmul.f32 v6, v13  }
0x10d: {  	v20 =	vmul.f32 $5.000000000e-01, v18;
	v3 =	vadd.f32 v5, v3;
	v5 =	vshrl.u32 v18, $0x1  }
0x10e: {  	v16 =	vmul.f32 v16, v4;
	v13 =	vsub.f32 $1.500000000e+00, v13;
	v5 =	vsub.s32 $0x5F3759DF, v5  }
0x10f: {  	v21 =	vmin.f32 v15, v11;
	v11 =	vmax.f32 v15, v11;
	v15 =	vmul.f32 v5, v20  }
0x110: {  	v16 =	vsub.f32 $1.500000000e+00, v16;
	v6 =	vmul.f32 v6, v13  }
0x111: {  	v23 =	vmax.f32 v17, v11;
	v11 =	vmin.f32 v17, v11;
	v15 =	vmul.f32 v5, v15  }
0x112: {  	v17 =	vmax.f32 v7, $1.000000000e-30;
	v4 =	vmul.f32 v16, v4;
	v16 =	vmul.f32 v6, v22  }
0x113: {  	v24 =	vshrl.u32 v17, $0x1;
	v25 =	vmul.f32 $5.000000000e-01, v17;
	v15 =	vsub.f32 $1.500000000e+00, v15  }
0x114: {  	v13 =	vmin.f32 v12, v23;
	v4 =	vmul.f32 v4, v14;
	v14 =	vmul.f32 v16, v6  }
0x115: {  	v12 =	vmax.f32 v12, v23;
	v16 =	vsub.s32 $0x5F3759DF, v24;
	v5 =	vmul.f32 v5, v15  }
0x116: {  	v24 =	vmax.f32 v8, $1.000000000e-30;
	v15 =	vmul.f32 v16, v25;
	v14 =	vsub.f32 $1.500000000e+00, v14  }
0x117: {  	v26 =	vshrl.u32 v24, $0x1;
	v27 =	vmul.f32 $5.000000000e-01, v24;
	v28 =	vmul.f32 v5, v20  }
0x118: {  	v26 =	vsub.s32 $0x5F3759DF, v26;
	v15 =	vmul.f32 v16, v15;
	v6 =	vmul.f32 v14, v6  }
0x119: {  	v2 =	vmin.f32 v2, v12;
	v14 =	vmul.f32 v26, v27;
	v12 =	vmul.f32 v28, v5  }
0x11a: {  	v3 =	vadd.f32 v4, v3;
	v15 =	vsub.f32 $1.500000000e+00, v15  }
0x11b: {  	s28 =	rddreg [dreg:$0xc];
	v4 =	vmul.f32 v6, v22;
	v14 =	vmul.f32 v26, v14;
	v12 =	vsub.f32 $1.500000000e+00, v12  }
0x11c: {  	s17 =	rddreg [dreg:$0x7];
	s19 =	sshll.u32 s28, $0x10;
	p0 =	seq.s32 s28, $0x3;
	v22 =	vmin.f32 v21, v10;
	v10 =	vmax.f32 v21, v10;
	v16 =	vmul.f32 v16, v15  }
0x11d: {  	s17 =	sadd.s32 @!p0 s19, s17;
	v21 =	vmin.f32 v11, v10;
	v14 =	vsub.f32 $1.500000000e+00, v14;
	v5 =	vmul.f32 v12, v5  }
0x11e: {  	s3 =	simm.s32 @!p0 $0x80;
	s18 =	sshrl.u32 @!p0 s17, $0x3;
	s17 =	rddreg [dreg:$0x0];
	v10 =	vmax.f32 v11, v10;
	v4 =	vmul.f32 v4, v6;
	v12 =	vmul.f32 v16, v25  }
0x11f: {  	s17 =	sadd.s32 @!p0 s17, s18;
	s26 =	simm.s32 $0x2;
	s2 =	simm.s32 @!p0 $0x0;
	v14 =	vmul.f32 v26, v14;
	v15 =	vmul.f32 v5, v20;
	v20 =	vlaneseq.u32  }
0x120: {  	[tilespmem:s3], [sflag:$0x1] =	stream.linear.gather @!p0 [hbm4b:s17+s2], $0x8000, $0x38;
	v4 =	vsub.f32 $1.500000000e+00, v4;
	v12 =	vmul.f32 v12, v16;
	v11 =	vor.u32 v0, v20;
	[tilespmem:$0x13100] =	vst v63  }
0x121: {  	_ =	swait.ge [sflag:s26], $0x8000;
	v23 =	vmul.f32 v14, v27;
	v26 =	vadd.s32 $0x1, v20  }
0x122: {  	[sflag:s26] =	ssyncset.done $0x0;
	v4 =	vmul.f32 v4, v6;
	v6 =	vsub.f32 $1.500000000e+00, v12;
	v12 =	vand.u32 $0x7F, v26  }
0x123: {  	[sflag:s26] =	ssyncadd.s32 $0xFFFF8000;
	v28 =	vmin.f32 v13, v10;
	v26 =	vmul.f32 v15, v5;
	v15 =	vor.u32 v0, v12  }
0x124: {  	v13 =	vmax.f32 v13, v10;
	v23 =	vmul.f32 v23, v14;
	v4 =	vmul.f32 v4, v19;
	v10 =	vld.idx.msk [tilespmem:v20+s4+$0x0], $0xffff  }
0x125: {  	s2 =	simm.s32 $0x8880;
	v2 =	vmin.f32 v2, v13;
	v6 =	vmul.f32 v6, v16;
	v16 =	vsub.f32 $1.500000000e+00, v26;
	v31 =	vld.idx.msk [tilespmem:v11+s16+$0x0], $0xffff  }
0x126: {  	v19 =	vsub.f32 $1.500000000e+00, v23;
	v3 =	vadd.f32 v4, v3;
	v20 =	vadd.s32 $0x2, v20;
	v51 =	vld.idx.msk [tilespmem:v11+s2+$0x0], $0xffff  }
0x127: {  	v4 =	vmul.f32 v6, v25;
	v25 =	vmax.f32 v22, v9;
	v5 =	vmul.f32 v16, v5;
	v23 =	vld.idx.msk [tilespmem:v12+s4+$0x0], $0xffff  }
0x128: {  	v9 =	vmin.f32 v22, v9;
	v14 =	vmul.f32 v19, v14;
	v12 =	vmin.f32 v21, v25;
	v16 =	vld.idx.msk [tilespmem:v15+s10+$0x0], $0xffff  }
0x129: {  	v19 =	vmax.f32 v21, v25;
	v4 =	vmul.f32 v4, v6;
	v5 =	vmul.f32 v5, v18;
	v21 =	vld.idx.msk [tilespmem:v15+s13+$0x0], $0xffff  }
0x12a: {  	v22 =	vmin.f32 v28, v19;
	v19 =	vmax.f32 v28, v19;
	v28 =	vimm.f32 $0.0e+00;
	v59 =	vld.idx.msk [tilespmem:v15+s7+$0x0], $0xffff  }
0x12b: {  	v63 =	vld.idx.msk [tilespmem:v15+s0+$0x0], $0xffff;
	v18 =	vmul.f32 v14, v27;
	v2 =	vmin.f32 v2, v19;
	v19 =	vmin.f32 v9, v7  }
0x12c: {  	v55 =	vld.idx.msk [tilespmem:v15+s14+$0x0], $0xffff;
	v7 =	vmax.f32 v9, v7;
	v27 =	vand.u32 $0x7F, v20;
	v4 =	vsub.f32 $1.500000000e+00, v4  }
0x12d: {  	s6 =	simm.s32 $0x9080;
	v9 =	vld.idx.msk [tilespmem:v15+s12+$0x0], $0xffff;
	v3 =	vadd.f32 v5, v3;
	v5 =	vmul.f32 v18, v14;
	v31 =	vsub.f32 v31, v10  }
0x12e: {  	v20 =	vld.idx.msk [tilespmem:v11+s6+$0x0], $0xffff;
	v4 =	vmul.f32 v4, v6;
	v6 =	vmin.f32 v12, v7;
	v7 =	vmax.f32 v12, v7  }
0x12f: {  	v13 =	vld.idx.msk [tilespmem:v11+s14+$0x0], $0xffff;
	v42 =	vsub.f32 v51, v10;
	v5 =	vsub.f32 $1.500000000e+00, v5;
	v26 =	vmin.f32 v22, v7  }
0x130: {  	v40 =	vld.idx.msk [tilespmem:v15+s8+$0x0], $0xffff;
	v7 =	vmax.f32 v22, v7;
	v21 =	vsub.f32 v21, v23;
	v52 =	vsub.f32 v16, v23  }
0x131: {  	v18 =	vld.idx.msk [tilespmem:v11+s13+$0x0], $0xffff;
	v22 =	vmax.f32 v19, v8;
	v47 =	vsub.f32 v59, v23;
	v59 =	vsub.f32 v55, v23  }
0x132: {  	v12 =	vld.idx.msk [tilespmem:v15+s11+$0x0], $0xffff;
	v38 =	vsub.f32 v63, v23;
	v4 =	vmul.f32 v4, v17;
	v2 =	vmin.f32 v2, v7  }
0x133: {  	v17 =	vld.idx.msk [tilespmem:v11+s10+$0x0], $0xffff;
	v7 =	vmin.f32 v19, v8;
	v20 =	vsub.f32 v20, v10;
	v62 =	vsub.f32 v9, v23  }
0x134: {  	v8 =	vld.idx.msk [tilespmem:v15+s1+$0x0], $0xffff;
	v5 =	vmul.f32 v5, v14;
	v21 =	vmul.f32 v21, v21;
	v4 =	vadd.f32 v4, v3  }
0x135: {  	v14 =	vld.idx.msk [tilespmem:v11+s5+$0x0], $0xffff;
	v3 =	vmax.f32 v6, v22;
	v6 =	vmin.f32 v6, v22;
	v20 =	vmul.f32 v20, v20  }
0x136: {  	v22 =	vld.idx.msk [tilespmem:v11+s8+$0x0], $0xffff;
	v18 =	vsub.f32 v18, v10;
	v57 =	vmul.f32 v62, v62;
	v5 =	vmul.f32 v5, v24  }
0x137: {  	v62 =	vsub.f32 v40, v23;
	v19 =	vmax.f32 v26, v3;
	v3 =	vmin.f32 v26, v3;
	v24 =	vld.idx.msk [tilespmem:v11+s0+$0x0], $0xffff  }
0x138: {  	v18 =	vmul.f32 v18, v18;
	v4 =	vadd.f32 v5, v4;
	v5 =	vsub.f32 v13, v10;
	v13 =	vld.idx.msk [tilespmem:v11+s11+$0x0], $0xffff  }
0x139: {  	v12 =	vsub.f32 v12, v23;
	v26 =	vld.idx.msk [tilespmem:v11+s9+$0x0], $0xffff;
	v2 =	vmin.f32 v2, v19;
	v49 =	vadd.f32 v20, v28  }
0x13a: {  	v19 =	vld.idx.msk [tilespmem:v11+s7+$0x0], $0xffff;
	v8 =	vsub.f32 v8, v23;
	v18 =	vadd.f32 v18, v28;
	v5 =	vmul.f32 v5, v5  }
0x13b: {  	v25 =	vld.idx.msk [tilespmem:v15+s6+$0x0], $0xffff;
	v43 =	vmul.f32 v52, v52;
	v17 =	vsub.f32 v17, v10;
	v9 =	vsub.f32 v14, v10  }
0x13c: {  	v29 =	vmul.f32 v12, v12;
	v30 =	vadd.f32 v5, v28;
	v5 =	vadd.f32 v21, v18;
	v18 =	vld.idx.msk [tilespmem:v11+s1+$0x0], $0xffff  }
0x13d: {  	v12 =	vmul.f32 v8, v8;
	v22 =	vsub.f32 v22, v10;
	v21 =	vld.idx.msk [tilespmem:v11+s12+$0x0], $0xffff;
	v8 =	vsub.f32 v13, v10  }
0x13e: {  	v17 =	vmul.f32 v17, v17;
	v24 =	vsub.f32 v24, v10;
	v26 =	vsub.f32 v26, v10  }
0x13f: {  	v58 =	vld.idx.msk [tilespmem:v15+s16+$0x0], $0xffff;
	v19 =	vsub.f32 v19, v10;
	v22 =	vmul.f32 v22, v22;
	v8 =	vmul.f32 v8, v8  }
0x140: {  	v61 =	vld.idx.msk [tilespmem:v15+s5+$0x0], $0xffff;
	v60 =	vadd.f32 v17, v28;
	v17 =	vsub.f32 v25, v23;
	v13 =	vadd.s32 $0x2, v27  }
0x141: {  	s18 =	simm.s32 $0x8080;
	v41 =	vld.idx.msk [tilespmem:v15+s9+$0x0], $0xffff;
	v19 =	vmul.f32 v19, v19;
	v20 =	vadd.f32 v22, v28;
	v8 =	vadd.f32 v8, v28  }
0x142: {  	v54 =	vld.idx.msk [tilespmem:v15+s18+$0x0], $0xffff;
	v22 =	vmul.f32 v31, v31;
	v18 =	vsub.f32 v18, v10;
	v50 =	vsub.f32 v21, v10  }
0x143: {  	v25 =	vld.idx.msk [tilespmem:v15+s15+$0x0], $0xffff;
	v21 =	vmul.f32 v26, v26;
	v26 =	vmul.f32 v9, v9;
	v9 =	vor.u32 v0, v27  }
0x144: {  	v24 =	vmul.f32 v24, v24;
	v17 =	vmul.f32 v17, v17;
	v14 =	vadd.f32 v29, v8;
	v29 =	vld.idx.msk [tilespmem:v15+s2+$0x0], $0xffff  }
0x145: {  	v53 =	vadd.f32 v19, v28;
	v33 =	vadd.f32 v22, v28;
	v16 =	vmul.f32 v18, v18;
	v18 =	vld.idx.msk [tilespmem:v11+s18+$0x0], $0xffff  }
0x146: {  	v22 =	vmul.f32 v47, v47;
	v8 =	vadd.s32 $0x1, v27;
	v11 =	vld.idx.msk [tilespmem:v11+s15+$0x0], $0xffff;
	v31 =	vadd.f32 v26, v28  }
0x147: {  	v19 =	vand.u32 $0x7F, v8;
	v26 =	vadd.f32 v16, v28;
	v16 =	vadd.f32 v17, v49;
	v17 =	vld.idx.msk [tilespmem:v27+s4+$0x0], $0xffff  }
0x148: {  	v24 =	vadd.f32 v24, v28;
	v48 =	vsub.f32 v25, v23;
	v8 =	vor.u32 v0, v19;
	v56 =	vld.idx.msk [tilespmem:v9+s14+$0x0], $0xffff  }
0x149: {  	v22 =	vadd.f32 v22, v53;
	v39 =	vmul.f32 v50, v50;
	v15 =	vsub.f32 v58, v23;
	v50 =	vld.idx.msk [tilespmem:v9+s13+$0x0], $0xffff  }
0x14a: {  	v13 =	vand.u32 $0x7F, v13;
	v21 =	vadd.f32 v21, v28;
	v27 =	vsub.f32 v61, v23;
	v35 =	vld.idx.msk [tilespmem:v9+s10+$0x0], $0xffff  }
0x14b: {  	v32 =	vmul.f32 v15, v15;
	v49 =	vmul.f32 v42, v42;
	v42 =	vsub.f32 v41, v23;
	v34 =	vld.idx.msk [tilespmem:v9+s8+$0x0], $0xffff  }
0x14c: {  	v61 =	vmul.f32 v59, v59;
	v46 =	vsub.f32 v18, v10;
	v15 =	vld.idx.msk [tilespmem:v19+s4+$0x0], $0xffff;
	v19 =	vadd.f32 v39, v28  }
0x14d: {  	v58 =	vmul.f32 v27, v27;
	v10 =	vsub.f32 v11, v10;
	v25 =	vsub.f32 v29, v23;
	v18 =	vld.idx.msk [tilespmem:v8+s10+$0x0], $0xffff  }
0x14e: {  	v41 =	vmul.f32 v62, v62;
	v29 =	vadd.f32 v43, v60;
	v36 =	vld.idx.msk [tilespmem:v8+s13+$0x0], $0xffff;
	v11 =	vadd.f32 v57, v19  }
0x14f: {  	v27 =	vld.idx.msk [tilespmem:v8+s6+$0x0], $0xffff;
	v10 =	vmul.f32 v10, v10;
	v19 =	vadd.f32 v58, v31;
	v31 =	vsub.f32 v56, v17  }
0x150: {  	v60 =	vsub.f32 v54, v23;
	v46 =	vmul.f32 v46, v46;
	v37 =	vmul.f32 v25, v25;
	v25 =	vld.idx.msk [tilespmem:v8+s12+$0x0], $0xffff  }
0x151: {  	v39 =	vld.idx.msk [tilespmem:v8+s11+$0x0], $0xffff;
	v63 =	vmul.f32 v31, v31;
	v31 =	vadd.f32 v10, v28;
	v10 =	vadd.f32 v61, v30  }
0x152: {  	s21 =	simm.s32 $0x3080;
	s23 =	simm.s32 $0x3880;
	s22 =	simm.s32 $0x11880;
	v23 =	vadd.f32 v49, v28;
	v44 =	vmul.f32 v60, v60;
	v40 =	vld.idx.msk [tilespmem:v8+s1+$0x0], $0xffff;
	v43 =	vadd.f32 v46, v28  }
0x153: {  	s24 =	simm.s32 $0x5080;
	s17 =	simm.s32 $0x2;
	s3 =	simm.s32 $0x7880;
	v45 =	vsub.f32 v50, v17;
	v46 =	vmul.f32 v48, v48;
	v30 =	vld.idx.msk [tilespmem:v9+s5+$0x0], $0xffff;
	v10 =	vadd.f32 v63, v10  }
.LBB2_5:
0x154: {  	s17 =	sadd.s32 $0x2, s17;
	v47 =	vld.idx.msk [tilespmem:v9+s7+$0x0], $0xffff;
	v36 =	vsub.f32 v36, v15;
	v28 =	vadd.f32 v44, v43;
	v42 =	vmul.f32 v42, v42  }
0x155: {  	p1 =	slt.u32 s17, $0x7E;
	v43 =	vld.idx.msk [tilespmem:v9+s11+$0x0], $0xffff;
	v44 =	vmul.f32 v45, v45;
	v23 =	vadd.f32 v37, v23;
	v31 =	vadd.f32 v46, v31  }
0x156: {  	v39 =	vsub.f32 v39, v15;
	v26 =	vadd.f32 v12, v26;
	v12 =	vmul.f32 v38, v38;
	v37 =	vld.idx.msk [tilespmem:v9+s0+$0x0], $0xffff  }
0x157: {  	v33 =	vadd.f32 v32, v33;
	v45 =	vmul.f32 v36, v36;
	v38 =	vld.idx.msk [tilespmem:v9+s6+$0x0], $0xffff;
	v5 =	vadd.f32 v44, v5  }
0x158: {  	v20 =	vadd.f32 v41, v20;
	v39 =	vmul.f32 v39, v39;
	v40 =	vsub.f32 v40, v15;
	v32 =	vld.idx.msk [tilespmem:v9+s9+$0x0], $0xffff  }
0x159: {  	v24 =	vadd.f32 v12, v24;
	v36 =	vmovc v13;
	v41 =	vld.idx.msk [tilespmem:v9+s16+$0x0], $0xffff;
	v5 =	vadd.f32 v45, v5;
	v44 =	vmov v17  }
0x15a: {  	v21 =	vadd.f32 v42, v21;
	v12 =	vmul.f32 v40, v40;
	v17 =	vsub.f32 v35, v44;
	v35 =	vld.idx.msk [tilespmem:v9+s1+$0x0], $0xffff  }
0x15b: {  	v40 =	vsub.f32 v43, v44;
	v45 =	vmov v15;
	v42 =	vld.idx.msk [tilespmem:v9+s12+$0x0], $0xffff  }
0x15c: {  	v13 =	vadd.s32 $0x2, v13;
	v15 =	vmul.f32 v17, v17;
	v17 =	vsub.f32 v37, v44;
	v37 =	vld.idx.msk [tilespmem:v8+s16+$0x0], $0xffff  }
0x15d: {  	v13 =	vand.u32 $0x7F, v13;
	v43 =	vsub.f32 v47, v44;
	v38 =	vsub.f32 v38, v44;
	v46 =	vld.idx.msk [tilespmem:v8+s7+$0x0], $0xffff  }
0x15e: {  	v27 =	vsub.f32 v27, v45;
	v29 =	vadd.f32 v15, v29;
	v15 =	vmul.f32 v40, v40;
	v40 =	vld.idx.msk [tilespmem:v8+s15+$0x0], $0xffff  }
0x15f: {  	v34 =	vsub.f32 v34, v44;
	v41 =	vsub.f32 v41, v44;
	v47 =	vmul.f32 v17, v17;
	v48 =	vld.idx.msk [tilespmem:v8+s5+$0x0], $0xffff  }
0x160: {  	v32 =	vsub.f32 v32, v44;
	v17 =	vmul.f32 v38, v38;
	v38 =	vmul.f32 v43, v43;
	v43 =	vld.idx.msk [tilespmem:v8+s8+$0x0], $0xffff  }
0x161: {  	v25 =	vsub.f32 v25, v45;
	v14 =	vadd.f32 v15, v14;
	v15 =	vmul.f32 v27, v27;
	v49 =	vld.idx.msk [tilespmem:v8+s0+$0x0], $0xffff  }
0x162: {  	v34 =	vmul.f32 v34, v34;
	v27 =	vsub.f32 v30, v44;
	v30 =	vsub.f32 v35, v44;
	v50 =	vld.idx.msk [tilespmem:v8+s9+$0x0], $0xffff  }
0x163: {  	v32 =	vmul.f32 v32, v32;
	v16 =	vadd.f32 v17, v16;
	v17 =	vsub.f32 v42, v44;
	v35 =	vld.idx.msk [tilespmem:v9+s2+$0x0], $0xffff  }
0x164: {  	v18 =	vsub.f32 v18, v45;
	v27 =	vmul.f32 v27, v27;
	v14 =	vadd.f32 v39, v14;
	v42 =	vld.idx.msk [tilespmem:v8+s2+$0x0], $0xffff  }
0x165: {  	v22 =	vadd.f32 v38, v22;
	v39 =	vadd.s32 $0x1, v36;
	v30 =	vmul.f32 v30, v30;
	v51 =	vld.idx.msk [tilespmem:v9+s18+$0x0], $0xffff  }
0x166: {  	v20 =	vadd.f32 v34, v20;
	v34 =	vmul.f32 v41, v41;
	v38 =	vld.idx.msk [tilespmem:v9+s15+$0x0], $0xffff;
	v9 =	vor.u32 v0, v36  }
0x167: {  	v39 =	vand.u32 $0x7F, v39;
	v19 =	vadd.f32 v27, v19;
	v26 =	vadd.f32 v30, v26;
	v30 =	vld.idx.msk [tilespmem:v8+s18+$0x0], $0xffff  }
0x168: {  	v21 =	vadd.f32 v32, v21;
	v16 =	vadd.f32 v15, v16;
	v27 =	vld.idx.msk [tilespmem:v8+s14+$0x0], $0xffff;
	v8 =	vor.u32 v0, v39  }
0x169: {  	v41 =	vmul.f32 v17, v17;
	v15 =	vsub.f32 v37, v45;
	v35 =	vsub.f32 v35, v44  }
0x16a: {  	v24 =	vadd.f32 v47, v24;
	v47 =	vmul.f32 v18, v18;
	v37 =	vsub.f32 v48, v45;
	v17 =	vld.idx.msk [tilespmem:v36+s4+$0x0], $0xffff  }
0x16b: {  	v46 =	vsub.f32 v46, v45;
	v32 =	vmul.f32 v15, v15;
	v36 =	vsub.f32 v51, v44;
	v48 =	vld.idx.msk [tilespmem:v9+s14+$0x0], $0xffff  }
0x16c: {  	v25 =	vmul.f32 v25, v25;
	v11 =	vadd.f32 v41, v11;
	v51 =	vsub.f32 v40, v45;
	v15 =	vld.idx.msk [tilespmem:v39+s4+$0x0], $0xffff  }
0x16d: {  	v38 =	vsub.f32 v38, v44;
	v40 =	vmul.f32 v36, v36;
	v39 =	vsub.f32 v42, v45;
	v18 =	vld.idx.msk [tilespmem:v8+s10+$0x0], $0xffff  }
0x16e: {  	v41 =	vmul.f32 v37, v37;
	v11 =	vadd.f32 v25, v11;
	v42 =	vsub.f32 v27, v45;
	v36 =	vld.idx.msk [tilespmem:v8+s13+$0x0], $0xffff  }
0x16f: {  	v29 =	vadd.f32 v47, v29;
	v52 =	vmul.f32 v35, v35;
	v37 =	vmul.f32 v39, v39;
	v27 =	vld.idx.msk [tilespmem:v8+s6+$0x0], $0xffff  }
0x170: {  	v19 =	vadd.f32 v41, v19;
	v53 =	vsub.f32 v30, v45;
	v44 =	vmul.f32 v38, v38;
	v47 =	vld.idx.msk [tilespmem:v9+s13+$0x0], $0xffff  }
0x171: {  	v38 =	vsub.f32 v49, v45;
	v41 =	vmul.f32 v42, v42;
	v30 =	vsub.f32 v48, v17;
	v25 =	vld.idx.msk [tilespmem:v8+s12+$0x0], $0xffff  }
.Ltmp1:
0x172: {  	v33 =	vadd.f32 v34, v33;
	v34 =	vmul.f32 v46, v46;
	v46 =	vsub.f32 v43, v45;
	v39 =	vld.idx.msk [tilespmem:v8+s11+$0x0], $0xffff;
	(pc) =	sbr.rel @p1 .LBB2_5-.Ltmp1, $4  }
0x173: {  	v31 =	vadd.f32 v44, v31;
	v10 =	vadd.f32 v41, v10;
	v42 =	vmul.f32 v30, v30;
	v35 =	vld.idx.msk [tilespmem:v9+s10+$0x0], $0xffff  }
0x174: {  	v22 =	vadd.f32 v34, v22;
	v43 =	vadd.f32 v40, v28;
	v44 =	vmul.f32 v53, v53;
	v30 =	vld.idx.msk [tilespmem:v9+s5+$0x0], $0xffff  }
0x175: {  	v41 =	vmul.f32 v46, v46;
	v10 =	vadd.f32 v42, v10;
	v42 =	vsub.f32 v50, v45;
	v40 =	vld.idx.msk [tilespmem:v8+s1+$0x0], $0xffff  }
0x176: {  	v23 =	vadd.f32 v52, v23;
	v46 =	vmul.f32 v51, v51;
	v45 =	vsub.f32 v47, v17;
	v34 =	vld.idx.msk [tilespmem:v9+s8+$0x0], $0xffff  }
0x177: {  	_ =	sdelay $0x1  }
0x178: {  	v13 =	vsub.f32 v36, v15  }
0x179: {  	v28 =	vadd.f32 v44, v43;
	v39 =	vsub.f32 v39, v15  }
0x17a: {  	v47 =	vld.idx.msk [tilespmem:v9+s11+$0x0], $0xffff;
	v12 =	vadd.f32 v12, v26;
	v32 =	vadd.f32 v32, v33  }
0x17b: {  	v49 =	vld.idx.msk [tilespmem:v9+s0+$0x0], $0xffff;
	v20 =	vadd.f32 v41, v20;
	v27 =	vsub.f32 v27, v15  }
0x17c: {  	v51 =	vld.idx.msk [tilespmem:v9+s6+$0x0], $0xffff;
	v54 =	vmul.f32 v42, v42;
	v18 =	vsub.f32 v18, v15;
	v23 =	vadd.f32 v37, v23  }
0x17d: {  	v52 =	vld.idx.msk [tilespmem:v9+s7+$0x0], $0xffff;
	v48 =	vmul.f32 v45, v45;
	v31 =	vadd.f32 v46, v31;
	v35 =	vsub.f32 v35, v17  }
0x17e: {  	v50 =	vmul.f32 v38, v38;
	v55 =	vld.idx.msk [tilespmem:v9+s9+$0x0], $0xffff;
	v21 =	vadd.f32 v54, v21;
	v30 =	vsub.f32 v30, v17  }
0x17f: {  	v56 =	vld.idx.msk [tilespmem:v9+s16+$0x0], $0xffff;
	v13 =	vmul.f32 v13, v13;
	v5 =	vadd.f32 v48, v5;
	v53 =	vsub.f32 v40, v15  }
0x180: {  	v59 =	vld.idx.msk [tilespmem:v9+s1+$0x0], $0xffff;
	v48 =	vsub.f32 v25, v15;
	v46 =	vsub.f32 v34, v17  }
0x181: {  	v63 =	vld.idx.msk [tilespmem:v9+s12+$0x0], $0xffff;
	v62 =	vmul.f32 v39, v39;
	v5 =	vadd.f32 v13, v5;
	v13 =	vadd.f32 v50, v24  }
0x182: {  	v58 =	vmul.f32 v35, v35;
	v57 =	vsub.f32 v47, v17;
	v60 =	vsub.f32 v49, v17  }
0x183: {  	v18 =	vmul.f32 v18, v18;
	v61 =	vsub.f32 v51, v17;
	v45 =	vsub.f32 v52, v17  }
0x184: {  	v30 =	vmul.f32 v30, v30;
	v26 =	vadd.f32 v58, v29;
	v41 =	vsub.f32 v56, v17  }
0x185: {  	v47 =	vld.idx.msk [tilespmem:v9+s18+$0x0], $0xffff;
	v42 =	vsub.f32 v55, v17;
	v35 =	vsub.f32 v59, v17;
	v29 =	vmul.f32 v46, v46  }
0x186: {  	v49 =	vld.idx.msk [tilespmem:v8+s18+$0x0], $0xffff;
	v39 =	vsub.f32 v63, v17;
	v24 =	vmul.f32 v57, v57;
	v37 =	vmul.f32 v61, v61  }
0x187: {  	v50 =	vld.idx.msk [tilespmem:v8+s16+$0x0], $0xffff;
	v40 =	vmul.f32 v45, v45;
	v35 =	vmul.f32 v35, v35;
	v18 =	vadd.f32 v18, v26  }
0x188: {  	v51 =	vld.idx.msk [tilespmem:v9+s2+$0x0], $0xffff;
	v54 =	vmul.f32 v42, v42;
	v20 =	vadd.f32 v29, v20;
	v29 =	vadd.f32 v30, v19  }
0x189: {  	v52 =	vld.idx.msk [tilespmem:v8+s7+$0x0], $0xffff;
	v56 =	vmul.f32 v60, v60;
	v14 =	vadd.f32 v24, v14;
	v37 =	vadd.f32 v37, v16  }
0x18a: {  	v55 =	vld.idx.msk [tilespmem:v8+s15+$0x0], $0xffff;
	v60 =	vmul.f32 v39, v39;
	v22 =	vadd.f32 v40, v22;
	v34 =	vsub.f32 v47, v17  }
0x18b: {  	v27 =	vmul.f32 v27, v27;
	v57 =	vld.idx.msk [tilespmem:v8+s2+$0x0], $0xffff;
	v12 =	vadd.f32 v35, v12;
	v21 =	vadd.f32 v54, v21  }
0x18c: {  	v59 =	vld.idx.msk [tilespmem:v9+s15+$0x0], $0xffff;
	v11 =	vadd.f32 v60, v11;
	v25 =	vsub.f32 v49, v15;
	v34 =	vmul.f32 v34, v34  }
0x18d: {  	v33 =	vmul.f32 v53, v53;
	v53 =	vld.idx.msk [tilespmem:v8+s5+$0x0], $0xffff;
	v58 =	vsub.f32 v51, v17;
	v61 =	vsub.f32 v50, v15  }
0x18e: {  	v63 =	vsub.f32 v52, v15;
	v25 =	vmul.f32 v25, v25;
	v28 =	vadd.f32 v34, v28  }
0x18f: {  	v35 =	vmul.f32 v41, v41;
	v30 =	vsub.f32 v55, v15;
	v19 =	vadd.f32 v27, v37  }
0x190: {  	v24 =	vmul.f32 v48, v48;
	v27 =	vsub.f32 v57, v15;
	v25 =	vadd.f32 v25, v28  }
0x191: {  	v45 =	vld.idx.msk [tilespmem:v8+s14+$0x0], $0xffff;
	v9 =	vsub.f32 v59, v17;
	v16 =	vadd.f32 v62, v14;
	v36 =	vmul.f32 v58, v58  }
0x192: {  	v62 =	vsub.f32 v53, v15;
	v50 =	vmul.f32 v27, v27;
	v39 =	vmax.f32 v25, $1.000000000e-30  }
0x193: {  	v51 =	vadd.f32 v36, v23;
	v46 =	vshrl.u32 v39, $0x1;
	v28 =	vmul.f32 $5.000000000e-01, v39  }
0x194: {  	v14 =	vadd.f32 v24, v11;
	v34 =	vadd.f32 v56, v13;
	v47 =	vsub.s32 $0x5F3759DF, v46  }
0x195: {  	v48 =	vld.idx.msk [tilespmem:v8+s0+$0x0], $0xffff;
	v13 =	vmul.f32 v62, v62;
	v36 =	vadd.f32 v50, v51;
	v49 =	vmul.f32 v47, v28  }
0x196: {  	v54 =	vld.idx.msk [tilespmem:v8+s8+$0x0], $0xffff;
	v60 =	vadd.f32 v35, v32;
	v53 =	vsub.f32 v45, v15  }
0x197: {  	v17 =	vadd.f32 v13, v29;
	v29 =	vmax.f32 v36, $1.000000000e-30;
	v52 =	vmul.f32 v47, v49  }
0x198: {  	v55 =	vmul.f32 v61, v61;
	v61 =	vshrl.u32 v29, $0x1;
	v62 =	vmul.f32 $5.000000000e-01, v29  }
0x199: {  	v9 =	vmul.f32 v9, v9;
	v58 =	vld.idx.msk [tilespmem:v8+s9+$0x0], $0xffff;
	v32 =	vsub.s32 $0x5F3759DF, v61;
	v56 =	vsub.f32 $1.500000000e+00, v52  }
0x19a: {  	v63 =	vmul.f32 v63, v63;
	v57 =	vsub.f32 v48, v15;
	v41 =	vmul.f32 v32, v62  }
0x19b: {  	v8 =	vmul.f32 v53, v53;
	v26 =	vsub.f32 v54, v15;
	v59 =	vmul.f32 v47, v56  }
0x19c: {  	v9 =	vadd.f32 v9, v31;
	v22 =	vadd.f32 v63, v22;
	v44 =	vmul.f32 v32, v41  }
0x19d: {  	v11 =	vadd.f32 v55, v60;
	v8 =	vadd.f32 v8, v10;
	v40 =	vmul.f32 v59, v28  }
0x19e: {  	v42 =	vmul.f32 v30, v30;
	v13 =	vsub.f32 v58, v15;
	v15 =	vsub.f32 $1.500000000e+00, v44  }
0x19f: {  	v23 =	vmul.f32 v57, v57;
	v57 =	vmax.f32 v22, $1.000000000e-30;
	v43 =	vmul.f32 v40, v59  }
0x1a0: {  	v26 =	vmul.f32 v26, v26;
	v58 =	vshrl.u32 v57, $0x1;
	v47 =	vmul.f32 v32, v15  }
0x1a1: {  	v55 =	vmin.f32 v7, v25;
	v7 =	vmax.f32 v7, v25;
	v45 =	vsub.f32 $1.500000000e+00, v43  }
0x1a2: {  	v10 =	vadd.f32 v23, v34;
	v25 =	vmax.f32 v6, v7;
	v51 =	vmul.f32 v47, v62  }
0x1a3: {  	v46 =	vmul.f32 v13, v13;
	v13 =	vadd.f32 v33, v12;
	v24 =	vmul.f32 v45, v59  }
0x1a4: {  	v12 =	vadd.f32 v26, v20;
	v26 =	vmax.f32 v19, $1.000000000e-30;
	v23 =	vmul.f32 v51, v47  }
0x1a5: {  	v50 =	vmul.f32 $5.000000000e-01, v26;
	v49 =	vshrl.u32 v26, $0x1;
	v48 =	vmul.f32 v24, v28  }
0x1a6: {  	v6 =	vmin.f32 v6, v7;
	v52 =	vsub.s32 $0x5F3759DF, v49;
	v23 =	vsub.f32 $1.500000000e+00, v23  }
0x1a7: {  	v30 =	vmin.f32 v55, v36;
	v54 =	vmul.f32 v52, v50;
	v53 =	vmul.f32 v48, v24  }
0x1a8: {  	v15 =	vadd.f32 v46, v21;
	v20 =	vmul.f32 v23, v47;
	v59 =	vmul.f32 $5.000000000e-01, v57  }
0x1a9: {  	v27 =	vmul.f32 v52, v54;
	v23 =	vsub.s32 $0x5F3759DF, v58;
	v21 =	vsub.f32 $1.500000000e+00, v53  }
0x1aa: {  	v7 =	vmin.f32 v3, v25;
	v60 =	vmul.f32 v20, v62;
	v61 =	vmul.f32 v23, v59  }
0x1ab: {  	v3 =	vmax.f32 v3, v25;
	v56 =	vsub.f32 $1.500000000e+00, v27;
	v21 =	vmul.f32 v21, v24  }
0x1ac: {  	v2 =	vmin.f32 v2, v3;
	v25 =	vmul.f32 v60, v20;
	v31 =	vmul.f32 v23, v61  }
0x1ad: {  	v62 =	vmax.f32 v55, v36;
	v24 =	vmul.f32 v52, v56;
	v21 =	vmul.f32 v21, v39  }
0x1ae: {  	v63 =	vmin.f32 v6, v62;
	v6 =	vmax.f32 v6, v62;
	v36 =	vsub.f32 $1.500000000e+00, v31  }
0x1af: {  	v35 =	vsub.f32 $1.500000000e+00, v25;
	v3 =	vadd.f32 v21, v4;
	v4 =	vmul.f32 v24, v50  }
0x1b0: {  	v37 =	vmin.f32 v7, v6;
	v38 =	vmul.f32 v23, v36  }
0x1b1: {  	v6 =	vmax.f32 v7, v6;
	v7 =	vmul.f32 v35, v20;
	v4 =	vmul.f32 v4, v24  }
0x1b2: {  	v9 =	vadd.f32 v42, v9;
	v2 =	vmin.f32 v2, v6;
	v25 =	vmul.f32 v38, v59  }
0x1b3: {  	v7 =	vmul.f32 v7, v29;
	v21 =	vmax.f32 v18, $1.000000000e-30;
	v4 =	vsub.f32 $1.500000000e+00, v4  }
0x1b4: {  	v25 =	vmul.f32 v25, v38;
	v39 =	vshrl.u32 v21, $0x1;
	v40 =	vmul.f32 $5.000000000e-01, v21  }
0x1b5: {  	v23 =	vsub.s32 $0x5F3759DF, v39;
	v3 =	vadd.f32 v7, v3;
	v4 =	vmul.f32 v4, v24  }
0x1b6: {  	v7 =	vmin.f32 v30, v19;
	v19 =	vmax.f32 v30, v19;
	v25 =	vsub.f32 $1.500000000e+00, v25  }
0x1b7: {  	v30 =	vmax.f32 v16, $1.000000000e-30;
	v41 =	vmul.f32 v23, v40;
	v6 =	vmul.f32 v4, v50  }
0x1b8: {  	v43 =	vshrl.u32 v30, $0x1;
	v44 =	vmul.f32 $5.000000000e-01, v30;
	v20 =	vmul.f32 v25, v38  }
0x1b9: {  	v45 =	vsub.s32 $0x5F3759DF, v43;
	v28 =	vmul.f32 v23, v41;
	v6 =	vmul.f32 v6, v4  }
0x1ba: {  	v42 =	vmin.f32 v63, v19;
	v48 =	vmul.f32 v45, v44;
	v47 =	vmul.f32 v20, v59  }
0x1bb: {  	v19 =	vmax.f32 v63, v19;
	v28 =	vsub.f32 $1.500000000e+00, v28;
	v6 =	vsub.f32 $1.500000000e+00, v6  }
0x1bc: {  	v46 =	vmin.f32 v37, v19;
	v51 =	vmul.f32 v45, v48;
	v50 =	vmul.f32 v47, v20  }
0x1bd: {  	v19 =	vmax.f32 v37, v19;
	v4 =	vmul.f32 v6, v4;
	v6 =	vmul.f32 v23, v28  }
0x1be: {  	v2 =	vmin.f32 v2, v19;
	v52 =	vsub.f32 $1.500000000e+00, v51;
	v19 =	vsub.f32 $1.500000000e+00, v50  }
0x1bf: {  	v49 =	vmul.f32 v6, v40  }
0x1c0: {  	v54 =	vmul.f32 v45, v52;
	v19 =	vmul.f32 v19, v20  }
0x1c1: {  	v36 =	vmax.f32 v14, $1.000000000e-30;
	v4 =	vmul.f32 v4, v26;
	v26 =	vmul.f32 v49, v6  }
0x1c2: {  	v39 =	vmul.f32 $5.000000000e-01, v36;
	v47 =	vmax.f32 v15, $1.000000000e-30;
	v19 =	vmul.f32 v19, v57  }
0x1c3: {  	v57 =	vmul.f32 v54, v44;
	v3 =	vadd.f32 v4, v3;
	v26 =	vsub.f32 $1.500000000e+00, v26  }
0x1c4: {  	v4 =	vmin.f32 v7, v22;
	v7 =	vmax.f32 v7, v22;
	v22 =	vmax.f32 v17, $1.000000000e-30  }
0x1c5: {  	v55 =	vshrl.u32 v22, $0x1;
	v56 =	vmul.f32 $5.000000000e-01, v22;
	v6 =	vmul.f32 v26, v6  }
0x1c6: {  	v50 =	vmul.f32 $5.000000000e-01, v47;
	v59 =	vmul.f32 v57, v54;
	v23 =	vsub.s32 $0x5F3759DF, v55  }
0x1c7: {  	v38 =	vshrl.u32 v36, $0x1;
	v58 =	vmul.f32 v23, v56;
	v24 =	vmul.f32 v6, v40  }
0x1c8: {  	v63 =	vsub.f32 $1.500000000e+00, v59;
	v49 =	vshrl.u32 v47, $0x1;
	v53 =	vmin.f32 v42, v7  }
0x1c9: {  	v7 =	vmax.f32 v42, v7;
	v61 =	vmul.f32 v23, v58;
	v60 =	vmul.f32 v24, v6  }
0x1ca: {  	v62 =	vmin.f32 v4, v18;
	v4 =	vmax.f32 v4, v18;
	v3 =	vadd.f32 v19, v3  }
0x1cb: {  	v29 =	vmax.f32 v46, v7;
	v24 =	vsub.f32 $1.500000000e+00, v61;
	v19 =	vsub.f32 $1.500000000e+00, v60  }
0x1cc: {  	v7 =	vmin.f32 v46, v7;
	v32 =	vmax.f32 v53, v4;
	v18 =	vmul.f32 v63, v54  }
0x1cd: {  	v4 =	vmin.f32 v53, v4;
	v35 =	vmul.f32 v23, v24;
	v6 =	vmul.f32 v19, v6  }
0x1ce: {  	v53 =	vmax.f32 v13, $1.000000000e-30;
	v2 =	vmin.f32 v2, v29;
	v37 =	vmul.f32 v18, v44  }
0x1cf: {  	v24 =	vsub.s32 $0x5F3759DF, v38;
	v40 =	vmul.f32 v35, v56;
	v6 =	vmul.f32 v6, v21  }
0x1d0: {  	v34 =	vmin.f32 v7, v32;
	v7 =	vmax.f32 v7, v32;
	v41 =	vmul.f32 v24, v39  }
0x1d1: {  	v23 =	vmul.f32 v37, v18;
	v3 =	vadd.f32 v6, v3;
	v6 =	vmul.f32 v40, v35  }
0x1d2: {  	v63 =	vmax.f32 v12, $1.000000000e-30;
	v2 =	vmin.f32 v2, v7;
	v43 =	vmul.f32 v24, v41  }
0x1d3: {  	v7 =	vmax.f32 v62, v16;
	v42 =	vsub.f32 $1.500000000e+00, v23;
	v6 =	vsub.f32 $1.500000000e+00, v6  }
0x1d4: {  	v54 =	vshrl.u32 v53, $0x1;
	v44 =	vmin.f32 v4, v7;
	v45 =	vsub.f32 $1.500000000e+00, v43  }
0x1d5: {  	v4 =	vmax.f32 v4, v7;
	v7 =	vmul.f32 v42, v18;
	v6 =	vmul.f32 v6, v35  }
0x1d6: {  	v55 =	vmul.f32 $5.000000000e-01, v53;
	v46 =	vmin.f32 v34, v4;
	v18 =	vmul.f32 v24, v45  }
0x1d7: {  	v4 =	vmax.f32 v34, v4;
	v7 =	vmul.f32 v7, v30;
	v48 =	vmul.f32 v6, v56  }
0x1d8: {  	v2 =	vmin.f32 v2, v4;
	v24 =	vsub.s32 $0x5F3759DF, v49;
	v4 =	vmul.f32 v18, v39  }
0x1d9: {  	v3 =	vadd.f32 v7, v3;
	v51 =	vmul.f32 v24, v50;
	v7 =	vmul.f32 v48, v6  }
0x1da: {  	v31 =	vshrl.u32 v63, $0x1;
	v16 =	vmin.f32 v62, v16;
	v4 =	vmul.f32 v4, v18  }
0x1db: {  	v27 =	vmin.f32 v16, v17;
	v52 =	vmul.f32 v24, v51;
	v7 =	vsub.f32 $1.500000000e+00, v7  }
0x1dc: {  	v16 =	vmax.f32 v16, v17;
	v56 =	vsub.s32 $0x5F3759DF, v54;
	v4 =	vsub.f32 $1.500000000e+00, v4  }
0x1dd: {  	v58 =	vmul.f32 v56, v55;
	v6 =	vmul.f32 v7, v6;
	v7 =	vsub.f32 $1.500000000e+00, v52  }
0x1de: {  	v32 =	vmul.f32 $5.000000000e-01, v63;
	v57 =	vmin.f32 v44, v16;
	v4 =	vmul.f32 v4, v18  }
0x1df: {  	v16 =	vmax.f32 v44, v16;
	v18 =	vmul.f32 v56, v58;
	v7 =	vmul.f32 v24, v7  }
0x1e0: {  	v62 =	vmin.f32 v27, v14;
	v60 =	vmul.f32 v4, v39;
	v6 =	vmul.f32 v6, v22  }
0x1e1: {  	v14 =	vmax.f32 v27, v14;
	v59 =	vmax.f32 v46, v16;
	v61 =	vmul.f32 v7, v50  }
0x1e2: {  	v18 =	vsub.f32 $1.500000000e+00, v18;
	v3 =	vadd.f32 v6, v3;
	v6 =	vmul.f32 v60, v4  }
0x1e3: {  	v16 =	vmin.f32 v46, v16;
	v27 =	vmin.f32 v57, v14;
	v21 =	vmul.f32 v61, v7  }
0x1e4: {  	v14 =	vmax.f32 v57, v14;
	v17 =	vmul.f32 v56, v18;
	v6 =	vsub.f32 $1.500000000e+00, v6  }
0x1e5: {  	v2 =	vmin.f32 v2, v59;
	v34 =	vmax.f32 v16, v14;
	v21 =	vsub.f32 $1.500000000e+00, v21  }
0x1e6: {  	v24 =	vsub.s32 $0x5F3759DF, v31;
	v4 =	vmul.f32 v6, v4;
	v6 =	vmul.f32 v17, v55  }
0x1e7: {  	v14 =	vmin.f32 v16, v14;
	v33 =	vmul.f32 v24, v32;
	v7 =	vmul.f32 v21, v7  }
0x1e8: {  	v2 =	vmin.f32 v2, v34;
	v4 =	vmul.f32 v4, v36;
	v6 =	vmul.f32 v6, v17  }
0x1e9: {  	v19 =	vmax.f32 v10, $1.000000000e-30;
	v21 =	vmul.f32 v24, v33;
	v26 =	vmul.f32 v7, v50  }
0x1ea: {  	v34 =	vmax.f32 v5, $1.000000000e-30;
	v51 =	vmul.f32 $5.000000000e-01, v19;
	v6 =	vsub.f32 $1.500000000e+00, v6  }
0x1eb: {  	v3 =	vadd.f32 v4, v3;
	v35 =	vsub.f32 $1.500000000e+00, v21;
	v4 =	vmul.f32 v26, v7  }
0x1ec: {  	v36 =	vmin.f32 v62, v15;
	v15 =	vmax.f32 v62, v15;
	v6 =	vmul.f32 v6, v17  }
0x1ed: {  	v37 =	vmax.f32 v27, v15;
	v16 =	vmul.f32 v24, v35;
	v4 =	vsub.f32 $1.500000000e+00, v4  }
0x1ee: {  	v15 =	vmin.f32 v27, v15;
	v38 =	vmin.f32 v14, v37;
	v39 =	vmul.f32 v6, v55  }
0x1ef: {  	v24 =	vmax.f32 v11, $1.000000000e-30;
	v4 =	vmul.f32 v4, v7;
	v7 =	vmul.f32 v16, v32  }
0x1f0: {  	v40 =	vshrl.u32 v24, $0x1;
	v41 =	vmul.f32 $5.000000000e-01, v24;
	v22 =	vmul.f32 v39, v6  }
0x1f1: {  	v42 =	vsub.s32 $0x5F3759DF, v40;
	v4 =	vmul.f32 v4, v47;
	v7 =	vmul.f32 v7, v16  }
0x1f2: {  	v14 =	vmax.f32 v14, v37;
	v44 =	vmul.f32 v42, v41;
	v43 =	vsub.f32 $1.500000000e+00, v22  }
0x1f3: {  	v37 =	vmul.f32 $5.000000000e-01, v34;
	v3 =	vadd.f32 v4, v3;
	v4 =	vsub.f32 $1.500000000e+00, v7  }
0x1f4: {  	v50 =	vshrl.u32 v19, $0x1;
	v45 =	vmul.f32 v42, v44;
	v6 =	vmul.f32 v43, v6  }
0x1f5: {  	v2 =	vmin.f32 v2, v14;
	v52 =	vsub.s32 $0x5F3759DF, v50;
	v4 =	vmul.f32 v4, v16  }
0x1f6: {  	v14 =	vsub.f32 $1.500000000e+00, v45;
	v7 =	vmax.f32 v36, v13;
	v6 =	vmul.f32 v6, v53  }
0x1f7: {  	v13 =	vmin.f32 v36, v13;
	v46 =	vmin.f32 v15, v7;
	v16 =	vmul.f32 v4, v32  }
0x1f8: {  	v7 =	vmax.f32 v15, v7;
	v3 =	vadd.f32 v6, v3;
	v6 =	vmul.f32 v42, v14  }
0x1f9: {  	v15 =	vmin.f32 v38, v7;
	v7 =	vmax.f32 v38, v7;
	v47 =	vmul.f32 v16, v4  }
0x1fa: {  	v36 =	vshrl.u32 v34, $0x1;
	v2 =	vmin.f32 v2, v7;
	v49 =	vmul.f32 v6, v41  }
0x1fb: {  	v7 =	vmin.f32 v13, v12;
	v12 =	vmax.f32 v13, v12;
	v13 =	vsub.f32 $1.500000000e+00, v47  }
0x1fc: {  	v54 =	vmul.f32 v52, v51;
	v25 =	vsub.s32 $0x5F3759DF, v36;
	v16 =	vmul.f32 v49, v6  }
0x1fd: {  	v38 =	vmax.f32 v8, $1.000000000e-30;
	v39 =	vmul.f32 v25, v37;
	v4 =	vmul.f32 v13, v4  }
0x1fe: {  	v40 =	vshrl.u32 v38, $0x1;
	v48 =	vmin.f32 v46, v12;
	v55 =	vsub.f32 $1.500000000e+00, v16  }
0x1ff: {  	v13 =	vmul.f32 v52, v54;
	v16 =	vmax.f32 v9, $1.000000000e-30;
	v4 =	vmul.f32 v4, v63  }
0x200: {  	v12 =	vmax.f32 v46, v12;
	v56 =	vshrl.u32 v16, $0x1;
	v57 =	vmul.f32 $5.000000000e-01, v16  }
0x201: {  	v58 =	vsub.s32 $0x5F3759DF, v56;
	v3 =	vadd.f32 v4, v3;
	v4 =	vsub.f32 $1.500000000e+00, v13  }
0x202: {  	v59 =	vmax.f32 v7, v11;
	v6 =	vmul.f32 v55, v6;
	v61 =	vmul.f32 v58, v57  }
0x203: {  	v7 =	vmin.f32 v7, v11;
	v28 =	vmul.f32 v25, v39;
	v4 =	vmul.f32 v52, v4  }
0x204: {  	v42 =	vsub.s32 $0x5F3759DF, v40;
	v60 =	vmul.f32 v6, v41;
	v33 =	vmul.f32 v58, v61  }
0x205: {  	v53 =	vmax.f32 v15, v12;
	v41 =	vmul.f32 $5.000000000e-01, v38;
	v35 =	vmul.f32 v4, v51  }
0x206: {  	v12 =	vmin.f32 v15, v12;
	v63 =	vmul.f32 v60, v6;
	v20 =	vsub.f32 $1.500000000e+00, v33  }
0x207: {  	v62 =	vmin.f32 v48, v59;
	v29 =	vmul.f32 v42, v41;
	v23 =	vmul.f32 v35, v4  }
0x208: {  	v14 =	vmax.f32 v48, v59;
	v17 =	vsub.f32 $1.500000000e+00, v63;
	v13 =	vmul.f32 v58, v20  }
0x209: {  	v45 =	vsub.f32 $1.500000000e+00, v28;
	v46 =	vmul.f32 v42, v29;
	v43 =	vsub.f32 $1.500000000e+00, v23  }
0x20a: {  	v2 =	vmin.f32 v2, v53;
	v6 =	vmul.f32 v17, v6;
	v44 =	vmul.f32 v13, v57  }
0x20b: {  	v49 =	vmul.f32 v25, v45;
	v50 =	vsub.f32 $1.500000000e+00, v46;
	v4 =	vmul.f32 v43, v4  }
0x20c: {  	v47 =	vmin.f32 v12, v14;
	v6 =	vmul.f32 v6, v24;
	v48 =	vmul.f32 v44, v13  }
0x20d: {  	v12 =	vmax.f32 v12, v14;
	v17 =	vmul.f32 v42, v50;
	v21 =	vmul.f32 v4, v51  }
0x20e: {  	v2 =	vmin.f32 v2, v12;
	v15 =	vsub.f32 $1.500000000e+00, v48;
	v51 =	vmul.f32 v49, v37  }
0x20f: {  	v3 =	vadd.f32 v6, v3;
	v20 =	vmul.f32 v17, v41;
	v6 =	vmul.f32 v21, v4  }
0x210: {  	v52 =	vmin.f32 v7, v10;
	v13 =	vmul.f32 v15, v13;
	v12 =	vmul.f32 v51, v49  }
0x211: {  	v7 =	vmax.f32 v7, v10;
	v20 =	vmul.f32 v20, v17;
	v6 =	vsub.f32 $1.500000000e+00, v6  }
0x212: {  	v54 =	vmin.f32 v62, v7;
	v53 =	vmul.f32 v13, v57;
	v12 =	vsub.f32 $1.500000000e+00, v12  }
0x213: {  	v7 =	vmax.f32 v62, v7;
	v57 =	vsub.f32 $1.500000000e+00, v20;
	v4 =	vmul.f32 v6, v4  }
0x214: {  	v55 =	vmin.f32 v47, v7;
	v6 =	vmul.f32 v53, v13;
	v56 =	vmul.f32 v12, v49  }
0x215: {  	v7 =	vmax.f32 v47, v7;
	v12 =	vmul.f32 v57, v17;
	v4 =	vmul.f32 v4, v19  }
0x216: {  	v2 =	vmin.f32 v2, v7;
	v6 =	vsub.f32 $1.500000000e+00, v6;
	v7 =	vmul.f32 v56, v37  }
0x217: {  	v58 =	vmul.f32 v12, v41;
	v3 =	vadd.f32 v4, v3;
	v4 =	vmin.f32 v52, v9  }
0x218: {  	v6 =	vmul.f32 v6, v13;
	v9 =	vmax.f32 v52, v9;
	v7 =	vmul.f32 v7, v56  }
0x219: {  	v13 =	vmul.f32 v58, v12;
	v59 =	vmin.f32 v54, v9;
	v9 =	vmax.f32 v54, v9  }
0x21a: {  	v6 =	vmul.f32 v6, v16;
	v60 =	vmax.f32 v55, v9;
	v7 =	vsub.f32 $1.500000000e+00, v7  }
0x21b: {  	v9 =	vmin.f32 v55, v9;
	v61 =	vsub.f32 $1.500000000e+00, v13;
	v2 =	vmin.f32 v2, v60  }
0x21c: {  	v3 =	vadd.f32 v6, v3;
	v6 =	vmax.f32 v4, v5;
	v7 =	vmul.f32 v7, v56  }
0x21d: {  	v4 =	vmin.f32 v4, v5;
	v10 =	vmul.f32 v61, v12;
	v5 =	vmin.f32 v59, v6  }
.Ltmp2:
0x21e: {  	v6 =	vmax.f32 v59, v6;
	v63 =	vmax.f32 v4, v8;
	v7 =	vmul.f32 v7, v34;
	(pc) =	sbr.rel @p0 .LBB2_8-.Ltmp2, $4  }
0x21f: {  	v62 =	vmax.f32 v9, v6;
	v9 =	vmin.f32 v9, v6;
	v10 =	vmul.f32 v10, v38  }
0x220: {  	v6 =	vmin.f32 v4, v8;
	v3 =	vadd.f32 v7, v3;
	v7 =	vmax.f32 v5, v63  }
0x221: {  	s20 =	simm.s32 $0x2080;
	v2 =	vmin.f32 v2, v62;
	v5 =	vmin.f32 v5, v63;
	v8 =	vmax.f32 v9, v7  }
0x222: {  	s25 =	simm.s32 $0x12080;
	s26 =	simm.s32 $0x12880;
	s2 =	simm.s32 $0x7080;
	v4 =	vmin.f32 v9, v7;
	v2 =	vmin.f32 v2, v8;
	v3 =	vadd.f32 v10, v3  }
.Ltmp3:
0x223: {  	s17 =	rddreg [dreg:$0x8];
	(pc) =	sbr.rel .LBB2_2-.Ltmp3, $4  }
0x224: {  	s26 =	simm.s32 $0x8080;
	s17 =	sadd.s32 s19, s17  }
0x225: {  	s18 =	rddreg [dreg:$0x0];
	s28 =	sadd.s32 $0x1, s28;
	s17 =	sshrl.u32 s17, $0x3  }
0x226: {  	[dreg:$0xc] =	wrdreg s28;
	s17 =	sadd.s32 s18, s17;
	s18 =	simm.s32 $0x80  }
0x227: {  	[tilespmem:s26], [sflag:$0x2] =	stream.linear.gather [hbm4b:s17+s4], $0x8000, $0x38;
	[tilespmem:$0x13100] =	vst v63  }
.LBB2_8:
0x228: {  	v1 =	vlaneseq.u32  }
0x229: {  	s6 =	simm.s32 $0x3;
	v15 =	vor.u32 v0, v1  }
0x22a: {  	_ =	swait.ge [sflag:s6], $0x3000  }
0x22b: {  	[sflag:s6] =	ssyncset.done $0x0  }
0x22c: {  	v7 =	vadd.s32 $0x1, v1;
	[sflag:s6] =	ssyncadd.s32 $0xFFFFD000  }
0x22d: {  	v7 =	vand.u32 $0x7F, v7;
	v18 =	vld.idx.msk [tilespmem:v1+s4+$0x0], $0xffff  }
0x22e: {  	v9 =	vor.u32 v0, v7;
	s6 =	simm.s32 $0x10880;
	v20 =	vld.idx.msk [tilespmem:v15+s26+$0x0], $0xffff  }
0x22f: {  	v23 =	vld.idx.msk [tilespmem:v15+s6+$0x0], $0xffff  }
0x230: {  	s18 =	simm.s32 $0x10080;
	v25 =	vld.idx.msk [tilespmem:v15+s25+$0x0], $0xffff  }
0x231: {  	v28 =	vld.idx.msk [tilespmem:v15+s18+$0x0], $0xffff  }
0x232: {  	v19 =	vld.idx.msk [tilespmem:v7+s4+$0x0], $0xffff  }
0x233: {  	v10 =	vld.idx.msk [tilespmem:v9+s6+$0x0], $0xffff  }
0x234: {  	v11 =	vld.idx.msk [tilespmem:v9+s22+$0x0], $0xffff  }
0x235: {  	s19 =	simm.s32 $0x11080;
	v7 =	vadd.s32 $0x2, v1;
	v14 =	vld.idx.msk [tilespmem:v9+s25+$0x0], $0xffff  }
0x236: {  	v12 =	vld.idx.msk [tilespmem:v9+s19+$0x0], $0xffff;
	v8 =	vand.u32 $0x7F, v7  }
0x237: {  	v16 =	vld.idx.msk [tilespmem:v9+s26+$0x0], $0xffff;
	v1 =	vadd.s32 $0x1, v8  }
0x238: {  	v9 =	vld.idx.msk [tilespmem:v9+s18+$0x0], $0xffff;
	v21 =	vand.u32 $0x7F, v1  }
0x239: {  	v22 =	vld.idx.msk [tilespmem:v15+s22+$0x0], $0xffff;
	v13 =	vor.u32 v0, v21;
	v23 =	vsub.f32 v23, v18;
	v31 =	vsub.f32 v25, v18  }
0x23a: {  	v32 =	vsub.f32 v28, v18;
	v10 =	vsub.f32 v10, v19  }
0x23b: {  	v24 =	vsub.f32 v11, v19;
	v1 =	vsub.f32 v12, v19  }
0x23c: {  	v17 =	vld.idx.msk [tilespmem:v15+s19+$0x0], $0xffff;
	v15 =	vadd.s32 $0x2, v8;
	v7 =	vsub.f32 v14, v19;
	v14 =	vsub.f32 v16, v19  }
0x23d: {  	v12 =	vimm.f32 $0.0e+00;
	v33 =	vsub.f32 v9, v19;
	v9 =	vsub.f32 v20, v18;
	v21 =	vld.idx.msk [tilespmem:v21+s4+$0x0], $0xffff  }
0x23e: {  	v30 =	vmul.f32 v23, v23;
	v19 =	vmul.f32 v14, v14;
	v14 =	vsub.f32 v22, v18;
	v11 =	vld.idx.msk [tilespmem:v13+s6+$0x0], $0xffff  }
0x23f: {  	v23 =	vimm.f32 $0.0e+00;
	v10 =	vmul.f32 v10, v10;
	v22 =	vand.u32 $0x7F, v15;
	v16 =	vld.idx.msk [tilespmem:v13+s22+$0x0], $0xffff  }
0x240: {  	v27 =	vmul.f32 v9, v9;
	v9 =	vor.u32 v0, v8;
	v15 =	vld.idx.msk [tilespmem:v13+s25+$0x0], $0xffff;
	v14 =	vmul.f32 v14, v14  }
0x241: {  	v26 =	vmul.f32 v24, v24;
	v28 =	vmul.f32 v33, v33;
	v24 =	vimm.f32 $0.0e+00;
	v20 =	vld.idx.msk [tilespmem:v13+s26+$0x0], $0xffff  }
0x242: {  	s17 =	simm.s32 $0x2;
	v25 =	vld.idx.msk [tilespmem:v13+s19+$0x0], $0xffff;
	v27 =	vadd.f32 v27, v12;
	v29 =	vadd.f32 v14, v12;
	v14 =	vimm.f32 $0.0e+00  }
.LBB2_9:
0x243: {  	v33 =	vadd.s32 $0x1, v22;
	s17 =	sadd.s32 $0x2, s17;
	v34 =	vld.idx.msk [tilespmem:v8+s4+$0x0], $0xffff;
	v12 =	vadd.f32 v30, v12;
	v30 =	vmul.f32 v31, v31;
	v8 =	vmovc v22  }
0x244: {  	v17 =	vsub.f32 v17, v18;
	p0 =	slt.u32 s17, $0x7E;
	v31 =	vld.idx.msk [tilespmem:v13+s18+$0x0], $0xffff;
	v32 =	vmul.f32 v32, v32;
	v29 =	vadd.f32 v26, v29  }
0x245: {  	v33 =	vand.u32 $0x7F, v33;
	v18 =	vld.idx.msk [tilespmem:v9+s26+$0x0], $0xffff;
	v23 =	vadd.f32 v30, v23;
	v12 =	vadd.f32 v10, v12  }
0x246: {  	v27 =	vadd.f32 v19, v27;
	v13 =	vor.u32 v0, v33;
	v26 =	vld.idx.msk [tilespmem:v9+s22+$0x0], $0xffff;
	v10 =	vadd.f32 v32, v24  }
0x247: {  	v35 =	vmul.f32 v17, v17;
	v11 =	vsub.f32 v11, v21;
	v32 =	vsub.f32 v16, v21;
	v30 =	vld.idx.msk [tilespmem:v9+s6+$0x0], $0xffff  }
0x248: {  	v16 =	vmul.f32 v7, v7;
	v25 =	vsub.f32 v25, v21;
	v36 =	vld.idx.msk [tilespmem:v9+s25+$0x0], $0xffff;
	v24 =	vadd.f32 v28, v10  }
0x249: {  	v7 =	vsub.f32 v15, v21;
	v15 =	vsub.f32 v20, v21;
	v10 =	vmul.f32 v11, v11;
	v17 =	vld.idx.msk [tilespmem:v9+s19+$0x0], $0xffff  }
0x24a: {  	v23 =	vadd.f32 v16, v23;
	v37 =	vsub.f32 v31, v21;
	v21 =	vmul.f32 v1, v1;
	v28 =	vld.idx.msk [tilespmem:v9+s18+$0x0], $0xffff  }
0x24b: {  	v20 =	vadd.s32 $0x2, v22;
	v19 =	vmul.f32 v15, v15;
	v9 =	vsub.f32 v18, v34;
	v18 =	vmovc v34;
	v11 =	vld.idx.msk [tilespmem:v13+s6+$0x0], $0xffff  }
.Ltmp4:
0x24c: {  	v22 =	vand.u32 $0x7F, v20;
	v14 =	vadd.f32 v35, v14;
	v1 =	vmovc v25;
	v31 =	vsub.f32 v26, v18;
	v16 =	vld.idx.msk [tilespmem:v13+s22+$0x0], $0xffff;
	(pc) =	sbr.rel @p0 .LBB2_9-.Ltmp4, $4  }
0x24d: {  	v26 =	vmul.f32 v32, v32;
	v25 =	vsub.f32 v30, v18;
	v34 =	vmul.f32 v9, v9;
	v15 =	vld.idx.msk [tilespmem:v13+s25+$0x0], $0xffff  }
0x24e: {  	v14 =	vadd.f32 v21, v14;
	v9 =	vor.u32 v0, v8;
	v35 =	vmul.f32 v31, v31;
	v20 =	vld.idx.msk [tilespmem:v13+s26+$0x0], $0xffff  }
0x24f: {  	v31 =	vsub.f32 v36, v18;
	v30 =	vmul.f32 v25, v25;
	v27 =	vadd.f32 v34, v27;
	v21 =	vld.idx.msk [tilespmem:v33+s4+$0x0], $0xffff  }
0x250: {  	v32 =	vsub.f32 v28, v18;
	v29 =	vadd.f32 v35, v29;
	v28 =	vmul.f32 v37, v37;
	v25 =	vld.idx.msk [tilespmem:v13+s19+$0x0], $0xffff  }
0x251: {  	_ =	sdelay $0x3  }
0x252: {  	v8 =	vld.idx.msk [tilespmem:v8+s4+$0x0], $0xffff  }
0x253: {  	v22 =	vld.idx.msk [tilespmem:v9+s18+$0x0], $0xffff;
	_ =	sdelay $0x1  }
0x254: {  	v13 =	vld.idx.msk [tilespmem:v13+s18+$0x0], $0xffff  }
0x255: {  	v32 =	vmul.f32 v32, v32  }
0x256: {  	v12 =	vadd.f32 v30, v12  }
0x257: {  	v24 =	vadd.f32 v32, v24;
	v22 =	vsub.f32 v22, v8  }
0x258: {  	v17 =	vsub.f32 v17, v18;
	v19 =	vadd.f32 v19, v27  }
0x259: {  	v24 =	vadd.f32 v28, v24;
	v13 =	vsub.f32 v13, v21;
	v22 =	vmul.f32 v22, v22  }
0x25a: {  	v34 =	vmul.f32 v31, v31;
	v42 =	vld.idx.msk [tilespmem:v9+s26+$0x0], $0xffff;
	v26 =	vadd.f32 v26, v29;
	v10 =	vadd.f32 v10, v12  }
0x25b: {  	v45 =	vld.idx.msk [tilespmem:v9+s6+$0x0], $0xffff;
	v11 =	vsub.f32 v11, v21;
	v13 =	vmul.f32 v13, v13;
	v22 =	vadd.f32 v22, v24  }
0x25c: {  	v46 =	vld.idx.msk [tilespmem:v9+s22+$0x0], $0xffff;
	v17 =	vmul.f32 v17, v17;
	v16 =	vsub.f32 v16, v21;
	v15 =	vsub.f32 v15, v21  }
0x25d: {  	v48 =	vld.idx.msk [tilespmem:v9+s25+$0x0], $0xffff;
	v7 =	vmul.f32 v7, v7;
	v20 =	vsub.f32 v20, v21;
	v13 =	vadd.f32 v13, v22  }
0x25e: {  	v1 =	vmul.f32 v1, v1;
	v51 =	vld.idx.msk [tilespmem:v9+s19+$0x0], $0xffff;
	v25 =	vsub.f32 v25, v21;
	v14 =	vadd.f32 v17, v14  }
0x25f: {  	v18 =	vsub.f32 v42, v8;
	v11 =	vmul.f32 v11, v11;
	v35 =	vmax.f32 v13, $1.000000000e-30  }
0x260: {  	v49 =	vsub.f32 v45, v8;
	v43 =	vshrl.u32 v35, $0x1;
	v44 =	vmul.f32 $5.000000000e-01, v35  }
0x261: {  	v12 =	vsub.f32 v46, v8;
	v16 =	vmul.f32 v16, v16;
	v28 =	vsub.s32 $0x5F3759DF, v43  }
0x262: {  	v54 =	vsub.f32 v48, v8;
	v57 =	vmul.f32 v20, v20;
	v47 =	vmul.f32 v28, v44  }
0x263: {  	v8 =	vsub.f32 v51, v8;
	v52 =	vmul.f32 v49, v49;
	v18 =	vmul.f32 v18, v18  }
0x264: {  	v1 =	vadd.f32 v1, v14;
	v12 =	vmul.f32 v12, v12;
	v27 =	vmul.f32 v28, v47  }
0x265: {  	v8 =	vmul.f32 v8, v8;
	v10 =	vadd.f32 v52, v10;
	v18 =	vadd.f32 v18, v19  }
0x266: {  	v15 =	vmul.f32 v15, v15;
	v12 =	vadd.f32 v12, v26;
	v50 =	vsub.f32 $1.500000000e+00, v27  }
0x267: {  	v59 =	vmul.f32 v25, v25;
	v1 =	vadd.f32 v8, v1;
	v22 =	vadd.f32 v34, v23  }
0x268: {  	v10 =	vadd.f32 v11, v10;
	v9 =	vadd.f32 v16, v12;
	v53 =	vmul.f32 v28, v50  }
0x269: {  	v14 =	vmul.f32 v54, v54;
	v17 =	vadd.f32 v57, v18;
	v1 =	vadd.f32 v59, v1  }
0x26a: {  	v7 =	vadd.f32 v7, v22;
	v12 =	vmax.f32 v10, $1.000000000e-30;
	v55 =	vmul.f32 v53, v44  }
0x26b: {  	v18 =	vmax.f32 v1, $1.000000000e-30;
	v58 =	vshrl.u32 v12, $0x1;
	v16 =	vmul.f32 $5.000000000e-01, v12  }
0x26c: {  	v7 =	vadd.f32 v14, v7;
	v14 =	vsub.s32 $0x5F3759DF, v58;
	v56 =	vmul.f32 v55, v53  }
0x26d: {  	v19 =	vmax.f32 v9, $1.000000000e-30;
	v29 =	vmax.f32 v17, $1.000000000e-30;
	v60 =	vmul.f32 v14, v16  }
0x26e: {  	v37 =	vshrl.u32 v18, $0x1;
	v38 =	vmul.f32 $5.000000000e-01, v18;
	v11 =	vsub.f32 $1.500000000e+00, v56  }
0x26f: {  	v42 =	vshrl.u32 v19, $0x1;
	v7 =	vadd.f32 v15, v7;
	v8 =	vmul.f32 v14, v60  }
0x270: {  	v48 =	vshrl.u32 v29, $0x1;
	v49 =	vmul.f32 $5.000000000e-01, v29;
	v11 =	vmul.f32 v11, v53  }
0x271: {  	v39 =	vsub.s32 $0x5F3759DF, v37;
	v26 =	vmax.f32 v7, $1.000000000e-30;
	v8 =	vsub.f32 $1.500000000e+00, v8  }
0x272: {  	v45 =	vshrl.u32 v26, $0x1;
	v46 =	vmul.f32 $5.000000000e-01, v26;
	v61 =	vmul.f32 v11, v44  }
0x273: {  	v43 =	vmul.f32 $5.000000000e-01, v19;
	v27 =	vsub.s32 $0x5F3759DF, v45;
	v8 =	vmul.f32 v14, v8  }
0x274: {  	v23 =	vsub.s32 $0x5F3759DF, v42;
	v47 =	vmul.f32 v27, v46;
	v15 =	vmul.f32 v61, v11  }
0x275: {  	v51 =	vsub.s32 $0x5F3759DF, v48;
	v40 =	vmul.f32 v39, v38;
	v41 =	vmul.f32 v8, v16  }
0x276: {  	v31 =	vmul.f32 v51, v49;
	v30 =	vmul.f32 v27, v47;
	v15 =	vsub.f32 $1.500000000e+00, v15  }
0x277: {  	v62 =	vmax.f32 v6, v13;
	v22 =	vmul.f32 v41, v8;
	v44 =	vmul.f32 v23, v43  }
0x278: {  	v55 =	vsub.f32 $1.500000000e+00, v30;
	v11 =	vmul.f32 v15, v11;
	v15 =	vmul.f32 v39, v40  }
0x279: {  	v63 =	vmin.f32 v6, v13;
	v22 =	vsub.f32 $1.500000000e+00, v22;
	v24 =	vmul.f32 v23, v44  }
0x27a: {  	v56 =	vmul.f32 v51, v31;
	v59 =	vmul.f32 v27, v55;
	v15 =	vsub.f32 $1.500000000e+00, v15  }
0x27b: {  	v13 =	vmin.f32 v5, v62;
	v8 =	vmul.f32 v22, v8;
	v50 =	vsub.f32 $1.500000000e+00, v24  }
0x27c: {  	v60 =	vsub.f32 $1.500000000e+00, v56;
	v27 =	vmul.f32 v59, v46;
	v14 =	vmul.f32 v39, v15  }
0x27d: {  	v36 =	vmax.f32 v5, v62;
	v16 =	vmul.f32 v8, v16;
	v53 =	vmul.f32 v23, v50  }
0x27e: {  	v6 =	vmax.f32 v63, v10;
	v22 =	vmul.f32 v51, v60;
	v54 =	vmul.f32 v14, v38  }
0x27f: {  	v21 =	vmin.f32 v4, v36;
	v16 =	vmul.f32 v16, v8;
	v58 =	vmul.f32 v53, v43  }
0x280: {  	v61 =	vmin.f32 v63, v10;
	v63 =	vmul.f32 v27, v59;
	v57 =	vmul.f32 v54, v14  }
0x281: {  	v52 =	vmax.f32 v4, v36;
	v30 =	vmul.f32 v22, v49;
	v15 =	vmul.f32 v58, v53  }
0x282: {  	v2 =	vmin.f32 v2, v52;
	v10 =	vsub.f32 $1.500000000e+00, v63;
	v4 =	vsub.f32 $1.500000000e+00, v57  }
0x283: {  	v33 =	vmul.f32 v30, v22;
	v34 =	vsub.f32 $1.500000000e+00, v16;
	v62 =	vsub.f32 $1.500000000e+00, v15  }
0x284: {  	v31 =	vmin.f32 v13, v6;
	v10 =	vmul.f32 v10, v59;
	v4 =	vmul.f32 v4, v14  }
0x285: {  	v6 =	vmax.f32 v13, v6;
	v8 =	vmul.f32 v34, v8;
	v5 =	vmul.f32 v62, v53  }
0x286: {  	v37 =	vmin.f32 v21, v6;
	v11 =	vmul.f32 v11, v35;
	v20 =	vmul.f32 v4, v38  }
0x287: {  	v6 =	vmax.f32 v21, v6;
	v41 =	vmul.f32 v10, v46;
	v36 =	vmul.f32 v5, v43  }
0x288: {  	v42 =	vmul.f32 v8, v12;
	v38 =	vsub.f32 $1.500000000e+00, v33;
	v35 =	vmul.f32 v20, v4  }
0x289: {  	v2 =	vmin.f32 v2, v6;
	v44 =	vmul.f32 v41, v10;
	v40 =	vmul.f32 v36, v5  }
0x28a: {  	v3 =	vadd.f32 v11, v3;
	v11 =	vmul.f32 v38, v22;
	v39 =	vsub.f32 $1.500000000e+00, v35  }
0x28b: {  	v46 =	vmax.f32 v61, v1;
	v47 =	vsub.f32 $1.500000000e+00, v44;
	v43 =	vsub.f32 $1.500000000e+00, v40  }
0x28c: {  	v1 =	vmin.f32 v61, v1;
	v45 =	vmul.f32 v11, v49;
	v4 =	vmul.f32 v39, v4  }
0x28d: {  	v6 =	vmin.f32 v31, v46;
	v51 =	vmul.f32 v47, v10;
	v5 =	vmul.f32 v43, v5  }
0x28e: {  	v3 =	vadd.f32 v42, v3;
	v48 =	vmul.f32 v45, v11;
	v4 =	vmul.f32 v4, v18  }
0x28f: {  	v55 =	vmul.f32 v51, v26;
	v57 =	vmin.f32 v1, v9;
	v1 =	vmax.f32 v1, v9  }
0x290: {  	v50 =	vmul.f32 v5, v19;
	v52 =	vsub.f32 $1.500000000e+00, v48;
	v3 =	vadd.f32 v4, v3  }
0x291: {  	v9 =	vmax.f32 v6, v1;
	v1 =	vmin.f32 v6, v1;
	v61 =	vmax.f32 v57, v7  }
0x292: {  	v62 =	vmin.f32 v57, v7;
	v56 =	vmul.f32 v52, v11;
	v3 =	vadd.f32 v50, v3  }
0x293: {  	v63 =	vmin.f32 v1, v61;
	v1 =	vmax.f32 v1, v61;
	v49 =	vmax.f32 v31, v46  }
0x294: {  	v54 =	vmax.f32 v37, v49;
	v58 =	vmul.f32 v56, v29;
	v3 =	vadd.f32 v55, v3  }
0x295: {  	v8 =	vmin.f32 v62, v17;
	v53 =	vmin.f32 v37, v49;
	v2 =	vmin.f32 v2, v54  }
0x296: {  	v59 =	vmin.f32 v53, v9;
	v60 =	vmax.f32 v53, v9;
	v3 =	vadd.f32 v58, v3  }
0x297: {  	[tilespmem:$0x13090] =	vst v8;
	v2 =	vmin.f32 v2, v60;
	v6 =	vmin.f32 v59, v1;
	v4 =	vmax.f32 v62, v17  }
0x298: {  	v1 =	vmax.f32 v59, v1;
	[tilespmem:$0x13080] =	vst v3;
	v3 =	vmin.f32 v63, v4;
	v4 =	vmax.f32 v63, v4  }
0x299: {  	v1 =	vmin.f32 v2, v1;
	v2 =	vmin.f32 v6, v4;
	v4 =	vmax.f32 v6, v4;
	[tilespmem:$0x130A0] =	vst v3  }
0x29a: {  	v1 =	vmin.f32 v1, v4;
	[tilespmem:$0x130B0] =	vst v2  }
0x29b: {  	s17 =	rddreg [dreg:$0x9];
	s25 =	simm.s32 $0x13080;
	s18 =	simm.s32 $0x4;
	[tilespmem:$0x130C0] =	vst v1  }
0x29c: {  	[hbm4b:s17+s4] =	stream.linear.scatter [tilespmem:s25], [sflag:$0x4], $0x50, $0x38;
	[tilespmem:$0x13100] =	vst v63  }
0x29d: {  	_ =	swait.ge [sflag:s18], $0x50  }
0x29e: {  	s26 =	rddreg [dreg:$0xb]  }
0x29f: {  	s28 =	rddreg [dreg:$0xa];
	s6 =	sadd.s32 $0x1, s26  }
0x2a0: {  	p0 =	sne.s32 s6, s28  }
.Ltmp5:
0x2a1: {  	_ = 	snop;
	(pc) =	sbr.rel @p0 .LBB2_1-.Ltmp5, $3  }
0x2a2: {  	_ =	sdelay $0x1  }
0x2a3: {  	[sflag:s18] =	ssyncset.done $0x0  }
0x2a4: {  	s22 =	simm.s32 $0x10080;
	[sflag:s18] =	ssyncadd.s32 $0xFFFFFFB0  }
0x2a5: {  	_ =	sfence.sel $0x180000  }
0x2a6: {  	[bflag:$0x0] =	sbarrier.arrive $0xFFFF  }
0x2a7: {  	_ =	strace $0x90000047  }
0x2a8: {  	s0 =	stileid.u32;
	[bflag:$0x2] =	sbarrier.arrive $0xFFFF  }
0x2a9: {  	p0 =	sne.s32 s0, $0x0;
	s0 =	rddreg [dreg:$0x3]  }
0x2aa: {  	s0 =	sadd.s32 @!p0 $0x100000, s0  }
0x2ab: {  	[sflag:s0] =	ssyncadd.tile.s32 @!p0 $0x1;
	_ =	shalt  }
.Lfunc_end2:
_tile_overlayer_lowered:
.L_overlay_start_2:
0x2ac: {  	(tag) =	ssettag $0x2  }
0x2ad: {  	s0 =	rddreg [dreg:$0x0];
	s2 =	stileid.u32  }
0x2ae: {  	s1 =	rddreg [dreg:$0x1];
	p0 =	sne.s32 s2, $0x0  }
0x2af: {  	s3 =	rddreg [dreg:$0x2];
	[bflag:$0x3] =	sbarrier.arrive $0xFFFF;
	s2 =	simm.s32 @!p0 $0x1C04  }
0x2b0: {  	[timem:s3], [sflag:s2] =	dma.local @!p0 [hbm:s0], s1  }
0x2b1: {  	s0 =	simm.s32 @!p0 $0x4  }
0x2b2: {  	_ =	swait.ge @!p0 [sflag:s0], s1  }
0x2b3: {  	s1 =	ssub.s32 @!p0 $0x0, s1;
	[sflag:s0] =	ssyncset.done @!p0 $0x0  }
0x2b4: {  	[sflag:s0] =	ssyncadd.s32 @!p0 s1  }
0x2b5: {  	[bflag:$0x3] =	sbarrier.arrive $0xFFFF  }
0x2b6: {  	_ =	shalt  }

</sc_bundles>
